<compile_context>
chip_gen: v7x
topology: tpu7x:2x2x1
jax: 0.10.2.dev20260603
libtpu: 0.0.44.dev20260713+nightly
codegen_flags: <defaults>
</compile_context>

<pallas_src>
import jax
import jax.numpy as jnp
from jax import lax
from jax.experimental import pallas as pl
from jax.experimental.pallas import tpu as pltpu
from jax.experimental.pallas import tpu_sc as plsc

N = 10000
E = 160000
D = 256
HC = 256
INV_SQRT_C = 0.17677669529663687

NC = 2
NS = 16
NW = NC * NS

E_PAD = 163840
EPW = E_PAD // NW
BE = 128
NB_B = EPW // BE

RPN = 320
N_PAD = NW * RPN
SB = 2048
GC = 48
SEL = SB + GC
NB_C = E_PAD // SB

_L = 16




def _proj_body(x_ref, wq_ref, wk_ref, wm_ref, wv_ref, q_ref, k_ref, m_ref, v_ref):
    xb = x_ref[...]
    q_ref[...] = jnp.dot(xb, wq_ref[...], preferred_element_type=jnp.float32)
    k_ref[...] = jnp.dot(xb, wk_ref[...], preferred_element_type=jnp.float32)
    m_ref[...] = jnp.dot(xb, wm_ref[...], preferred_element_type=jnp.float32)
    v_ref[...] = jnp.dot(xb, wv_ref[...], preferred_element_type=jnp.float32)


def _project(x, Wq, Wk, Wm, Wv):
    nblk = 10
    bm = N // nblk
    w_spec = pl.BlockSpec((D, HC), lambda b: (0, 0))
    o_spec = pl.BlockSpec((bm, HC), lambda b: (b, 0))
    return pl.pallas_call(
        _proj_body,
        grid=(nblk,),
        in_specs=[pl.BlockSpec((bm, D), lambda b: (b, 0)), w_spec, w_spec, w_spec, w_spec],
        out_specs=[o_spec, o_spec, o_spec, o_spec],
        out_shape=[jax.ShapeDtypeStruct((N, HC), jnp.float32)] * 4,
    )(x, Wq, Wk, Wm, Wv)




def _scores_body(rowp, colp, q_hbm, k_hbm, exps_out,
                 rowv, colv, qbuf, kbuf, expv, sem):
    c = lax.axis_index("c")
    s = lax.axis_index("s")
    wid = c * NS + s
    lanes = lax.iota(jnp.int32, _L)

    def block(b, _):
        off = wid * EPW + b * BE
        pltpu.sync_copy(rowp.at[pl.ds(off, BE)], rowv)
        pltpu.sync_copy(colp.at[pl.ds(off, BE)], colv)
        pltpu.async_copy(q_hbm.at[rowv], qbuf, sem).wait()
        pltpu.async_copy(k_hbm.at[colv], kbuf, sem).wait()

        def group(g, _g):
            svec = jnp.zeros((_L,), jnp.float32)
            for l in range(_L):
                e = g * _L + l
                acc = qbuf[e, pl.ds(0, _L)] * kbuf[e, pl.ds(0, _L)]
                for j in range(1, HC // _L):
                    acc += qbuf[e, pl.ds(j * _L, _L)] * kbuf[e, pl.ds(j * _L, _L)]
                sc = jnp.sum(acc)
                svec = jnp.where(lanes == l, sc, svec)
            expv[pl.ds(g * _L, _L)] = jnp.exp(svec * INV_SQRT_C)
            return _g

        lax.fori_loop(0, BE // _L, group, 0)
        pltpu.sync_copy(expv, exps_out.at[pl.ds(off, BE)])
        return _

    lax.fori_loop(0, NB_B, block, 0)


def _scores(rowb, colp, Q, K):
    mesh = plsc.VectorSubcoreMesh(
        core_axis_name="c", subcore_axis_name="s", num_cores=NC, num_subcores=NS)
    fn = pl.kernel(
        _scores_body,
        mesh=mesh,
        out_type=jax.ShapeDtypeStruct((E_PAD,), jnp.float32),
        scratch_types=[
            pltpu.VMEM((BE,), jnp.int32),
            pltpu.VMEM((BE,), jnp.int32),
            pltpu.VMEM((BE, HC), jnp.float32),
            pltpu.VMEM((BE, HC), jnp.float32),
            pltpu.VMEM((BE,), jnp.float32),
            pltpu.SemaphoreType.DMA,
        ],
        compiler_params=pltpu.CompilerParams(needs_layout_passes=False),
    )
    return fn(rowb, colp, Q, K)




def _agg_body(ec, exps, m_hbm, agg_out,
              idxv, expv, selrel, selcol, selexp,
              mbuf, agg, den, gsem):
    c = lax.axis_index("c")
    s = lax.axis_index("s")
    wid = c * NS + s
    t0 = wid * RPN
    lanes = lax.iota(jnp.int32, _L)
    zf = jnp.zeros((_L,), jnp.float32)
    zi = jnp.zeros((_L,), jnp.int32)

    def zero_row(r, _):
        for j in range(HC // _L):
            agg[r, pl.ds(j * _L, _L)] = zf
        den[r % (RPN // _L + 4), :] = zf
        return _
    lax.fori_loop(0, RPN + 8, zero_row, 0)
    def zero_sel(k, _):
        selcol[pl.ds(k * _L, _L)] = zi
        return _
    lax.fori_loop(0, SEL // _L, zero_sel, 0)

    def scan():
        def scan_g(g, nsel):
            sl = pl.ds(g * _L, _L)
            rel = idxv[0, sl] - t0
            m = (rel >= 0) & (rel < RPN)
            plsc.store_compressed(selrel.at[pl.ds(nsel, _L)], rel, mask=m)
            plsc.store_compressed(selcol.at[pl.ds(nsel, _L)], idxv[1, sl], mask=m)
            plsc.store_compressed(selexp.at[pl.ds(nsel, _L)], expv[sl], mask=m)
            return nsel + plsc.all_reduce_population_count(m)[0]
        return lax.fori_loop(0, SB // _L, scan_g, jnp.int32(0))

    def fma_edges(e0, e1, mshift):
        def edge(e, _):
            ev = jnp.full((_L,), e, jnp.int32)
            rv = plsc.load_gather(selrel, [ev])
            pv = plsc.load_gather(selexp, [ev])
            r = rv[0]
            rg = r // _L
            den[rg, :] = den[rg, :] + jnp.where(lanes == r % _L, pv, 0.0)
            mr = e - mshift
            for j in range(HC // _L):
                jl = pl.ds(j * _L, _L)
                agg[r, jl] = agg[r, jl] + pv * mbuf[mr, jl]
            return _
        lax.fori_loop(e0, e1, edge, 0)

    def block(sb, _):
        off = sb * SB
        pltpu.sync_copy(ec.at[:, pl.ds(off, SB)], idxv)
        pltpu.sync_copy(exps.at[pl.ds(off, SB)], expv)
        nsel = scan()
        ngrp = (nsel + GC - 1) // GC

        def grp(k, _g):
            pltpu.async_copy(
                m_hbm.at[selcol.at[pl.ds(k * GC, GC)]], mbuf, gsem).wait()
            fma_edges(k * GC, jnp.minimum(nsel, (k + 1) * GC), k * GC)
            return _g
        lax.fori_loop(0, ngrp, grp, 0)
        return _

    lax.fori_loop(0, NB_C, block, 0)

    def rowg(r, _):
        dv = plsc.load_gather(
            den, [jnp.full((_L,), r // _L, jnp.int32),
                  jnp.full((_L,), r % _L, jnp.int32)])
        inv = 1.0 / (dv + 1e-16)
        for j in range(HC // _L):
            jl = pl.ds(j * _L, _L)
            agg[r, jl] = agg[r, jl] * inv
        return _
    lax.fori_loop(0, RPN, rowg, 0)
    pltpu.sync_copy(agg.at[pl.ds(0, RPN), pl.ds(0, HC)],
                    agg_out.at[pl.ds(t0, RPN), :])


def _messages(ec, M, exps):
    mesh = plsc.VectorSubcoreMesh(
        core_axis_name="c", subcore_axis_name="s", num_cores=NC, num_subcores=NS)
    fn = pl.kernel(
        _agg_body,
        mesh=mesh,
        out_type=jax.ShapeDtypeStruct((N_PAD, HC), jnp.float32),
        scratch_types=[
            pltpu.VMEM((2, SB), jnp.int32),
            pltpu.VMEM((SB,), jnp.float32),
            pltpu.VMEM((SEL,), jnp.int32),
            pltpu.VMEM((SEL,), jnp.int32),
            pltpu.VMEM((SEL,), jnp.float32),
            pltpu.VMEM((GC, HC), jnp.float32),
            pltpu.VMEM((RPN + 8, HC), jnp.float32),
            pltpu.VMEM((RPN // _L + 4, _L), jnp.float32),
            pltpu.SemaphoreType.DMA,
        ],
        compiler_params=pltpu.CompilerParams(needs_layout_passes=False),
    )
    return fn(ec, exps, M)




def _out_body(v_ref, agg_ref, wv_ref, wa_ref, o_ref):
    o_ref[...] = (
        jnp.dot(v_ref[...], wv_ref[...], preferred_element_type=jnp.float32)
        + jnp.dot(agg_ref[...], wa_ref[...], preferred_element_type=jnp.float32)
    )


def _output(V, agg, Wo_V, Wo_A):
    nblk = 10
    bm = N // nblk
    return pl.pallas_call(
        _out_body,
        grid=(nblk,),
        in_specs=[
            pl.BlockSpec((bm, HC), lambda b: (b, 0)),
            pl.BlockSpec((bm, HC), lambda b: (b, 0)),
            pl.BlockSpec((HC, D), lambda b: (0, 0)),
            pl.BlockSpec((HC, D), lambda b: (0, 0)),
        ],
        out_specs=pl.BlockSpec((bm, D), lambda b: (b, 0)),
        out_shape=jax.ShapeDtypeStruct((N, D), jnp.float32),
    )(V, agg, Wo_V, Wo_A)




def kernel(x, edge_index, Wq, Wk, Wm, Wv, Wo):
    row = edge_index[0].astype(jnp.int32)
    col = edge_index[1].astype(jnp.int32)
    npad = E_PAD - E
    rowb = jnp.concatenate([row, jnp.zeros((npad,), jnp.int32)])
    rowc = jnp.concatenate([row, jnp.full((npad,), N, jnp.int32)])
    colp = jnp.concatenate([col, jnp.zeros((npad,), jnp.int32)])

    Wo_r = Wo.reshape(HC // 32, 2, 32, D)
    Wo_V = Wo_r[:, 0].reshape(HC, D)
    Wo_A = Wo_r[:, 1].reshape(HC, D)

    Q, K, M, V = _project(x, Wq, Wk, Wm, Wv)
    exps = _scores(rowb, colp, Q, K)
    ec = jnp.stack([rowc, colp])
    agg = _messages(ec, M, exps)
    return _output(V, agg[:N], Wo_V, Wo_A)

# --- scband reference (transcript-rebuilt; emitter-appended) ---
"""Pipeline reference for scband-attention-layer-kqmv-15461882265616 (READ-ONLY COPY).

The authoritative reference and input builder live on the scoring server;
editing this copy changes nothing except your own understanding.
"""

import jax, jax.numpy as jnp
import numpy as np

N = 10000
E = 160000
D = 256
H = 8
C = 32


def setup_inputs(seed: int = 0) -> dict:
    key = jax.random.key(seed)
    ks = jax.random.split(key, 8)
    x = jax.random.normal(ks[0], (N, D), dtype=jnp.float32)
    edge_index = jax.random.randint(ks[1], (2, E), 0, N, dtype=jnp.int64)
    s = 1.0 / np.sqrt(D)
    Wq = jax.random.normal(ks[2], (D, H * C), dtype=jnp.float32) * s
    Wk = jax.random.normal(ks[3], (D, H * C), dtype=jnp.float32) * s
    Wm = jax.random.normal(ks[4], (D, H * C), dtype=jnp.float32) * s
    Wv = jax.random.normal(ks[5], (D, H * C), dtype=jnp.float32) * s
    Wo = jax.random.normal(ks[6], (2 * H * C, D), dtype=jnp.float32) * (1.0 / np.sqrt(2 * H * C))
    return {"x": x, "edge_index": edge_index, "Wq": Wq, "Wk": Wk, "Wm": Wm, "Wv": Wv, "Wo": Wo}


def _segment_softmax(scores, seg_ids, num_segments):
    seg_max = jax.ops.segment_max(scores, seg_ids, num_segments=num_segments)
    seg_max = jnp.where(jnp.isfinite(seg_max), seg_max, 0.0)
    ex = jnp.exp(scores - seg_max[seg_ids])
    seg_sum = jax.ops.segment_sum(ex, seg_ids, num_segments=num_segments)
    return ex / (seg_sum[seg_ids] + 1e-16)


def reference(x, edge_index, Wq, Wk, Wm, Wv, Wo):
    Q = (x @ Wq).reshape(-1, H, C)
    K = (x @ Wk).reshape(-1, H, C)
    M = (x @ Wm).reshape(-1, H, C)
    V = (x @ Wv).reshape(-1, H, C)
    row = edge_index[0]
    col = edge_index[1]
    scores = jnp.einsum('ehc,ehc->e', Q[row], K[col]) / (C ** 0.5)
    probs = _segment_softmax(scores, row, N)
    msg = probs[:, None, None] * M[col]
    agg = jnp.zeros_like(M).at[row].add(msg)
    out = jnp.concatenate([V, agg], axis=-1)  # [N, H, 2C]
    out = out.reshape(-1, 2 * H * C)
    out = out @ Wo
    return out

if __name__ == "__main__":
    import jax
    _d = setup_inputs()
    print(jax.jit(kernel)(*tuple(_d.values())))

</pallas_src>

<mosaic_0001>
#map = affine_map<(d0, d1) -> (0, 0)>
#map1 = affine_map<(d0, d1) -> (0)>
module attributes {stable_mosaic.version = 14 : i64} {
  func.func @_agg_body(%arg0: i32, %arg1: i32, %arg2: memref<2x163840xi32, #tpu.memory_space<hbm>>, %arg3: memref<163840xf32, #tpu.memory_space<hbm>>, %arg4: memref<10000x256xf32, #tpu.memory_space<hbm>>, %arg5: memref<10240x256xf32, #tpu.memory_space<hbm>>, %arg6: memref<2x2048xi32, #tpu.memory_space<vmem>>, %arg7: memref<2048xf32, #tpu.memory_space<vmem>>, %arg8: memref<2096xi32, #tpu.memory_space<vmem>>, %arg9: memref<2096xi32, #tpu.memory_space<vmem>>, %arg10: memref<2096xf32, #tpu.memory_space<vmem>>, %arg11: memref<48x256xf32, #tpu.memory_space<vmem>>, %arg12: memref<328x256xf32, #tpu.memory_space<vmem>>, %arg13: memref<24x16xf32, #tpu.memory_space<vmem>>, %arg14: memref<!tpu.dma_semaphore, #tpu.memory_space<semaphore_mem>>) attributes {dimension_semantics = [#tpu.dimension_semantics<core_parallel>, #tpu.dimension_semantics<subcore_parallel>], iteration_bounds = array<i64: 2, 16>, scalar_prefetch = 0 : i64, scratch_operands = 9 : i64, tpu.core_type = #tpu.core_type<sc_vector_subcore>, window_params = [{transform_indices = #map}, {transform_indices = #map1}, {transform_indices = #map}, {transform_indices = #map}]} {
    %mul3A = arith.constant 16 : i32
    %mul3A_0 = arith.muli %arg0, %mul3A : i32
    %add3A = arith.addi %mul3A_0, %arg1 : i32
    %mul3A_1 = arith.constant 320 : i32
    %mul3A_2 = arith.muli %add3A, %mul3A_1 : i32
    %iota3A = tpu.iota {dimensions = array<i32: 0>} : vector<16xi32>
    %broadcast_in_dim3A = arith.constant 0.000000e+00 : f32
    %broadcast_in_dim3A_3 = vector.broadcast %broadcast_in_dim3A : f32 to vector<16xf32>
    %broadcast_in_dim3A_4 = arith.constant 0 : i32
    %broadcast_in_dim3A_5 = vector.broadcast %broadcast_in_dim3A_4 : i32 to vector<16xi32>
    %scan3A = arith.constant 0 : i32
    %scan3A_6 = arith.constant 0 : i32
    %scan3A_7 = arith.constant 328 : i32
    %scan3A_8 = arith.addi %scan3A_6, %scan3A_7 : i32
    %scan3A_9 = arith.constant 1 : i32
    scf.for %scan3A_29 = %scan3A_6 to %scan3A_8 step %scan3A_9  : i32 {
      %swap3A = arith.index_cast %scan3A_29 : i32 to index
      %swap3A_30 = arith.constant 0 : index
      %swap3A_31 = tpu.vector_load %arg12[%swap3A, %swap3A_30] {strides = array<i32>} : memref<328x256xf32, #tpu.memory_space<vmem>>, vector<16xf32>,
      tpu.vector_store %arg12[%swap3A, %swap3A_30], %broadcast_in_dim3A_3 {strides = array<i32>} : memref<328x256xf32, #tpu.memory_space<vmem>>, vector<16xf32>,
      %swap3A_32 = arith.index_cast %scan3A_29 : i32 to index
      %swap3A_33 = arith.constant 16 : index
      %swap3A_34 = tpu.vector_load %arg12[%swap3A_32, %swap3A_33] {strides = array<i32>} : memref<328x256xf32, #tpu.memory_space<vmem>>, vector<16xf32>,
      tpu.vector_store %arg12[%swap3A_32, %swap3A_33], %broadcast_in_dim3A_3 {strides = array<i32>} : memref<328x256xf32, #tpu.memory_space<vmem>>, vector<16xf32>,
      %swap3A_35 = arith.index_cast %scan3A_29 : i32 to index
      %swap3A_36 = arith.constant 32 : index
      %swap3A_37 = tpu.vector_load %arg12[%swap3A_35, %swap3A_36] {strides = array<i32>} : memref<328x256xf32, #tpu.memory_space<vmem>>, vector<16xf32>,
      tpu.vector_store %arg12[%swap3A_35, %swap3A_36], %broadcast_in_dim3A_3 {strides = array<i32>} : memref<328x256xf32, #tpu.memory_space<vmem>>, vector<16xf32>,
      %swap3A_38 = arith.index_cast %scan3A_29 : i32 to index
      %swap3A_39 = arith.constant 48 : index
      %swap3A_40 = tpu.vector_load %arg12[%swap3A_38, %swap3A_39] {strides = array<i32>} : memref<328x256xf32, #tpu.memory_space<vmem>>, vector<16xf32>,
      tpu.vector_store %arg12[%swap3A_38, %swap3A_39], %broadcast_in_dim3A_3 {strides = array<i32>} : memref<328x256xf32, #tpu.memory_space<vmem>>, vector<16xf32>,
      %swap3A_41 = arith.index_cast %scan3A_29 : i32 to index
      %swap3A_42 = arith.constant 64 : index
      %swap3A_43 = tpu.vector_load %arg12[%swap3A_41, %swap3A_42] {strides = array<i32>} : memref<328x256xf32, #tpu.memory_space<vmem>>, vector<16xf32>,
      tpu.vector_store %arg12[%swap3A_41, %swap3A_42], %broadcast_in_dim3A_3 {strides = array<i32>} : memref<328x256xf32, #tpu.memory_space<vmem>>, vector<16xf32>,
      %swap3A_44 = arith.index_cast %scan3A_29 : i32 to index
      %swap3A_45 = arith.constant 80 : index
      %swap3A_46 = tpu.vector_load %arg12[%swap3A_44, %swap3A_45] {strides = array<i32>} : memref<328x256xf32, #tpu.memory_space<vmem>>, vector<16xf32>,
      tpu.vector_store %arg12[%swap3A_44, %swap3A_45], %broadcast_in_dim3A_3 {strides = array<i32>} : memref<328x256xf32, #tpu.memory_space<vmem>>, vector<16xf32>,
      %swap3A_47 = arith.index_cast %scan3A_29 : i32 to index
      %swap3A_48 = arith.constant 96 : index
      %swap3A_49 = tpu.vector_load %arg12[%swap3A_47, %swap3A_48] {strides = array<i32>} : memref<328x256xf32, #tpu.memory_space<vmem>>, vector<16xf32>,
      tpu.vector_store %arg12[%swap3A_47, %swap3A_48], %broadcast_in_dim3A_3 {strides = array<i32>} : memref<328x256xf32, #tpu.memory_space<vmem>>, vector<16xf32>,
      %swap3A_50 = arith.index_cast %scan3A_29 : i32 to index
      %swap3A_51 = arith.constant 112 : index
      %swap3A_52 = tpu.vector_load %arg12[%swap3A_50, %swap3A_51] {strides = array<i32>} : memref<328x256xf32, #tpu.memory_space<vmem>>, vector<16xf32>,
      tpu.vector_store %arg12[%swap3A_50, %swap3A_51], %broadcast_in_dim3A_3 {strides = array<i32>} : memref<328x256xf32, #tpu.memory_space<vmem>>, vector<16xf32>,
      %swap3A_53 = arith.index_cast %scan3A_29 : i32 to index
      %swap3A_54 = arith.constant 128 : index
      %swap3A_55 = tpu.vector_load %arg12[%swap3A_53, %swap3A_54] {strides = array<i32>} : memref<328x256xf32, #tpu.memory_space<vmem>>, vector<16xf32>,
      tpu.vector_store %arg12[%swap3A_53, %swap3A_54], %broadcast_in_dim3A_3 {strides = array<i32>} : memref<328x256xf32, #tpu.memory_space<vmem>>, vector<16xf32>,
      %swap3A_56 = arith.index_cast %scan3A_29 : i32 to index
      %swap3A_57 = arith.constant 144 : index
      %swap3A_58 = tpu.vector_load %arg12[%swap3A_56, %swap3A_57] {strides = array<i32>} : memref<328x256xf32, #tpu.memory_space<vmem>>, vector<16xf32>,
      tpu.vector_store %arg12[%swap3A_56, %swap3A_57], %broadcast_in_dim3A_3 {strides = array<i32>} : memref<328x256xf32, #tpu.memory_space<vmem>>, vector<16xf32>,
      %swap3A_59 = arith.index_cast %scan3A_29 : i32 to index
      %swap3A_60 = arith.constant 160 : index
      %swap3A_61 = tpu.vector_load %arg12[%swap3A_59, %swap3A_60] {strides = array<i32>} : memref<328x256xf32, #tpu.memory_space<vmem>>, vector<16xf32>,
      tpu.vector_store %arg12[%swap3A_59, %swap3A_60], %broadcast_in_dim3A_3 {strides = array<i32>} : memref<328x256xf32, #tpu.memory_space<vmem>>, vector<16xf32>,
      %swap3A_62 = arith.index_cast %scan3A_29 : i32 to index
      %swap3A_63 = arith.constant 176 : index
      %swap3A_64 = tpu.vector_load %arg12[%swap3A_62, %swap3A_63] {strides = array<i32>} : memref<328x256xf32, #tpu.memory_space<vmem>>, vector<16xf32>,
      tpu.vector_store %arg12[%swap3A_62, %swap3A_63], %broadcast_in_dim3A_3 {strides = array<i32>} : memref<328x256xf32, #tpu.memory_space<vmem>>, vector<16xf32>,
      %swap3A_65 = arith.index_cast %scan3A_29 : i32 to index
      %swap3A_66 = arith.constant 192 : index
      %swap3A_67 = tpu.vector_load %arg12[%swap3A_65, %swap3A_66] {strides = array<i32>} : memref<328x256xf32, #tpu.memory_space<vmem>>, vector<16xf32>,
      tpu.vector_store %arg12[%swap3A_65, %swap3A_66], %broadcast_in_dim3A_3 {strides = array<i32>} : memref<328x256xf32, #tpu.memory_space<vmem>>, vector<16xf32>,
      %swap3A_68 = arith.index_cast %scan3A_29 : i32 to index
      %swap3A_69 = arith.constant 208 : index
      %swap3A_70 = tpu.vector_load %arg12[%swap3A_68, %swap3A_69] {strides = array<i32>} : memref<328x256xf32, #tpu.memory_space<vmem>>, vector<16xf32>,
      tpu.vector_store %arg12[%swap3A_68, %swap3A_69], %broadcast_in_dim3A_3 {strides = array<i32>} : memref<328x256xf32, #tpu.memory_space<vmem>>, vector<16xf32>,
      %swap3A_71 = arith.index_cast %scan3A_29 : i32 to index
      %swap3A_72 = arith.constant 224 : index
      %swap3A_73 = tpu.vector_load %arg12[%swap3A_71, %swap3A_72] {strides = array<i32>} : memref<328x256xf32, #tpu.memory_space<vmem>>, vector<16xf32>,
      tpu.vector_store %arg12[%swap3A_71, %swap3A_72], %broadcast_in_dim3A_3 {strides = array<i32>} : memref<328x256xf32, #tpu.memory_space<vmem>>, vector<16xf32>,
      %swap3A_74 = arith.index_cast %scan3A_29 : i32 to index
      %swap3A_75 = arith.constant 240 : index
      %swap3A_76 = tpu.vector_load %arg12[%swap3A_74, %swap3A_75] {strides = array<i32>} : memref<328x256xf32, #tpu.memory_space<vmem>>, vector<16xf32>,
      tpu.vector_store %arg12[%swap3A_74, %swap3A_75], %broadcast_in_dim3A_3 {strides = array<i32>} : memref<328x256xf32, #tpu.memory_space<vmem>>, vector<16xf32>,
      %jit3A = arith.constant 24 : i32
      %eq3A = arith.constant 0 : i32
      %eq3A_77 = arith.cmpi eq, %jit3A, %eq3A : i32
      %jit3A_78 = arith.constant 1 : i32
      %select_n3A = arith.select %eq3A_77, %jit3A_78, %jit3A : i32
      %rem3A = arith.remsi %scan3A_29, %select_n3A : i32
      %ne3A = arith.constant 0 : i32
      %ne3A_79 = arith.cmpi ne, %rem3A, %ne3A : i32
      %lt3A = arith.constant 0 : i32
      %lt3A_80 = arith.cmpi slt, %rem3A, %lt3A : i32
      %lt3A_81 = arith.constant 0 : i32
      %lt3A_82 = arith.cmpi slt, %select_n3A, %lt3A_81 : i32
      %ne3A_83 = arith.xori %lt3A_80, %lt3A_82 : i1
      %and3A = arith.andi %ne3A_83, %ne3A_79 : i1
      %add3A_84 = arith.addi %rem3A, %select_n3A : i32
      %select_n3A_85 = arith.select %and3A, %add3A_84, %rem3A : i32
      %swap3A_86 = arith.index_cast %select_n3A_85 : i32 to index
      %swap3A_87 = arith.constant 0 : index
      %swap3A_88 = tpu.vector_load %arg13[%swap3A_86, %swap3A_87] {strides = array<i32>} : memref<24x16xf32, #tpu.memory_space<vmem>>, vector<16xf32>,
      tpu.vector_store %arg13[%swap3A_86, %swap3A_87], %broadcast_in_dim3A_3 {strides = array<i32>} : memref<24x16xf32, #tpu.memory_space<vmem>>, vector<16xf32>,
    }
    %scan3A_10 = arith.constant 328 : i32
    %scan3A_11 = arith.constant 0 : i32
    %scan3A_12 = arith.constant 0 : i32
    %scan3A_13 = arith.constant 131 : i32
    %scan3A_14 = arith.addi %scan3A_12, %scan3A_13 : i32
    %scan3A_15 = arith.constant 1 : i32
    scf.for %scan3A_29 = %scan3A_12 to %scan3A_14 step %scan3A_15  : i32 {
      %mul3A_30 = arith.constant 16 : i32
      %mul3A_31 = arith.muli %scan3A_29, %mul3A_30 : i32
      %swap3A = arith.index_cast %mul3A_31 : i32 to index
      %swap3A_32 = tpu.vector_load %arg9[%swap3A] {strides = array<i32>} : memref<2096xi32, #tpu.memory_space<vmem>>, vector<16xi32>,
      tpu.vector_store %arg9[%swap3A], %broadcast_in_dim3A_5 {strides = array<i32>} : memref<2096xi32, #tpu.memory_space<vmem>>, vector<16xi32>,
    }
    %scan3A_16 = arith.constant 131 : i32
    %scan3A_17 = arith.constant 0 : i32
    %scan3A_18 = arith.constant 0 : i32
    %scan3A_19 = arith.constant 80 : i32
    %scan3A_20 = arith.addi %scan3A_18, %scan3A_19 : i32
    %scan3A_21 = arith.constant 1 : i32
    scf.for %scan3A_29 = %scan3A_18 to %scan3A_20 step %scan3A_21  : i32 {
      %mul3A_30 = arith.constant 2048 : i32
      %mul3A_31 = arith.muli %scan3A_29, %mul3A_30 : i32
      "tpu.region"() ({
        %run_scoped3A = tpu.sem_alloc : memref<!tpu.dma_semaphore, #tpu.memory_space<semaphore_mem>>
        %dma_start3A = arith.constant 0 : i32
        %dma_start3A_68 = tpu.memref_slice %arg2[%dma_start3A, %mul3A_31] : memref<2x163840xi32, #tpu.memory_space<hbm>> -> memref<2x2048xi32, #tpu.memory_space<hbm>>
        %dma_start3A_69 = arith.constant 0 : i32
        %dma_start3A_70 = tpu.memref_slice %arg2[%dma_start3A_69, %mul3A_31] : memref<2x163840xi32, #tpu.memory_space<hbm>> -> memref<2x2048xi32, #tpu.memory_space<hbm>>
        tpu.enqueue_dma source(%dma_start3A_70 : memref<2x2048xi32, #tpu.memory_space<hbm>>) target(%arg6 : memref<2x2048xi32, #tpu.memory_space<vmem>>) target_semaphore(%run_scoped3A : memref<!tpu.dma_semaphore, #tpu.memory_space<semaphore_mem>>)
        %dma_wait3A = arith.constant 0 : i32
        %dma_wait3A_71 = tpu.memref_slice %arg2[%dma_wait3A, %mul3A_31] : memref<2x163840xi32, #tpu.memory_space<hbm>> -> memref<2x2048xi32, #tpu.memory_space<hbm>>
        %dma_wait3A_72 = arith.constant 0 : i32
        %dma_wait3A_73 = tpu.memref_slice %arg2[%dma_wait3A_72, %mul3A_31] : memref<2x163840xi32, #tpu.memory_space<hbm>> -> memref<2x2048xi32, #tpu.memory_space<hbm>>
        tpu.wait_dma2 semaphore(%run_scoped3A : memref<!tpu.dma_semaphore, #tpu.memory_space<semaphore_mem>>) src(%dma_wait3A_73 : memref<2x2048xi32, #tpu.memory_space<hbm>>) dst(%arg6 : memref<2x2048xi32, #tpu.memory_space<vmem>>)
        tpu.yield
      }) : () -> ()
      "tpu.region"() ({
        %run_scoped3A = tpu.sem_alloc : memref<!tpu.dma_semaphore, #tpu.memory_space<semaphore_mem>>
        %dma_start3A = tpu.memref_slice %arg3[%mul3A_31] : memref<163840xf32, #tpu.memory_space<hbm>> -> memref<2048xf32, #tpu.memory_space<hbm>>
        %dma_start3A_68 = tpu.memref_slice %arg3[%mul3A_31] : memref<163840xf32, #tpu.memory_space<hbm>> -> memref<2048xf32, #tpu.memory_space<hbm>>
        tpu.enqueue_dma source(%dma_start3A_68 : memref<2048xf32, #tpu.memory_space<hbm>>) target(%arg7 : memref<2048xf32, #tpu.memory_space<vmem>>) target_semaphore(%run_scoped3A : memref<!tpu.dma_semaphore, #tpu.memory_space<semaphore_mem>>)
        %dma_wait3A = tpu.memref_slice %arg3[%mul3A_31] : memref<163840xf32, #tpu.memory_space<hbm>> -> memref<2048xf32, #tpu.memory_space<hbm>>
        %dma_wait3A_69 = tpu.memref_slice %arg3[%mul3A_31] : memref<163840xf32, #tpu.memory_space<hbm>> -> memref<2048xf32, #tpu.memory_space<hbm>>
        tpu.wait_dma2 semaphore(%run_scoped3A : memref<!tpu.dma_semaphore, #tpu.memory_space<semaphore_mem>>) src(%dma_wait3A_69 : memref<2048xf32, #tpu.memory_space<hbm>>) dst(%arg7 : memref<2048xf32, #tpu.memory_space<vmem>>)
        tpu.yield
      }) : () -> ()
      %scan3A_32 = arith.constant 0 : i32
      %scan3A_33 = arith.constant 0 : i32
      %scan3A_34 = arith.constant 128 : i32
      %scan3A_35 = arith.addi %scan3A_33, %scan3A_34 : i32
      %scan3A_36 = arith.constant 1 : i32
      %scan3A_37 = scf.for %scan3A_68 = %scan3A_33 to %scan3A_35 step %scan3A_36 iter_args(%scan3A_69 = %scan3A_32) -> (i32)  : i32 {
        %mul3A_70 = arith.constant 16 : i32
        %mul3A_71 = arith.muli %scan3A_68, %mul3A_70 : i32
        %get3A = arith.constant 0 : i32
        %get3A_72 = arith.index_cast %get3A : i32 to index
        %get3A_73 = arith.index_cast %mul3A_71 : i32 to index
        %get3A_74 = tpu.vector_load %arg6[%get3A_72, %get3A_73] {strides = array<i32>} : memref<2x2048xi32, #tpu.memory_space<vmem>>, vector<16xi32>,
        %sub3A_75 = vector.broadcast %mul3A_2 : i32 to vector<16xi32>
        %sub3A_76 = arith.subi %get3A_74, %sub3A_75 : vector<16xi32>
        %ge3A = arith.constant 0 : i32
        %ge3A_77 = vector.broadcast %ge3A : i32 to vector<16xi32>
        %ge3A_78 = arith.cmpi sge, %sub3A_76, %ge3A_77 : vector<16xi32>
        %lt3A = arith.constant 320 : i32
        %lt3A_79 = vector.broadcast %lt3A : i32 to vector<16xi32>
        %lt3A_80 = arith.cmpi slt, %sub3A_76, %lt3A_79 : vector<16xi32>
        %and3A_81 = arith.andi %ge3A_78, %lt3A_80 : vector<16xi1>
        %swap3A = arith.index_cast %scan3A_69 : i32 to index
        %swap3A_82 = tpu.vector_load %arg8[%swap3A] masked %and3A_81 {strides = array<i32>} : memref<2096xi32, #tpu.memory_space<vmem>>, vector<16xi32>, vector<16xi1>
        tpu.vector_store %arg8[%swap3A], %sub3A_76 masked %and3A_81 {strides = array<i32>} : memref<2096xi32, #tpu.memory_space<vmem>>, vector<16xi32>, vector<16xi1>
        %get3A_83 = arith.constant 1 : i32
        %get3A_84 = arith.index_cast %get3A_83 : i32 to index
        %get3A_85 = arith.index_cast %mul3A_71 : i32 to index
        %get3A_86 = tpu.vector_load %arg6[%get3A_84, %get3A_85] {strides = array<i32>} : memref<2x2048xi32, #tpu.memory_space<vmem>>, vector<16xi32>,
        %swap3A_87 = arith.index_cast %scan3A_69 : i32 to index
        %swap3A_88 = tpu.vector_load %arg9[%swap3A_87] masked %and3A_81 {strides = array<i32>} : memref<2096xi32, #tpu.memory_space<vmem>>, vector<16xi32>, vector<16xi1>
        tpu.vector_store %arg9[%swap3A_87], %get3A_86 masked %and3A_81 {strides = array<i32>} : memref<2096xi32, #tpu.memory_space<vmem>>, vector<16xi32>, vector<16xi1>
        %get3A_89 = arith.index_cast %mul3A_71 : i32 to index
        %get3A_90 = tpu.vector_load %arg7[%get3A_89] {strides = array<i32>} : memref<2048xf32, #tpu.memory_space<vmem>>, vector<16xf32>,
        %swap3A_91 = arith.index_cast %scan3A_69 : i32 to index
        %swap3A_92 = tpu.vector_load %arg10[%swap3A_91] masked %and3A_81 {strides = array<i32>} : memref<2096xf32, #tpu.memory_space<vmem>>, vector<16xf32>, vector<16xi1>
        tpu.vector_store %arg10[%swap3A_91], %get3A_90 masked %and3A_81 {strides = array<i32>} : memref<2096xf32, #tpu.memory_space<vmem>>, vector<16xf32>, vector<16xi1>
        %all_reduce_population_count3A = tpu.all_reduce %and3A_81 {dim = 0 : i64, kind = #tpu.reduction_kind<sum>} : vector<16xi1> -> vector<16xi32>
        %slice3A = vector.extract_strided_slice %all_reduce_population_count3A {offsets = [0], sizes = [1], strides = [1]} : vector<16xi32> to vector<1xi32>
        %squeeze3A = vector.extract %slice3A[0] : i32 from vector<1xi32>
        %add3A_93 = arith.addi %scan3A_69, %squeeze3A : i32
        scf.yield %add3A_93 : i32
      }
      %scan3A_38 = arith.constant 128 : i32
      %add3A_39 = arith.constant 48 : i32
      %add3A_40 = arith.addi %scan3A_37, %add3A_39 : i32
      %sub3A = arith.constant 1 : i32
      %sub3A_41 = arith.subi %add3A_40, %sub3A : i32
      %jit3A = arith.constant 48 : i32
      %div3A = arith.divsi %sub3A_41, %jit3A : i32
      %sign3A = arith.constant 0 : i32
      %sign3A_42 = arith.cmpi sgt, %sub3A_41, %sign3A : i32
      %sign3A_43 = arith.extui %sign3A_42 : i1 to i32
      %sign3A_44 = arith.constant 0 : i32
      %sign3A_45 = arith.cmpi slt, %sub3A_41, %sign3A_44 : i32
      %sign3A_46 = arith.extui %sign3A_45 : i1 to i32
      %sign3A_47 = arith.subi %sign3A_43, %sign3A_46 : i32
      %sign3A_48 = arith.constant 0 : i32
      %sign3A_49 = arith.cmpi sgt, %jit3A, %sign3A_48 : i32
      %sign3A_50 = arith.extui %sign3A_49 : i1 to i32
      %sign3A_51 = arith.constant 0 : i32
      %sign3A_52 = arith.cmpi slt, %jit3A, %sign3A_51 : i32
      %sign3A_53 = arith.extui %sign3A_52 : i1 to i32
      %sign3A_54 = arith.subi %sign3A_50, %sign3A_53 : i32
      %ne3A = arith.cmpi ne, %sign3A_47, %sign3A_54 : i32
      %rem3A = arith.remsi %sub3A_41, %jit3A : i32
      %ne3A_55 = arith.constant 0 : i32
      %ne3A_56 = arith.cmpi ne, %rem3A, %ne3A_55 : i32
      %and3A = arith.andi %ne3A, %ne3A_56 : i1
      %sub3A_57 = arith.constant 1 : i32
      %sub3A_58 = arith.subi %div3A, %sub3A_57 : i32
      %select_n3A = arith.select %and3A, %sub3A_58, %div3A : i32
      %while3A = arith.constant 0 : i32
      %while3A_59 = arith.constant 0 : i32
      %while3A_60 = arith.subi %select_n3A, %while3A_59 : i32
      %while3A_61 = arith.addi %while3A_59, %while3A_60 : i32
      %while3A_62 = arith.constant 1 : i32
      %while3A_63 = arith.divsi %while3A_60, %while3A_62 : i32
      %while3A_64 = arith.muli %while3A_63, %while3A_62 : i32
      %while3A_65 = arith.addi %while3A_59, %while3A_64 : i32
      %while3A_66 = arith.constant 1 : i32
      scf.for %while3A_68 = %while3A_59 to %while3A_65 step %while3A_66  : i32 {
        %mul3A_69 = arith.constant 48 : i32
        %mul3A_70 = arith.muli %while3A_68, %mul3A_69 : i32
        %dma_start3A = tpu.memref_slice %arg9[%mul3A_70] : memref<2096xi32, #tpu.memory_space<vmem>> -> memref<48xi32, #tpu.memory_space<vmem>>
        %dma_start3A_71 = arith.constant 0 : i32
        %dma_start3A_72 = arith.constant 0 : i32
        %dma_start3A_73 = tpu.memref_slice %arg4[%dma_start3A_71, %dma_start3A_72] : memref<10000x256xf32, #tpu.memory_space<hbm>> -> memref<10000x256xf32, #tpu.memory_space<hbm>>
        tpu.enqueue_indirect_dma source(%dma_start3A_73 : memref<10000x256xf32, #tpu.memory_space<hbm>>) target(%arg11 : memref<48x256xf32, #tpu.memory_space<vmem>>) offsets(%dma_start3A : memref<48xi32, #tpu.memory_space<vmem>>) semaphore(%arg14 : memref<!tpu.dma_semaphore, #tpu.memory_space<semaphore_mem>>)
        %dma_wait3A = tpu.memref_slice %arg9[%mul3A_70] : memref<2096xi32, #tpu.memory_space<vmem>> -> memref<48xi32, #tpu.memory_space<vmem>>
        %dma_wait3A_74 = arith.constant 0 : i32
        %dma_wait3A_75 = arith.constant 0 : i32
        %dma_wait3A_76 = tpu.memref_slice %arg4[%dma_wait3A_74, %dma_wait3A_75] : memref<10000x256xf32, #tpu.memory_space<hbm>> -> memref<10000x256xf32, #tpu.memory_space<hbm>>
        tpu.wait_indirect_dma semaphore(%arg14 : memref<!tpu.dma_semaphore, #tpu.memory_space<semaphore_mem>>) src(%dma_wait3A_76 : memref<10000x256xf32, #tpu.memory_space<hbm>>) dst(%arg11 : memref<48x256xf32, #tpu.memory_space<vmem>>)
        %mul3A_77 = arith.constant 48 : i32
        %mul3A_78 = arith.muli %while3A_68, %mul3A_77 : i32
        %add3A_79 = arith.constant 1 : i32
        %add3A_80 = arith.addi %while3A_68, %add3A_79 : i32
        %mul3A_81 = arith.constant 48 : i32
        %mul3A_82 = arith.muli %add3A_80, %mul3A_81 : i32
        %min3A = arith.minsi %scan3A_37, %mul3A_82 : i32
        %mul3A_83 = arith.constant 48 : i32
        %mul3A_84 = arith.muli %while3A_68, %mul3A_83 : i32
        %while3A_85 = arith.constant 0 : i32
        %while3A_86 = arith.subi %min3A, %mul3A_78 : i32
        %while3A_87 = arith.addi %mul3A_78, %while3A_86 : i32
        %while3A_88 = arith.constant 1 : i32
        %while3A_89 = arith.divsi %while3A_86, %while3A_88 : i32
        %while3A_90 = arith.muli %while3A_89, %while3A_88 : i32
        %while3A_91 = arith.addi %mul3A_78, %while3A_90 : i32
        %while3A_92 = arith.constant 1 : i32
        scf.for %while3A_94 = %mul3A_78 to %while3A_91 step %while3A_92  : i32 {
          %broadcast_in_dim3A_95 = vector.broadcast %while3A_94 : i32 to vector<16xi32>
          %gather3A = tpu.vector_load_idx %arg8[%broadcast_in_dim3A_95] : memref<2096xi32, #tpu.memory_space<vmem>>[vector<16xi32>], vector<16xi32>,
          %gather3A_96 = tpu.vector_load_idx %arg10[%broadcast_in_dim3A_95] : memref<2096xf32, #tpu.memory_space<vmem>>[vector<16xi32>], vector<16xf32>,
          %slice3A = vector.extract_strided_slice %gather3A {offsets = [0], sizes = [1], strides = [1]} : vector<16xi32> to vector<1xi32>
          %squeeze3A = vector.extract %slice3A[0] : i32 from vector<1xi32>
          %jit3A_97 = arith.constant 16 : i32
          %div3A_98 = arith.divsi %squeeze3A, %jit3A_97 : i32
          %sign3A_99 = arith.constant 0 : i32
          %sign3A_100 = arith.cmpi sgt, %squeeze3A, %sign3A_99 : i32
          %sign3A_101 = arith.extui %sign3A_100 : i1 to i32
          %sign3A_102 = arith.constant 0 : i32
          %sign3A_103 = arith.cmpi slt, %squeeze3A, %sign3A_102 : i32
          %sign3A_104 = arith.extui %sign3A_103 : i1 to i32
          %sign3A_105 = arith.subi %sign3A_101, %sign3A_104 : i32
          %sign3A_106 = arith.constant 0 : i32
          %sign3A_107 = arith.cmpi sgt, %jit3A_97, %sign3A_106 : i32
          %sign3A_108 = arith.extui %sign3A_107 : i1 to i32
          %sign3A_109 = arith.constant 0 : i32
          %sign3A_110 = arith.cmpi slt, %jit3A_97, %sign3A_109 : i32
          %sign3A_111 = arith.extui %sign3A_110 : i1 to i32
          %sign3A_112 = arith.subi %sign3A_108, %sign3A_111 : i32
          %ne3A_113 = arith.cmpi ne, %sign3A_105, %sign3A_112 : i32
          %rem3A_114 = arith.remsi %squeeze3A, %jit3A_97 : i32
          %ne3A_115 = arith.constant 0 : i32
          %ne3A_116 = arith.cmpi ne, %rem3A_114, %ne3A_115 : i32
          %and3A_117 = arith.andi %ne3A_113, %ne3A_116 : i1
          %sub3A_118 = arith.constant 1 : i32
          %sub3A_119 = arith.subi %div3A_98, %sub3A_118 : i32
          %select_n3A_120 = arith.select %and3A_117, %sub3A_119, %div3A_98 : i32
          %get3A = arith.index_cast %select_n3A_120 : i32 to index
          %get3A_121 = arith.constant 0 : index
          %get3A_122 = tpu.vector_load %arg13[%get3A, %get3A_121] {strides = array<i32>} : memref<24x16xf32, #tpu.memory_space<vmem>>, vector<16xf32>,
          %jit3A_123 = arith.constant 16 : i32
          %eq3A = arith.constant 0 : i32
          %eq3A_124 = arith.cmpi eq, %jit3A_123, %eq3A : i32
          %jit3A_125 = arith.constant 1 : i32
          %select_n3A_126 = arith.select %eq3A_124, %jit3A_125, %jit3A_123 : i32
          %rem3A_127 = arith.remsi %squeeze3A, %select_n3A_126 : i32
          %ne3A_128 = arith.constant 0 : i32
          %ne3A_129 = arith.cmpi ne, %rem3A_127, %ne3A_128 : i32
          %lt3A = arith.constant 0 : i32
          %lt3A_130 = arith.cmpi slt, %rem3A_127, %lt3A : i32
          %lt3A_131 = arith.constant 0 : i32
          %lt3A_132 = arith.cmpi slt, %select_n3A_126, %lt3A_131 : i32
          %ne3A_133 = arith.xori %lt3A_130, %lt3A_132 : i1
          %and3A_134 = arith.andi %ne3A_133, %ne3A_129 : i1
          %add3A_135 = arith.addi %rem3A_127, %select_n3A_126 : i32
          %select_n3A_136 = arith.select %and3A_134, %add3A_135, %rem3A_127 : i32
          %eq3A_137 = vector.broadcast %select_n3A_136 : i32 to vector<16xi32>
          %eq3A_138 = arith.cmpi eq, %iota3A, %eq3A_137 : vector<16xi32>
          %jit3A_139 = arith.constant 0.000000e+00 : f32
          %broadcast_in_dim3A_140 = vector.broadcast %jit3A_139 : f32 to vector<16xf32>
          %select_n3A_141 = arith.select %eq3A_138, %gather3A_96, %broadcast_in_dim3A_140 : vector<16xi1>, vector<16xf32>
          %add3A_142 = arith.addf %get3A_122, %select_n3A_141 : vector<16xf32>
          %swap3A = arith.index_cast %select_n3A_120 : i32 to index
          %swap3A_143 = arith.constant 0 : index
          %swap3A_144 = tpu.vector_load %arg13[%swap3A, %swap3A_143] {strides = array<i32>} : memref<24x16xf32, #tpu.memory_space<vmem>>, vector<16xf32>,
          tpu.vector_store %arg13[%swap3A, %swap3A_143], %add3A_142 {strides = array<i32>} : memref<24x16xf32, #tpu.memory_space<vmem>>, vector<16xf32>,
          %sub3A_145 = arith.subi %while3A_94, %mul3A_84 : i32
          %get3A_146 = arith.index_cast %squeeze3A : i32 to index
          %get3A_147 = arith.constant 0 : index
          %get3A_148 = tpu.vector_load %arg12[%get3A_146, %get3A_147] {strides = array<i32>} : memref<328x256xf32, #tpu.memory_space<vmem>>, vector<16xf32>,
          %get3A_149 = arith.index_cast %sub3A_145 : i32 to index
          %get3A_150 = arith.constant 0 : index
          %get3A_151 = tpu.vector_load %arg11[%get3A_149, %get3A_150] {strides = array<i32>} : memref<48x256xf32, #tpu.memory_space<vmem>>, vector<16xf32>,
          %mul3A_152 = arith.mulf %gather3A_96, %get3A_151 : vector<16xf32>
          %add3A_153 = arith.addf %get3A_148, %mul3A_152 : vector<16xf32>
          %swap3A_154 = arith.index_cast %squeeze3A : i32 to index
          %swap3A_155 = arith.constant 0 : index
          %swap3A_156 = tpu.vector_load %arg12[%swap3A_154, %swap3A_155] {strides = array<i32>} : memref<328x256xf32, #tpu.memory_space<vmem>>, vector<16xf32>,
          tpu.vector_store %arg12[%swap3A_154, %swap3A_155], %add3A_153 {strides = array<i32>} : memref<328x256xf32, #tpu.memory_space<vmem>>, vector<16xf32>,
          %get3A_157 = arith.index_cast %squeeze3A : i32 to index
          %get3A_158 = arith.constant 16 : index
          %get3A_159 = tpu.vector_load %arg12[%get3A_157, %get3A_158] {strides = array<i32>} : memref<328x256xf32, #tpu.memory_space<vmem>>, vector<16xf32>,
          %get3A_160 = arith.index_cast %sub3A_145 : i32 to index
          %get3A_161 = arith.constant 16 : index
          %get3A_162 = tpu.vector_load %arg11[%get3A_160, %get3A_161] {strides = array<i32>} : memref<48x256xf32, #tpu.memory_space<vmem>>, vector<16xf32>,
          %mul3A_163 = arith.mulf %gather3A_96, %get3A_162 : vector<16xf32>
          %add3A_164 = arith.addf %get3A_159, %mul3A_163 : vector<16xf32>
          %swap3A_165 = arith.index_cast %squeeze3A : i32 to index
          %swap3A_166 = arith.constant 16 : index
          %swap3A_167 = tpu.vector_load %arg12[%swap3A_165, %swap3A_166] {strides = array<i32>} : memref<328x256xf32, #tpu.memory_space<vmem>>, vector<16xf32>,
          tpu.vector_store %arg12[%swap3A_165, %swap3A_166], %add3A_164 {strides = array<i32>} : memref<328x256xf32, #tpu.memory_space<vmem>>, vector<16xf32>,
          %get3A_168 = arith.index_cast %squeeze3A : i32 to index
          %get3A_169 = arith.constant 32 : index
          %get3A_170 = tpu.vector_load %arg12[%get3A_168, %get3A_169] {strides = array<i32>} : memref<328x256xf32, #tpu.memory_space<vmem>>, vector<16xf32>,
          %get3A_171 = arith.index_cast %sub3A_145 : i32 to index
          %get3A_172 = arith.constant 32 : index
          %get3A_173 = tpu.vector_load %arg11[%get3A_171, %get3A_172] {strides = array<i32>} : memref<48x256xf32, #tpu.memory_space<vmem>>, vector<16xf32>,
          %mul3A_174 = arith.mulf %gather3A_96, %get3A_173 : vector<16xf32>
          %add3A_175 = arith.addf %get3A_170, %mul3A_174 : vector<16xf32>
          %swap3A_176 = arith.index_cast %squeeze3A : i32 to index
          %swap3A_177 = arith.constant 32 : index
          %swap3A_178 = tpu.vector_load %arg12[%swap3A_176, %swap3A_177] {strides = array<i32>} : memref<328x256xf32, #tpu.memory_space<vmem>>, vector<16xf32>,
          tpu.vector_store %arg12[%swap3A_176, %swap3A_177], %add3A_175 {strides = array<i32>} : memref<328x256xf32, #tpu.memory_space<vmem>>, vector<16xf32>,
          %get3A_179 = arith.index_cast %squeeze3A : i32 to index
          %get3A_180 = arith.constant 48 : index
          %get3A_181 = tpu.vector_load %arg12[%get3A_179, %get3A_180] {strides = array<i32>} : memref<328x256xf32, #tpu.memory_space<vmem>>, vector<16xf32>,
          %get3A_182 = arith.index_cast %sub3A_145 : i32 to index
          %get3A_183 = arith.constant 48 : index
          %get3A_184 = tpu.vector_load %arg11[%get3A_182, %get3A_183] {strides = array<i32>} : memref<48x256xf32, #tpu.memory_space<vmem>>, vector<16xf32>,
          %mul3A_185 = arith.mulf %gather3A_96, %get3A_184 : vector<16xf32>
          %add3A_186 = arith.addf %get3A_181, %mul3A_185 : vector<16xf32>
          %swap3A_187 = arith.index_cast %squeeze3A : i32 to index
          %swap3A_188 = arith.constant 48 : index
          %swap3A_189 = tpu.vector_load %arg12[%swap3A_187, %swap3A_188] {strides = array<i32>} : memref<328x256xf32, #tpu.memory_space<vmem>>, vector<16xf32>,
          tpu.vector_store %arg12[%swap3A_187, %swap3A_188], %add3A_186 {strides = array<i32>} : memref<328x256xf32, #tpu.memory_space<vmem>>, vector<16xf32>,
          %get3A_190 = arith.index_cast %squeeze3A : i32 to index
          %get3A_191 = arith.constant 64 : index
          %get3A_192 = tpu.vector_load %arg12[%get3A_190, %get3A_191] {strides = array<i32>} : memref<328x256xf32, #tpu.memory_space<vmem>>, vector<16xf32>,
          %get3A_193 = arith.index_cast %sub3A_145 : i32 to index
          %get3A_194 = arith.constant 64 : index
          %get3A_195 = tpu.vector_load %arg11[%get3A_193, %get3A_194] {strides = array<i32>} : memref<48x256xf32, #tpu.memory_space<vmem>>, vector<16xf32>,
          %mul3A_196 = arith.mulf %gather3A_96, %get3A_195 : vector<16xf32>
          %add3A_197 = arith.addf %get3A_192, %mul3A_196 : vector<16xf32>
          %swap3A_198 = arith.index_cast %squeeze3A : i32 to index
          %swap3A_199 = arith.constant 64 : index
          %swap3A_200 = tpu.vector_load %arg12[%swap3A_198, %swap3A_199] {strides = array<i32>} : memref<328x256xf32, #tpu.memory_space<vmem>>, vector<16xf32>,
          tpu.vector_store %arg12[%swap3A_198, %swap3A_199], %add3A_197 {strides = array<i32>} : memref<328x256xf32, #tpu.memory_space<vmem>>, vector<16xf32>,
          %get3A_201 = arith.index_cast %squeeze3A : i32 to index
          %get3A_202 = arith.constant 80 : index
          %get3A_203 = tpu.vector_load %arg12[%get3A_201, %get3A_202] {strides = array<i32>} : memref<328x256xf32, #tpu.memory_space<vmem>>, vector<16xf32>,
          %get3A_204 = arith.index_cast %sub3A_145 : i32 to index
          %get3A_205 = arith.constant 80 : index
          %get3A_206 = tpu.vector_load %arg11[%get3A_204, %get3A_205] {strides = array<i32>} : memref<48x256xf32, #tpu.memory_space<vmem>>, vector<16xf32>,
          %mul3A_207 = arith.mulf %gather3A_96, %get3A_206 : vector<16xf32>
          %add3A_208 = arith.addf %get3A_203, %mul3A_207 : vector<16xf32>
          %swap3A_209 = arith.index_cast %squeeze3A : i32 to index
          %swap3A_210 = arith.constant 80 : index
          %swap3A_211 = tpu.vector_load %arg12[%swap3A_209, %swap3A_210] {strides = array<i32>} : memref<328x256xf32, #tpu.memory_space<vmem>>, vector<16xf32>,
          tpu.vector_store %arg12[%swap3A_209, %swap3A_210], %add3A_208 {strides = array<i32>} : memref<328x256xf32, #tpu.memory_space<vmem>>, vector<16xf32>,
          %get3A_212 = arith.index_cast %squeeze3A : i32 to index
          %get3A_213 = arith.constant 96 : index
          %get3A_214 = tpu.vector_load %arg12[%get3A_212, %get3A_213] {strides = array<i32>} : memref<328x256xf32, #tpu.memory_space<vmem>>, vector<16xf32>,
          %get3A_215 = arith.index_cast %sub3A_145 : i32 to index
          %get3A_216 = arith.constant 96 : index
          %get3A_217 = tpu.vector_load %arg11[%get3A_215, %get3A_216] {strides = array<i32>} : memref<48x256xf32, #tpu.memory_space<vmem>>, vector<16xf32>,
          %mul3A_218 = arith.mulf %gather3A_96, %get3A_217 : vector<16xf32>
          %add3A_219 = arith.addf %get3A_214, %mul3A_218 : vector<16xf32>
          %swap3A_220 = arith.index_cast %squeeze3A : i32 to index
          %swap3A_221 = arith.constant 96 : index
          %swap3A_222 = tpu.vector_load %arg12[%swap3A_220, %swap3A_221] {strides = array<i32>} : memref<328x256xf32, #tpu.memory_space<vmem>>, vector<16xf32>,
          tpu.vector_store %arg12[%swap3A_220, %swap3A_221], %add3A_219 {strides = array<i32>} : memref<328x256xf32, #tpu.memory_space<vmem>>, vector<16xf32>,
          %get3A_223 = arith.index_cast %squeeze3A : i32 to index
          %get3A_224 = arith.constant 112 : index
          %get3A_225 = tpu.vector_load %arg12[%get3A_223, %get3A_224] {strides = array<i32>} : memref<328x256xf32, #tpu.memory_space<vmem>>, vector<16xf32>,
          %get3A_226 = arith.index_cast %sub3A_145 : i32 to index
          %get3A_227 = arith.constant 112 : index
          %get3A_228 = tpu.vector_load %arg11[%get3A_226, %get3A_227] {strides = array<i32>} : memref<48x256xf32, #tpu.memory_space<vmem>>, vector<16xf32>,
          %mul3A_229 = arith.mulf %gather3A_96, %get3A_228 : vector<16xf32>
          %add3A_230 = arith.addf %get3A_225, %mul3A_229 : vector<16xf32>
          %swap3A_231 = arith.index_cast %squeeze3A : i32 to index
          %swap3A_232 = arith.constant 112 : index
          %swap3A_233 = tpu.vector_load %arg12[%swap3A_231, %swap3A_232] {strides = array<i32>} : memref<328x256xf32, #tpu.memory_space<vmem>>, vector<16xf32>,
          tpu.vector_store %arg12[%swap3A_231, %swap3A_232], %add3A_230 {strides = array<i32>} : memref<328x256xf32, #tpu.memory_space<vmem>>, vector<16xf32>,
          %get3A_234 = arith.index_cast %squeeze3A : i32 to index
          %get3A_235 = arith.constant 128 : index
          %get3A_236 = tpu.vector_load %arg12[%get3A_234, %get3A_235] {strides = array<i32>} : memref<328x256xf32, #tpu.memory_space<vmem>>, vector<16xf32>,
          %get3A_237 = arith.index_cast %sub3A_145 : i32 to index
          %get3A_238 = arith.constant 128 : index
          %get3A_239 = tpu.vector_load %arg11[%get3A_237, %get3A_238] {strides = array<i32>} : memref<48x256xf32, #tpu.memory_space<vmem>>, vector<16xf32>,
          %mul3A_240 = arith.mulf %gather3A_96, %get3A_239 : vector<16xf32>
          %add3A_241 = arith.addf %get3A_236, %mul3A_240 : vector<16xf32>
          %swap3A_242 = arith.index_cast %squeeze3A : i32 to index
          %swap3A_243 = arith.constant 128 : index
          %swap3A_244 = tpu.vector_load %arg12[%swap3A_242, %swap3A_243] {strides = array<i32>} : memref<328x256xf32, #tpu.memory_space<vmem>>, vector<16xf32>,
          tpu.vector_store %arg12[%swap3A_242, %swap3A_243], %add3A_241 {strides = array<i32>} : memref<328x256xf32, #tpu.memory_space<vmem>>, vector<16xf32>,
          %get3A_245 = arith.index_cast %squeeze3A : i32 to index
          %get3A_246 = arith.constant 144 : index
          %get3A_247 = tpu.vector_load %arg12[%get3A_245, %get3A_246] {strides = array<i32>} : memref<328x256xf32, #tpu.memory_space<vmem>>, vector<16xf32>,
          %get3A_248 = arith.index_cast %sub3A_145 : i32 to index
          %get3A_249 = arith.constant 144 : index
          %get3A_250 = tpu.vector_load %arg11[%get3A_248, %get3A_249] {strides = array<i32>} : memref<48x256xf32, #tpu.memory_space<vmem>>, vector<16xf32>,
          %mul3A_251 = arith.mulf %gather3A_96, %get3A_250 : vector<16xf32>
          %add3A_252 = arith.addf %get3A_247, %mul3A_251 : vector<16xf32>
          %swap3A_253 = arith.index_cast %squeeze3A : i32 to index
          %swap3A_254 = arith.constant 144 : index
          %swap3A_255 = tpu.vector_load %arg12[%swap3A_253, %swap3A_254] {strides = array<i32>} : memref<328x256xf32, #tpu.memory_space<vmem>>, vector<16xf32>,
          tpu.vector_store %arg12[%swap3A_253, %swap3A_254], %add3A_252 {strides = array<i32>} : memref<328x256xf32, #tpu.memory_space<vmem>>, vector<16xf32>,
          %get3A_256 = arith.index_cast %squeeze3A : i32 to index
          %get3A_257 = arith.constant 160 : index
          %get3A_258 = tpu.vector_load %arg12[%get3A_256, %get3A_257] {strides = array<i32>} : memref<328x256xf32, #tpu.memory_space<vmem>>, vector<16xf32>,
          %get3A_259 = arith.index_cast %sub3A_145 : i32 to index
          %get3A_260 = arith.constant 160 : index
          %get3A_261 = tpu.vector_load %arg11[%get3A_259, %get3A_260] {strides = array<i32>} : memref<48x256xf32, #tpu.memory_space<vmem>>, vector<16xf32>,
          %mul3A_262 = arith.mulf %gather3A_96, %get3A_261 : vector<16xf32>
          %add3A_263 = arith.addf %get3A_258, %mul3A_262 : vector<16xf32>
          %swap3A_264 = arith.index_cast %squeeze3A : i32 to index
          %swap3A_265 = arith.constant 160 : index
          %swap3A_266 = tpu.vector_load %arg12[%swap3A_264, %swap3A_265] {strides = array<i32>} : memref<328x256xf32, #tpu.memory_space<vmem>>, vector<16xf32>,
          tpu.vector_store %arg12[%swap3A_264, %swap3A_265], %add3A_263 {strides = array<i32>} : memref<328x256xf32, #tpu.memory_space<vmem>>, vector<16xf32>,
          %get3A_267 = arith.index_cast %squeeze3A : i32 to index
          %get3A_268 = arith.constant 176 : index
          %get3A_269 = tpu.vector_load %arg12[%get3A_267, %get3A_268] {strides = array<i32>} : memref<328x256xf32, #tpu.memory_space<vmem>>, vector<16xf32>,
          %get3A_270 = arith.index_cast %sub3A_145 : i32 to index
          %get3A_271 = arith.constant 176 : index
          %get3A_272 = tpu.vector_load %arg11[%get3A_270, %get3A_271] {strides = array<i32>} : memref<48x256xf32, #tpu.memory_space<vmem>>, vector<16xf32>,
          %mul3A_273 = arith.mulf %gather3A_96, %get3A_272 : vector<16xf32>
          %add3A_274 = arith.addf %get3A_269, %mul3A_273 : vector<16xf32>
          %swap3A_275 = arith.index_cast %squeeze3A : i32 to index
          %swap3A_276 = arith.constant 176 : index
          %swap3A_277 = tpu.vector_load %arg12[%swap3A_275, %swap3A_276] {strides = array<i32>} : memref<328x256xf32, #tpu.memory_space<vmem>>, vector<16xf32>,
          tpu.vector_store %arg12[%swap3A_275, %swap3A_276], %add3A_274 {strides = array<i32>} : memref<328x256xf32, #tpu.memory_space<vmem>>, vector<16xf32>,
          %get3A_278 = arith.index_cast %squeeze3A : i32 to index
          %get3A_279 = arith.constant 192 : index
          %get3A_280 = tpu.vector_load %arg12[%get3A_278, %get3A_279] {strides = array<i32>} : memref<328x256xf32, #tpu.memory_space<vmem>>, vector<16xf32>,
          %get3A_281 = arith.index_cast %sub3A_145 : i32 to index
          %get3A_282 = arith.constant 192 : index
          %get3A_283 = tpu.vector_load %arg11[%get3A_281, %get3A_282] {strides = array<i32>} : memref<48x256xf32, #tpu.memory_space<vmem>>, vector<16xf32>,
          %mul3A_284 = arith.mulf %gather3A_96, %get3A_283 : vector<16xf32>
          %add3A_285 = arith.addf %get3A_280, %mul3A_284 : vector<16xf32>
          %swap3A_286 = arith.index_cast %squeeze3A : i32 to index
          %swap3A_287 = arith.constant 192 : index
          %swap3A_288 = tpu.vector_load %arg12[%swap3A_286, %swap3A_287] {strides = array<i32>} : memref<328x256xf32, #tpu.memory_space<vmem>>, vector<16xf32>,
          tpu.vector_store %arg12[%swap3A_286, %swap3A_287], %add3A_285 {strides = array<i32>} : memref<328x256xf32, #tpu.memory_space<vmem>>, vector<16xf32>,
          %get3A_289 = arith.index_cast %squeeze3A : i32 to index
          %get3A_290 = arith.constant 208 : index
          %get3A_291 = tpu.vector_load %arg12[%get3A_289, %get3A_290] {strides = array<i32>} : memref<328x256xf32, #tpu.memory_space<vmem>>, vector<16xf32>,
          %get3A_292 = arith.index_cast %sub3A_145 : i32 to index
          %get3A_293 = arith.constant 208 : index
          %get3A_294 = tpu.vector_load %arg11[%get3A_292, %get3A_293] {strides = array<i32>} : memref<48x256xf32, #tpu.memory_space<vmem>>, vector<16xf32>,
          %mul3A_295 = arith.mulf %gather3A_96, %get3A_294 : vector<16xf32>
          %add3A_296 = arith.addf %get3A_291, %mul3A_295 : vector<16xf32>
          %swap3A_297 = arith.index_cast %squeeze3A : i32 to index
          %swap3A_298 = arith.constant 208 : index
          %swap3A_299 = tpu.vector_load %arg12[%swap3A_297, %swap3A_298] {strides = array<i32>} : memref<328x256xf32, #tpu.memory_space<vmem>>, vector<16xf32>,
          tpu.vector_store %arg12[%swap3A_297, %swap3A_298], %add3A_296 {strides = array<i32>} : memref<328x256xf32, #tpu.memory_space<vmem>>, vector<16xf32>,
          %get3A_300 = arith.index_cast %squeeze3A : i32 to index
          %get3A_301 = arith.constant 224 : index
          %get3A_302 = tpu.vector_load %arg12[%get3A_300, %get3A_301] {strides = array<i32>} : memref<328x256xf32, #tpu.memory_space<vmem>>, vector<16xf32>,
          %get3A_303 = arith.index_cast %sub3A_145 : i32 to index
          %get3A_304 = arith.constant 224 : index
          %get3A_305 = tpu.vector_load %arg11[%get3A_303, %get3A_304] {strides = array<i32>} : memref<48x256xf32, #tpu.memory_space<vmem>>, vector<16xf32>,
          %mul3A_306 = arith.mulf %gather3A_96, %get3A_305 : vector<16xf32>
          %add3A_307 = arith.addf %get3A_302, %mul3A_306 : vector<16xf32>
          %swap3A_308 = arith.index_cast %squeeze3A : i32 to index
          %swap3A_309 = arith.constant 224 : index
          %swap3A_310 = tpu.vector_load %arg12[%swap3A_308, %swap3A_309] {strides = array<i32>} : memref<328x256xf32, #tpu.memory_space<vmem>>, vector<16xf32>,
          tpu.vector_store %arg12[%swap3A_308, %swap3A_309], %add3A_307 {strides = array<i32>} : memref<328x256xf32, #tpu.memory_space<vmem>>, vector<16xf32>,
          %get3A_311 = arith.index_cast %squeeze3A : i32 to index
          %get3A_312 = arith.constant 240 : index
          %get3A_313 = tpu.vector_load %arg12[%get3A_311, %get3A_312] {strides = array<i32>} : memref<328x256xf32, #tpu.memory_space<vmem>>, vector<16xf32>,
          %get3A_314 = arith.index_cast %sub3A_145 : i32 to index
          %get3A_315 = arith.constant 240 : index
          %get3A_316 = tpu.vector_load %arg11[%get3A_314, %get3A_315] {strides = array<i32>} : memref<48x256xf32, #tpu.memory_space<vmem>>, vector<16xf32>,
          %mul3A_317 = arith.mulf %gather3A_96, %get3A_316 : vector<16xf32>
          %add3A_318 = arith.addf %get3A_313, %mul3A_317 : vector<16xf32>
          %swap3A_319 = arith.index_cast %squeeze3A : i32 to index
          %swap3A_320 = arith.constant 240 : index
          %swap3A_321 = tpu.vector_load %arg12[%swap3A_319, %swap3A_320] {strides = array<i32>} : memref<328x256xf32, #tpu.memory_space<vmem>>, vector<16xf32>,
          tpu.vector_store %arg12[%swap3A_319, %swap3A_320], %add3A_318 {strides = array<i32>} : memref<328x256xf32, #tpu.memory_space<vmem>>, vector<16xf32>,
        }
        %while3A_93 = arith.constant 1 : i32
        scf.for %while3A_94 = %while3A_91 to %while3A_87 step %while3A_93  : i32 {
          %broadcast_in_dim3A_95 = vector.broadcast %while3A_94 : i32 to vector<16xi32>
          %gather3A = tpu.vector_load_idx %arg8[%broadcast_in_dim3A_95] : memref<2096xi32, #tpu.memory_space<vmem>>[vector<16xi32>], vector<16xi32>,
          %gather3A_96 = tpu.vector_load_idx %arg10[%broadcast_in_dim3A_95] : memref<2096xf32, #tpu.memory_space<vmem>>[vector<16xi32>], vector<16xf32>,
          %slice3A = vector.extract_strided_slice %gather3A {offsets = [0], sizes = [1], strides = [1]} : vector<16xi32> to vector<1xi32>
          %squeeze3A = vector.extract %slice3A[0] : i32 from vector<1xi32>
          %jit3A_97 = arith.constant 16 : i32
          %div3A_98 = arith.divsi %squeeze3A, %jit3A_97 : i32
          %sign3A_99 = arith.constant 0 : i32
          %sign3A_100 = arith.cmpi sgt, %squeeze3A, %sign3A_99 : i32
          %sign3A_101 = arith.extui %sign3A_100 : i1 to i32
          %sign3A_102 = arith.constant 0 : i32
          %sign3A_103 = arith.cmpi slt, %squeeze3A, %sign3A_102 : i32
          %sign3A_104 = arith.extui %sign3A_103 : i1 to i32
          %sign3A_105 = arith.subi %sign3A_101, %sign3A_104 : i32
          %sign3A_106 = arith.constant 0 : i32
          %sign3A_107 = arith.cmpi sgt, %jit3A_97, %sign3A_106 : i32
          %sign3A_108 = arith.extui %sign3A_107 : i1 to i32
          %sign3A_109 = arith.constant 0 : i32
          %sign3A_110 = arith.cmpi slt, %jit3A_97, %sign3A_109 : i32
          %sign3A_111 = arith.extui %sign3A_110 : i1 to i32
          %sign3A_112 = arith.subi %sign3A_108, %sign3A_111 : i32
          %ne3A_113 = arith.cmpi ne, %sign3A_105, %sign3A_112 : i32
          %rem3A_114 = arith.remsi %squeeze3A, %jit3A_97 : i32
          %ne3A_115 = arith.constant 0 : i32
          %ne3A_116 = arith.cmpi ne, %rem3A_114, %ne3A_115 : i32
          %and3A_117 = arith.andi %ne3A_113, %ne3A_116 : i1
          %sub3A_118 = arith.constant 1 : i32
          %sub3A_119 = arith.subi %div3A_98, %sub3A_118 : i32
          %select_n3A_120 = arith.select %and3A_117, %sub3A_119, %div3A_98 : i32
          %get3A = arith.index_cast %select_n3A_120 : i32 to index
          %get3A_121 = arith.constant 0 : index
          %get3A_122 = tpu.vector_load %arg13[%get3A, %get3A_121] {strides = array<i32>} : memref<24x16xf32, #tpu.memory_space<vmem>>, vector<16xf32>,
          %jit3A_123 = arith.constant 16 : i32
          %eq3A = arith.constant 0 : i32
          %eq3A_124 = arith.cmpi eq, %jit3A_123, %eq3A : i32
          %jit3A_125 = arith.constant 1 : i32
          %select_n3A_126 = arith.select %eq3A_124, %jit3A_125, %jit3A_123 : i32
          %rem3A_127 = arith.remsi %squeeze3A, %select_n3A_126 : i32
          %ne3A_128 = arith.constant 0 : i32
          %ne3A_129 = arith.cmpi ne, %rem3A_127, %ne3A_128 : i32
          %lt3A = arith.constant 0 : i32
          %lt3A_130 = arith.cmpi slt, %rem3A_127, %lt3A : i32
          %lt3A_131 = arith.constant 0 : i32
          %lt3A_132 = arith.cmpi slt, %select_n3A_126, %lt3A_131 : i32
          %ne3A_133 = arith.xori %lt3A_130, %lt3A_132 : i1
          %and3A_134 = arith.andi %ne3A_133, %ne3A_129 : i1
          %add3A_135 = arith.addi %rem3A_127, %select_n3A_126 : i32
          %select_n3A_136 = arith.select %and3A_134, %add3A_135, %rem3A_127 : i32
          %eq3A_137 = vector.broadcast %select_n3A_136 : i32 to vector<16xi32>
          %eq3A_138 = arith.cmpi eq, %iota3A, %eq3A_137 : vector<16xi32>
          %jit3A_139 = arith.constant 0.000000e+00 : f32
          %broadcast_in_dim3A_140 = vector.broadcast %jit3A_139 : f32 to vector<16xf32>
          %select_n3A_141 = arith.select %eq3A_138, %gather3A_96, %broadcast_in_dim3A_140 : vector<16xi1>, vector<16xf32>
          %add3A_142 = arith.addf %get3A_122, %select_n3A_141 : vector<16xf32>
          %swap3A = arith.index_cast %select_n3A_120 : i32 to index
          %swap3A_143 = arith.constant 0 : index
          %swap3A_144 = tpu.vector_load %arg13[%swap3A, %swap3A_143] {strides = array<i32>} : memref<24x16xf32, #tpu.memory_space<vmem>>, vector<16xf32>,
          tpu.vector_store %arg13[%swap3A, %swap3A_143], %add3A_142 {strides = array<i32>} : memref<24x16xf32, #tpu.memory_space<vmem>>, vector<16xf32>,
          %sub3A_145 = arith.subi %while3A_94, %mul3A_84 : i32
          %get3A_146 = arith.index_cast %squeeze3A : i32 to index
          %get3A_147 = arith.constant 0 : index
          %get3A_148 = tpu.vector_load %arg12[%get3A_146, %get3A_147] {strides = array<i32>} : memref<328x256xf32, #tpu.memory_space<vmem>>, vector<16xf32>,
          %get3A_149 = arith.index_cast %sub3A_145 : i32 to index
          %get3A_150 = arith.constant 0 : index
          %get3A_151 = tpu.vector_load %arg11[%get3A_149, %get3A_150] {strides = array<i32>} : memref<48x256xf32, #tpu.memory_space<vmem>>, vector<16xf32>,
          %mul3A_152 = arith.mulf %gather3A_96, %get3A_151 : vector<16xf32>
          %add3A_153 = arith.addf %get3A_148, %mul3A_152 : vector<16xf32>
          %swap3A_154 = arith.index_cast %squeeze3A : i32 to index
          %swap3A_155 = arith.constant 0 : index
          %swap3A_156 = tpu.vector_load %arg12[%swap3A_154, %swap3A_155] {strides = array<i32>} : memref<328x256xf32, #tpu.memory_space<vmem>>, vector<16xf32>,
          tpu.vector_store %arg12[%swap3A_154, %swap3A_155], %add3A_153 {strides = array<i32>} : memref<328x256xf32, #tpu.memory_space<vmem>>, vector<16xf32>,
          %get3A_157 = arith.index_cast %squeeze3A : i32 to index
          %get3A_158 = arith.constant 16 : index
          %get3A_159 = tpu.vector_load %arg12[%get3A_157, %get3A_158] {strides = array<i32>} : memref<328x256xf32, #tpu.memory_space<vmem>>, vector<16xf32>,
          %get3A_160 = arith.index_cast %sub3A_145 : i32 to index
          %get3A_161 = arith.constant 16 : index
          %get3A_162 = tpu.vector_load %arg11[%get3A_160, %get3A_161] {strides = array<i32>} : memref<48x256xf32, #tpu.memory_space<vmem>>, vector<16xf32>,
          %mul3A_163 = arith.mulf %gather3A_96, %get3A_162 : vector<16xf32>
          %add3A_164 = arith.addf %get3A_159, %mul3A_163 : vector<16xf32>
          %swap3A_165 = arith.index_cast %squeeze3A : i32 to index
          %swap3A_166 = arith.constant 16 : index
          %swap3A_167 = tpu.vector_load %arg12[%swap3A_165, %swap3A_166] {strides = array<i32>} : memref<328x256xf32, #tpu.memory_space<vmem>>, vector<16xf32>,
          tpu.vector_store %arg12[%swap3A_165, %swap3A_166], %add3A_164 {strides = array<i32>} : memref<328x256xf32, #tpu.memory_space<vmem>>, vector<16xf32>,
          %get3A_168 = arith.index_cast %squeeze3A : i32 to index
          %get3A_169 = arith.constant 32 : index
          %get3A_170 = tpu.vector_load %arg12[%get3A_168, %get3A_169] {strides = array<i32>} : memref<328x256xf32, #tpu.memory_space<vmem>>, vector<16xf32>,
          %get3A_171 = arith.index_cast %sub3A_145 : i32 to index
          %get3A_172 = arith.constant 32 : index
          %get3A_173 = tpu.vector_load %arg11[%get3A_171, %get3A_172] {strides = array<i32>} : memref<48x256xf32, #tpu.memory_space<vmem>>, vector<16xf32>,
          %mul3A_174 = arith.mulf %gather3A_96, %get3A_173 : vector<16xf32>
          %add3A_175 = arith.addf %get3A_170, %mul3A_174 : vector<16xf32>
          %swap3A_176 = arith.index_cast %squeeze3A : i32 to index
          %swap3A_177 = arith.constant 32 : index
          %swap3A_178 = tpu.vector_load %arg12[%swap3A_176, %swap3A_177] {strides = array<i32>} : memref<328x256xf32, #tpu.memory_space<vmem>>, vector<16xf32>,
          tpu.vector_store %arg12[%swap3A_176, %swap3A_177], %add3A_175 {strides = array<i32>} : memref<328x256xf32, #tpu.memory_space<vmem>>, vector<16xf32>,
          %get3A_179 = arith.index_cast %squeeze3A : i32 to index
          %get3A_180 = arith.constant 48 : index
          %get3A_181 = tpu.vector_load %arg12[%get3A_179, %get3A_180] {strides = array<i32>} : memref<328x256xf32, #tpu.memory_space<vmem>>, vector<16xf32>,
          %get3A_182 = arith.index_cast %sub3A_145 : i32 to index
          %get3A_183 = arith.constant 48 : index
          %get3A_184 = tpu.vector_load %arg11[%get3A_182, %get3A_183] {strides = array<i32>} : memref<48x256xf32, #tpu.memory_space<vmem>>, vector<16xf32>,
          %mul3A_185 = arith.mulf %gather3A_96, %get3A_184 : vector<16xf32>
          %add3A_186 = arith.addf %get3A_181, %mul3A_185 : vector<16xf32>
          %swap3A_187 = arith.index_cast %squeeze3A : i32 to index
          %swap3A_188 = arith.constant 48 : index
          %swap3A_189 = tpu.vector_load %arg12[%swap3A_187, %swap3A_188] {strides = array<i32>} : memref<328x256xf32, #tpu.memory_space<vmem>>, vector<16xf32>,
          tpu.vector_store %arg12[%swap3A_187, %swap3A_188], %add3A_186 {strides = array<i32>} : memref<328x256xf32, #tpu.memory_space<vmem>>, vector<16xf32>,
          %get3A_190 = arith.index_cast %squeeze3A : i32 to index
          %get3A_191 = arith.constant 64 : index
          %get3A_192 = tpu.vector_load %arg12[%get3A_190, %get3A_191] {strides = array<i32>} : memref<328x256xf32, #tpu.memory_space<vmem>>, vector<16xf32>,
          %get3A_193 = arith.index_cast %sub3A_145 : i32 to index
          %get3A_194 = arith.constant 64 : index
          %get3A_195 = tpu.vector_load %arg11[%get3A_193, %get3A_194] {strides = array<i32>} : memref<48x256xf32, #tpu.memory_space<vmem>>, vector<16xf32>,
          %mul3A_196 = arith.mulf %gather3A_96, %get3A_195 : vector<16xf32>
          %add3A_197 = arith.addf %get3A_192, %mul3A_196 : vector<16xf32>
          %swap3A_198 = arith.index_cast %squeeze3A : i32 to index
          %swap3A_199 = arith.constant 64 : index
          %swap3A_200 = tpu.vector_load %arg12[%swap3A_198, %swap3A_199] {strides = array<i32>} : memref<328x256xf32, #tpu.memory_space<vmem>>, vector<16xf32>,
          tpu.vector_store %arg12[%swap3A_198, %swap3A_199], %add3A_197 {strides = array<i32>} : memref<328x256xf32, #tpu.memory_space<vmem>>, vector<16xf32>,
          %get3A_201 = arith.index_cast %squeeze3A : i32 to index
          %get3A_202 = arith.constant 80 : index
          %get3A_203 = tpu.vector_load %arg12[%get3A_201, %get3A_202] {strides = array<i32>} : memref<328x256xf32, #tpu.memory_space<vmem>>, vector<16xf32>,
          %get3A_204 = arith.index_cast %sub3A_145 : i32 to index
          %get3A_205 = arith.constant 80 : index
          %get3A_206 = tpu.vector_load %arg11[%get3A_204, %get3A_205] {strides = array<i32>} : memref<48x256xf32, #tpu.memory_space<vmem>>, vector<16xf32>,
          %mul3A_207 = arith.mulf %gather3A_96, %get3A_206 : vector<16xf32>
          %add3A_208 = arith.addf %get3A_203, %mul3A_207 : vector<16xf32>
          %swap3A_209 = arith.index_cast %squeeze3A : i32 to index
          %swap3A_210 = arith.constant 80 : index
          %swap3A_211 = tpu.vector_load %arg12[%swap3A_209, %swap3A_210] {strides = array<i32>} : memref<328x256xf32, #tpu.memory_space<vmem>>, vector<16xf32>,
          tpu.vector_store %arg12[%swap3A_209, %swap3A_210], %add3A_208 {strides = array<i32>} : memref<328x256xf32, #tpu.memory_space<vmem>>, vector<16xf32>,
          %get3A_212 = arith.index_cast %squeeze3A : i32 to index
          %get3A_213 = arith.constant 96 : index
          %get3A_214 = tpu.vector_load %arg12[%get3A_212, %get3A_213] {strides = array<i32>} : memref<328x256xf32, #tpu.memory_space<vmem>>, vector<16xf32>,
          %get3A_215 = arith.index_cast %sub3A_145 : i32 to index
          %get3A_216 = arith.constant 96 : index
          %get3A_217 = tpu.vector_load %arg11[%get3A_215, %get3A_216] {strides = array<i32>} : memref<48x256xf32, #tpu.memory_space<vmem>>, vector<16xf32>,
          %mul3A_218 = arith.mulf %gather3A_96, %get3A_217 : vector<16xf32>
          %add3A_219 = arith.addf %get3A_214, %mul3A_218 : vector<16xf32>
          %swap3A_220 = arith.index_cast %squeeze3A : i32 to index
          %swap3A_221 = arith.constant 96 : index
          %swap3A_222 = tpu.vector_load %arg12[%swap3A_220, %swap3A_221] {strides = array<i32>} : memref<328x256xf32, #tpu.memory_space<vmem>>, vector<16xf32>,
          tpu.vector_store %arg12[%swap3A_220, %swap3A_221], %add3A_219 {strides = array<i32>} : memref<328x256xf32, #tpu.memory_space<vmem>>, vector<16xf32>,
          %get3A_223 = arith.index_cast %squeeze3A : i32 to index
          %get3A_224 = arith.constant 112 : index
          %get3A_225 = tpu.vector_load %arg12[%get3A_223, %get3A_224] {strides = array<i32>} : memref<328x256xf32, #tpu.memory_space<vmem>>, vector<16xf32>,
          %get3A_226 = arith.index_cast %sub3A_145 : i32 to index
          %get3A_227 = arith.constant 112 : index
          %get3A_228 = tpu.vector_load %arg11[%get3A_226, %get3A_227] {strides = array<i32>} : memref<48x256xf32, #tpu.memory_space<vmem>>, vector<16xf32>,
          %mul3A_229 = arith.mulf %gather3A_96, %get3A_228 : vector<16xf32>
          %add3A_230 = arith.addf %get3A_225, %mul3A_229 : vector<16xf32>
          %swap3A_231 = arith.index_cast %squeeze3A : i32 to index
          %swap3A_232 = arith.constant 112 : index
          %swap3A_233 = tpu.vector_load %arg12[%swap3A_231, %swap3A_232] {strides = array<i32>} : memref<328x256xf32, #tpu.memory_space<vmem>>, vector<16xf32>,
          tpu.vector_store %arg12[%swap3A_231, %swap3A_232], %add3A_230 {strides = array<i32>} : memref<328x256xf32, #tpu.memory_space<vmem>>, vector<16xf32>,
          %get3A_234 = arith.index_cast %squeeze3A : i32 to index
          %get3A_235 = arith.constant 128 : index
          %get3A_236 = tpu.vector_load %arg12[%get3A_234, %get3A_235] {strides = array<i32>} : memref<328x256xf32, #tpu.memory_space<vmem>>, vector<16xf32>,
          %get3A_237 = arith.index_cast %sub3A_145 : i32 to index
          %get3A_238 = arith.constant 128 : index
          %get3A_239 = tpu.vector_load %arg11[%get3A_237, %get3A_238] {strides = array<i32>} : memref<48x256xf32, #tpu.memory_space<vmem>>, vector<16xf32>,
          %mul3A_240 = arith.mulf %gather3A_96, %get3A_239 : vector<16xf32>
          %add3A_241 = arith.addf %get3A_236, %mul3A_240 : vector<16xf32>
          %swap3A_242 = arith.index_cast %squeeze3A : i32 to index
          %swap3A_243 = arith.constant 128 : index
          %swap3A_244 = tpu.vector_load %arg12[%swap3A_242, %swap3A_243] {strides = array<i32>} : memref<328x256xf32, #tpu.memory_space<vmem>>, vector<16xf32>,
          tpu.vector_store %arg12[%swap3A_242, %swap3A_243], %add3A_241 {strides = array<i32>} : memref<328x256xf32, #tpu.memory_space<vmem>>, vector<16xf32>,
          %get3A_245 = arith.index_cast %squeeze3A : i32 to index
          %get3A_246 = arith.constant 144 : index
          %get3A_247 = tpu.vector_load %arg12[%get3A_245, %get3A_246] {strides = array<i32>} : memref<328x256xf32, #tpu.memory_space<vmem>>, vector<16xf32>,
          %get3A_248 = arith.index_cast %sub3A_145 : i32 to index
          %get3A_249 = arith.constant 144 : index
          %get3A_250 = tpu.vector_load %arg11[%get3A_248, %get3A_249] {strides = array<i32>} : memref<48x256xf32, #tpu.memory_space<vmem>>, vector<16xf32>,
          %mul3A_251 = arith.mulf %gather3A_96, %get3A_250 : vector<16xf32>
          %add3A_252 = arith.addf %get3A_247, %mul3A_251 : vector<16xf32>
          %swap3A_253 = arith.index_cast %squeeze3A : i32 to index
          %swap3A_254 = arith.constant 144 : index
          %swap3A_255 = tpu.vector_load %arg12[%swap3A_253, %swap3A_254] {strides = array<i32>} : memref<328x256xf32, #tpu.memory_space<vmem>>, vector<16xf32>,
          tpu.vector_store %arg12[%swap3A_253, %swap3A_254], %add3A_252 {strides = array<i32>} : memref<328x256xf32, #tpu.memory_space<vmem>>, vector<16xf32>,
          %get3A_256 = arith.index_cast %squeeze3A : i32 to index
          %get3A_257 = arith.constant 160 : index
          %get3A_258 = tpu.vector_load %arg12[%get3A_256, %get3A_257] {strides = array<i32>} : memref<328x256xf32, #tpu.memory_space<vmem>>, vector<16xf32>,
          %get3A_259 = arith.index_cast %sub3A_145 : i32 to index
          %get3A_260 = arith.constant 160 : index
          %get3A_261 = tpu.vector_load %arg11[%get3A_259, %get3A_260] {strides = array<i32>} : memref<48x256xf32, #tpu.memory_space<vmem>>, vector<16xf32>,
          %mul3A_262 = arith.mulf %gather3A_96, %get3A_261 : vector<16xf32>
          %add3A_263 = arith.addf %get3A_258, %mul3A_262 : vector<16xf32>
          %swap3A_264 = arith.index_cast %squeeze3A : i32 to index
          %swap3A_265 = arith.constant 160 : index
          %swap3A_266 = tpu.vector_load %arg12[%swap3A_264, %swap3A_265] {strides = array<i32>} : memref<328x256xf32, #tpu.memory_space<vmem>>, vector<16xf32>,
          tpu.vector_store %arg12[%swap3A_264, %swap3A_265], %add3A_263 {strides = array<i32>} : memref<328x256xf32, #tpu.memory_space<vmem>>, vector<16xf32>,
          %get3A_267 = arith.index_cast %squeeze3A : i32 to index
          %get3A_268 = arith.constant 176 : index
          %get3A_269 = tpu.vector_load %arg12[%get3A_267, %get3A_268] {strides = array<i32>} : memref<328x256xf32, #tpu.memory_space<vmem>>, vector<16xf32>,
          %get3A_270 = arith.index_cast %sub3A_145 : i32 to index
          %get3A_271 = arith.constant 176 : index
          %get3A_272 = tpu.vector_load %arg11[%get3A_270, %get3A_271] {strides = array<i32>} : memref<48x256xf32, #tpu.memory_space<vmem>>, vector<16xf32>,
          %mul3A_273 = arith.mulf %gather3A_96, %get3A_272 : vector<16xf32>
          %add3A_274 = arith.addf %get3A_269, %mul3A_273 : vector<16xf32>
          %swap3A_275 = arith.index_cast %squeeze3A : i32 to index
          %swap3A_276 = arith.constant 176 : index
          %swap3A_277 = tpu.vector_load %arg12[%swap3A_275, %swap3A_276] {strides = array<i32>} : memref<328x256xf32, #tpu.memory_space<vmem>>, vector<16xf32>,
          tpu.vector_store %arg12[%swap3A_275, %swap3A_276], %add3A_274 {strides = array<i32>} : memref<328x256xf32, #tpu.memory_space<vmem>>, vector<16xf32>,
          %get3A_278 = arith.index_cast %squeeze3A : i32 to index
          %get3A_279 = arith.constant 192 : index
          %get3A_280 = tpu.vector_load %arg12[%get3A_278, %get3A_279] {strides = array<i32>} : memref<328x256xf32, #tpu.memory_space<vmem>>, vector<16xf32>,
          %get3A_281 = arith.index_cast %sub3A_145 : i32 to index
          %get3A_282 = arith.constant 192 : index
          %get3A_283 = tpu.vector_load %arg11[%get3A_281, %get3A_282] {strides = array<i32>} : memref<48x256xf32, #tpu.memory_space<vmem>>, vector<16xf32>,
          %mul3A_284 = arith.mulf %gather3A_96, %get3A_283 : vector<16xf32>
          %add3A_285 = arith.addf %get3A_280, %mul3A_284 : vector<16xf32>
          %swap3A_286 = arith.index_cast %squeeze3A : i32 to index
          %swap3A_287 = arith.constant 192 : index
          %swap3A_288 = tpu.vector_load %arg12[%swap3A_286, %swap3A_287] {strides = array<i32>} : memref<328x256xf32, #tpu.memory_space<vmem>>, vector<16xf32>,
          tpu.vector_store %arg12[%swap3A_286, %swap3A_287], %add3A_285 {strides = array<i32>} : memref<328x256xf32, #tpu.memory_space<vmem>>, vector<16xf32>,
          %get3A_289 = arith.index_cast %squeeze3A : i32 to index
          %get3A_290 = arith.constant 208 : index
          %get3A_291 = tpu.vector_load %arg12[%get3A_289, %get3A_290] {strides = array<i32>} : memref<328x256xf32, #tpu.memory_space<vmem>>, vector<16xf32>,
          %get3A_292 = arith.index_cast %sub3A_145 : i32 to index
          %get3A_293 = arith.constant 208 : index
          %get3A_294 = tpu.vector_load %arg11[%get3A_292, %get3A_293] {strides = array<i32>} : memref<48x256xf32, #tpu.memory_space<vmem>>, vector<16xf32>,
          %mul3A_295 = arith.mulf %gather3A_96, %get3A_294 : vector<16xf32>
          %add3A_296 = arith.addf %get3A_291, %mul3A_295 : vector<16xf32>
          %swap3A_297 = arith.index_cast %squeeze3A : i32 to index
          %swap3A_298 = arith.constant 208 : index
          %swap3A_299 = tpu.vector_load %arg12[%swap3A_297, %swap3A_298] {strides = array<i32>} : memref<328x256xf32, #tpu.memory_space<vmem>>, vector<16xf32>,
          tpu.vector_store %arg12[%swap3A_297, %swap3A_298], %add3A_296 {strides = array<i32>} : memref<328x256xf32, #tpu.memory_space<vmem>>, vector<16xf32>,
          %get3A_300 = arith.index_cast %squeeze3A : i32 to index
          %get3A_301 = arith.constant 224 : index
          %get3A_302 = tpu.vector_load %arg12[%get3A_300, %get3A_301] {strides = array<i32>} : memref<328x256xf32, #tpu.memory_space<vmem>>, vector<16xf32>,
          %get3A_303 = arith.index_cast %sub3A_145 : i32 to index
          %get3A_304 = arith.constant 224 : index
          %get3A_305 = tpu.vector_load %arg11[%get3A_303, %get3A_304] {strides = array<i32>} : memref<48x256xf32, #tpu.memory_space<vmem>>, vector<16xf32>,
          %mul3A_306 = arith.mulf %gather3A_96, %get3A_305 : vector<16xf32>
          %add3A_307 = arith.addf %get3A_302, %mul3A_306 : vector<16xf32>
          %swap3A_308 = arith.index_cast %squeeze3A : i32 to index
          %swap3A_309 = arith.constant 224 : index
          %swap3A_310 = tpu.vector_load %arg12[%swap3A_308, %swap3A_309] {strides = array<i32>} : memref<328x256xf32, #tpu.memory_space<vmem>>, vector<16xf32>,
          tpu.vector_store %arg12[%swap3A_308, %swap3A_309], %add3A_307 {strides = array<i32>} : memref<328x256xf32, #tpu.memory_space<vmem>>, vector<16xf32>,
          %get3A_311 = arith.index_cast %squeeze3A : i32 to index
          %get3A_312 = arith.constant 240 : index
          %get3A_313 = tpu.vector_load %arg12[%get3A_311, %get3A_312] {strides = array<i32>} : memref<328x256xf32, #tpu.memory_space<vmem>>, vector<16xf32>,
          %get3A_314 = arith.index_cast %sub3A_145 : i32 to index
          %get3A_315 = arith.constant 240 : index
          %get3A_316 = tpu.vector_load %arg11[%get3A_314, %get3A_315] {strides = array<i32>} : memref<48x256xf32, #tpu.memory_space<vmem>>, vector<16xf32>,
          %mul3A_317 = arith.mulf %gather3A_96, %get3A_316 : vector<16xf32>
          %add3A_318 = arith.addf %get3A_313, %mul3A_317 : vector<16xf32>
          %swap3A_319 = arith.index_cast %squeeze3A : i32 to index
          %swap3A_320 = arith.constant 240 : index
          %swap3A_321 = tpu.vector_load %arg12[%swap3A_319, %swap3A_320] {strides = array<i32>} : memref<328x256xf32, #tpu.memory_space<vmem>>, vector<16xf32>,
          tpu.vector_store %arg12[%swap3A_319, %swap3A_320], %add3A_318 {strides = array<i32>} : memref<328x256xf32, #tpu.memory_space<vmem>>, vector<16xf32>,
        }
      }
      %while3A_67 = arith.constant 1 : i32
      scf.for %while3A_68 = %while3A_65 to %while3A_61 step %while3A_67  : i32 {
        %mul3A_69 = arith.constant 48 : i32
        %mul3A_70 = arith.muli %while3A_68, %mul3A_69 : i32
        %dma_start3A = tpu.memref_slice %arg9[%mul3A_70] : memref<2096xi32, #tpu.memory_space<vmem>> -> memref<48xi32, #tpu.memory_space<vmem>>
        %dma_start3A_71 = arith.constant 0 : i32
        %dma_start3A_72 = arith.constant 0 : i32
        %dma_start3A_73 = tpu.memref_slice %arg4[%dma_start3A_71, %dma_start3A_72] : memref<10000x256xf32, #tpu.memory_space<hbm>> -> memref<10000x256xf32, #tpu.memory_space<hbm>>
        tpu.enqueue_indirect_dma source(%dma_start3A_73 : memref<10000x256xf32, #tpu.memory_space<hbm>>) target(%arg11 : memref<48x256xf32, #tpu.memory_space<vmem>>) offsets(%dma_start3A : memref<48xi32, #tpu.memory_space<vmem>>) semaphore(%arg14 : memref<!tpu.dma_semaphore, #tpu.memory_space<semaphore_mem>>)
        %dma_wait3A = tpu.memref_slice %arg9[%mul3A_70] : memref<2096xi32, #tpu.memory_space<vmem>> -> memref<48xi32, #tpu.memory_space<vmem>>
        %dma_wait3A_74 = arith.constant 0 : i32
        %dma_wait3A_75 = arith.constant 0 : i32
        %dma_wait3A_76 = tpu.memref_slice %arg4[%dma_wait3A_74, %dma_wait3A_75] : memref<10000x256xf32, #tpu.memory_space<hbm>> -> memref<10000x256xf32, #tpu.memory_space<hbm>>
        tpu.wait_indirect_dma semaphore(%arg14 : memref<!tpu.dma_semaphore, #tpu.memory_space<semaphore_mem>>) src(%dma_wait3A_76 : memref<10000x256xf32, #tpu.memory_space<hbm>>) dst(%arg11 : memref<48x256xf32, #tpu.memory_space<vmem>>)
        %mul3A_77 = arith.constant 48 : i32
        %mul3A_78 = arith.muli %while3A_68, %mul3A_77 : i32
        %add3A_79 = arith.constant 1 : i32
        %add3A_80 = arith.addi %while3A_68, %add3A_79 : i32
        %mul3A_81 = arith.constant 48 : i32
        %mul3A_82 = arith.muli %add3A_80, %mul3A_81 : i32
        %min3A = arith.minsi %scan3A_37, %mul3A_82 : i32
        %mul3A_83 = arith.constant 48 : i32
        %mul3A_84 = arith.muli %while3A_68, %mul3A_83 : i32
        %while3A_85 = arith.constant 0 : i32
        %while3A_86 = arith.subi %min3A, %mul3A_78 : i32
        %while3A_87 = arith.addi %mul3A_78, %while3A_86 : i32
        %while3A_88 = arith.constant 1 : i32
        %while3A_89 = arith.divsi %while3A_86, %while3A_88 : i32
        %while3A_90 = arith.muli %while3A_89, %while3A_88 : i32
        %while3A_91 = arith.addi %mul3A_78, %while3A_90 : i32
        %while3A_92 = arith.constant 1 : i32
        scf.for %while3A_94 = %mul3A_78 to %while3A_91 step %while3A_92  : i32 {
          %broadcast_in_dim3A_95 = vector.broadcast %while3A_94 : i32 to vector<16xi32>
          %gather3A = tpu.vector_load_idx %arg8[%broadcast_in_dim3A_95] : memref<2096xi32, #tpu.memory_space<vmem>>[vector<16xi32>], vector<16xi32>,
          %gather3A_96 = tpu.vector_load_idx %arg10[%broadcast_in_dim3A_95] : memref<2096xf32, #tpu.memory_space<vmem>>[vector<16xi32>], vector<16xf32>,
          %slice3A = vector.extract_strided_slice %gather3A {offsets = [0], sizes = [1], strides = [1]} : vector<16xi32> to vector<1xi32>
          %squeeze3A = vector.extract %slice3A[0] : i32 from vector<1xi32>
          %jit3A_97 = arith.constant 16 : i32
          %div3A_98 = arith.divsi %squeeze3A, %jit3A_97 : i32
          %sign3A_99 = arith.constant 0 : i32
          %sign3A_100 = arith.cmpi sgt, %squeeze3A, %sign3A_99 : i32
          %sign3A_101 = arith.extui %sign3A_100 : i1 to i32
          %sign3A_102 = arith.constant 0 : i32
          %sign3A_103 = arith.cmpi slt, %squeeze3A, %sign3A_102 : i32
          %sign3A_104 = arith.extui %sign3A_103 : i1 to i32
          %sign3A_105 = arith.subi %sign3A_101, %sign3A_104 : i32
          %sign3A_106 = arith.constant 0 : i32
          %sign3A_107 = arith.cmpi sgt, %jit3A_97, %sign3A_106 : i32
          %sign3A_108 = arith.extui %sign3A_107 : i1 to i32
          %sign3A_109 = arith.constant 0 : i32
          %sign3A_110 = arith.cmpi slt, %jit3A_97, %sign3A_109 : i32
          %sign3A_111 = arith.extui %sign3A_110 : i1 to i32
          %sign3A_112 = arith.subi %sign3A_108, %sign3A_111 : i32
          %ne3A_113 = arith.cmpi ne, %sign3A_105, %sign3A_112 : i32
          %rem3A_114 = arith.remsi %squeeze3A, %jit3A_97 : i32
          %ne3A_115 = arith.constant 0 : i32
          %ne3A_116 = arith.cmpi ne, %rem3A_114, %ne3A_115 : i32
          %and3A_117 = arith.andi %ne3A_113, %ne3A_116 : i1
          %sub3A_118 = arith.constant 1 : i32
          %sub3A_119 = arith.subi %div3A_98, %sub3A_118 : i32
          %select_n3A_120 = arith.select %and3A_117, %sub3A_119, %div3A_98 : i32
          %get3A = arith.index_cast %select_n3A_120 : i32 to index
          %get3A_121 = arith.constant 0 : index
          %get3A_122 = tpu.vector_load %arg13[%get3A, %get3A_121] {strides = array<i32>} : memref<24x16xf32, #tpu.memory_space<vmem>>, vector<16xf32>,
          %jit3A_123 = arith.constant 16 : i32
          %eq3A = arith.constant 0 : i32
          %eq3A_124 = arith.cmpi eq, %jit3A_123, %eq3A : i32
          %jit3A_125 = arith.constant 1 : i32
          %select_n3A_126 = arith.select %eq3A_124, %jit3A_125, %jit3A_123 : i32
          %rem3A_127 = arith.remsi %squeeze3A, %select_n3A_126 : i32
          %ne3A_128 = arith.constant 0 : i32
          %ne3A_129 = arith.cmpi ne, %rem3A_127, %ne3A_128 : i32
          %lt3A = arith.constant 0 : i32
          %lt3A_130 = arith.cmpi slt, %rem3A_127, %lt3A : i32
          %lt3A_131 = arith.constant 0 : i32
          %lt3A_132 = arith.cmpi slt, %select_n3A_126, %lt3A_131 : i32
          %ne3A_133 = arith.xori %lt3A_130, %lt3A_132 : i1
          %and3A_134 = arith.andi %ne3A_133, %ne3A_129 : i1
          %add3A_135 = arith.addi %rem3A_127, %select_n3A_126 : i32
          %select_n3A_136 = arith.select %and3A_134, %add3A_135, %rem3A_127 : i32
          %eq3A_137 = vector.broadcast %select_n3A_136 : i32 to vector<16xi32>
          %eq3A_138 = arith.cmpi eq, %iota3A, %eq3A_137 : vector<16xi32>
          %jit3A_139 = arith.constant 0.000000e+00 : f32
          %broadcast_in_dim3A_140 = vector.broadcast %jit3A_139 : f32 to vector<16xf32>
          %select_n3A_141 = arith.select %eq3A_138, %gather3A_96, %broadcast_in_dim3A_140 : vector<16xi1>, vector<16xf32>
          %add3A_142 = arith.addf %get3A_122, %select_n3A_141 : vector<16xf32>
          %swap3A = arith.index_cast %select_n3A_120 : i32 to index
          %swap3A_143 = arith.constant 0 : index
          %swap3A_144 = tpu.vector_load %arg13[%swap3A, %swap3A_143] {strides = array<i32>} : memref<24x16xf32, #tpu.memory_space<vmem>>, vector<16xf32>,
          tpu.vector_store %arg13[%swap3A, %swap3A_143], %add3A_142 {strides = array<i32>} : memref<24x16xf32, #tpu.memory_space<vmem>>, vector<16xf32>,
          %sub3A_145 = arith.subi %while3A_94, %mul3A_84 : i32
          %get3A_146 = arith.index_cast %squeeze3A : i32 to index
          %get3A_147 = arith.constant 0 : index
          %get3A_148 = tpu.vector_load %arg12[%get3A_146, %get3A_147] {strides = array<i32>} : memref<328x256xf32, #tpu.memory_space<vmem>>, vector<16xf32>,
          %get3A_149 = arith.index_cast %sub3A_145 : i32 to index
          %get3A_150 = arith.constant 0 : index
          %get3A_151 = tpu.vector_load %arg11[%get3A_149, %get3A_150] {strides = array<i32>} : memref<48x256xf32, #tpu.memory_space<vmem>>, vector<16xf32>,
          %mul3A_152 = arith.mulf %gather3A_96, %get3A_151 : vector<16xf32>
          %add3A_153 = arith.addf %get3A_148, %mul3A_152 : vector<16xf32>
          %swap3A_154 = arith.index_cast %squeeze3A : i32 to index
          %swap3A_155 = arith.constant 0 : index
          %swap3A_156 = tpu.vector_load %arg12[%swap3A_154, %swap3A_155] {strides = array<i32>} : memref<328x256xf32, #tpu.memory_space<vmem>>, vector<16xf32>,
          tpu.vector_store %arg12[%swap3A_154, %swap3A_155], %add3A_153 {strides = array<i32>} : memref<328x256xf32, #tpu.memory_space<vmem>>, vector<16xf32>,
          %get3A_157 = arith.index_cast %squeeze3A : i32 to index
          %get3A_158 = arith.constant 16 : index
          %get3A_159 = tpu.vector_load %arg12[%get3A_157, %get3A_158] {strides = array<i32>} : memref<328x256xf32, #tpu.memory_space<vmem>>, vector<16xf32>,
          %get3A_160 = arith.index_cast %sub3A_145 : i32 to index
          %get3A_161 = arith.constant 16 : index
          %get3A_162 = tpu.vector_load %arg11[%get3A_160, %get3A_161] {strides = array<i32>} : memref<48x256xf32, #tpu.memory_space<vmem>>, vector<16xf32>,
          %mul3A_163 = arith.mulf %gather3A_96, %get3A_162 : vector<16xf32>
          %add3A_164 = arith.addf %get3A_159, %mul3A_163 : vector<16xf32>
          %swap3A_165 = arith.index_cast %squeeze3A : i32 to index
          %swap3A_166 = arith.constant 16 : index
          %swap3A_167 = tpu.vector_load %arg12[%swap3A_165, %swap3A_166] {strides = array<i32>} : memref<328x256xf32, #tpu.memory_space<vmem>>, vector<16xf32>,
          tpu.vector_store %arg12[%swap3A_165, %swap3A_166], %add3A_164 {strides = array<i32>} : memref<328x256xf32, #tpu.memory_space<vmem>>, vector<16xf32>,
          %get3A_168 = arith.index_cast %squeeze3A : i32 to index
          %get3A_169 = arith.constant 32 : index
          %get3A_170 = tpu.vector_load %arg12[%get3A_168, %get3A_169] {strides = array<i32>} : memref<328x256xf32, #tpu.memory_space<vmem>>, vector<16xf32>,
          %get3A_171 = arith.index_cast %sub3A_145 : i32 to index
          %get3A_172 = arith.constant 32 : index
          %get3A_173 = tpu.vector_load %arg11[%get3A_171, %get3A_172] {strides = array<i32>} : memref<48x256xf32, #tpu.memory_space<vmem>>, vector<16xf32>,
          %mul3A_174 = arith.mulf %gather3A_96, %get3A_173 : vector<16xf32>
          %add3A_175 = arith.addf %get3A_170, %mul3A_174 : vector<16xf32>
          %swap3A_176 = arith.index_cast %squeeze3A : i32 to index
          %swap3A_177 = arith.constant 32 : index
          %swap3A_178 = tpu.vector_load %arg12[%swap3A_176, %swap3A_177] {strides = array<i32>} : memref<328x256xf32, #tpu.memory_space<vmem>>, vector<16xf32>,
          tpu.vector_store %arg12[%swap3A_176, %swap3A_177], %add3A_175 {strides = array<i32>} : memref<328x256xf32, #tpu.memory_space<vmem>>, vector<16xf32>,
          %get3A_179 = arith.index_cast %squeeze3A : i32 to index
          %get3A_180 = arith.constant 48 : index
          %get3A_181 = tpu.vector_load %arg12[%get3A_179, %get3A_180] {strides = array<i32>} : memref<328x256xf32, #tpu.memory_space<vmem>>, vector<16xf32>,
          %get3A_182 = arith.index_cast %sub3A_145 : i32 to index
          %get3A_183 = arith.constant 48 : index
          %get3A_184 = tpu.vector_load %arg11[%get3A_182, %get3A_183] {strides = array<i32>} : memref<48x256xf32, #tpu.memory_space<vmem>>, vector<16xf32>,
          %mul3A_185 = arith.mulf %gather3A_96, %get3A_184 : vector<16xf32>
          %add3A_186 = arith.addf %get3A_181, %mul3A_185 : vector<16xf32>
          %swap3A_187 = arith.index_cast %squeeze3A : i32 to index
          %swap3A_188 = arith.constant 48 : index
          %swap3A_189 = tpu.vector_load %arg12[%swap3A_187, %swap3A_188] {strides = array<i32>} : memref<328x256xf32, #tpu.memory_space<vmem>>, vector<16xf32>,
          tpu.vector_store %arg12[%swap3A_187, %swap3A_188], %add3A_186 {strides = array<i32>} : memref<328x256xf32, #tpu.memory_space<vmem>>, vector<16xf32>,
          %get3A_190 = arith.index_cast %squeeze3A : i32 to index
          %get3A_191 = arith.constant 64 : index
          %get3A_192 = tpu.vector_load %arg12[%get3A_190, %get3A_191] {strides = array<i32>} : memref<328x256xf32, #tpu.memory_space<vmem>>, vector<16xf32>,
          %get3A_193 = arith.index_cast %sub3A_145 : i32 to index
          %get3A_194 = arith.constant 64 : index
          %get3A_195 = tpu.vector_load %arg11[%get3A_193, %get3A_194] {strides = array<i32>} : memref<48x256xf32, #tpu.memory_space<vmem>>, vector<16xf32>,
          %mul3A_196 = arith.mulf %gather3A_96, %get3A_195 : vector<16xf32>
          %add3A_197 = arith.addf %get3A_192, %mul3A_196 : vector<16xf32>
          %swap3A_198 = arith.index_cast %squeeze3A : i32 to index
          %swap3A_199 = arith.constant 64 : index
          %swap3A_200 = tpu.vector_load %arg12[%swap3A_198, %swap3A_199] {strides = array<i32>} : memref<328x256xf32, #tpu.memory_space<vmem>>, vector<16xf32>,
          tpu.vector_store %arg12[%swap3A_198, %swap3A_199], %add3A_197 {strides = array<i32>} : memref<328x256xf32, #tpu.memory_space<vmem>>, vector<16xf32>,
          %get3A_201 = arith.index_cast %squeeze3A : i32 to index
          %get3A_202 = arith.constant 80 : index
          %get3A_203 = tpu.vector_load %arg12[%get3A_201, %get3A_202] {strides = array<i32>} : memref<328x256xf32, #tpu.memory_space<vmem>>, vector<16xf32>,
          %get3A_204 = arith.index_cast %sub3A_145 : i32 to index
          %get3A_205 = arith.constant 80 : index
          %get3A_206 = tpu.vector_load %arg11[%get3A_204, %get3A_205] {strides = array<i32>} : memref<48x256xf32, #tpu.memory_space<vmem>>, vector<16xf32>,
          %mul3A_207 = arith.mulf %gather3A_96, %get3A_206 : vector<16xf32>
          %add3A_208 = arith.addf %get3A_203, %mul3A_207 : vector<16xf32>
          %swap3A_209 = arith.index_cast %squeeze3A : i32 to index
          %swap3A_210 = arith.constant 80 : index
          %swap3A_211 = tpu.vector_load %arg12[%swap3A_209, %swap3A_210] {strides = array<i32>} : memref<328x256xf32, #tpu.memory_space<vmem>>, vector<16xf32>,
          tpu.vector_store %arg12[%swap3A_209, %swap3A_210], %add3A_208 {strides = array<i32>} : memref<328x256xf32, #tpu.memory_space<vmem>>, vector<16xf32>,
          %get3A_212 = arith.index_cast %squeeze3A : i32 to index
          %get3A_213 = arith.constant 96 : index
          %get3A_214 = tpu.vector_load %arg12[%get3A_212, %get3A_213] {strides = array<i32>} : memref<328x256xf32, #tpu.memory_space<vmem>>, vector<16xf32>,
          %get3A_215 = arith.index_cast %sub3A_145 : i32 to index
          %get3A_216 = arith.constant 96 : index
          %get3A_217 = tpu.vector_load %arg11[%get3A_215, %get3A_216] {strides = array<i32>} : memref<48x256xf32, #tpu.memory_space<vmem>>, vector<16xf32>,
          %mul3A_218 = arith.mulf %gather3A_96, %get3A_217 : vector<16xf32>
          %add3A_219 = arith.addf %get3A_214, %mul3A_218 : vector<16xf32>
          %swap3A_220 = arith.index_cast %squeeze3A : i32 to index
          %swap3A_221 = arith.constant 96 : index
          %swap3A_222 = tpu.vector_load %arg12[%swap3A_220, %swap3A_221] {strides = array<i32>} : memref<328x256xf32, #tpu.memory_space<vmem>>, vector<16xf32>,
          tpu.vector_store %arg12[%swap3A_220, %swap3A_221], %add3A_219 {strides = array<i32>} : memref<328x256xf32, #tpu.memory_space<vmem>>, vector<16xf32>,
          %get3A_223 = arith.index_cast %squeeze3A : i32 to index
          %get3A_224 = arith.constant 112 : index
          %get3A_225 = tpu.vector_load %arg12[%get3A_223, %get3A_224] {strides = array<i32>} : memref<328x256xf32, #tpu.memory_space<vmem>>, vector<16xf32>,
          %get3A_226 = arith.index_cast %sub3A_145 : i32 to index
          %get3A_227 = arith.constant 112 : index
          %get3A_228 = tpu.vector_load %arg11[%get3A_226, %get3A_227] {strides = array<i32>} : memref<48x256xf32, #tpu.memory_space<vmem>>, vector<16xf32>,
          %mul3A_229 = arith.mulf %gather3A_96, %get3A_228 : vector<16xf32>
          %add3A_230 = arith.addf %get3A_225, %mul3A_229 : vector<16xf32>
          %swap3A_231 = arith.index_cast %squeeze3A : i32 to index
          %swap3A_232 = arith.constant 112 : index
          %swap3A_233 = tpu.vector_load %arg12[%swap3A_231, %swap3A_232] {strides = array<i32>} : memref<328x256xf32, #tpu.memory_space<vmem>>, vector<16xf32>,
          tpu.vector_store %arg12[%swap3A_231, %swap3A_232], %add3A_230 {strides = array<i32>} : memref<328x256xf32, #tpu.memory_space<vmem>>, vector<16xf32>,
          %get3A_234 = arith.index_cast %squeeze3A : i32 to index
          %get3A_235 = arith.constant 128 : index
          %get3A_236 = tpu.vector_load %arg12[%get3A_234, %get3A_235] {strides = array<i32>} : memref<328x256xf32, #tpu.memory_space<vmem>>, vector<16xf32>,
          %get3A_237 = arith.index_cast %sub3A_145 : i32 to index
          %get3A_238 = arith.constant 128 : index
          %get3A_239 = tpu.vector_load %arg11[%get3A_237, %get3A_238] {strides = array<i32>} : memref<48x256xf32, #tpu.memory_space<vmem>>, vector<16xf32>,
          %mul3A_240 = arith.mulf %gather3A_96, %get3A_239 : vector<16xf32>
          %add3A_241 = arith.addf %get3A_236, %mul3A_240 : vector<16xf32>
          %swap3A_242 = arith.index_cast %squeeze3A : i32 to index
          %swap3A_243 = arith.constant 128 : index
          %swap3A_244 = tpu.vector_load %arg12[%swap3A_242, %swap3A_243] {strides = array<i32>} : memref<328x256xf32, #tpu.memory_space<vmem>>, vector<16xf32>,
          tpu.vector_store %arg12[%swap3A_242, %swap3A_243], %add3A_241 {strides = array<i32>} : memref<328x256xf32, #tpu.memory_space<vmem>>, vector<16xf32>,
          %get3A_245 = arith.index_cast %squeeze3A : i32 to index
          %get3A_246 = arith.constant 144 : index
          %get3A_247 = tpu.vector_load %arg12[%get3A_245, %get3A_246] {strides = array<i32>} : memref<328x256xf32, #tpu.memory_space<vmem>>, vector<16xf32>,
          %get3A_248 = arith.index_cast %sub3A_145 : i32 to index
          %get3A_249 = arith.constant 144 : index
          %get3A_250 = tpu.vector_load %arg11[%get3A_248, %get3A_249] {strides = array<i32>} : memref<48x256xf32, #tpu.memory_space<vmem>>, vector<16xf32>,
          %mul3A_251 = arith.mulf %gather3A_96, %get3A_250 : vector<16xf32>
          %add3A_252 = arith.addf %get3A_247, %mul3A_251 : vector<16xf32>
          %swap3A_253 = arith.index_cast %squeeze3A : i32 to index
          %swap3A_254 = arith.constant 144 : index
          %swap3A_255 = tpu.vector_load %arg12[%swap3A_253, %swap3A_254] {strides = array<i32>} : memref<328x256xf32, #tpu.memory_space<vmem>>, vector<16xf32>,
          tpu.vector_store %arg12[%swap3A_253, %swap3A_254], %add3A_252 {strides = array<i32>} : memref<328x256xf32, #tpu.memory_space<vmem>>, vector<16xf32>,
          %get3A_256 = arith.index_cast %squeeze3A : i32 to index
          %get3A_257 = arith.constant 160 : index
          %get3A_258 = tpu.vector_load %arg12[%get3A_256, %get3A_257] {strides = array<i32>} : memref<328x256xf32, #tpu.memory_space<vmem>>, vector<16xf32>,
          %get3A_259 = arith.index_cast %sub3A_145 : i32 to index
          %get3A_260 = arith.constant 160 : index
          %get3A_261 = tpu.vector_load %arg11[%get3A_259, %get3A_260] {strides = array<i32>} : memref<48x256xf32, #tpu.memory_space<vmem>>, vector<16xf32>,
          %mul3A_262 = arith.mulf %gather3A_96, %get3A_261 : vector<16xf32>
          %add3A_263 = arith.addf %get3A_258, %mul3A_262 : vector<16xf32>
          %swap3A_264 = arith.index_cast %squeeze3A : i32 to index
          %swap3A_265 = arith.constant 160 : index
          %swap3A_266 = tpu.vector_load %arg12[%swap3A_264, %swap3A_265] {strides = array<i32>} : memref<328x256xf32, #tpu.memory_space<vmem>>, vector<16xf32>,
          tpu.vector_store %arg12[%swap3A_264, %swap3A_265], %add3A_263 {strides = array<i32>} : memref<328x256xf32, #tpu.memory_space<vmem>>, vector<16xf32>,
          %get3A_267 = arith.index_cast %squeeze3A : i32 to index
          %get3A_268 = arith.constant 176 : index
          %get3A_269 = tpu.vector_load %arg12[%get3A_267, %get3A_268] {strides = array<i32>} : memref<328x256xf32, #tpu.memory_space<vmem>>, vector<16xf32>,
          %get3A_270 = arith.index_cast %sub3A_145 : i32 to index
          %get3A_271 = arith.constant 176 : index
          %get3A_272 = tpu.vector_load %arg11[%get3A_270, %get3A_271] {strides = array<i32>} : memref<48x256xf32, #tpu.memory_space<vmem>>, vector<16xf32>,
          %mul3A_273 = arith.mulf %gather3A_96, %get3A_272 : vector<16xf32>
          %add3A_274 = arith.addf %get3A_269, %mul3A_273 : vector<16xf32>
          %swap3A_275 = arith.index_cast %squeeze3A : i32 to index
          %swap3A_276 = arith.constant 176 : index
          %swap3A_277 = tpu.vector_load %arg12[%swap3A_275, %swap3A_276] {strides = array<i32>} : memref<328x256xf32, #tpu.memory_space<vmem>>, vector<16xf32>,
          tpu.vector_store %arg12[%swap3A_275, %swap3A_276], %add3A_274 {strides = array<i32>} : memref<328x256xf32, #tpu.memory_space<vmem>>, vector<16xf32>,
          %get3A_278 = arith.index_cast %squeeze3A : i32 to index
          %get3A_279 = arith.constant 192 : index
          %get3A_280 = tpu.vector_load %arg12[%get3A_278, %get3A_279] {strides = array<i32>} : memref<328x256xf32, #tpu.memory_space<vmem>>, vector<16xf32>,
          %get3A_281 = arith.index_cast %sub3A_145 : i32 to index
          %get3A_282 = arith.constant 192 : index
          %get3A_283 = tpu.vector_load %arg11[%get3A_281, %get3A_282] {strides = array<i32>} : memref<48x256xf32, #tpu.memory_space<vmem>>, vector<16xf32>,
          %mul3A_284 = arith.mulf %gather3A_96, %get3A_283 : vector<16xf32>
          %add3A_285 = arith.addf %get3A_280, %mul3A_284 : vector<16xf32>
          %swap3A_286 = arith.index_cast %squeeze3A : i32 to index
          %swap3A_287 = arith.constant 192 : index
          %swap3A_288 = tpu.vector_load %arg12[%swap3A_286, %swap3A_287] {strides = array<i32>} : memref<328x256xf32, #tpu.memory_space<vmem>>, vector<16xf32>,
          tpu.vector_store %arg12[%swap3A_286, %swap3A_287], %add3A_285 {strides = array<i32>} : memref<328x256xf32, #tpu.memory_space<vmem>>, vector<16xf32>,
          %get3A_289 = arith.index_cast %squeeze3A : i32 to index
          %get3A_290 = arith.constant 208 : index
          %get3A_291 = tpu.vector_load %arg12[%get3A_289, %get3A_290] {strides = array<i32>} : memref<328x256xf32, #tpu.memory_space<vmem>>, vector<16xf32>,
          %get3A_292 = arith.index_cast %sub3A_145 : i32 to index
          %get3A_293 = arith.constant 208 : index
          %get3A_294 = tpu.vector_load %arg11[%get3A_292, %get3A_293] {strides = array<i32>} : memref<48x256xf32, #tpu.memory_space<vmem>>, vector<16xf32>,
          %mul3A_295 = arith.mulf %gather3A_96, %get3A_294 : vector<16xf32>
          %add3A_296 = arith.addf %get3A_291, %mul3A_295 : vector<16xf32>
          %swap3A_297 = arith.index_cast %squeeze3A : i32 to index
          %swap3A_298 = arith.constant 208 : index
          %swap3A_299 = tpu.vector_load %arg12[%swap3A_297, %swap3A_298] {strides = array<i32>} : memref<328x256xf32, #tpu.memory_space<vmem>>, vector<16xf32>,
          tpu.vector_store %arg12[%swap3A_297, %swap3A_298], %add3A_296 {strides = array<i32>} : memref<328x256xf32, #tpu.memory_space<vmem>>, vector<16xf32>,
          %get3A_300 = arith.index_cast %squeeze3A : i32 to index
          %get3A_301 = arith.constant 224 : index
          %get3A_302 = tpu.vector_load %arg12[%get3A_300, %get3A_301] {strides = array<i32>} : memref<328x256xf32, #tpu.memory_space<vmem>>, vector<16xf32>,
          %get3A_303 = arith.index_cast %sub3A_145 : i32 to index
          %get3A_304 = arith.constant 224 : index
          %get3A_305 = tpu.vector_load %arg11[%get3A_303, %get3A_304] {strides = array<i32>} : memref<48x256xf32, #tpu.memory_space<vmem>>, vector<16xf32>,
          %mul3A_306 = arith.mulf %gather3A_96, %get3A_305 : vector<16xf32>
          %add3A_307 = arith.addf %get3A_302, %mul3A_306 : vector<16xf32>
          %swap3A_308 = arith.index_cast %squeeze3A : i32 to index
          %swap3A_309 = arith.constant 224 : index
          %swap3A_310 = tpu.vector_load %arg12[%swap3A_308, %swap3A_309] {strides = array<i32>} : memref<328x256xf32, #tpu.memory_space<vmem>>, vector<16xf32>,
          tpu.vector_store %arg12[%swap3A_308, %swap3A_309], %add3A_307 {strides = array<i32>} : memref<328x256xf32, #tpu.memory_space<vmem>>, vector<16xf32>,
          %get3A_311 = arith.index_cast %squeeze3A : i32 to index
          %get3A_312 = arith.constant 240 : index
          %get3A_313 = tpu.vector_load %arg12[%get3A_311, %get3A_312] {strides = array<i32>} : memref<328x256xf32, #tpu.memory_space<vmem>>, vector<16xf32>,
          %get3A_314 = arith.index_cast %sub3A_145 : i32 to index
          %get3A_315 = arith.constant 240 : index
          %get3A_316 = tpu.vector_load %arg11[%get3A_314, %get3A_315] {strides = array<i32>} : memref<48x256xf32, #tpu.memory_space<vmem>>, vector<16xf32>,
          %mul3A_317 = arith.mulf %gather3A_96, %get3A_316 : vector<16xf32>
          %add3A_318 = arith.addf %get3A_313, %mul3A_317 : vector<16xf32>
          %swap3A_319 = arith.index_cast %squeeze3A : i32 to index
          %swap3A_320 = arith.constant 240 : index
          %swap3A_321 = tpu.vector_load %arg12[%swap3A_319, %swap3A_320] {strides = array<i32>} : memref<328x256xf32, #tpu.memory_space<vmem>>, vector<16xf32>,
          tpu.vector_store %arg12[%swap3A_319, %swap3A_320], %add3A_318 {strides = array<i32>} : memref<328x256xf32, #tpu.memory_space<vmem>>, vector<16xf32>,
        }
        %while3A_93 = arith.constant 1 : i32
        scf.for %while3A_94 = %while3A_91 to %while3A_87 step %while3A_93  : i32 {
          %broadcast_in_dim3A_95 = vector.broadcast %while3A_94 : i32 to vector<16xi32>
          %gather3A = tpu.vector_load_idx %arg8[%broadcast_in_dim3A_95] : memref<2096xi32, #tpu.memory_space<vmem>>[vector<16xi32>], vector<16xi32>,
          %gather3A_96 = tpu.vector_load_idx %arg10[%broadcast_in_dim3A_95] : memref<2096xf32, #tpu.memory_space<vmem>>[vector<16xi32>], vector<16xf32>,
          %slice3A = vector.extract_strided_slice %gather3A {offsets = [0], sizes = [1], strides = [1]} : vector<16xi32> to vector<1xi32>
          %squeeze3A = vector.extract %slice3A[0] : i32 from vector<1xi32>
          %jit3A_97 = arith.constant 16 : i32
          %div3A_98 = arith.divsi %squeeze3A, %jit3A_97 : i32
          %sign3A_99 = arith.constant 0 : i32
          %sign3A_100 = arith.cmpi sgt, %squeeze3A, %sign3A_99 : i32
          %sign3A_101 = arith.extui %sign3A_100 : i1 to i32
          %sign3A_102 = arith.constant 0 : i32
          %sign3A_103 = arith.cmpi slt, %squeeze3A, %sign3A_102 : i32
          %sign3A_104 = arith.extui %sign3A_103 : i1 to i32
          %sign3A_105 = arith.subi %sign3A_101, %sign3A_104 : i32
          %sign3A_106 = arith.constant 0 : i32
          %sign3A_107 = arith.cmpi sgt, %jit3A_97, %sign3A_106 : i32
          %sign3A_108 = arith.extui %sign3A_107 : i1 to i32
          %sign3A_109 = arith.constant 0 : i32
          %sign3A_110 = arith.cmpi slt, %jit3A_97, %sign3A_109 : i32
          %sign3A_111 = arith.extui %sign3A_110 : i1 to i32
          %sign3A_112 = arith.subi %sign3A_108, %sign3A_111 : i32
          %ne3A_113 = arith.cmpi ne, %sign3A_105, %sign3A_112 : i32
          %rem3A_114 = arith.remsi %squeeze3A, %jit3A_97 : i32
          %ne3A_115 = arith.constant 0 : i32
          %ne3A_116 = arith.cmpi ne, %rem3A_114, %ne3A_115 : i32
          %and3A_117 = arith.andi %ne3A_113, %ne3A_116 : i1
          %sub3A_118 = arith.constant 1 : i32
          %sub3A_119 = arith.subi %div3A_98, %sub3A_118 : i32
          %select_n3A_120 = arith.select %and3A_117, %sub3A_119, %div3A_98 : i32
          %get3A = arith.index_cast %select_n3A_120 : i32 to index
          %get3A_121 = arith.constant 0 : index
          %get3A_122 = tpu.vector_load %arg13[%get3A, %get3A_121] {strides = array<i32>} : memref<24x16xf32, #tpu.memory_space<vmem>>, vector<16xf32>,
          %jit3A_123 = arith.constant 16 : i32
          %eq3A = arith.constant 0 : i32
          %eq3A_124 = arith.cmpi eq, %jit3A_123, %eq3A : i32
          %jit3A_125 = arith.constant 1 : i32
          %select_n3A_126 = arith.select %eq3A_124, %jit3A_125, %jit3A_123 : i32
          %rem3A_127 = arith.remsi %squeeze3A, %select_n3A_126 : i32
          %ne3A_128 = arith.constant 0 : i32
          %ne3A_129 = arith.cmpi ne, %rem3A_127, %ne3A_128 : i32
          %lt3A = arith.constant 0 : i32
          %lt3A_130 = arith.cmpi slt, %rem3A_127, %lt3A : i32
          %lt3A_131 = arith.constant 0 : i32
          %lt3A_132 = arith.cmpi slt, %select_n3A_126, %lt3A_131 : i32
          %ne3A_133 = arith.xori %lt3A_130, %lt3A_132 : i1
          %and3A_134 = arith.andi %ne3A_133, %ne3A_129 : i1
          %add3A_135 = arith.addi %rem3A_127, %select_n3A_126 : i32
          %select_n3A_136 = arith.select %and3A_134, %add3A_135, %rem3A_127 : i32
          %eq3A_137 = vector.broadcast %select_n3A_136 : i32 to vector<16xi32>
          %eq3A_138 = arith.cmpi eq, %iota3A, %eq3A_137 : vector<16xi32>
          %jit3A_139 = arith.constant 0.000000e+00 : f32
          %broadcast_in_dim3A_140 = vector.broadcast %jit3A_139 : f32 to vector<16xf32>
          %select_n3A_141 = arith.select %eq3A_138, %gather3A_96, %broadcast_in_dim3A_140 : vector<16xi1>, vector<16xf32>
          %add3A_142 = arith.addf %get3A_122, %select_n3A_141 : vector<16xf32>
          %swap3A = arith.index_cast %select_n3A_120 : i32 to index
          %swap3A_143 = arith.constant 0 : index
          %swap3A_144 = tpu.vector_load %arg13[%swap3A, %swap3A_143] {strides = array<i32>} : memref<24x16xf32, #tpu.memory_space<vmem>>, vector<16xf32>,
          tpu.vector_store %arg13[%swap3A, %swap3A_143], %add3A_142 {strides = array<i32>} : memref<24x16xf32, #tpu.memory_space<vmem>>, vector<16xf32>,
          %sub3A_145 = arith.subi %while3A_94, %mul3A_84 : i32
          %get3A_146 = arith.index_cast %squeeze3A : i32 to index
          %get3A_147 = arith.constant 0 : index
          %get3A_148 = tpu.vector_load %arg12[%get3A_146, %get3A_147] {strides = array<i32>} : memref<328x256xf32, #tpu.memory_space<vmem>>, vector<16xf32>,
          %get3A_149 = arith.index_cast %sub3A_145 : i32 to index
          %get3A_150 = arith.constant 0 : index
          %get3A_151 = tpu.vector_load %arg11[%get3A_149, %get3A_150] {strides = array<i32>} : memref<48x256xf32, #tpu.memory_space<vmem>>, vector<16xf32>,
          %mul3A_152 = arith.mulf %gather3A_96, %get3A_151 : vector<16xf32>
          %add3A_153 = arith.addf %get3A_148, %mul3A_152 : vector<16xf32>
          %swap3A_154 = arith.index_cast %squeeze3A : i32 to index
          %swap3A_155 = arith.constant 0 : index
          %swap3A_156 = tpu.vector_load %arg12[%swap3A_154, %swap3A_155] {strides = array<i32>} : memref<328x256xf32, #tpu.memory_space<vmem>>, vector<16xf32>,
          tpu.vector_store %arg12[%swap3A_154, %swap3A_155], %add3A_153 {strides = array<i32>} : memref<328x256xf32, #tpu.memory_space<vmem>>, vector<16xf32>,
          %get3A_157 = arith.index_cast %squeeze3A : i32 to index
          %get3A_158 = arith.constant 16 : index
          %get3A_159 = tpu.vector_load %arg12[%get3A_157, %get3A_158] {strides = array<i32>} : memref<328x256xf32, #tpu.memory_space<vmem>>, vector<16xf32>,
          %get3A_160 = arith.index_cast %sub3A_145 : i32 to index
          %get3A_161 = arith.constant 16 : index
          %get3A_162 = tpu.vector_load %arg11[%get3A_160, %get3A_161] {strides = array<i32>} : memref<48x256xf32, #tpu.memory_space<vmem>>, vector<16xf32>,
          %mul3A_163 = arith.mulf %gather3A_96, %get3A_162 : vector<16xf32>
          %add3A_164 = arith.addf %get3A_159, %mul3A_163 : vector<16xf32>
          %swap3A_165 = arith.index_cast %squeeze3A : i32 to index
          %swap3A_166 = arith.constant 16 : index
          %swap3A_167 = tpu.vector_load %arg12[%swap3A_165, %swap3A_166] {strides = array<i32>} : memref<328x256xf32, #tpu.memory_space<vmem>>, vector<16xf32>,
          tpu.vector_store %arg12[%swap3A_165, %swap3A_166], %add3A_164 {strides = array<i32>} : memref<328x256xf32, #tpu.memory_space<vmem>>, vector<16xf32>,
          %get3A_168 = arith.index_cast %squeeze3A : i32 to index
          %get3A_169 = arith.constant 32 : index
          %get3A_170 = tpu.vector_load %arg12[%get3A_168, %get3A_169] {strides = array<i32>} : memref<328x256xf32, #tpu.memory_space<vmem>>, vector<16xf32>,
          %get3A_171 = arith.index_cast %sub3A_145 : i32 to index
          %get3A_172 = arith.constant 32 : index
          %get3A_173 = tpu.vector_load %arg11[%get3A_171, %get3A_172] {strides = array<i32>} : memref<48x256xf32, #tpu.memory_space<vmem>>, vector<16xf32>,
          %mul3A_174 = arith.mulf %gather3A_96, %get3A_173 : vector<16xf32>
          %add3A_175 = arith.addf %get3A_170, %mul3A_174 : vector<16xf32>
          %swap3A_176 = arith.index_cast %squeeze3A : i32 to index
          %swap3A_177 = arith.constant 32 : index
          %swap3A_178 = tpu.vector_load %arg12[%swap3A_176, %swap3A_177] {strides = array<i32>} : memref<328x256xf32, #tpu.memory_space<vmem>>, vector<16xf32>,
          tpu.vector_store %arg12[%swap3A_176, %swap3A_177], %add3A_175 {strides = array<i32>} : memref<328x256xf32, #tpu.memory_space<vmem>>, vector<16xf32>,
          %get3A_179 = arith.index_cast %squeeze3A : i32 to index
          %get3A_180 = arith.constant 48 : index
          %get3A_181 = tpu.vector_load %arg12[%get3A_179, %get3A_180] {strides = array<i32>} : memref<328x256xf32, #tpu.memory_space<vmem>>, vector<16xf32>,
          %get3A_182 = arith.index_cast %sub3A_145 : i32 to index
          %get3A_183 = arith.constant 48 : index
          %get3A_184 = tpu.vector_load %arg11[%get3A_182, %get3A_183] {strides = array<i32>} : memref<48x256xf32, #tpu.memory_space<vmem>>, vector<16xf32>,
          %mul3A_185 = arith.mulf %gather3A_96, %get3A_184 : vector<16xf32>
          %add3A_186 = arith.addf %get3A_181, %mul3A_185 : vector<16xf32>
          %swap3A_187 = arith.index_cast %squeeze3A : i32 to index
          %swap3A_188 = arith.constant 48 : index
          %swap3A_189 = tpu.vector_load %arg12[%swap3A_187, %swap3A_188] {strides = array<i32>} : memref<328x256xf32, #tpu.memory_space<vmem>>, vector<16xf32>,
          tpu.vector_store %arg12[%swap3A_187, %swap3A_188], %add3A_186 {strides = array<i32>} : memref<328x256xf32, #tpu.memory_space<vmem>>, vector<16xf32>,
          %get3A_190 = arith.index_cast %squeeze3A : i32 to index
          %get3A_191 = arith.constant 64 : index
          %get3A_192 = tpu.vector_load %arg12[%get3A_190, %get3A_191] {strides = array<i32>} : memref<328x256xf32, #tpu.memory_space<vmem>>, vector<16xf32>,
          %get3A_193 = arith.index_cast %sub3A_145 : i32 to index
          %get3A_194 = arith.constant 64 : index
          %get3A_195 = tpu.vector_load %arg11[%get3A_193, %get3A_194] {strides = array<i32>} : memref<48x256xf32, #tpu.memory_space<vmem>>, vector<16xf32>,
          %mul3A_196 = arith.mulf %gather3A_96, %get3A_195 : vector<16xf32>
          %add3A_197 = arith.addf %get3A_192, %mul3A_196 : vector<16xf32>
          %swap3A_198 = arith.index_cast %squeeze3A : i32 to index
          %swap3A_199 = arith.constant 64 : index
          %swap3A_200 = tpu.vector_load %arg12[%swap3A_198, %swap3A_199] {strides = array<i32>} : memref<328x256xf32, #tpu.memory_space<vmem>>, vector<16xf32>,
          tpu.vector_store %arg12[%swap3A_198, %swap3A_199], %add3A_197 {strides = array<i32>} : memref<328x256xf32, #tpu.memory_space<vmem>>, vector<16xf32>,
          %get3A_201 = arith.index_cast %squeeze3A : i32 to index
          %get3A_202 = arith.constant 80 : index
          %get3A_203 = tpu.vector_load %arg12[%get3A_201, %get3A_202] {strides = array<i32>} : memref<328x256xf32, #tpu.memory_space<vmem>>, vector<16xf32>,
          %get3A_204 = arith.index_cast %sub3A_145 : i32 to index
          %get3A_205 = arith.constant 80 : index
          %get3A_206 = tpu.vector_load %arg11[%get3A_204, %get3A_205] {strides = array<i32>} : memref<48x256xf32, #tpu.memory_space<vmem>>, vector<16xf32>,
          %mul3A_207 = arith.mulf %gather3A_96, %get3A_206 : vector<16xf32>
          %add3A_208 = arith.addf %get3A_203, %mul3A_207 : vector<16xf32>
          %swap3A_209 = arith.index_cast %squeeze3A : i32 to index
          %swap3A_210 = arith.constant 80 : index
          %swap3A_211 = tpu.vector_load %arg12[%swap3A_209, %swap3A_210] {strides = array<i32>} : memref<328x256xf32, #tpu.memory_space<vmem>>, vector<16xf32>,
          tpu.vector_store %arg12[%swap3A_209, %swap3A_210], %add3A_208 {strides = array<i32>} : memref<328x256xf32, #tpu.memory_space<vmem>>, vector<16xf32>,
          %get3A_212 = arith.index_cast %squeeze3A : i32 to index
          %get3A_213 = arith.constant 96 : index
          %get3A_214 = tpu.vector_load %arg12[%get3A_212, %get3A_213] {strides = array<i32>} : memref<328x256xf32, #tpu.memory_space<vmem>>, vector<16xf32>,
          %get3A_215 = arith.index_cast %sub3A_145 : i32 to index
          %get3A_216 = arith.constant 96 : index
          %get3A_217 = tpu.vector_load %arg11[%get3A_215, %get3A_216] {strides = array<i32>} : memref<48x256xf32, #tpu.memory_space<vmem>>, vector<16xf32>,
          %mul3A_218 = arith.mulf %gather3A_96, %get3A_217 : vector<16xf32>
          %add3A_219 = arith.addf %get3A_214, %mul3A_218 : vector<16xf32>
          %swap3A_220 = arith.index_cast %squeeze3A : i32 to index
          %swap3A_221 = arith.constant 96 : index
          %swap3A_222 = tpu.vector_load %arg12[%swap3A_220, %swap3A_221] {strides = array<i32>} : memref<328x256xf32, #tpu.memory_space<vmem>>, vector<16xf32>,
          tpu.vector_store %arg12[%swap3A_220, %swap3A_221], %add3A_219 {strides = array<i32>} : memref<328x256xf32, #tpu.memory_space<vmem>>, vector<16xf32>,
          %get3A_223 = arith.index_cast %squeeze3A : i32 to index
          %get3A_224 = arith.constant 112 : index
          %get3A_225 = tpu.vector_load %arg12[%get3A_223, %get3A_224] {strides = array<i32>} : memref<328x256xf32, #tpu.memory_space<vmem>>, vector<16xf32>,
          %get3A_226 = arith.index_cast %sub3A_145 : i32 to index
          %get3A_227 = arith.constant 112 : index
          %get3A_228 = tpu.vector_load %arg11[%get3A_226, %get3A_227] {strides = array<i32>} : memref<48x256xf32, #tpu.memory_space<vmem>>, vector<16xf32>,
          %mul3A_229 = arith.mulf %gather3A_96, %get3A_228 : vector<16xf32>
          %add3A_230 = arith.addf %get3A_225, %mul3A_229 : vector<16xf32>
          %swap3A_231 = arith.index_cast %squeeze3A : i32 to index
          %swap3A_232 = arith.constant 112 : index
          %swap3A_233 = tpu.vector_load %arg12[%swap3A_231, %swap3A_232] {strides = array<i32>} : memref<328x256xf32, #tpu.memory_space<vmem>>, vector<16xf32>,
          tpu.vector_store %arg12[%swap3A_231, %swap3A_232], %add3A_230 {strides = array<i32>} : memref<328x256xf32, #tpu.memory_space<vmem>>, vector<16xf32>,
          %get3A_234 = arith.index_cast %squeeze3A : i32 to index
          %get3A_235 = arith.constant 128 : index
          %get3A_236 = tpu.vector_load %arg12[%get3A_234, %get3A_235] {strides = array<i32>} : memref<328x256xf32, #tpu.memory_space<vmem>>, vector<16xf32>,
          %get3A_237 = arith.index_cast %sub3A_145 : i32 to index
          %get3A_238 = arith.constant 128 : index
          %get3A_239 = tpu.vector_load %arg11[%get3A_237, %get3A_238] {strides = array<i32>} : memref<48x256xf32, #tpu.memory_space<vmem>>, vector<16xf32>,
          %mul3A_240 = arith.mulf %gather3A_96, %get3A_239 : vector<16xf32>
          %add3A_241 = arith.addf %get3A_236, %mul3A_240 : vector<16xf32>
          %swap3A_242 = arith.index_cast %squeeze3A : i32 to index
          %swap3A_243 = arith.constant 128 : index
          %swap3A_244 = tpu.vector_load %arg12[%swap3A_242, %swap3A_243] {strides = array<i32>} : memref<328x256xf32, #tpu.memory_space<vmem>>, vector<16xf32>,
          tpu.vector_store %arg12[%swap3A_242, %swap3A_243], %add3A_241 {strides = array<i32>} : memref<328x256xf32, #tpu.memory_space<vmem>>, vector<16xf32>,
          %get3A_245 = arith.index_cast %squeeze3A : i32 to index
          %get3A_246 = arith.constant 144 : index
          %get3A_247 = tpu.vector_load %arg12[%get3A_245, %get3A_246] {strides = array<i32>} : memref<328x256xf32, #tpu.memory_space<vmem>>, vector<16xf32>,
          %get3A_248 = arith.index_cast %sub3A_145 : i32 to index
          %get3A_249 = arith.constant 144 : index
          %get3A_250 = tpu.vector_load %arg11[%get3A_248, %get3A_249] {strides = array<i32>} : memref<48x256xf32, #tpu.memory_space<vmem>>, vector<16xf32>,
          %mul3A_251 = arith.mulf %gather3A_96, %get3A_250 : vector<16xf32>
          %add3A_252 = arith.addf %get3A_247, %mul3A_251 : vector<16xf32>
          %swap3A_253 = arith.index_cast %squeeze3A : i32 to index
          %swap3A_254 = arith.constant 144 : index
          %swap3A_255 = tpu.vector_load %arg12[%swap3A_253, %swap3A_254] {strides = array<i32>} : memref<328x256xf32, #tpu.memory_space<vmem>>, vector<16xf32>,
          tpu.vector_store %arg12[%swap3A_253, %swap3A_254], %add3A_252 {strides = array<i32>} : memref<328x256xf32, #tpu.memory_space<vmem>>, vector<16xf32>,
          %get3A_256 = arith.index_cast %squeeze3A : i32 to index
          %get3A_257 = arith.constant 160 : index
          %get3A_258 = tpu.vector_load %arg12[%get3A_256, %get3A_257] {strides = array<i32>} : memref<328x256xf32, #tpu.memory_space<vmem>>, vector<16xf32>,
          %get3A_259 = arith.index_cast %sub3A_145 : i32 to index
          %get3A_260 = arith.constant 160 : index
          %get3A_261 = tpu.vector_load %arg11[%get3A_259, %get3A_260] {strides = array<i32>} : memref<48x256xf32, #tpu.memory_space<vmem>>, vector<16xf32>,
          %mul3A_262 = arith.mulf %gather3A_96, %get3A_261 : vector<16xf32>
          %add3A_263 = arith.addf %get3A_258, %mul3A_262 : vector<16xf32>
          %swap3A_264 = arith.index_cast %squeeze3A : i32 to index
          %swap3A_265 = arith.constant 160 : index
          %swap3A_266 = tpu.vector_load %arg12[%swap3A_264, %swap3A_265] {strides = array<i32>} : memref<328x256xf32, #tpu.memory_space<vmem>>, vector<16xf32>,
          tpu.vector_store %arg12[%swap3A_264, %swap3A_265], %add3A_263 {strides = array<i32>} : memref<328x256xf32, #tpu.memory_space<vmem>>, vector<16xf32>,
          %get3A_267 = arith.index_cast %squeeze3A : i32 to index
          %get3A_268 = arith.constant 176 : index
          %get3A_269 = tpu.vector_load %arg12[%get3A_267, %get3A_268] {strides = array<i32>} : memref<328x256xf32, #tpu.memory_space<vmem>>, vector<16xf32>,
          %get3A_270 = arith.index_cast %sub3A_145 : i32 to index
          %get3A_271 = arith.constant 176 : index
          %get3A_272 = tpu.vector_load %arg11[%get3A_270, %get3A_271] {strides = array<i32>} : memref<48x256xf32, #tpu.memory_space<vmem>>, vector<16xf32>,
          %mul3A_273 = arith.mulf %gather3A_96, %get3A_272 : vector<16xf32>
          %add3A_274 = arith.addf %get3A_269, %mul3A_273 : vector<16xf32>
          %swap3A_275 = arith.index_cast %squeeze3A : i32 to index
          %swap3A_276 = arith.constant 176 : index
          %swap3A_277 = tpu.vector_load %arg12[%swap3A_275, %swap3A_276] {strides = array<i32>} : memref<328x256xf32, #tpu.memory_space<vmem>>, vector<16xf32>,
          tpu.vector_store %arg12[%swap3A_275, %swap3A_276], %add3A_274 {strides = array<i32>} : memref<328x256xf32, #tpu.memory_space<vmem>>, vector<16xf32>,
          %get3A_278 = arith.index_cast %squeeze3A : i32 to index
          %get3A_279 = arith.constant 192 : index
          %get3A_280 = tpu.vector_load %arg12[%get3A_278, %get3A_279] {strides = array<i32>} : memref<328x256xf32, #tpu.memory_space<vmem>>, vector<16xf32>,
          %get3A_281 = arith.index_cast %sub3A_145 : i32 to index
          %get3A_282 = arith.constant 192 : index
          %get3A_283 = tpu.vector_load %arg11[%get3A_281, %get3A_282] {strides = array<i32>} : memref<48x256xf32, #tpu.memory_space<vmem>>, vector<16xf32>,
          %mul3A_284 = arith.mulf %gather3A_96, %get3A_283 : vector<16xf32>
          %add3A_285 = arith.addf %get3A_280, %mul3A_284 : vector<16xf32>
          %swap3A_286 = arith.index_cast %squeeze3A : i32 to index
          %swap3A_287 = arith.constant 192 : index
          %swap3A_288 = tpu.vector_load %arg12[%swap3A_286, %swap3A_287] {strides = array<i32>} : memref<328x256xf32, #tpu.memory_space<vmem>>, vector<16xf32>,
          tpu.vector_store %arg12[%swap3A_286, %swap3A_287], %add3A_285 {strides = array<i32>} : memref<328x256xf32, #tpu.memory_space<vmem>>, vector<16xf32>,
          %get3A_289 = arith.index_cast %squeeze3A : i32 to index
          %get3A_290 = arith.constant 208 : index
          %get3A_291 = tpu.vector_load %arg12[%get3A_289, %get3A_290] {strides = array<i32>} : memref<328x256xf32, #tpu.memory_space<vmem>>, vector<16xf32>,
          %get3A_292 = arith.index_cast %sub3A_145 : i32 to index
          %get3A_293 = arith.constant 208 : index
          %get3A_294 = tpu.vector_load %arg11[%get3A_292, %get3A_293] {strides = array<i32>} : memref<48x256xf32, #tpu.memory_space<vmem>>, vector<16xf32>,
          %mul3A_295 = arith.mulf %gather3A_96, %get3A_294 : vector<16xf32>
          %add3A_296 = arith.addf %get3A_291, %mul3A_295 : vector<16xf32>
          %swap3A_297 = arith.index_cast %squeeze3A : i32 to index
          %swap3A_298 = arith.constant 208 : index
          %swap3A_299 = tpu.vector_load %arg12[%swap3A_297, %swap3A_298] {strides = array<i32>} : memref<328x256xf32, #tpu.memory_space<vmem>>, vector<16xf32>,
          tpu.vector_store %arg12[%swap3A_297, %swap3A_298], %add3A_296 {strides = array<i32>} : memref<328x256xf32, #tpu.memory_space<vmem>>, vector<16xf32>,
          %get3A_300 = arith.index_cast %squeeze3A : i32 to index
          %get3A_301 = arith.constant 224 : index
          %get3A_302 = tpu.vector_load %arg12[%get3A_300, %get3A_301] {strides = array<i32>} : memref<328x256xf32, #tpu.memory_space<vmem>>, vector<16xf32>,
          %get3A_303 = arith.index_cast %sub3A_145 : i32 to index
          %get3A_304 = arith.constant 224 : index
          %get3A_305 = tpu.vector_load %arg11[%get3A_303, %get3A_304] {strides = array<i32>} : memref<48x256xf32, #tpu.memory_space<vmem>>, vector<16xf32>,
          %mul3A_306 = arith.mulf %gather3A_96, %get3A_305 : vector<16xf32>
          %add3A_307 = arith.addf %get3A_302, %mul3A_306 : vector<16xf32>
          %swap3A_308 = arith.index_cast %squeeze3A : i32 to index
          %swap3A_309 = arith.constant 224 : index
          %swap3A_310 = tpu.vector_load %arg12[%swap3A_308, %swap3A_309] {strides = array<i32>} : memref<328x256xf32, #tpu.memory_space<vmem>>, vector<16xf32>,
          tpu.vector_store %arg12[%swap3A_308, %swap3A_309], %add3A_307 {strides = array<i32>} : memref<328x256xf32, #tpu.memory_space<vmem>>, vector<16xf32>,
          %get3A_311 = arith.index_cast %squeeze3A : i32 to index
          %get3A_312 = arith.constant 240 : index
          %get3A_313 = tpu.vector_load %arg12[%get3A_311, %get3A_312] {strides = array<i32>} : memref<328x256xf32, #tpu.memory_space<vmem>>, vector<16xf32>,
          %get3A_314 = arith.index_cast %sub3A_145 : i32 to index
          %get3A_315 = arith.constant 240 : index
          %get3A_316 = tpu.vector_load %arg11[%get3A_314, %get3A_315] {strides = array<i32>} : memref<48x256xf32, #tpu.memory_space<vmem>>, vector<16xf32>,
          %mul3A_317 = arith.mulf %gather3A_96, %get3A_316 : vector<16xf32>
          %add3A_318 = arith.addf %get3A_313, %mul3A_317 : vector<16xf32>
          %swap3A_319 = arith.index_cast %squeeze3A : i32 to index
          %swap3A_320 = arith.constant 240 : index
          %swap3A_321 = tpu.vector_load %arg12[%swap3A_319, %swap3A_320] {strides = array<i32>} : memref<328x256xf32, #tpu.memory_space<vmem>>, vector<16xf32>,
          tpu.vector_store %arg12[%swap3A_319, %swap3A_320], %add3A_318 {strides = array<i32>} : memref<328x256xf32, #tpu.memory_space<vmem>>, vector<16xf32>,
        }
      }
    }
    %scan3A_22 = arith.constant 80 : i32
    %scan3A_23 = arith.constant 0 : i32
    %scan3A_24 = arith.constant 0 : i32
    %scan3A_25 = arith.constant 320 : i32
    %scan3A_26 = arith.addi %scan3A_24, %scan3A_25 : i32
    %scan3A_27 = arith.constant 1 : i32
    scf.for %scan3A_29 = %scan3A_24 to %scan3A_26 step %scan3A_27  : i32 {
      %jit3A = arith.constant 16 : i32
      %div3A = arith.divsi %scan3A_29, %jit3A : i32
      %sign3A = arith.constant 0 : i32
      %sign3A_30 = arith.cmpi sgt, %scan3A_29, %sign3A : i32
      %sign3A_31 = arith.extui %sign3A_30 : i1 to i32
      %sign3A_32 = arith.constant 0 : i32
      %sign3A_33 = arith.cmpi slt, %scan3A_29, %sign3A_32 : i32
      %sign3A_34 = arith.extui %sign3A_33 : i1 to i32
      %sign3A_35 = arith.subi %sign3A_31, %sign3A_34 : i32
      %sign3A_36 = arith.constant 0 : i32
      %sign3A_37 = arith.cmpi sgt, %jit3A, %sign3A_36 : i32
      %sign3A_38 = arith.extui %sign3A_37 : i1 to i32
      %sign3A_39 = arith.constant 0 : i32
      %sign3A_40 = arith.cmpi slt, %jit3A, %sign3A_39 : i32
      %sign3A_41 = arith.extui %sign3A_40 : i1 to i32
      %sign3A_42 = arith.subi %sign3A_38, %sign3A_41 : i32
      %ne3A = arith.cmpi ne, %sign3A_35, %sign3A_42 : i32
      %rem3A = arith.remsi %scan3A_29, %jit3A : i32
      %ne3A_43 = arith.constant 0 : i32
      %ne3A_44 = arith.cmpi ne, %rem3A, %ne3A_43 : i32
      %and3A = arith.andi %ne3A, %ne3A_44 : i1
      %sub3A = arith.constant 1 : i32
      %sub3A_45 = arith.subi %div3A, %sub3A : i32
      %select_n3A = arith.select %and3A, %sub3A_45, %div3A : i32
      %broadcast_in_dim3A_46 = vector.broadcast %select_n3A : i32 to vector<16xi32>
      %jit3A_47 = arith.constant 16 : i32
      %eq3A = arith.constant 0 : i32
      %eq3A_48 = arith.cmpi eq, %jit3A_47, %eq3A : i32
      %jit3A_49 = arith.constant 1 : i32
      %select_n3A_50 = arith.select %eq3A_48, %jit3A_49, %jit3A_47 : i32
      %rem3A_51 = arith.remsi %scan3A_29, %select_n3A_50 : i32
      %ne3A_52 = arith.constant 0 : i32
      %ne3A_53 = arith.cmpi ne, %rem3A_51, %ne3A_52 : i32
      %lt3A = arith.constant 0 : i32
      %lt3A_54 = arith.cmpi slt, %rem3A_51, %lt3A : i32
      %lt3A_55 = arith.constant 0 : i32
      %lt3A_56 = arith.cmpi slt, %select_n3A_50, %lt3A_55 : i32
      %ne3A_57 = arith.xori %lt3A_54, %lt3A_56 : i1
      %and3A_58 = arith.andi %ne3A_57, %ne3A_53 : i1
      %add3A_59 = arith.addi %rem3A_51, %select_n3A_50 : i32
      %select_n3A_60 = arith.select %and3A_58, %add3A_59, %rem3A_51 : i32
      %broadcast_in_dim3A_61 = vector.broadcast %select_n3A_60 : i32 to vector<16xi32>
      %gather3A = tpu.vector_load_idx %arg13[%broadcast_in_dim3A_46, %broadcast_in_dim3A_61] : memref<24x16xf32, #tpu.memory_space<vmem>>[vector<16xi32>, vector<16xi32>], vector<16xf32>,
      %add3A_62 = arith.constant 1.000000e-16 : f32
      %add3A_63 = vector.broadcast %add3A_62 : f32 to vector<16xf32>
      %add3A_64 = arith.addf %gather3A, %add3A_63 : vector<16xf32>
      %div3A_65 = arith.constant 1.000000e+00 : f32
      %div3A_66 = vector.broadcast %div3A_65 : f32 to vector<16xf32>
      %div3A_67 = arith.divf %div3A_66, %add3A_64 : vector<16xf32>
      %get3A = arith.index_cast %scan3A_29 : i32 to index
      %get3A_68 = arith.constant 0 : index
      %get3A_69 = tpu.vector_load %arg12[%get3A, %get3A_68] {strides = array<i32>} : memref<328x256xf32, #tpu.memory_space<vmem>>, vector<16xf32>,
      %mul3A_70 = arith.mulf %get3A_69, %div3A_67 : vector<16xf32>
      %swap3A = arith.index_cast %scan3A_29 : i32 to index
      %swap3A_71 = arith.constant 0 : index
      %swap3A_72 = tpu.vector_load %arg12[%swap3A, %swap3A_71] {strides = array<i32>} : memref<328x256xf32, #tpu.memory_space<vmem>>, vector<16xf32>,
      tpu.vector_store %arg12[%swap3A, %swap3A_71], %mul3A_70 {strides = array<i32>} : memref<328x256xf32, #tpu.memory_space<vmem>>, vector<16xf32>,
      %get3A_73 = arith.index_cast %scan3A_29 : i32 to index
      %get3A_74 = arith.constant 16 : index
      %get3A_75 = tpu.vector_load %arg12[%get3A_73, %get3A_74] {strides = array<i32>} : memref<328x256xf32, #tpu.memory_space<vmem>>, vector<16xf32>,
      %mul3A_76 = arith.mulf %get3A_75, %div3A_67 : vector<16xf32>
      %swap3A_77 = arith.index_cast %scan3A_29 : i32 to index
      %swap3A_78 = arith.constant 16 : index
      %swap3A_79 = tpu.vector_load %arg12[%swap3A_77, %swap3A_78] {strides = array<i32>} : memref<328x256xf32, #tpu.memory_space<vmem>>, vector<16xf32>,
      tpu.vector_store %arg12[%swap3A_77, %swap3A_78], %mul3A_76 {strides = array<i32>} : memref<328x256xf32, #tpu.memory_space<vmem>>, vector<16xf32>,
      %get3A_80 = arith.index_cast %scan3A_29 : i32 to index
      %get3A_81 = arith.constant 32 : index
      %get3A_82 = tpu.vector_load %arg12[%get3A_80, %get3A_81] {strides = array<i32>} : memref<328x256xf32, #tpu.memory_space<vmem>>, vector<16xf32>,
      %mul3A_83 = arith.mulf %get3A_82, %div3A_67 : vector<16xf32>
      %swap3A_84 = arith.index_cast %scan3A_29 : i32 to index
      %swap3A_85 = arith.constant 32 : index
      %swap3A_86 = tpu.vector_load %arg12[%swap3A_84, %swap3A_85] {strides = array<i32>} : memref<328x256xf32, #tpu.memory_space<vmem>>, vector<16xf32>,
      tpu.vector_store %arg12[%swap3A_84, %swap3A_85], %mul3A_83 {strides = array<i32>} : memref<328x256xf32, #tpu.memory_space<vmem>>, vector<16xf32>,
      %get3A_87 = arith.index_cast %scan3A_29 : i32 to index
      %get3A_88 = arith.constant 48 : index
      %get3A_89 = tpu.vector_load %arg12[%get3A_87, %get3A_88] {strides = array<i32>} : memref<328x256xf32, #tpu.memory_space<vmem>>, vector<16xf32>,
      %mul3A_90 = arith.mulf %get3A_89, %div3A_67 : vector<16xf32>
      %swap3A_91 = arith.index_cast %scan3A_29 : i32 to index
      %swap3A_92 = arith.constant 48 : index
      %swap3A_93 = tpu.vector_load %arg12[%swap3A_91, %swap3A_92] {strides = array<i32>} : memref<328x256xf32, #tpu.memory_space<vmem>>, vector<16xf32>,
      tpu.vector_store %arg12[%swap3A_91, %swap3A_92], %mul3A_90 {strides = array<i32>} : memref<328x256xf32, #tpu.memory_space<vmem>>, vector<16xf32>,
      %get3A_94 = arith.index_cast %scan3A_29 : i32 to index
      %get3A_95 = arith.constant 64 : index
      %get3A_96 = tpu.vector_load %arg12[%get3A_94, %get3A_95] {strides = array<i32>} : memref<328x256xf32, #tpu.memory_space<vmem>>, vector<16xf32>,
      %mul3A_97 = arith.mulf %get3A_96, %div3A_67 : vector<16xf32>
      %swap3A_98 = arith.index_cast %scan3A_29 : i32 to index
      %swap3A_99 = arith.constant 64 : index
      %swap3A_100 = tpu.vector_load %arg12[%swap3A_98, %swap3A_99] {strides = array<i32>} : memref<328x256xf32, #tpu.memory_space<vmem>>, vector<16xf32>,
      tpu.vector_store %arg12[%swap3A_98, %swap3A_99], %mul3A_97 {strides = array<i32>} : memref<328x256xf32, #tpu.memory_space<vmem>>, vector<16xf32>,
      %get3A_101 = arith.index_cast %scan3A_29 : i32 to index
      %get3A_102 = arith.constant 80 : index
      %get3A_103 = tpu.vector_load %arg12[%get3A_101, %get3A_102] {strides = array<i32>} : memref<328x256xf32, #tpu.memory_space<vmem>>, vector<16xf32>,
      %mul3A_104 = arith.mulf %get3A_103, %div3A_67 : vector<16xf32>
      %swap3A_105 = arith.index_cast %scan3A_29 : i32 to index
      %swap3A_106 = arith.constant 80 : index
      %swap3A_107 = tpu.vector_load %arg12[%swap3A_105, %swap3A_106] {strides = array<i32>} : memref<328x256xf32, #tpu.memory_space<vmem>>, vector<16xf32>,
      tpu.vector_store %arg12[%swap3A_105, %swap3A_106], %mul3A_104 {strides = array<i32>} : memref<328x256xf32, #tpu.memory_space<vmem>>, vector<16xf32>,
      %get3A_108 = arith.index_cast %scan3A_29 : i32 to index
      %get3A_109 = arith.constant 96 : index
      %get3A_110 = tpu.vector_load %arg12[%get3A_108, %get3A_109] {strides = array<i32>} : memref<328x256xf32, #tpu.memory_space<vmem>>, vector<16xf32>,
      %mul3A_111 = arith.mulf %get3A_110, %div3A_67 : vector<16xf32>
      %swap3A_112 = arith.index_cast %scan3A_29 : i32 to index
      %swap3A_113 = arith.constant 96 : index
      %swap3A_114 = tpu.vector_load %arg12[%swap3A_112, %swap3A_113] {strides = array<i32>} : memref<328x256xf32, #tpu.memory_space<vmem>>, vector<16xf32>,
      tpu.vector_store %arg12[%swap3A_112, %swap3A_113], %mul3A_111 {strides = array<i32>} : memref<328x256xf32, #tpu.memory_space<vmem>>, vector<16xf32>,
      %get3A_115 = arith.index_cast %scan3A_29 : i32 to index
      %get3A_116 = arith.constant 112 : index
      %get3A_117 = tpu.vector_load %arg12[%get3A_115, %get3A_116] {strides = array<i32>} : memref<328x256xf32, #tpu.memory_space<vmem>>, vector<16xf32>,
      %mul3A_118 = arith.mulf %get3A_117, %div3A_67 : vector<16xf32>
      %swap3A_119 = arith.index_cast %scan3A_29 : i32 to index
      %swap3A_120 = arith.constant 112 : index
      %swap3A_121 = tpu.vector_load %arg12[%swap3A_119, %swap3A_120] {strides = array<i32>} : memref<328x256xf32, #tpu.memory_space<vmem>>, vector<16xf32>,
      tpu.vector_store %arg12[%swap3A_119, %swap3A_120], %mul3A_118 {strides = array<i32>} : memref<328x256xf32, #tpu.memory_space<vmem>>, vector<16xf32>,
      %get3A_122 = arith.index_cast %scan3A_29 : i32 to index
      %get3A_123 = arith.constant 128 : index
      %get3A_124 = tpu.vector_load %arg12[%get3A_122, %get3A_123] {strides = array<i32>} : memref<328x256xf32, #tpu.memory_space<vmem>>, vector<16xf32>,
      %mul3A_125 = arith.mulf %get3A_124, %div3A_67 : vector<16xf32>
      %swap3A_126 = arith.index_cast %scan3A_29 : i32 to index
      %swap3A_127 = arith.constant 128 : index
      %swap3A_128 = tpu.vector_load %arg12[%swap3A_126, %swap3A_127] {strides = array<i32>} : memref<328x256xf32, #tpu.memory_space<vmem>>, vector<16xf32>,
      tpu.vector_store %arg12[%swap3A_126, %swap3A_127], %mul3A_125 {strides = array<i32>} : memref<328x256xf32, #tpu.memory_space<vmem>>, vector<16xf32>,
      %get3A_129 = arith.index_cast %scan3A_29 : i32 to index
      %get3A_130 = arith.constant 144 : index
      %get3A_131 = tpu.vector_load %arg12[%get3A_129, %get3A_130] {strides = array<i32>} : memref<328x256xf32, #tpu.memory_space<vmem>>, vector<16xf32>,
      %mul3A_132 = arith.mulf %get3A_131, %div3A_67 : vector<16xf32>
      %swap3A_133 = arith.index_cast %scan3A_29 : i32 to index
      %swap3A_134 = arith.constant 144 : index
      %swap3A_135 = tpu.vector_load %arg12[%swap3A_133, %swap3A_134] {strides = array<i32>} : memref<328x256xf32, #tpu.memory_space<vmem>>, vector<16xf32>,
      tpu.vector_store %arg12[%swap3A_133, %swap3A_134], %mul3A_132 {strides = array<i32>} : memref<328x256xf32, #tpu.memory_space<vmem>>, vector<16xf32>,
      %get3A_136 = arith.index_cast %scan3A_29 : i32 to index
      %get3A_137 = arith.constant 160 : index
      %get3A_138 = tpu.vector_load %arg12[%get3A_136, %get3A_137] {strides = array<i32>} : memref<328x256xf32, #tpu.memory_space<vmem>>, vector<16xf32>,
      %mul3A_139 = arith.mulf %get3A_138, %div3A_67 : vector<16xf32>
      %swap3A_140 = arith.index_cast %scan3A_29 : i32 to index
      %swap3A_141 = arith.constant 160 : index
      %swap3A_142 = tpu.vector_load %arg12[%swap3A_140, %swap3A_141] {strides = array<i32>} : memref<328x256xf32, #tpu.memory_space<vmem>>, vector<16xf32>,
      tpu.vector_store %arg12[%swap3A_140, %swap3A_141], %mul3A_139 {strides = array<i32>} : memref<328x256xf32, #tpu.memory_space<vmem>>, vector<16xf32>,
      %get3A_143 = arith.index_cast %scan3A_29 : i32 to index
      %get3A_144 = arith.constant 176 : index
      %get3A_145 = tpu.vector_load %arg12[%get3A_143, %get3A_144] {strides = array<i32>} : memref<328x256xf32, #tpu.memory_space<vmem>>, vector<16xf32>,
      %mul3A_146 = arith.mulf %get3A_145, %div3A_67 : vector<16xf32>
      %swap3A_147 = arith.index_cast %scan3A_29 : i32 to index
      %swap3A_148 = arith.constant 176 : index
      %swap3A_149 = tpu.vector_load %arg12[%swap3A_147, %swap3A_148] {strides = array<i32>} : memref<328x256xf32, #tpu.memory_space<vmem>>, vector<16xf32>,
      tpu.vector_store %arg12[%swap3A_147, %swap3A_148], %mul3A_146 {strides = array<i32>} : memref<328x256xf32, #tpu.memory_space<vmem>>, vector<16xf32>,
      %get3A_150 = arith.index_cast %scan3A_29 : i32 to index
      %get3A_151 = arith.constant 192 : index
      %get3A_152 = tpu.vector_load %arg12[%get3A_150, %get3A_151] {strides = array<i32>} : memref<328x256xf32, #tpu.memory_space<vmem>>, vector<16xf32>,
      %mul3A_153 = arith.mulf %get3A_152, %div3A_67 : vector<16xf32>
      %swap3A_154 = arith.index_cast %scan3A_29 : i32 to index
      %swap3A_155 = arith.constant 192 : index
      %swap3A_156 = tpu.vector_load %arg12[%swap3A_154, %swap3A_155] {strides = array<i32>} : memref<328x256xf32, #tpu.memory_space<vmem>>, vector<16xf32>,
      tpu.vector_store %arg12[%swap3A_154, %swap3A_155], %mul3A_153 {strides = array<i32>} : memref<328x256xf32, #tpu.memory_space<vmem>>, vector<16xf32>,
      %get3A_157 = arith.index_cast %scan3A_29 : i32 to index
      %get3A_158 = arith.constant 208 : index
      %get3A_159 = tpu.vector_load %arg12[%get3A_157, %get3A_158] {strides = array<i32>} : memref<328x256xf32, #tpu.memory_space<vmem>>, vector<16xf32>,
      %mul3A_160 = arith.mulf %get3A_159, %div3A_67 : vector<16xf32>
      %swap3A_161 = arith.index_cast %scan3A_29 : i32 to index
      %swap3A_162 = arith.constant 208 : index
      %swap3A_163 = tpu.vector_load %arg12[%swap3A_161, %swap3A_162] {strides = array<i32>} : memref<328x256xf32, #tpu.memory_space<vmem>>, vector<16xf32>,
      tpu.vector_store %arg12[%swap3A_161, %swap3A_162], %mul3A_160 {strides = array<i32>} : memref<328x256xf32, #tpu.memory_space<vmem>>, vector<16xf32>,
      %get3A_164 = arith.index_cast %scan3A_29 : i32 to index
      %get3A_165 = arith.constant 224 : index
      %get3A_166 = tpu.vector_load %arg12[%get3A_164, %get3A_165] {strides = array<i32>} : memref<328x256xf32, #tpu.memory_space<vmem>>, vector<16xf32>,
      %mul3A_167 = arith.mulf %get3A_166, %div3A_67 : vector<16xf32>
      %swap3A_168 = arith.index_cast %scan3A_29 : i32 to index
      %swap3A_169 = arith.constant 224 : index
      %swap3A_170 = tpu.vector_load %arg12[%swap3A_168, %swap3A_169] {strides = array<i32>} : memref<328x256xf32, #tpu.memory_space<vmem>>, vector<16xf32>,
      tpu.vector_store %arg12[%swap3A_168, %swap3A_169], %mul3A_167 {strides = array<i32>} : memref<328x256xf32, #tpu.memory_space<vmem>>, vector<16xf32>,
      %get3A_171 = arith.index_cast %scan3A_29 : i32 to index
      %get3A_172 = arith.constant 240 : index
      %get3A_173 = tpu.vector_load %arg12[%get3A_171, %get3A_172] {strides = array<i32>} : memref<328x256xf32, #tpu.memory_space<vmem>>, vector<16xf32>,
      %mul3A_174 = arith.mulf %get3A_173, %div3A_67 : vector<16xf32>
      %swap3A_175 = arith.index_cast %scan3A_29 : i32 to index
      %swap3A_176 = arith.constant 240 : index
      %swap3A_177 = tpu.vector_load %arg12[%swap3A_175, %swap3A_176] {strides = array<i32>} : memref<328x256xf32, #tpu.memory_space<vmem>>, vector<16xf32>,
      tpu.vector_store %arg12[%swap3A_175, %swap3A_176], %mul3A_174 {strides = array<i32>} : memref<328x256xf32, #tpu.memory_space<vmem>>, vector<16xf32>,
    }
    %scan3A_28 = arith.constant 320 : i32
    "tpu.region"() ({
      %run_scoped3A = tpu.sem_alloc : memref<!tpu.dma_semaphore, #tpu.memory_space<semaphore_mem>>
      %dma_start3A = arith.constant 0 : i32
      %dma_start3A_29 = arith.constant 0 : i32
      %dma_start3A_30 = tpu.memref_slice %arg12[%dma_start3A, %dma_start3A_29] : memref<328x256xf32, #tpu.memory_space<vmem>> -> memref<320x256xf32, #tpu.memory_space<vmem>>
      %dma_start3A_31 = arith.constant 0 : i32
      %dma_start3A_32 = tpu.memref_slice %arg5[%mul3A_2, %dma_start3A_31] : memref<10240x256xf32, #tpu.memory_space<hbm>> -> memref<320x256xf32, #tpu.memory_space<hbm>>
      %dma_start3A_33 = arith.constant 0 : i32
      %dma_start3A_34 = tpu.memref_slice %arg5[%mul3A_2, %dma_start3A_33] : memref<10240x256xf32, #tpu.memory_space<hbm>> -> memref<320x256xf32, #tpu.memory_space<hbm>>
      %dma_start3A_35 = arith.constant 0 : i32
      %dma_start3A_36 = arith.constant 0 : i32
      %dma_start3A_37 = tpu.memref_slice %arg12[%dma_start3A_35, %dma_start3A_36] : memref<328x256xf32, #tpu.memory_space<vmem>> -> memref<320x256xf32, #tpu.memory_space<vmem>>
      tpu.enqueue_dma source(%dma_start3A_37 : memref<320x256xf32, #tpu.memory_space<vmem>>) target(%dma_start3A_34 : memref<320x256xf32, #tpu.memory_space<hbm>>) target_semaphore(%run_scoped3A : memref<!tpu.dma_semaphore, #tpu.memory_space<semaphore_mem>>)
      %dma_wait3A = arith.constant 0 : i32
      %dma_wait3A_38 = arith.constant 0 : i32
      %dma_wait3A_39 = tpu.memref_slice %arg12[%dma_wait3A, %dma_wait3A_38] : memref<328x256xf32, #tpu.memory_space<vmem>> -> memref<320x256xf32, #tpu.memory_space<vmem>>
      %dma_wait3A_40 = arith.constant 0 : i32
      %dma_wait3A_41 = tpu.memref_slice %arg5[%mul3A_2, %dma_wait3A_40] : memref<10240x256xf32, #tpu.memory_space<hbm>> -> memref<320x256xf32, #tpu.memory_space<hbm>>
      %dma_wait3A_42 = arith.constant 0 : i32
      %dma_wait3A_43 = tpu.memref_slice %arg5[%mul3A_2, %dma_wait3A_42] : memref<10240x256xf32, #tpu.memory_space<hbm>> -> memref<320x256xf32, #tpu.memory_space<hbm>>
      %dma_wait3A_44 = arith.constant 0 : i32
      %dma_wait3A_45 = arith.constant 0 : i32
      %dma_wait3A_46 = tpu.memref_slice %arg12[%dma_wait3A_44, %dma_wait3A_45] : memref<328x256xf32, #tpu.memory_space<vmem>> -> memref<320x256xf32, #tpu.memory_space<vmem>>
      tpu.wait_dma2 semaphore(%run_scoped3A : memref<!tpu.dma_semaphore, #tpu.memory_space<semaphore_mem>>) src(%dma_wait3A_46 : memref<320x256xf32, #tpu.memory_space<vmem>>) dst(%dma_wait3A_43 : memref<320x256xf32, #tpu.memory_space<hbm>>)
      tpu.yield
    }) : () -> ()
    return
  }
}

#map = affine_map<(d0, d1) -> (0)>
#map1 = affine_map<(d0, d1) -> (0, 0)>
module attributes {stable_mosaic.version = 14 : i64} {
  func.func @_scores_body(%arg0: i32, %arg1: i32, %arg2: memref<163840xi32, #tpu.memory_space<hbm>>, %arg3: memref<163840xi32, #tpu.memory_space<hbm>>, %arg4: memref<10000x256xf32, #tpu.memory_space<hbm>>, %arg5: memref<10000x256xf32, #tpu.memory_space<hbm>>, %arg6: memref<163840xf32, #tpu.memory_space<hbm>>, %arg7: memref<128xi32, #tpu.memory_space<vmem>>, %arg8: memref<128xi32, #tpu.memory_space<vmem>>, %arg9: memref<128x256xf32, #tpu.memory_space<vmem>>, %arg10: memref<128x256xf32, #tpu.memory_space<vmem>>, %arg11: memref<128xf32, #tpu.memory_space<vmem>>, %arg12: memref<!tpu.dma_semaphore, #tpu.memory_space<semaphore_mem>>) attributes {dimension_semantics = [#tpu.dimension_semantics<core_parallel>, #tpu.dimension_semantics<subcore_parallel>], iteration_bounds = array<i64: 2, 16>, scalar_prefetch = 0 : i64, scratch_operands = 6 : i64, tpu.core_type = #tpu.core_type<sc_vector_subcore>, window_params = [{transform_indices = #map}, {transform_indices = #map}, {transform_indices = #map1}, {transform_indices = #map1}, {transform_indices = #map}]} {
    %mul3A = arith.constant 16 : i32
    %mul3A_0 = arith.muli %arg0, %mul3A : i32
    %add3A = arith.addi %mul3A_0, %arg1 : i32
    %iota3A = tpu.iota {dimensions = array<i32: 0>} : vector<16xi32>
    %scan3A = arith.constant 0 : i32
    %scan3A_1 = arith.constant 0 : i32
    %scan3A_2 = arith.constant 40 : i32
    %scan3A_3 = arith.addi %scan3A_1, %scan3A_2 : i32
    %scan3A_4 = arith.constant 1 : i32
    scf.for %scan3A_6 = %scan3A_1 to %scan3A_3 step %scan3A_4  : i32 {
      %mul3A_7 = arith.constant 5120 : i32
      %mul3A_8 = arith.muli %add3A, %mul3A_7 : i32
      %mul3A_9 = arith.constant 128 : i32
      %mul3A_10 = arith.muli %scan3A_6, %mul3A_9 : i32
      %add3A_11 = arith.addi %mul3A_8, %mul3A_10 : i32
      "tpu.region"() ({
        %run_scoped3A = tpu.sem_alloc : memref<!tpu.dma_semaphore, #tpu.memory_space<semaphore_mem>>
        %dma_start3A_28 = tpu.memref_slice %arg2[%add3A_11] : memref<163840xi32, #tpu.memory_space<hbm>> -> memref<128xi32, #tpu.memory_space<hbm>>
        %dma_start3A_29 = tpu.memref_slice %arg2[%add3A_11] : memref<163840xi32, #tpu.memory_space<hbm>> -> memref<128xi32, #tpu.memory_space<hbm>>
        tpu.enqueue_dma source(%dma_start3A_29 : memref<128xi32, #tpu.memory_space<hbm>>) target(%arg7 : memref<128xi32, #tpu.memory_space<vmem>>) target_semaphore(%run_scoped3A : memref<!tpu.dma_semaphore, #tpu.memory_space<semaphore_mem>>)
        %dma_wait3A_30 = tpu.memref_slice %arg2[%add3A_11] : memref<163840xi32, #tpu.memory_space<hbm>> -> memref<128xi32, #tpu.memory_space<hbm>>
        %dma_wait3A_31 = tpu.memref_slice %arg2[%add3A_11] : memref<163840xi32, #tpu.memory_space<hbm>> -> memref<128xi32, #tpu.memory_space<hbm>>
        tpu.wait_dma2 semaphore(%run_scoped3A : memref<!tpu.dma_semaphore, #tpu.memory_space<semaphore_mem>>) src(%dma_wait3A_31 : memref<128xi32, #tpu.memory_space<hbm>>) dst(%arg7 : memref<128xi32, #tpu.memory_space<vmem>>)
        tpu.yield
      }) : () -> ()
      "tpu.region"() ({
        %run_scoped3A = tpu.sem_alloc : memref<!tpu.dma_semaphore, #tpu.memory_space<semaphore_mem>>
        %dma_start3A_28 = tpu.memref_slice %arg3[%add3A_11] : memref<163840xi32, #tpu.memory_space<hbm>> -> memref<128xi32, #tpu.memory_space<hbm>>
        %dma_start3A_29 = tpu.memref_slice %arg3[%add3A_11] : memref<163840xi32, #tpu.memory_space<hbm>> -> memref<128xi32, #tpu.memory_space<hbm>>
        tpu.enqueue_dma source(%dma_start3A_29 : memref<128xi32, #tpu.memory_space<hbm>>) target(%arg8 : memref<128xi32, #tpu.memory_space<vmem>>) target_semaphore(%run_scoped3A : memref<!tpu.dma_semaphore, #tpu.memory_space<semaphore_mem>>)
        %dma_wait3A_30 = tpu.memref_slice %arg3[%add3A_11] : memref<163840xi32, #tpu.memory_space<hbm>> -> memref<128xi32, #tpu.memory_space<hbm>>
        %dma_wait3A_31 = tpu.memref_slice %arg3[%add3A_11] : memref<163840xi32, #tpu.memory_space<hbm>> -> memref<128xi32, #tpu.memory_space<hbm>>
        tpu.wait_dma2 semaphore(%run_scoped3A : memref<!tpu.dma_semaphore, #tpu.memory_space<semaphore_mem>>) src(%dma_wait3A_31 : memref<128xi32, #tpu.memory_space<hbm>>) dst(%arg8 : memref<128xi32, #tpu.memory_space<vmem>>)
        tpu.yield
      }) : () -> ()
      %dma_start3A = arith.constant 0 : i32
      %dma_start3A_12 = arith.constant 0 : i32
      %dma_start3A_13 = tpu.memref_slice %arg4[%dma_start3A, %dma_start3A_12] : memref<10000x256xf32, #tpu.memory_space<hbm>> -> memref<10000x256xf32, #tpu.memory_space<hbm>>
      tpu.enqueue_indirect_dma source(%dma_start3A_13 : memref<10000x256xf32, #tpu.memory_space<hbm>>) target(%arg9 : memref<128x256xf32, #tpu.memory_space<vmem>>) offsets(%arg7 : memref<128xi32, #tpu.memory_space<vmem>>) semaphore(%arg12 : memref<!tpu.dma_semaphore, #tpu.memory_space<semaphore_mem>>)
      %dma_wait3A = arith.constant 0 : i32
      %dma_wait3A_14 = arith.constant 0 : i32
      %dma_wait3A_15 = tpu.memref_slice %arg4[%dma_wait3A, %dma_wait3A_14] : memref<10000x256xf32, #tpu.memory_space<hbm>> -> memref<10000x256xf32, #tpu.memory_space<hbm>>
      tpu.wait_indirect_dma semaphore(%arg12 : memref<!tpu.dma_semaphore, #tpu.memory_space<semaphore_mem>>) src(%dma_wait3A_15 : memref<10000x256xf32, #tpu.memory_space<hbm>>) dst(%arg9 : memref<128x256xf32, #tpu.memory_space<vmem>>)
      %dma_start3A_16 = arith.constant 0 : i32
      %dma_start3A_17 = arith.constant 0 : i32
      %dma_start3A_18 = tpu.memref_slice %arg5[%dma_start3A_16, %dma_start3A_17] : memref<10000x256xf32, #tpu.memory_space<hbm>> -> memref<10000x256xf32, #tpu.memory_space<hbm>>
      tpu.enqueue_indirect_dma source(%dma_start3A_18 : memref<10000x256xf32, #tpu.memory_space<hbm>>) target(%arg10 : memref<128x256xf32, #tpu.memory_space<vmem>>) offsets(%arg8 : memref<128xi32, #tpu.memory_space<vmem>>) semaphore(%arg12 : memref<!tpu.dma_semaphore, #tpu.memory_space<semaphore_mem>>)
      %dma_wait3A_19 = arith.constant 0 : i32
      %dma_wait3A_20 = arith.constant 0 : i32
      %dma_wait3A_21 = tpu.memref_slice %arg5[%dma_wait3A_19, %dma_wait3A_20] : memref<10000x256xf32, #tpu.memory_space<hbm>> -> memref<10000x256xf32, #tpu.memory_space<hbm>>
      tpu.wait_indirect_dma semaphore(%arg12 : memref<!tpu.dma_semaphore, #tpu.memory_space<semaphore_mem>>) src(%dma_wait3A_21 : memref<10000x256xf32, #tpu.memory_space<hbm>>) dst(%arg10 : memref<128x256xf32, #tpu.memory_space<vmem>>)
      %scan3A_22 = arith.constant 0 : i32
      %scan3A_23 = arith.constant 0 : i32
      %scan3A_24 = arith.constant 8 : i32
      %scan3A_25 = arith.addi %scan3A_23, %scan3A_24 : i32
      %scan3A_26 = arith.constant 1 : i32
      scf.for %scan3A_28 = %scan3A_23 to %scan3A_25 step %scan3A_26  : i32 {
        %broadcast_in_dim3A = arith.constant 0.000000e+00 : f32
        %broadcast_in_dim3A_29 = vector.broadcast %broadcast_in_dim3A : f32 to vector<16xf32>
        %mul3A_30 = arith.constant 16 : i32
        %mul3A_31 = arith.muli %scan3A_28, %mul3A_30 : i32
        %add3A_32 = arith.constant 0 : i32
        %add3A_33 = arith.addi %mul3A_31, %add3A_32 : i32
        %get3A = arith.index_cast %add3A_33 : i32 to index
        %get3A_34 = arith.constant 0 : index
        %get3A_35 = tpu.vector_load %arg9[%get3A, %get3A_34] {strides = array<i32>} : memref<128x256xf32, #tpu.memory_space<vmem>>, vector<16xf32>,
        %get3A_36 = arith.index_cast %add3A_33 : i32 to index
        %get3A_37 = arith.constant 0 : index
        %get3A_38 = tpu.vector_load %arg10[%get3A_36, %get3A_37] {strides = array<i32>} : memref<128x256xf32, #tpu.memory_space<vmem>>, vector<16xf32>,
        %mul3A_39 = arith.mulf %get3A_35, %get3A_38 : vector<16xf32>
        %get3A_40 = arith.index_cast %add3A_33 : i32 to index
        %get3A_41 = arith.constant 16 : index
        %get3A_42 = tpu.vector_load %arg9[%get3A_40, %get3A_41] {strides = array<i32>} : memref<128x256xf32, #tpu.memory_space<vmem>>, vector<16xf32>,
        %get3A_43 = arith.index_cast %add3A_33 : i32 to index
        %get3A_44 = arith.constant 16 : index
        %get3A_45 = tpu.vector_load %arg10[%get3A_43, %get3A_44] {strides = array<i32>} : memref<128x256xf32, #tpu.memory_space<vmem>>, vector<16xf32>,
        %mul3A_46 = arith.mulf %get3A_42, %get3A_45 : vector<16xf32>
        %add3A_47 = arith.addf %mul3A_39, %mul3A_46 : vector<16xf32>
        %get3A_48 = arith.index_cast %add3A_33 : i32 to index
        %get3A_49 = arith.constant 32 : index
        %get3A_50 = tpu.vector_load %arg9[%get3A_48, %get3A_49] {strides = array<i32>} : memref<128x256xf32, #tpu.memory_space<vmem>>, vector<16xf32>,
        %get3A_51 = arith.index_cast %add3A_33 : i32 to index
        %get3A_52 = arith.constant 32 : index
        %get3A_53 = tpu.vector_load %arg10[%get3A_51, %get3A_52] {strides = array<i32>} : memref<128x256xf32, #tpu.memory_space<vmem>>, vector<16xf32>,
        %mul3A_54 = arith.mulf %get3A_50, %get3A_53 : vector<16xf32>
        %add3A_55 = arith.addf %add3A_47, %mul3A_54 : vector<16xf32>
        %get3A_56 = arith.index_cast %add3A_33 : i32 to index
        %get3A_57 = arith.constant 48 : index
        %get3A_58 = tpu.vector_load %arg9[%get3A_56, %get3A_57] {strides = array<i32>} : memref<128x256xf32, #tpu.memory_space<vmem>>, vector<16xf32>,
        %get3A_59 = arith.index_cast %add3A_33 : i32 to index
        %get3A_60 = arith.constant 48 : index
        %get3A_61 = tpu.vector_load %arg10[%get3A_59, %get3A_60] {strides = array<i32>} : memref<128x256xf32, #tpu.memory_space<vmem>>, vector<16xf32>,
        %mul3A_62 = arith.mulf %get3A_58, %get3A_61 : vector<16xf32>
        %add3A_63 = arith.addf %add3A_55, %mul3A_62 : vector<16xf32>
        %get3A_64 = arith.index_cast %add3A_33 : i32 to index
        %get3A_65 = arith.constant 64 : index
        %get3A_66 = tpu.vector_load %arg9[%get3A_64, %get3A_65] {strides = array<i32>} : memref<128x256xf32, #tpu.memory_space<vmem>>, vector<16xf32>,
        %get3A_67 = arith.index_cast %add3A_33 : i32 to index
        %get3A_68 = arith.constant 64 : index
        %get3A_69 = tpu.vector_load %arg10[%get3A_67, %get3A_68] {strides = array<i32>} : memref<128x256xf32, #tpu.memory_space<vmem>>, vector<16xf32>,
        %mul3A_70 = arith.mulf %get3A_66, %get3A_69 : vector<16xf32>
        %add3A_71 = arith.addf %add3A_63, %mul3A_70 : vector<16xf32>
        %get3A_72 = arith.index_cast %add3A_33 : i32 to index
        %get3A_73 = arith.constant 80 : index
        %get3A_74 = tpu.vector_load %arg9[%get3A_72, %get3A_73] {strides = array<i32>} : memref<128x256xf32, #tpu.memory_space<vmem>>, vector<16xf32>,
        %get3A_75 = arith.index_cast %add3A_33 : i32 to index
        %get3A_76 = arith.constant 80 : index
        %get3A_77 = tpu.vector_load %arg10[%get3A_75, %get3A_76] {strides = array<i32>} : memref<128x256xf32, #tpu.memory_space<vmem>>, vector<16xf32>,
        %mul3A_78 = arith.mulf %get3A_74, %get3A_77 : vector<16xf32>
        %add3A_79 = arith.addf %add3A_71, %mul3A_78 : vector<16xf32>
        %get3A_80 = arith.index_cast %add3A_33 : i32 to index
        %get3A_81 = arith.constant 96 : index
        %get3A_82 = tpu.vector_load %arg9[%get3A_80, %get3A_81] {strides = array<i32>} : memref<128x256xf32, #tpu.memory_space<vmem>>, vector<16xf32>,
        %get3A_83 = arith.index_cast %add3A_33 : i32 to index
        %get3A_84 = arith.constant 96 : index
        %get3A_85 = tpu.vector_load %arg10[%get3A_83, %get3A_84] {strides = array<i32>} : memref<128x256xf32, #tpu.memory_space<vmem>>, vector<16xf32>,
        %mul3A_86 = arith.mulf %get3A_82, %get3A_85 : vector<16xf32>
        %add3A_87 = arith.addf %add3A_79, %mul3A_86 : vector<16xf32>
        %get3A_88 = arith.index_cast %add3A_33 : i32 to index
        %get3A_89 = arith.constant 112 : index
        %get3A_90 = tpu.vector_load %arg9[%get3A_88, %get3A_89] {strides = array<i32>} : memref<128x256xf32, #tpu.memory_space<vmem>>, vector<16xf32>,
        %get3A_91 = arith.index_cast %add3A_33 : i32 to index
        %get3A_92 = arith.constant 112 : index
        %get3A_93 = tpu.vector_load %arg10[%get3A_91, %get3A_92] {strides = array<i32>} : memref<128x256xf32, #tpu.memory_space<vmem>>, vector<16xf32>,
        %mul3A_94 = arith.mulf %get3A_90, %get3A_93 : vector<16xf32>
        %add3A_95 = arith.addf %add3A_87, %mul3A_94 : vector<16xf32>
        %get3A_96 = arith.index_cast %add3A_33 : i32 to index
        %get3A_97 = arith.constant 128 : index
        %get3A_98 = tpu.vector_load %arg9[%get3A_96, %get3A_97] {strides = array<i32>} : memref<128x256xf32, #tpu.memory_space<vmem>>, vector<16xf32>,
        %get3A_99 = arith.index_cast %add3A_33 : i32 to index
        %get3A_100 = arith.constant 128 : index
        %get3A_101 = tpu.vector_load %arg10[%get3A_99, %get3A_100] {strides = array<i32>} : memref<128x256xf32, #tpu.memory_space<vmem>>, vector<16xf32>,
        %mul3A_102 = arith.mulf %get3A_98, %get3A_101 : vector<16xf32>
        %add3A_103 = arith.addf %add3A_95, %mul3A_102 : vector<16xf32>
        %get3A_104 = arith.index_cast %add3A_33 : i32 to index
        %get3A_105 = arith.constant 144 : index
        %get3A_106 = tpu.vector_load %arg9[%get3A_104, %get3A_105] {strides = array<i32>} : memref<128x256xf32, #tpu.memory_space<vmem>>, vector<16xf32>,
        %get3A_107 = arith.index_cast %add3A_33 : i32 to index
        %get3A_108 = arith.constant 144 : index
        %get3A_109 = tpu.vector_load %arg10[%get3A_107, %get3A_108] {strides = array<i32>} : memref<128x256xf32, #tpu.memory_space<vmem>>, vector<16xf32>,
        %mul3A_110 = arith.mulf %get3A_106, %get3A_109 : vector<16xf32>
        %add3A_111 = arith.addf %add3A_103, %mul3A_110 : vector<16xf32>
        %get3A_112 = arith.index_cast %add3A_33 : i32 to index
        %get3A_113 = arith.constant 160 : index
        %get3A_114 = tpu.vector_load %arg9[%get3A_112, %get3A_113] {strides = array<i32>} : memref<128x256xf32, #tpu.memory_space<vmem>>, vector<16xf32>,
        %get3A_115 = arith.index_cast %add3A_33 : i32 to index
        %get3A_116 = arith.constant 160 : index
        %get3A_117 = tpu.vector_load %arg10[%get3A_115, %get3A_116] {strides = array<i32>} : memref<128x256xf32, #tpu.memory_space<vmem>>, vector<16xf32>,
        %mul3A_118 = arith.mulf %get3A_114, %get3A_117 : vector<16xf32>
        %add3A_119 = arith.addf %add3A_111, %mul3A_118 : vector<16xf32>
        %get3A_120 = arith.index_cast %add3A_33 : i32 to index
        %get3A_121 = arith.constant 176 : index
        %get3A_122 = tpu.vector_load %arg9[%get3A_120, %get3A_121] {strides = array<i32>} : memref<128x256xf32, #tpu.memory_space<vmem>>, vector<16xf32>,
        %get3A_123 = arith.index_cast %add3A_33 : i32 to index
        %get3A_124 = arith.constant 176 : index
        %get3A_125 = tpu.vector_load %arg10[%get3A_123, %get3A_124] {strides = array<i32>} : memref<128x256xf32, #tpu.memory_space<vmem>>, vector<16xf32>,
        %mul3A_126 = arith.mulf %get3A_122, %get3A_125 : vector<16xf32>
        %add3A_127 = arith.addf %add3A_119, %mul3A_126 : vector<16xf32>
        %get3A_128 = arith.index_cast %add3A_33 : i32 to index
        %get3A_129 = arith.constant 192 : index
        %get3A_130 = tpu.vector_load %arg9[%get3A_128, %get3A_129] {strides = array<i32>} : memref<128x256xf32, #tpu.memory_space<vmem>>, vector<16xf32>,
        %get3A_131 = arith.index_cast %add3A_33 : i32 to index
        %get3A_132 = arith.constant 192 : index
        %get3A_133 = tpu.vector_load %arg10[%get3A_131, %get3A_132] {strides = array<i32>} : memref<128x256xf32, #tpu.memory_space<vmem>>, vector<16xf32>,
        %mul3A_134 = arith.mulf %get3A_130, %get3A_133 : vector<16xf32>
        %add3A_135 = arith.addf %add3A_127, %mul3A_134 : vector<16xf32>
        %get3A_136 = arith.index_cast %add3A_33 : i32 to index
        %get3A_137 = arith.constant 208 : index
        %get3A_138 = tpu.vector_load %arg9[%get3A_136, %get3A_137] {strides = array<i32>} : memref<128x256xf32, #tpu.memory_space<vmem>>, vector<16xf32>,
        %get3A_139 = arith.index_cast %add3A_33 : i32 to index
        %get3A_140 = arith.constant 208 : index
        %get3A_141 = tpu.vector_load %arg10[%get3A_139, %get3A_140] {strides = array<i32>} : memref<128x256xf32, #tpu.memory_space<vmem>>, vector<16xf32>,
        %mul3A_142 = arith.mulf %get3A_138, %get3A_141 : vector<16xf32>
        %add3A_143 = arith.addf %add3A_135, %mul3A_142 : vector<16xf32>
        %get3A_144 = arith.index_cast %add3A_33 : i32 to index
        %get3A_145 = arith.constant 224 : index
        %get3A_146 = tpu.vector_load %arg9[%get3A_144, %get3A_145] {strides = array<i32>} : memref<128x256xf32, #tpu.memory_space<vmem>>, vector<16xf32>,
        %get3A_147 = arith.index_cast %add3A_33 : i32 to index
        %get3A_148 = arith.constant 224 : index
        %get3A_149 = tpu.vector_load %arg10[%get3A_147, %get3A_148] {strides = array<i32>} : memref<128x256xf32, #tpu.memory_space<vmem>>, vector<16xf32>,
        %mul3A_150 = arith.mulf %get3A_146, %get3A_149 : vector<16xf32>
        %add3A_151 = arith.addf %add3A_143, %mul3A_150 : vector<16xf32>
        %get3A_152 = arith.index_cast %add3A_33 : i32 to index
        %get3A_153 = arith.constant 240 : index
        %get3A_154 = tpu.vector_load %arg9[%get3A_152, %get3A_153] {strides = array<i32>} : memref<128x256xf32, #tpu.memory_space<vmem>>, vector<16xf32>,
        %get3A_155 = arith.index_cast %add3A_33 : i32 to index
        %get3A_156 = arith.constant 240 : index
        %get3A_157 = tpu.vector_load %arg10[%get3A_155, %get3A_156] {strides = array<i32>} : memref<128x256xf32, #tpu.memory_space<vmem>>, vector<16xf32>,
        %mul3A_158 = arith.mulf %get3A_154, %get3A_157 : vector<16xf32>
        %add3A_159 = arith.addf %add3A_151, %mul3A_158 : vector<16xf32>
        %reduce_sum3A = arith.constant true
        %reduce_sum3A_160 = vector.broadcast %reduce_sum3A : i1 to vector<16xi1>
        %reduce_sum3A_161 = tpu.scan <sum>, %add3A_159 masked %reduce_sum3A_160 : vector<16xf32>, vector<16xi1> -> vector<16xf32>
        %reduce_sum3A_162 = vector.extract %reduce_sum3A_161[15] : f32 from vector<16xf32>
        %eq3A = arith.constant 0 : i32
        %eq3A_163 = vector.broadcast %eq3A : i32 to vector<16xi32>
        %eq3A_164 = arith.cmpi eq, %iota3A, %eq3A_163 : vector<16xi32>
        %broadcast_in_dim3A_165 = vector.broadcast %reduce_sum3A_162 : f32 to vector<16xf32>
        %select_n3A = arith.select %eq3A_164, %broadcast_in_dim3A_165, %broadcast_in_dim3A_29 : vector<16xi1>, vector<16xf32>
        %mul3A_166 = arith.constant 16 : i32
        %mul3A_167 = arith.muli %scan3A_28, %mul3A_166 : i32
        %add3A_168 = arith.constant 1 : i32
        %add3A_169 = arith.addi %mul3A_167, %add3A_168 : i32
        %get3A_170 = arith.index_cast %add3A_169 : i32 to index
        %get3A_171 = arith.constant 0 : index
        %get3A_172 = tpu.vector_load %arg9[%get3A_170, %get3A_171] {strides = array<i32>} : memref<128x256xf32, #tpu.memory_space<vmem>>, vector<16xf32>,
        %get3A_173 = arith.index_cast %add3A_169 : i32 to index
        %get3A_174 = arith.constant 0 : index
        %get3A_175 = tpu.vector_load %arg10[%get3A_173, %get3A_174] {strides = array<i32>} : memref<128x256xf32, #tpu.memory_space<vmem>>, vector<16xf32>,
        %mul3A_176 = arith.mulf %get3A_172, %get3A_175 : vector<16xf32>
        %get3A_177 = arith.index_cast %add3A_169 : i32 to index
        %get3A_178 = arith.constant 16 : index
        %get3A_179 = tpu.vector_load %arg9[%get3A_177, %get3A_178] {strides = array<i32>} : memref<128x256xf32, #tpu.memory_space<vmem>>, vector<16xf32>,
        %get3A_180 = arith.index_cast %add3A_169 : i32 to index
        %get3A_181 = arith.constant 16 : index
        %get3A_182 = tpu.vector_load %arg10[%get3A_180, %get3A_181] {strides = array<i32>} : memref<128x256xf32, #tpu.memory_space<vmem>>, vector<16xf32>,
        %mul3A_183 = arith.mulf %get3A_179, %get3A_182 : vector<16xf32>
        %add3A_184 = arith.addf %mul3A_176, %mul3A_183 : vector<16xf32>
        %get3A_185 = arith.index_cast %add3A_169 : i32 to index
        %get3A_186 = arith.constant 32 : index
        %get3A_187 = tpu.vector_load %arg9[%get3A_185, %get3A_186] {strides = array<i32>} : memref<128x256xf32, #tpu.memory_space<vmem>>, vector<16xf32>,
        %get3A_188 = arith.index_cast %add3A_169 : i32 to index
        %get3A_189 = arith.constant 32 : index
        %get3A_190 = tpu.vector_load %arg10[%get3A_188, %get3A_189] {strides = array<i32>} : memref<128x256xf32, #tpu.memory_space<vmem>>, vector<16xf32>,
        %mul3A_191 = arith.mulf %get3A_187, %get3A_190 : vector<16xf32>
        %add3A_192 = arith.addf %add3A_184, %mul3A_191 : vector<16xf32>
        %get3A_193 = arith.index_cast %add3A_169 : i32 to index
        %get3A_194 = arith.constant 48 : index
        %get3A_195 = tpu.vector_load %arg9[%get3A_193, %get3A_194] {strides = array<i32>} : memref<128x256xf32, #tpu.memory_space<vmem>>, vector<16xf32>,
        %get3A_196 = arith.index_cast %add3A_169 : i32 to index
        %get3A_197 = arith.constant 48 : index
        %get3A_198 = tpu.vector_load %arg10[%get3A_196, %get3A_197] {strides = array<i32>} : memref<128x256xf32, #tpu.memory_space<vmem>>, vector<16xf32>,
        %mul3A_199 = arith.mulf %get3A_195, %get3A_198 : vector<16xf32>
        %add3A_200 = arith.addf %add3A_192, %mul3A_199 : vector<16xf32>
        %get3A_201 = arith.index_cast %add3A_169 : i32 to index
        %get3A_202 = arith.constant 64 : index
        %get3A_203 = tpu.vector_load %arg9[%get3A_201, %get3A_202] {strides = array<i32>} : memref<128x256xf32, #tpu.memory_space<vmem>>, vector<16xf32>,
        %get3A_204 = arith.index_cast %add3A_169 : i32 to index
        %get3A_205 = arith.constant 64 : index
        %get3A_206 = tpu.vector_load %arg10[%get3A_204, %get3A_205] {strides = array<i32>} : memref<128x256xf32, #tpu.memory_space<vmem>>, vector<16xf32>,
        %mul3A_207 = arith.mulf %get3A_203, %get3A_206 : vector<16xf32>
        %add3A_208 = arith.addf %add3A_200, %mul3A_207 : vector<16xf32>
        %get3A_209 = arith.index_cast %add3A_169 : i32 to index
        %get3A_210 = arith.constant 80 : index
        %get3A_211 = tpu.vector_load %arg9[%get3A_209, %get3A_210] {strides = array<i32>} : memref<128x256xf32, #tpu.memory_space<vmem>>, vector<16xf32>,
        %get3A_212 = arith.index_cast %add3A_169 : i32 to index
        %get3A_213 = arith.constant 80 : index
        %get3A_214 = tpu.vector_load %arg10[%get3A_212, %get3A_213] {strides = array<i32>} : memref<128x256xf32, #tpu.memory_space<vmem>>, vector<16xf32>,
        %mul3A_215 = arith.mulf %get3A_211, %get3A_214 : vector<16xf32>
        %add3A_216 = arith.addf %add3A_208, %mul3A_215 : vector<16xf32>
        %get3A_217 = arith.index_cast %add3A_169 : i32 to index
        %get3A_218 = arith.constant 96 : index
        %get3A_219 = tpu.vector_load %arg9[%get3A_217, %get3A_218] {strides = array<i32>} : memref<128x256xf32, #tpu.memory_space<vmem>>, vector<16xf32>,
        %get3A_220 = arith.index_cast %add3A_169 : i32 to index
        %get3A_221 = arith.constant 96 : index
        %get3A_222 = tpu.vector_load %arg10[%get3A_220, %get3A_221] {strides = array<i32>} : memref<128x256xf32, #tpu.memory_space<vmem>>, vector<16xf32>,
        %mul3A_223 = arith.mulf %get3A_219, %get3A_222 : vector<16xf32>
        %add3A_224 = arith.addf %add3A_216, %mul3A_223 : vector<16xf32>
        %get3A_225 = arith.index_cast %add3A_169 : i32 to index
        %get3A_226 = arith.constant 112 : index
        %get3A_227 = tpu.vector_load %arg9[%get3A_225, %get3A_226] {strides = array<i32>} : memref<128x256xf32, #tpu.memory_space<vmem>>, vector<16xf32>,
        %get3A_228 = arith.index_cast %add3A_169 : i32 to index
        %get3A_229 = arith.constant 112 : index
        %get3A_230 = tpu.vector_load %arg10[%get3A_228, %get3A_229] {strides = array<i32>} : memref<128x256xf32, #tpu.memory_space<vmem>>, vector<16xf32>,
        %mul3A_231 = arith.mulf %get3A_227, %get3A_230 : vector<16xf32>
        %add3A_232 = arith.addf %add3A_224, %mul3A_231 : vector<16xf32>
        %get3A_233 = arith.index_cast %add3A_169 : i32 to index
        %get3A_234 = arith.constant 128 : index
        %get3A_235 = tpu.vector_load %arg9[%get3A_233, %get3A_234] {strides = array<i32>} : memref<128x256xf32, #tpu.memory_space<vmem>>, vector<16xf32>,
        %get3A_236 = arith.index_cast %add3A_169 : i32 to index
        %get3A_237 = arith.constant 128 : index
        %get3A_238 = tpu.vector_load %arg10[%get3A_236, %get3A_237] {strides = array<i32>} : memref<128x256xf32, #tpu.memory_space<vmem>>, vector<16xf32>,
        %mul3A_239 = arith.mulf %get3A_235, %get3A_238 : vector<16xf32>
        %add3A_240 = arith.addf %add3A_232, %mul3A_239 : vector<16xf32>
        %get3A_241 = arith.index_cast %add3A_169 : i32 to index
        %get3A_242 = arith.constant 144 : index
        %get3A_243 = tpu.vector_load %arg9[%get3A_241, %get3A_242] {strides = array<i32>} : memref<128x256xf32, #tpu.memory_space<vmem>>, vector<16xf32>,
        %get3A_244 = arith.index_cast %add3A_169 : i32 to index
        %get3A_245 = arith.constant 144 : index
        %get3A_246 = tpu.vector_load %arg10[%get3A_244, %get3A_245] {strides = array<i32>} : memref<128x256xf32, #tpu.memory_space<vmem>>, vector<16xf32>,
        %mul3A_247 = arith.mulf %get3A_243, %get3A_246 : vector<16xf32>
        %add3A_248 = arith.addf %add3A_240, %mul3A_247 : vector<16xf32>
        %get3A_249 = arith.index_cast %add3A_169 : i32 to index
        %get3A_250 = arith.constant 160 : index
        %get3A_251 = tpu.vector_load %arg9[%get3A_249, %get3A_250] {strides = array<i32>} : memref<128x256xf32, #tpu.memory_space<vmem>>, vector<16xf32>,
        %get3A_252 = arith.index_cast %add3A_169 : i32 to index
        %get3A_253 = arith.constant 160 : index
        %get3A_254 = tpu.vector_load %arg10[%get3A_252, %get3A_253] {strides = array<i32>} : memref<128x256xf32, #tpu.memory_space<vmem>>, vector<16xf32>,
        %mul3A_255 = arith.mulf %get3A_251, %get3A_254 : vector<16xf32>
        %add3A_256 = arith.addf %add3A_248, %mul3A_255 : vector<16xf32>
        %get3A_257 = arith.index_cast %add3A_169 : i32 to index
        %get3A_258 = arith.constant 176 : index
        %get3A_259 = tpu.vector_load %arg9[%get3A_257, %get3A_258] {strides = array<i32>} : memref<128x256xf32, #tpu.memory_space<vmem>>, vector<16xf32>,
        %get3A_260 = arith.index_cast %add3A_169 : i32 to index
        %get3A_261 = arith.constant 176 : index
        %get3A_262 = tpu.vector_load %arg10[%get3A_260, %get3A_261] {strides = array<i32>} : memref<128x256xf32, #tpu.memory_space<vmem>>, vector<16xf32>,
        %mul3A_263 = arith.mulf %get3A_259, %get3A_262 : vector<16xf32>
        %add3A_264 = arith.addf %add3A_256, %mul3A_263 : vector<16xf32>
        %get3A_265 = arith.index_cast %add3A_169 : i32 to index
        %get3A_266 = arith.constant 192 : index
        %get3A_267 = tpu.vector_load %arg9[%get3A_265, %get3A_266] {strides = array<i32>} : memref<128x256xf32, #tpu.memory_space<vmem>>, vector<16xf32>,
        %get3A_268 = arith.index_cast %add3A_169 : i32 to index
        %get3A_269 = arith.constant 192 : index
        %get3A_270 = tpu.vector_load %arg10[%get3A_268, %get3A_269] {strides = array<i32>} : memref<128x256xf32, #tpu.memory_space<vmem>>, vector<16xf32>,
        %mul3A_271 = arith.mulf %get3A_267, %get3A_270 : vector<16xf32>
        %add3A_272 = arith.addf %add3A_264, %mul3A_271 : vector<16xf32>
        %get3A_273 = arith.index_cast %add3A_169 : i32 to index
        %get3A_274 = arith.constant 208 : index
        %get3A_275 = tpu.vector_load %arg9[%get3A_273, %get3A_274] {strides = array<i32>} : memref<128x256xf32, #tpu.memory_space<vmem>>, vector<16xf32>,
        %get3A_276 = arith.index_cast %add3A_169 : i32 to index
        %get3A_277 = arith.constant 208 : index
        %get3A_278 = tpu.vector_load %arg10[%get3A_276, %get3A_277] {strides = array<i32>} : memref<128x256xf32, #tpu.memory_space<vmem>>, vector<16xf32>,
        %mul3A_279 = arith.mulf %get3A_275, %get3A_278 : vector<16xf32>
        %add3A_280 = arith.addf %add3A_272, %mul3A_279 : vector<16xf32>
        %get3A_281 = arith.index_cast %add3A_169 : i32 to index
        %get3A_282 = arith.constant 224 : index
        %get3A_283 = tpu.vector_load %arg9[%get3A_281, %get3A_282] {strides = array<i32>} : memref<128x256xf32, #tpu.memory_space<vmem>>, vector<16xf32>,
        %get3A_284 = arith.index_cast %add3A_169 : i32 to index
        %get3A_285 = arith.constant 224 : index
        %get3A_286 = tpu.vector_load %arg10[%get3A_284, %get3A_285] {strides = array<i32>} : memref<128x256xf32, #tpu.memory_space<vmem>>, vector<16xf32>,
        %mul3A_287 = arith.mulf %get3A_283, %get3A_286 : vector<16xf32>
        %add3A_288 = arith.addf %add3A_280, %mul3A_287 : vector<16xf32>
        %get3A_289 = arith.index_cast %add3A_169 : i32 to index
        %get3A_290 = arith.constant 240 : index
        %get3A_291 = tpu.vector_load %arg9[%get3A_289, %get3A_290] {strides = array<i32>} : memref<128x256xf32, #tpu.memory_space<vmem>>, vector<16xf32>,
        %get3A_292 = arith.index_cast %add3A_169 : i32 to index
        %get3A_293 = arith.constant 240 : index
        %get3A_294 = tpu.vector_load %arg10[%get3A_292, %get3A_293] {strides = array<i32>} : memref<128x256xf32, #tpu.memory_space<vmem>>, vector<16xf32>,
        %mul3A_295 = arith.mulf %get3A_291, %get3A_294 : vector<16xf32>
        %add3A_296 = arith.addf %add3A_288, %mul3A_295 : vector<16xf32>
        %reduce_sum3A_297 = arith.constant true
        %reduce_sum3A_298 = vector.broadcast %reduce_sum3A_297 : i1 to vector<16xi1>
        %reduce_sum3A_299 = tpu.scan <sum>, %add3A_296 masked %reduce_sum3A_298 : vector<16xf32>, vector<16xi1> -> vector<16xf32>
        %reduce_sum3A_300 = vector.extract %reduce_sum3A_299[15] : f32 from vector<16xf32>
        %eq3A_301 = arith.constant 1 : i32
        %eq3A_302 = vector.broadcast %eq3A_301 : i32 to vector<16xi32>
        %eq3A_303 = arith.cmpi eq, %iota3A, %eq3A_302 : vector<16xi32>
        %broadcast_in_dim3A_304 = vector.broadcast %reduce_sum3A_300 : f32 to vector<16xf32>
        %select_n3A_305 = arith.select %eq3A_303, %broadcast_in_dim3A_304, %select_n3A : vector<16xi1>, vector<16xf32>
        %mul3A_306 = arith.constant 16 : i32
        %mul3A_307 = arith.muli %scan3A_28, %mul3A_306 : i32
        %add3A_308 = arith.constant 2 : i32
        %add3A_309 = arith.addi %mul3A_307, %add3A_308 : i32
        %get3A_310 = arith.index_cast %add3A_309 : i32 to index
        %get3A_311 = arith.constant 0 : index
        %get3A_312 = tpu.vector_load %arg9[%get3A_310, %get3A_311] {strides = array<i32>} : memref<128x256xf32, #tpu.memory_space<vmem>>, vector<16xf32>,
        %get3A_313 = arith.index_cast %add3A_309 : i32 to index
        %get3A_314 = arith.constant 0 : index
        %get3A_315 = tpu.vector_load %arg10[%get3A_313, %get3A_314] {strides = array<i32>} : memref<128x256xf32, #tpu.memory_space<vmem>>, vector<16xf32>,
        %mul3A_316 = arith.mulf %get3A_312, %get3A_315 : vector<16xf32>
        %get3A_317 = arith.index_cast %add3A_309 : i32 to index
        %get3A_318 = arith.constant 16 : index
        %get3A_319 = tpu.vector_load %arg9[%get3A_317, %get3A_318] {strides = array<i32>} : memref<128x256xf32, #tpu.memory_space<vmem>>, vector<16xf32>,
        %get3A_320 = arith.index_cast %add3A_309 : i32 to index
        %get3A_321 = arith.constant 16 : index
        %get3A_322 = tpu.vector_load %arg10[%get3A_320, %get3A_321] {strides = array<i32>} : memref<128x256xf32, #tpu.memory_space<vmem>>, vector<16xf32>,
        %mul3A_323 = arith.mulf %get3A_319, %get3A_322 : vector<16xf32>
        %add3A_324 = arith.addf %mul3A_316, %mul3A_323 : vector<16xf32>
        %get3A_325 = arith.index_cast %add3A_309 : i32 to index
        %get3A_326 = arith.constant 32 : index
        %get3A_327 = tpu.vector_load %arg9[%get3A_325, %get3A_326] {strides = array<i32>} : memref<128x256xf32, #tpu.memory_space<vmem>>, vector<16xf32>,
        %get3A_328 = arith.index_cast %add3A_309 : i32 to index
        %get3A_329 = arith.constant 32 : index
        %get3A_330 = tpu.vector_load %arg10[%get3A_328, %get3A_329] {strides = array<i32>} : memref<128x256xf32, #tpu.memory_space<vmem>>, vector<16xf32>,
        %mul3A_331 = arith.mulf %get3A_327, %get3A_330 : vector<16xf32>
        %add3A_332 = arith.addf %add3A_324, %mul3A_331 : vector<16xf32>
        %get3A_333 = arith.index_cast %add3A_309 : i32 to index
        %get3A_334 = arith.constant 48 : index
        %get3A_335 = tpu.vector_load %arg9[%get3A_333, %get3A_334] {strides = array<i32>} : memref<128x256xf32, #tpu.memory_space<vmem>>, vector<16xf32>,
        %get3A_336 = arith.index_cast %add3A_309 : i32 to index
        %get3A_337 = arith.constant 48 : index
        %get3A_338 = tpu.vector_load %arg10[%get3A_336, %get3A_337] {strides = array<i32>} : memref<128x256xf32, #tpu.memory_space<vmem>>, vector<16xf32>,
        %mul3A_339 = arith.mulf %get3A_335, %get3A_338 : vector<16xf32>
        %add3A_340 = arith.addf %add3A_332, %mul3A_339 : vector<16xf32>
        %get3A_341 = arith.index_cast %add3A_309 : i32 to index
        %get3A_342 = arith.constant 64 : index
        %get3A_343 = tpu.vector_load %arg9[%get3A_341, %get3A_342] {strides = array<i32>} : memref<128x256xf32, #tpu.memory_space<vmem>>, vector<16xf32>,
        %get3A_344 = arith.index_cast %add3A_309 : i32 to index
        %get3A_345 = arith.constant 64 : index
        %get3A_346 = tpu.vector_load %arg10[%get3A_344, %get3A_345] {strides = array<i32>} : memref<128x256xf32, #tpu.memory_space<vmem>>, vector<16xf32>,
        %mul3A_347 = arith.mulf %get3A_343, %get3A_346 : vector<16xf32>
        %add3A_348 = arith.addf %add3A_340, %mul3A_347 : vector<16xf32>
        %get3A_349 = arith.index_cast %add3A_309 : i32 to index
        %get3A_350 = arith.constant 80 : index
        %get3A_351 = tpu.vector_load %arg9[%get3A_349, %get3A_350] {strides = array<i32>} : memref<128x256xf32, #tpu.memory_space<vmem>>, vector<16xf32>,
        %get3A_352 = arith.index_cast %add3A_309 : i32 to index
        %get3A_353 = arith.constant 80 : index
        %get3A_354 = tpu.vector_load %arg10[%get3A_352, %get3A_353] {strides = array<i32>} : memref<128x256xf32, #tpu.memory_space<vmem>>, vector<16xf32>,
        %mul3A_355 = arith.mulf %get3A_351, %get3A_354 : vector<16xf32>
        %add3A_356 = arith.addf %add3A_348, %mul3A_355 : vector<16xf32>
        %get3A_357 = arith.index_cast %add3A_309 : i32 to index
        %get3A_358 = arith.constant 96 : index
        %get3A_359 = tpu.vector_load %arg9[%get3A_357, %get3A_358] {strides = array<i32>} : memref<128x256xf32, #tpu.memory_space<vmem>>, vector<16xf32>,
        %get3A_360 = arith.index_cast %add3A_309 : i32 to index
        %get3A_361 = arith.constant 96 : index
        %get3A_362 = tpu.vector_load %arg10[%get3A_360, %get3A_361] {strides = array<i32>} : memref<128x256xf32, #tpu.memory_space<vmem>>, vector<16xf32>,
        %mul3A_363 = arith.mulf %get3A_359, %get3A_362 : vector<16xf32>
        %add3A_364 = arith.addf %add3A_356, %mul3A_363 : vector<16xf32>
        %get3A_365 = arith.index_cast %add3A_309 : i32 to index
        %get3A_366 = arith.constant 112 : index
        %get3A_367 = tpu.vector_load %arg9[%get3A_365, %get3A_366] {strides = array<i32>} : memref<128x256xf32, #tpu.memory_space<vmem>>, vector<16xf32>,
        %get3A_368 = arith.index_cast %add3A_309 : i32 to index
        %get3A_369 = arith.constant 112 : index
        %get3A_370 = tpu.vector_load %arg10[%get3A_368, %get3A_369] {strides = array<i32>} : memref<128x256xf32, #tpu.memory_space<vmem>>, vector<16xf32>,
        %mul3A_371 = arith.mulf %get3A_367, %get3A_370 : vector<16xf32>
        %add3A_372 = arith.addf %add3A_364, %mul3A_371 : vector<16xf32>
        %get3A_373 = arith.index_cast %add3A_309 : i32 to index
        %get3A_374 = arith.constant 128 : index
        %get3A_375 = tpu.vector_load %arg9[%get3A_373, %get3A_374] {strides = array<i32>} : memref<128x256xf32, #tpu.memory_space<vmem>>, vector<16xf32>,
        %get3A_376 = arith.index_cast %add3A_309 : i32 to index
        %get3A_377 = arith.constant 128 : index
        %get3A_378 = tpu.vector_load %arg10[%get3A_376, %get3A_377] {strides = array<i32>} : memref<128x256xf32, #tpu.memory_space<vmem>>, vector<16xf32>,
        %mul3A_379 = arith.mulf %get3A_375, %get3A_378 : vector<16xf32>
        %add3A_380 = arith.addf %add3A_372, %mul3A_379 : vector<16xf32>
        %get3A_381 = arith.index_cast %add3A_309 : i32 to index
        %get3A_382 = arith.constant 144 : index
        %get3A_383 = tpu.vector_load %arg9[%get3A_381, %get3A_382] {strides = array<i32>} : memref<128x256xf32, #tpu.memory_space<vmem>>, vector<16xf32>,
        %get3A_384 = arith.index_cast %add3A_309 : i32 to index
        %get3A_385 = arith.constant 144 : index
        %get3A_386 = tpu.vector_load %arg10[%get3A_384, %get3A_385] {strides = array<i32>} : memref<128x256xf32, #tpu.memory_space<vmem>>, vector<16xf32>,
        %mul3A_387 = arith.mulf %get3A_383, %get3A_386 : vector<16xf32>
        %add3A_388 = arith.addf %add3A_380, %mul3A_387 : vector<16xf32>
        %get3A_389 = arith.index_cast %add3A_309 : i32 to index
        %get3A_390 = arith.constant 160 : index
        %get3A_391 = tpu.vector_load %arg9[%get3A_389, %get3A_390] {strides = array<i32>} : memref<128x256xf32, #tpu.memory_space<vmem>>, vector<16xf32>,
        %get3A_392 = arith.index_cast %add3A_309 : i32 to index
        %get3A_393 = arith.constant 160 : index
        %get3A_394 = tpu.vector_load %arg10[%get3A_392, %get3A_393] {strides = array<i32>} : memref<128x256xf32, #tpu.memory_space<vmem>>, vector<16xf32>,
        %mul3A_395 = arith.mulf %get3A_391, %get3A_394 : vector<16xf32>
        %add3A_396 = arith.addf %add3A_388, %mul3A_395 : vector<16xf32>
        %get3A_397 = arith.index_cast %add3A_309 : i32 to index
        %get3A_398 = arith.constant 176 : index
        %get3A_399 = tpu.vector_load %arg9[%get3A_397, %get3A_398] {strides = array<i32>} : memref<128x256xf32, #tpu.memory_space<vmem>>, vector<16xf32>,
        %get3A_400 = arith.index_cast %add3A_309 : i32 to index
        %get3A_401 = arith.constant 176 : index
        %get3A_402 = tpu.vector_load %arg10[%get3A_400, %get3A_401] {strides = array<i32>} : memref<128x256xf32, #tpu.memory_space<vmem>>, vector<16xf32>,
        %mul3A_403 = arith.mulf %get3A_399, %get3A_402 : vector<16xf32>
        %add3A_404 = arith.addf %add3A_396, %mul3A_403 : vector<16xf32>
        %get3A_405 = arith.index_cast %add3A_309 : i32 to index
        %get3A_406 = arith.constant 192 : index
        %get3A_407 = tpu.vector_load %arg9[%get3A_405, %get3A_406] {strides = array<i32>} : memref<128x256xf32, #tpu.memory_space<vmem>>, vector<16xf32>,
        %get3A_408 = arith.index_cast %add3A_309 : i32 to index
        %get3A_409 = arith.constant 192 : index
        %get3A_410 = tpu.vector_load %arg10[%get3A_408, %get3A_409] {strides = array<i32>} : memref<128x256xf32, #tpu.memory_space<vmem>>, vector<16xf32>,
        %mul3A_411 = arith.mulf %get3A_407, %get3A_410 : vector<16xf32>
        %add3A_412 = arith.addf %add3A_404, %mul3A_411 : vector<16xf32>
        %get3A_413 = arith.index_cast %add3A_309 : i32 to index
        %get3A_414 = arith.constant 208 : index
        %get3A_415 = tpu.vector_load %arg9[%get3A_413, %get3A_414] {strides = array<i32>} : memref<128x256xf32, #tpu.memory_space<vmem>>, vector<16xf32>,
        %get3A_416 = arith.index_cast %add3A_309 : i32 to index
        %get3A_417 = arith.constant 208 : index
        %get3A_418 = tpu.vector_load %arg10[%get3A_416, %get3A_417] {strides = array<i32>} : memref<128x256xf32, #tpu.memory_space<vmem>>, vector<16xf32>,
        %mul3A_419 = arith.mulf %get3A_415, %get3A_418 : vector<16xf32>
        %add3A_420 = arith.addf %add3A_412, %mul3A_419 : vector<16xf32>
        %get3A_421 = arith.index_cast %add3A_309 : i32 to index
        %get3A_422 = arith.constant 224 : index
        %get3A_423 = tpu.vector_load %arg9[%get3A_421, %get3A_422] {strides = array<i32>} : memref<128x256xf32, #tpu.memory_space<vmem>>, vector<16xf32>,
        %get3A_424 = arith.index_cast %add3A_309 : i32 to index
        %get3A_425 = arith.constant 224 : index
        %get3A_426 = tpu.vector_load %arg10[%get3A_424, %get3A_425] {strides = array<i32>} : memref<128x256xf32, #tpu.memory_space<vmem>>, vector<16xf32>,
        %mul3A_427 = arith.mulf %get3A_423, %get3A_426 : vector<16xf32>
        %add3A_428 = arith.addf %add3A_420, %mul3A_427 : vector<16xf32>
        %get3A_429 = arith.index_cast %add3A_309 : i32 to index
        %get3A_430 = arith.constant 240 : index
        %get3A_431 = tpu.vector_load %arg9[%get3A_429, %get3A_430] {strides = array<i32>} : memref<128x256xf32, #tpu.memory_space<vmem>>, vector<16xf32>,
        %get3A_432 = arith.index_cast %add3A_309 : i32 to index
        %get3A_433 = arith.constant 240 : index
        %get3A_434 = tpu.vector_load %arg10[%get3A_432, %get3A_433] {strides = array<i32>} : memref<128x256xf32, #tpu.memory_space<vmem>>, vector<16xf32>,
        %mul3A_435 = arith.mulf %get3A_431, %get3A_434 : vector<16xf32>
        %add3A_436 = arith.addf %add3A_428, %mul3A_435 : vector<16xf32>
        %reduce_sum3A_437 = arith.constant true
        %reduce_sum3A_438 = vector.broadcast %reduce_sum3A_437 : i1 to vector<16xi1>
        %reduce_sum3A_439 = tpu.scan <sum>, %add3A_436 masked %reduce_sum3A_438 : vector<16xf32>, vector<16xi1> -> vector<16xf32>
        %reduce_sum3A_440 = vector.extract %reduce_sum3A_439[15] : f32 from vector<16xf32>
        %eq3A_441 = arith.constant 2 : i32
        %eq3A_442 = vector.broadcast %eq3A_441 : i32 to vector<16xi32>
        %eq3A_443 = arith.cmpi eq, %iota3A, %eq3A_442 : vector<16xi32>
        %broadcast_in_dim3A_444 = vector.broadcast %reduce_sum3A_440 : f32 to vector<16xf32>
        %select_n3A_445 = arith.select %eq3A_443, %broadcast_in_dim3A_444, %select_n3A_305 : vector<16xi1>, vector<16xf32>
        %mul3A_446 = arith.constant 16 : i32
        %mul3A_447 = arith.muli %scan3A_28, %mul3A_446 : i32
        %add3A_448 = arith.constant 3 : i32
        %add3A_449 = arith.addi %mul3A_447, %add3A_448 : i32
        %get3A_450 = arith.index_cast %add3A_449 : i32 to index
        %get3A_451 = arith.constant 0 : index
        %get3A_452 = tpu.vector_load %arg9[%get3A_450, %get3A_451] {strides = array<i32>} : memref<128x256xf32, #tpu.memory_space<vmem>>, vector<16xf32>,
        %get3A_453 = arith.index_cast %add3A_449 : i32 to index
        %get3A_454 = arith.constant 0 : index
        %get3A_455 = tpu.vector_load %arg10[%get3A_453, %get3A_454] {strides = array<i32>} : memref<128x256xf32, #tpu.memory_space<vmem>>, vector<16xf32>,
        %mul3A_456 = arith.mulf %get3A_452, %get3A_455 : vector<16xf32>
        %get3A_457 = arith.index_cast %add3A_449 : i32 to index
        %get3A_458 = arith.constant 16 : index
        %get3A_459 = tpu.vector_load %arg9[%get3A_457, %get3A_458] {strides = array<i32>} : memref<128x256xf32, #tpu.memory_space<vmem>>, vector<16xf32>,
        %get3A_460 = arith.index_cast %add3A_449 : i32 to index
        %get3A_461 = arith.constant 16 : index
        %get3A_462 = tpu.vector_load %arg10[%get3A_460, %get3A_461] {strides = array<i32>} : memref<128x256xf32, #tpu.memory_space<vmem>>, vector<16xf32>,
        %mul3A_463 = arith.mulf %get3A_459, %get3A_462 : vector<16xf32>
        %add3A_464 = arith.addf %mul3A_456, %mul3A_463 : vector<16xf32>
        %get3A_465 = arith.index_cast %add3A_449 : i32 to index
        %get3A_466 = arith.constant 32 : index
        %get3A_467 = tpu.vector_load %arg9[%get3A_465, %get3A_466] {strides = array<i32>} : memref<128x256xf32, #tpu.memory_space<vmem>>, vector<16xf32>,
        %get3A_468 = arith.index_cast %add3A_449 : i32 to index
        %get3A_469 = arith.constant 32 : index
        %get3A_470 = tpu.vector_load %arg10[%get3A_468, %get3A_469] {strides = array<i32>} : memref<128x256xf32, #tpu.memory_space<vmem>>, vector<16xf32>,
        %mul3A_471 = arith.mulf %get3A_467, %get3A_470 : vector<16xf32>
        %add3A_472 = arith.addf %add3A_464, %mul3A_471 : vector<16xf32>
        %get3A_473 = arith.index_cast %add3A_449 : i32 to index
        %get3A_474 = arith.constant 48 : index
        %get3A_475 = tpu.vector_load %arg9[%get3A_473, %get3A_474] {strides = array<i32>} : memref<128x256xf32, #tpu.memory_space<vmem>>, vector<16xf32>,
        %get3A_476 = arith.index_cast %add3A_449 : i32 to index
        %get3A_477 = arith.constant 48 : index
        %get3A_478 = tpu.vector_load %arg10[%get3A_476, %get3A_477] {strides = array<i32>} : memref<128x256xf32, #tpu.memory_space<vmem>>, vector<16xf32>,
        %mul3A_479 = arith.mulf %get3A_475, %get3A_478 : vector<16xf32>
        %add3A_480 = arith.addf %add3A_472, %mul3A_479 : vector<16xf32>
        %get3A_481 = arith.index_cast %add3A_449 : i32 to index
        %get3A_482 = arith.constant 64 : index
        %get3A_483 = tpu.vector_load %arg9[%get3A_481, %get3A_482] {strides = array<i32>} : memref<128x256xf32, #tpu.memory_space<vmem>>, vector<16xf32>,
        %get3A_484 = arith.index_cast %add3A_449 : i32 to index
        %get3A_485 = arith.constant 64 : index
        %get3A_486 = tpu.vector_load %arg10[%get3A_484, %get3A_485] {strides = array<i32>} : memref<128x256xf32, #tpu.memory_space<vmem>>, vector<16xf32>,
        %mul3A_487 = arith.mulf %get3A_483, %get3A_486 : vector<16xf32>
        %add3A_488 = arith.addf %add3A_480, %mul3A_487 : vector<16xf32>
        %get3A_489 = arith.index_cast %add3A_449 : i32 to index
        %get3A_490 = arith.constant 80 : index
        %get3A_491 = tpu.vector_load %arg9[%get3A_489, %get3A_490] {strides = array<i32>} : memref<128x256xf32, #tpu.memory_space<vmem>>, vector<16xf32>,
        %get3A_492 = arith.index_cast %add3A_449 : i32 to index
        %get3A_493 = arith.constant 80 : index
        %get3A_494 = tpu.vector_load %arg10[%get3A_492, %get3A_493] {strides = array<i32>} : memref<128x256xf32, #tpu.memory_space<vmem>>, vector<16xf32>,
        %mul3A_495 = arith.mulf %get3A_491, %get3A_494 : vector<16xf32>
        %add3A_496 = arith.addf %add3A_488, %mul3A_495 : vector<16xf32>
        %get3A_497 = arith.index_cast %add3A_449 : i32 to index
        %get3A_498 = arith.constant 96 : index
        %get3A_499 = tpu.vector_load %arg9[%get3A_497, %get3A_498] {strides = array<i32>} : memref<128x256xf32, #tpu.memory_space<vmem>>, vector<16xf32>,
        %get3A_500 = arith.index_cast %add3A_449 : i32 to index
        %get3A_501 = arith.constant 96 : index
        %get3A_502 = tpu.vector_load %arg10[%get3A_500, %get3A_501] {strides = array<i32>} : memref<128x256xf32, #tpu.memory_space<vmem>>, vector<16xf32>,
        %mul3A_503 = arith.mulf %get3A_499, %get3A_502 : vector<16xf32>
        %add3A_504 = arith.addf %add3A_496, %mul3A_503 : vector<16xf32>
        %get3A_505 = arith.index_cast %add3A_449 : i32 to index
        %get3A_506 = arith.constant 112 : index
        %get3A_507 = tpu.vector_load %arg9[%get3A_505, %get3A_506] {strides = array<i32>} : memref<128x256xf32, #tpu.memory_space<vmem>>, vector<16xf32>,
        %get3A_508 = arith.index_cast %add3A_449 : i32 to index
        %get3A_509 = arith.constant 112 : index
        %get3A_510 = tpu.vector_load %arg10[%get3A_508, %get3A_509] {strides = array<i32>} : memref<128x256xf32, #tpu.memory_space<vmem>>, vector<16xf32>,
        %mul3A_511 = arith.mulf %get3A_507, %get3A_510 : vector<16xf32>
        %add3A_512 = arith.addf %add3A_504, %mul3A_511 : vector<16xf32>
        %get3A_513 = arith.index_cast %add3A_449 : i32 to index
        %get3A_514 = arith.constant 128 : index
        %get3A_515 = tpu.vector_load %arg9[%get3A_513, %get3A_514] {strides = array<i32>} : memref<128x256xf32, #tpu.memory_space<vmem>>, vector<16xf32>,
        %get3A_516 = arith.index_cast %add3A_449 : i32 to index
        %get3A_517 = arith.constant 128 : index
        %get3A_518 = tpu.vector_load %arg10[%get3A_516, %get3A_517] {strides = array<i32>} : memref<128x256xf32, #tpu.memory_space<vmem>>, vector<16xf32>,
        %mul3A_519 = arith.mulf %get3A_515, %get3A_518 : vector<16xf32>
        %add3A_520 = arith.addf %add3A_512, %mul3A_519 : vector<16xf32>
        %get3A_521 = arith.index_cast %add3A_449 : i32 to index
        %get3A_522 = arith.constant 144 : index
        %get3A_523 = tpu.vector_load %arg9[%get3A_521, %get3A_522] {strides = array<i32>} : memref<128x256xf32, #tpu.memory_space<vmem>>, vector<16xf32>,
        %get3A_524 = arith.index_cast %add3A_449 : i32 to index
        %get3A_525 = arith.constant 144 : index
        %get3A_526 = tpu.vector_load %arg10[%get3A_524, %get3A_525] {strides = array<i32>} : memref<128x256xf32, #tpu.memory_space<vmem>>, vector<16xf32>,
        %mul3A_527 = arith.mulf %get3A_523, %get3A_526 : vector<16xf32>
        %add3A_528 = arith.addf %add3A_520, %mul3A_527 : vector<16xf32>
        %get3A_529 = arith.index_cast %add3A_449 : i32 to index
        %get3A_530 = arith.constant 160 : index
        %get3A_531 = tpu.vector_load %arg9[%get3A_529, %get3A_530] {strides = array<i32>} : memref<128x256xf32, #tpu.memory_space<vmem>>, vector<16xf32>,
        %get3A_532 = arith.index_cast %add3A_449 : i32 to index
        %get3A_533 = arith.constant 160 : index
        %get3A_534 = tpu.vector_load %arg10[%get3A_532, %get3A_533] {strides = array<i32>} : memref<128x256xf32, #tpu.memory_space<vmem>>, vector<16xf32>,
        %mul3A_535 = arith.mulf %get3A_531, %get3A_534 : vector<16xf32>
        %add3A_536 = arith.addf %add3A_528, %mul3A_535 : vector<16xf32>
        %get3A_537 = arith.index_cast %add3A_449 : i32 to index
        %get3A_538 = arith.constant 176 : index
        %get3A_539 = tpu.vector_load %arg9[%get3A_537, %get3A_538] {strides = array<i32>} : memref<128x256xf32, #tpu.memory_space<vmem>>, vector<16xf32>,
        %get3A_540 = arith.index_cast %add3A_449 : i32 to index
        %get3A_541 = arith.constant 176 : index
        %get3A_542 = tpu.vector_load %arg10[%get3A_540, %get3A_541] {strides = array<i32>} : memref<128x256xf32, #tpu.memory_space<vmem>>, vector<16xf32>,
        %mul3A_543 = arith.mulf %get3A_539, %get3A_542 : vector<16xf32>
        %add3A_544 = arith.addf %add3A_536, %mul3A_543 : vector<16xf32>
        %get3A_545 = arith.index_cast %add3A_449 : i32 to index
        %get3A_546 = arith.constant 192 : index
        %get3A_547 = tpu.vector_load %arg9[%get3A_545, %get3A_546] {strides = array<i32>} : memref<128x256xf32, #tpu.memory_space<vmem>>, vector<16xf32>,
        %get3A_548 = arith.index_cast %add3A_449 : i32 to index
        %get3A_549 = arith.constant 192 : index
        %get3A_550 = tpu.vector_load %arg10[%get3A_548, %get3A_549] {strides = array<i32>} : memref<128x256xf32, #tpu.memory_space<vmem>>, vector<16xf32>,
        %mul3A_551 = arith.mulf %get3A_547, %get3A_550 : vector<16xf32>
        %add3A_552 = arith.addf %add3A_544, %mul3A_551 : vector<16xf32>
        %get3A_553 = arith.index_cast %add3A_449 : i32 to index
        %get3A_554 = arith.constant 208 : index
        %get3A_555 = tpu.vector_load %arg9[%get3A_553, %get3A_554] {strides = array<i32>} : memref<128x256xf32, #tpu.memory_space<vmem>>, vector<16xf32>,
        %get3A_556 = arith.index_cast %add3A_449 : i32 to index
        %get3A_557 = arith.constant 208 : index
        %get3A_558 = tpu.vector_load %arg10[%get3A_556, %get3A_557] {strides = array<i32>} : memref<128x256xf32, #tpu.memory_space<vmem>>, vector<16xf32>,
        %mul3A_559 = arith.mulf %get3A_555, %get3A_558 : vector<16xf32>
        %add3A_560 = arith.addf %add3A_552, %mul3A_559 : vector<16xf32>
        %get3A_561 = arith.index_cast %add3A_449 : i32 to index
        %get3A_562 = arith.constant 224 : index
        %get3A_563 = tpu.vector_load %arg9[%get3A_561, %get3A_562] {strides = array<i32>} : memref<128x256xf32, #tpu.memory_space<vmem>>, vector<16xf32>,
        %get3A_564 = arith.index_cast %add3A_449 : i32 to index
        %get3A_565 = arith.constant 224 : index
        %get3A_566 = tpu.vector_load %arg10[%get3A_564, %get3A_565] {strides = array<i32>} : memref<128x256xf32, #tpu.memory_space<vmem>>, vector<16xf32>,
        %mul3A_567 = arith.mulf %get3A_563, %get3A_566 : vector<16xf32>
        %add3A_568 = arith.addf %add3A_560, %mul3A_567 : vector<16xf32>
        %get3A_569 = arith.index_cast %add3A_449 : i32 to index
        %get3A_570 = arith.constant 240 : index
        %get3A_571 = tpu.vector_load %arg9[%get3A_569, %get3A_570] {strides = array<i32>} : memref<128x256xf32, #tpu.memory_space<vmem>>, vector<16xf32>,
        %get3A_572 = arith.index_cast %add3A_449 : i32 to index
        %get3A_573 = arith.constant 240 : index
        %get3A_574 = tpu.vector_load %arg10[%get3A_572, %get3A_573] {strides = array<i32>} : memref<128x256xf32, #tpu.memory_space<vmem>>, vector<16xf32>,
        %mul3A_575 = arith.mulf %get3A_571, %get3A_574 : vector<16xf32>
        %add3A_576 = arith.addf %add3A_568, %mul3A_575 : vector<16xf32>
        %reduce_sum3A_577 = arith.constant true
        %reduce_sum3A_578 = vector.broadcast %reduce_sum3A_577 : i1 to vector<16xi1>
        %reduce_sum3A_579 = tpu.scan <sum>, %add3A_576 masked %reduce_sum3A_578 : vector<16xf32>, vector<16xi1> -> vector<16xf32>
        %reduce_sum3A_580 = vector.extract %reduce_sum3A_579[15] : f32 from vector<16xf32>
        %eq3A_581 = arith.constant 3 : i32
        %eq3A_582 = vector.broadcast %eq3A_581 : i32 to vector<16xi32>
        %eq3A_583 = arith.cmpi eq, %iota3A, %eq3A_582 : vector<16xi32>
        %broadcast_in_dim3A_584 = vector.broadcast %reduce_sum3A_580 : f32 to vector<16xf32>
        %select_n3A_585 = arith.select %eq3A_583, %broadcast_in_dim3A_584, %select_n3A_445 : vector<16xi1>, vector<16xf32>
        %mul3A_586 = arith.constant 16 : i32
        %mul3A_587 = arith.muli %scan3A_28, %mul3A_586 : i32
        %add3A_588 = arith.constant 4 : i32
        %add3A_589 = arith.addi %mul3A_587, %add3A_588 : i32
        %get3A_590 = arith.index_cast %add3A_589 : i32 to index
        %get3A_591 = arith.constant 0 : index
        %get3A_592 = tpu.vector_load %arg9[%get3A_590, %get3A_591] {strides = array<i32>} : memref<128x256xf32, #tpu.memory_space<vmem>>, vector<16xf32>,
        %get3A_593 = arith.index_cast %add3A_589 : i32 to index
        %get3A_594 = arith.constant 0 : index
        %get3A_595 = tpu.vector_load %arg10[%get3A_593, %get3A_594] {strides = array<i32>} : memref<128x256xf32, #tpu.memory_space<vmem>>, vector<16xf32>,
        %mul3A_596 = arith.mulf %get3A_592, %get3A_595 : vector<16xf32>
        %get3A_597 = arith.index_cast %add3A_589 : i32 to index
        %get3A_598 = arith.constant 16 : index
        %get3A_599 = tpu.vector_load %arg9[%get3A_597, %get3A_598] {strides = array<i32>} : memref<128x256xf32, #tpu.memory_space<vmem>>, vector<16xf32>,
        %get3A_600 = arith.index_cast %add3A_589 : i32 to index
        %get3A_601 = arith.constant 16 : index
        %get3A_602 = tpu.vector_load %arg10[%get3A_600, %get3A_601] {strides = array<i32>} : memref<128x256xf32, #tpu.memory_space<vmem>>, vector<16xf32>,
        %mul3A_603 = arith.mulf %get3A_599, %get3A_602 : vector<16xf32>
        %add3A_604 = arith.addf %mul3A_596, %mul3A_603 : vector<16xf32>
        %get3A_605 = arith.index_cast %add3A_589 : i32 to index
        %get3A_606 = arith.constant 32 : index
        %get3A_607 = tpu.vector_load %arg9[%get3A_605, %get3A_606] {strides = array<i32>} : memref<128x256xf32, #tpu.memory_space<vmem>>, vector<16xf32>,
        %get3A_608 = arith.index_cast %add3A_589 : i32 to index
        %get3A_609 = arith.constant 32 : index
        %get3A_610 = tpu.vector_load %arg10[%get3A_608, %get3A_609] {strides = array<i32>} : memref<128x256xf32, #tpu.memory_space<vmem>>, vector<16xf32>,
        %mul3A_611 = arith.mulf %get3A_607, %get3A_610 : vector<16xf32>
        %add3A_612 = arith.addf %add3A_604, %mul3A_611 : vector<16xf32>
        %get3A_613 = arith.index_cast %add3A_589 : i32 to index
        %get3A_614 = arith.constant 48 : index
        %get3A_615 = tpu.vector_load %arg9[%get3A_613, %get3A_614] {strides = array<i32>} : memref<128x256xf32, #tpu.memory_space<vmem>>, vector<16xf32>,
        %get3A_616 = arith.index_cast %add3A_589 : i32 to index
        %get3A_617 = arith.constant 48 : index
        %get3A_618 = tpu.vector_load %arg10[%get3A_616, %get3A_617] {strides = array<i32>} : memref<128x256xf32, #tpu.memory_space<vmem>>, vector<16xf32>,
        %mul3A_619 = arith.mulf %get3A_615, %get3A_618 : vector<16xf32>
        %add3A_620 = arith.addf %add3A_612, %mul3A_619 : vector<16xf32>
        %get3A_621 = arith.index_cast %add3A_589 : i32 to index
        %get3A_622 = arith.constant 64 : index
        %get3A_623 = tpu.vector_load %arg9[%get3A_621, %get3A_622] {strides = array<i32>} : memref<128x256xf32, #tpu.memory_space<vmem>>, vector<16xf32>,
        %get3A_624 = arith.index_cast %add3A_589 : i32 to index
        %get3A_625 = arith.constant 64 : index
        %get3A_626 = tpu.vector_load %arg10[%get3A_624, %get3A_625] {strides = array<i32>} : memref<128x256xf32, #tpu.memory_space<vmem>>, vector<16xf32>,
        %mul3A_627 = arith.mulf %get3A_623, %get3A_626 : vector<16xf32>
        %add3A_628 = arith.addf %add3A_620, %mul3A_627 : vector<16xf32>
        %get3A_629 = arith.index_cast %add3A_589 : i32 to index
        %get3A_630 = arith.constant 80 : index
        %get3A_631 = tpu.vector_load %arg9[%get3A_629, %get3A_630] {strides = array<i32>} : memref<128x256xf32, #tpu.memory_space<vmem>>, vector<16xf32>,
        %get3A_632 = arith.index_cast %add3A_589 : i32 to index
        %get3A_633 = arith.constant 80 : index
        %get3A_634 = tpu.vector_load %arg10[%get3A_632, %get3A_633] {strides = array<i32>} : memref<128x256xf32, #tpu.memory_space<vmem>>, vector<16xf32>,
        %mul3A_635 = arith.mulf %get3A_631, %get3A_634 : vector<16xf32>
        %add3A_636 = arith.addf %add3A_628, %mul3A_635 : vector<16xf32>
        %get3A_637 = arith.index_cast %add3A_589 : i32 to index
        %get3A_638 = arith.constant 96 : index
        %get3A_639 = tpu.vector_load %arg9[%get3A_637, %get3A_638] {strides = array<i32>} : memref<128x256xf32, #tpu.memory_space<vmem>>, vector<16xf32>,
        %get3A_640 = arith.index_cast %add3A_589 : i32 to index
        %get3A_641 = arith.constant 96 : index
        %get3A_642 = tpu.vector_load %arg10[%get3A_640, %get3A_641] {strides = array<i32>} : memref<128x256xf32, #tpu.memory_space<vmem>>, vector<16xf32>,
        %mul3A_643 = arith.mulf %get3A_639, %get3A_642 : vector<16xf32>
        %add3A_644 = arith.addf %add3A_636, %mul3A_643 : vector<16xf32>
        %get3A_645 = arith.index_cast %add3A_589 : i32 to index
        %get3A_646 = arith.constant 112 : index
        %get3A_647 = tpu.vector_load %arg9[%get3A_645, %get3A_646] {strides = array<i32>} : memref<128x256xf32, #tpu.memory_space<vmem>>, vector<16xf32>,
        %get3A_648 = arith.index_cast %add3A_589 : i32 to index
        %get3A_649 = arith.constant 112 : index
        %get3A_650 = tpu.vector_load %arg10[%get3A_648, %get3A_649] {strides = array<i32>} : memref<128x256xf32, #tpu.memory_space<vmem>>, vector<16xf32>,
        %mul3A_651 = arith.mulf %get3A_647, %get3A_650 : vector<16xf32>
        %add3A_652 = arith.addf %add3A_644, %mul3A_651 : vector<16xf32>
        %get3A_653 = arith.index_cast %add3A_589 : i32 to index
        %get3A_654 = arith.constant 128 : index
        %get3A_655 = tpu.vector_load %arg9[%get3A_653, %get3A_654] {strides = array<i32>} : memref<128x256xf32, #tpu.memory_space<vmem>>, vector<16xf32>,
        %get3A_656 = arith.index_cast %add3A_589 : i32 to index
        %get3A_657 = arith.constant 128 : index
        %get3A_658 = tpu.vector_load %arg10[%get3A_656, %get3A_657] {strides = array<i32>} : memref<128x256xf32, #tpu.memory_space<vmem>>, vector<16xf32>,
        %mul3A_659 = arith.mulf %get3A_655, %get3A_658 : vector<16xf32>
        %add3A_660 = arith.addf %add3A_652, %mul3A_659 : vector<16xf32>
        %get3A_661 = arith.index_cast %add3A_589 : i32 to index
        %get3A_662 = arith.constant 144 : index
        %get3A_663 = tpu.vector_load %arg9[%get3A_661, %get3A_662] {strides = array<i32>} : memref<128x256xf32, #tpu.memory_space<vmem>>, vector<16xf32>,
        %get3A_664 = arith.index_cast %add3A_589 : i32 to index
        %get3A_665 = arith.constant 144 : index
        %get3A_666 = tpu.vector_load %arg10[%get3A_664, %get3A_665] {strides = array<i32>} : memref<128x256xf32, #tpu.memory_space<vmem>>, vector<16xf32>,
        %mul3A_667 = arith.mulf %get3A_663, %get3A_666 : vector<16xf32>
        %add3A_668 = arith.addf %add3A_660, %mul3A_667 : vector<16xf32>
        %get3A_669 = arith.index_cast %add3A_589 : i32 to index
        %get3A_670 = arith.constant 160 : index
        %get3A_671 = tpu.vector_load %arg9[%get3A_669, %get3A_670] {strides = array<i32>} : memref<128x256xf32, #tpu.memory_space<vmem>>, vector<16xf32>,
        %get3A_672 = arith.index_cast %add3A_589 : i32 to index
        %get3A_673 = arith.constant 160 : index
        %get3A_674 = tpu.vector_load %arg10[%get3A_672, %get3A_673] {strides = array<i32>} : memref<128x256xf32, #tpu.memory_space<vmem>>, vector<16xf32>,
        %mul3A_675 = arith.mulf %get3A_671, %get3A_674 : vector<16xf32>
        %add3A_676 = arith.addf %add3A_668, %mul3A_675 : vector<16xf32>
        %get3A_677 = arith.index_cast %add3A_589 : i32 to index
        %get3A_678 = arith.constant 176 : index
        %get3A_679 = tpu.vector_load %arg9[%get3A_677, %get3A_678] {strides = array<i32>} : memref<128x256xf32, #tpu.memory_space<vmem>>, vector<16xf32>,
        %get3A_680 = arith.index_cast %add3A_589 : i32 to index
        %get3A_681 = arith.constant 176 : index
        %get3A_682 = tpu.vector_load %arg10[%get3A_680, %get3A_681] {strides = array<i32>} : memref<128x256xf32, #tpu.memory_space<vmem>>, vector<16xf32>,
        %mul3A_683 = arith.mulf %get3A_679, %get3A_682 : vector<16xf32>
        %add3A_684 = arith.addf %add3A_676, %mul3A_683 : vector<16xf32>
        %get3A_685 = arith.index_cast %add3A_589 : i32 to index
        %get3A_686 = arith.constant 192 : index
        %get3A_687 = tpu.vector_load %arg9[%get3A_685, %get3A_686] {strides = array<i32>} : memref<128x256xf32, #tpu.memory_space<vmem>>, vector<16xf32>,
        %get3A_688 = arith.index_cast %add3A_589 : i32 to index
        %get3A_689 = arith.constant 192 : index
        %get3A_690 = tpu.vector_load %arg10[%get3A_688, %get3A_689] {strides = array<i32>} : memref<128x256xf32, #tpu.memory_space<vmem>>, vector<16xf32>,
        %mul3A_691 = arith.mulf %get3A_687, %get3A_690 : vector<16xf32>
        %add3A_692 = arith.addf %add3A_684, %mul3A_691 : vector<16xf32>
        %get3A_693 = arith.index_cast %add3A_589 : i32 to index
        %get3A_694 = arith.constant 208 : index
        %get3A_695 = tpu.vector_load %arg9[%get3A_693, %get3A_694] {strides = array<i32>} : memref<128x256xf32, #tpu.memory_space<vmem>>, vector<16xf32>,
        %get3A_696 = arith.index_cast %add3A_589 : i32 to index
        %get3A_697 = arith.constant 208 : index
        %get3A_698 = tpu.vector_load %arg10[%get3A_696, %get3A_697] {strides = array<i32>} : memref<128x256xf32, #tpu.memory_space<vmem>>, vector<16xf32>,
        %mul3A_699 = arith.mulf %get3A_695, %get3A_698 : vector<16xf32>
        %add3A_700 = arith.addf %add3A_692, %mul3A_699 : vector<16xf32>
        %get3A_701 = arith.index_cast %add3A_589 : i32 to index
        %get3A_702 = arith.constant 224 : index
        %get3A_703 = tpu.vector_load %arg9[%get3A_701, %get3A_702] {strides = array<i32>} : memref<128x256xf32, #tpu.memory_space<vmem>>, vector<16xf32>,
        %get3A_704 = arith.index_cast %add3A_589 : i32 to index
        %get3A_705 = arith.constant 224 : index
        %get3A_706 = tpu.vector_load %arg10[%get3A_704, %get3A_705] {strides = array<i32>} : memref<128x256xf32, #tpu.memory_space<vmem>>, vector<16xf32>,
        %mul3A_707 = arith.mulf %get3A_703, %get3A_706 : vector<16xf32>
        %add3A_708 = arith.addf %add3A_700, %mul3A_707 : vector<16xf32>
        %get3A_709 = arith.index_cast %add3A_589 : i32 to index
        %get3A_710 = arith.constant 240 : index
        %get3A_711 = tpu.vector_load %arg9[%get3A_709, %get3A_710] {strides = array<i32>} : memref<128x256xf32, #tpu.memory_space<vmem>>, vector<16xf32>,
        %get3A_712 = arith.index_cast %add3A_589 : i32 to index
        %get3A_713 = arith.constant 240 : index
        %get3A_714 = tpu.vector_load %arg10[%get3A_712, %get3A_713] {strides = array<i32>} : memref<128x256xf32, #tpu.memory_space<vmem>>, vector<16xf32>,
        %mul3A_715 = arith.mulf %get3A_711, %get3A_714 : vector<16xf32>
        %add3A_716 = arith.addf %add3A_708, %mul3A_715 : vector<16xf32>
        %reduce_sum3A_717 = arith.constant true
        %reduce_sum3A_718 = vector.broadcast %reduce_sum3A_717 : i1 to vector<16xi1>
        %reduce_sum3A_719 = tpu.scan <sum>, %add3A_716 masked %reduce_sum3A_718 : vector<16xf32>, vector<16xi1> -> vector<16xf32>
        %reduce_sum3A_720 = vector.extract %reduce_sum3A_719[15] : f32 from vector<16xf32>
        %eq3A_721 = arith.constant 4 : i32
        %eq3A_722 = vector.broadcast %eq3A_721 : i32 to vector<16xi32>
        %eq3A_723 = arith.cmpi eq, %iota3A, %eq3A_722 : vector<16xi32>
        %broadcast_in_dim3A_724 = vector.broadcast %reduce_sum3A_720 : f32 to vector<16xf32>
        %select_n3A_725 = arith.select %eq3A_723, %broadcast_in_dim3A_724, %select_n3A_585 : vector<16xi1>, vector<16xf32>
        %mul3A_726 = arith.constant 16 : i32
        %mul3A_727 = arith.muli %scan3A_28, %mul3A_726 : i32
        %add3A_728 = arith.constant 5 : i32
        %add3A_729 = arith.addi %mul3A_727, %add3A_728 : i32
        %get3A_730 = arith.index_cast %add3A_729 : i32 to index
        %get3A_731 = arith.constant 0 : index
        %get3A_732 = tpu.vector_load %arg9[%get3A_730, %get3A_731] {strides = array<i32>} : memref<128x256xf32, #tpu.memory_space<vmem>>, vector<16xf32>,
        %get3A_733 = arith.index_cast %add3A_729 : i32 to index
        %get3A_734 = arith.constant 0 : index
        %get3A_735 = tpu.vector_load %arg10[%get3A_733, %get3A_734] {strides = array<i32>} : memref<128x256xf32, #tpu.memory_space<vmem>>, vector<16xf32>,
        %mul3A_736 = arith.mulf %get3A_732, %get3A_735 : vector<16xf32>
        %get3A_737 = arith.index_cast %add3A_729 : i32 to index
        %get3A_738 = arith.constant 16 : index
        %get3A_739 = tpu.vector_load %arg9[%get3A_737, %get3A_738] {strides = array<i32>} : memref<128x256xf32, #tpu.memory_space<vmem>>, vector<16xf32>,
        %get3A_740 = arith.index_cast %add3A_729 : i32 to index
        %get3A_741 = arith.constant 16 : index
        %get3A_742 = tpu.vector_load %arg10[%get3A_740, %get3A_741] {strides = array<i32>} : memref<128x256xf32, #tpu.memory_space<vmem>>, vector<16xf32>,
        %mul3A_743 = arith.mulf %get3A_739, %get3A_742 : vector<16xf32>
        %add3A_744 = arith.addf %mul3A_736, %mul3A_743 : vector<16xf32>
        %get3A_745 = arith.index_cast %add3A_729 : i32 to index
        %get3A_746 = arith.constant 32 : index
        %get3A_747 = tpu.vector_load %arg9[%get3A_745, %get3A_746] {strides = array<i32>} : memref<128x256xf32, #tpu.memory_space<vmem>>, vector<16xf32>,
        %get3A_748 = arith.index_cast %add3A_729 : i32 to index
        %get3A_749 = arith.constant 32 : index
        %get3A_750 = tpu.vector_load %arg10[%get3A_748, %get3A_749] {strides = array<i32>} : memref<128x256xf32, #tpu.memory_space<vmem>>, vector<16xf32>,
        %mul3A_751 = arith.mulf %get3A_747, %get3A_750 : vector<16xf32>
        %add3A_752 = arith.addf %add3A_744, %mul3A_751 : vector<16xf32>
        %get3A_753 = arith.index_cast %add3A_729 : i32 to index
        %get3A_754 = arith.constant 48 : index
        %get3A_755 = tpu.vector_load %arg9[%get3A_753, %get3A_754] {strides = array<i32>} : memref<128x256xf32, #tpu.memory_space<vmem>>, vector<16xf32>,
        %get3A_756 = arith.index_cast %add3A_729 : i32 to index
        %get3A_757 = arith.constant 48 : index
        %get3A_758 = tpu.vector_load %arg10[%get3A_756, %get3A_757] {strides = array<i32>} : memref<128x256xf32, #tpu.memory_space<vmem>>, vector<16xf32>,
        %mul3A_759 = arith.mulf %get3A_755, %get3A_758 : vector<16xf32>
        %add3A_760 = arith.addf %add3A_752, %mul3A_759 : vector<16xf32>
        %get3A_761 = arith.index_cast %add3A_729 : i32 to index
        %get3A_762 = arith.constant 64 : index
        %get3A_763 = tpu.vector_load %arg9[%get3A_761, %get3A_762] {strides = array<i32>} : memref<128x256xf32, #tpu.memory_space<vmem>>, vector<16xf32>,
        %get3A_764 = arith.index_cast %add3A_729 : i32 to index
        %get3A_765 = arith.constant 64 : index
        %get3A_766 = tpu.vector_load %arg10[%get3A_764, %get3A_765] {strides = array<i32>} : memref<128x256xf32, #tpu.memory_space<vmem>>, vector<16xf32>,
        %mul3A_767 = arith.mulf %get3A_763, %get3A_766 : vector<16xf32>
        %add3A_768 = arith.addf %add3A_760, %mul3A_767 : vector<16xf32>
        %get3A_769 = arith.index_cast %add3A_729 : i32 to index
        %get3A_770 = arith.constant 80 : index
        %get3A_771 = tpu.vector_load %arg9[%get3A_769, %get3A_770] {strides = array<i32>} : memref<128x256xf32, #tpu.memory_space<vmem>>, vector<16xf32>,
        %get3A_772 = arith.index_cast %add3A_729 : i32 to index
        %get3A_773 = arith.constant 80 : index
        %get3A_774 = tpu.vector_load %arg10[%get3A_772, %get3A_773] {strides = array<i32>} : memref<128x256xf32, #tpu.memory_space<vmem>>, vector<16xf32>,
        %mul3A_775 = arith.mulf %get3A_771, %get3A_774 : vector<16xf32>
        %add3A_776 = arith.addf %add3A_768, %mul3A_775 : vector<16xf32>
        %get3A_777 = arith.index_cast %add3A_729 : i32 to index
        %get3A_778 = arith.constant 96 : index
        %get3A_779 = tpu.vector_load %arg9[%get3A_777, %get3A_778] {strides = array<i32>} : memref<128x256xf32, #tpu.memory_space<vmem>>, vector<16xf32>,
        %get3A_780 = arith.index_cast %add3A_729 : i32 to index
        %get3A_781 = arith.constant 96 : index
        %get3A_782 = tpu.vector_load %arg10[%get3A_780, %get3A_781] {strides = array<i32>} : memref<128x256xf32, #tpu.memory_space<vmem>>, vector<16xf32>,
        %mul3A_783 = arith.mulf %get3A_779, %get3A_782 : vector<16xf32>
        %add3A_784 = arith.addf %add3A_776, %mul3A_783 : vector<16xf32>
        %get3A_785 = arith.index_cast %add3A_729 : i32 to index
        %get3A_786 = arith.constant 112 : index
        %get3A_787 = tpu.vector_load %arg9[%get3A_785, %get3A_786] {strides = array<i32>} : memref<128x256xf32, #tpu.memory_space<vmem>>, vector<16xf32>,
        %get3A_788 = arith.index_cast %add3A_729 : i32 to index
        %get3A_789 = arith.constant 112 : index
        %get3A_790 = tpu.vector_load %arg10[%get3A_788, %get3A_789] {strides = array<i32>} : memref<128x256xf32, #tpu.memory_space<vmem>>, vector<16xf32>,
        %mul3A_791 = arith.mulf %get3A_787, %get3A_790 : vector<16xf32>
        %add3A_792 = arith.addf %add3A_784, %mul3A_791 : vector<16xf32>
        %get3A_793 = arith.index_cast %add3A_729 : i32 to index
        %get3A_794 = arith.constant 128 : index
        %get3A_795 = tpu.vector_load %arg9[%get3A_793, %get3A_794] {strides = array<i32>} : memref<128x256xf32, #tpu.memory_space<vmem>>, vector<16xf32>,
        %get3A_796 = arith.index_cast %add3A_729 : i32 to index
        %get3A_797 = arith.constant 128 : index
        %get3A_798 = tpu.vector_load %arg10[%get3A_796, %get3A_797] {strides = array<i32>} : memref<128x256xf32, #tpu.memory_space<vmem>>, vector<16xf32>,
        %mul3A_799 = arith.mulf %get3A_795, %get3A_798 : vector<16xf32>
        %add3A_800 = arith.addf %add3A_792, %mul3A_799 : vector<16xf32>
        %get3A_801 = arith.index_cast %add3A_729 : i32 to index
        %get3A_802 = arith.constant 144 : index
        %get3A_803 = tpu.vector_load %arg9[%get3A_801, %get3A_802] {strides = array<i32>} : memref<128x256xf32, #tpu.memory_space<vmem>>, vector<16xf32>,
        %get3A_804 = arith.index_cast %add3A_729 : i32 to index
        %get3A_805 = arith.constant 144 : index
        %get3A_806 = tpu.vector_load %arg10[%get3A_804, %get3A_805] {strides = array<i32>} : memref<128x256xf32, #tpu.memory_space<vmem>>, vector<16xf32>,
        %mul3A_807 = arith.mulf %get3A_803, %get3A_806 : vector<16xf32>
        %add3A_808 = arith.addf %add3A_800, %mul3A_807 : vector<16xf32>
        %get3A_809 = arith.index_cast %add3A_729 : i32 to index
        %get3A_810 = arith.constant 160 : index
        %get3A_811 = tpu.vector_load %arg9[%get3A_809, %get3A_810] {strides = array<i32>} : memref<128x256xf32, #tpu.memory_space<vmem>>, vector<16xf32>,
        %get3A_812 = arith.index_cast %add3A_729 : i32 to index
        %get3A_813 = arith.constant 160 : index
        %get3A_814 = tpu.vector_load %arg10[%get3A_812, %get3A_813] {strides = array<i32>} : memref<128x256xf32, #tpu.memory_space<vmem>>, vector<16xf32>,
        %mul3A_815 = arith.mulf %get3A_811, %get3A_814 : vector<16xf32>
        %add3A_816 = arith.addf %add3A_808, %mul3A_815 : vector<16xf32>
        %get3A_817 = arith.index_cast %add3A_729 : i32 to index
        %get3A_818 = arith.constant 176 : index
        %get3A_819 = tpu.vector_load %arg9[%get3A_817, %get3A_818] {strides = array<i32>} : memref<128x256xf32, #tpu.memory_space<vmem>>, vector<16xf32>,
        %get3A_820 = arith.index_cast %add3A_729 : i32 to index
        %get3A_821 = arith.constant 176 : index
        %get3A_822 = tpu.vector_load %arg10[%get3A_820, %get3A_821] {strides = array<i32>} : memref<128x256xf32, #tpu.memory_space<vmem>>, vector<16xf32>,
        %mul3A_823 = arith.mulf %get3A_819, %get3A_822 : vector<16xf32>
        %add3A_824 = arith.addf %add3A_816, %mul3A_823 : vector<16xf32>
        %get3A_825 = arith.index_cast %add3A_729 : i32 to index
        %get3A_826 = arith.constant 192 : index
        %get3A_827 = tpu.vector_load %arg9[%get3A_825, %get3A_826] {strides = array<i32>} : memref<128x256xf32, #tpu.memory_space<vmem>>, vector<16xf32>,
        %get3A_828 = arith.index_cast %add3A_729 : i32 to index
        %get3A_829 = arith.constant 192 : index
        %get3A_830 = tpu.vector_load %arg10[%get3A_828, %get3A_829] {strides = array<i32>} : memref<128x256xf32, #tpu.memory_space<vmem>>, vector<16xf32>,
        %mul3A_831 = arith.mulf %get3A_827, %get3A_830 : vector<16xf32>
        %add3A_832 = arith.addf %add3A_824, %mul3A_831 : vector<16xf32>
        %get3A_833 = arith.index_cast %add3A_729 : i32 to index
        %get3A_834 = arith.constant 208 : index
        %get3A_835 = tpu.vector_load %arg9[%get3A_833, %get3A_834] {strides = array<i32>} : memref<128x256xf32, #tpu.memory_space<vmem>>, vector<16xf32>,
        %get3A_836 = arith.index_cast %add3A_729 : i32 to index
        %get3A_837 = arith.constant 208 : index
        %get3A_838 = tpu.vector_load %arg10[%get3A_836, %get3A_837] {strides = array<i32>} : memref<128x256xf32, #tpu.memory_space<vmem>>, vector<16xf32>,
        %mul3A_839 = arith.mulf %get3A_835, %get3A_838 : vector<16xf32>
        %add3A_840 = arith.addf %add3A_832, %mul3A_839 : vector<16xf32>
        %get3A_841 = arith.index_cast %add3A_729 : i32 to index
        %get3A_842 = arith.constant 224 : index
        %get3A_843 = tpu.vector_load %arg9[%get3A_841, %get3A_842] {strides = array<i32>} : memref<128x256xf32, #tpu.memory_space<vmem>>, vector<16xf32>,
        %get3A_844 = arith.index_cast %add3A_729 : i32 to index
        %get3A_845 = arith.constant 224 : index
        %get3A_846 = tpu.vector_load %arg10[%get3A_844, %get3A_845] {strides = array<i32>} : memref<128x256xf32, #tpu.memory_space<vmem>>, vector<16xf32>,
        %mul3A_847 = arith.mulf %get3A_843, %get3A_846 : vector<16xf32>
        %add3A_848 = arith.addf %add3A_840, %mul3A_847 : vector<16xf32>
        %get3A_849 = arith.index_cast %add3A_729 : i32 to index
        %get3A_850 = arith.constant 240 : index
        %get3A_851 = tpu.vector_load %arg9[%get3A_849, %get3A_850] {strides = array<i32>} : memref<128x256xf32, #tpu.memory_space<vmem>>, vector<16xf32>,
        %get3A_852 = arith.index_cast %add3A_729 : i32 to index
        %get3A_853 = arith.constant 240 : index
        %get3A_854 = tpu.vector_load %arg10[%get3A_852, %get3A_853] {strides = array<i32>} : memref<128x256xf32, #tpu.memory_space<vmem>>, vector<16xf32>,
        %mul3A_855 = arith.mulf %get3A_851, %get3A_854 : vector<16xf32>
        %add3A_856 = arith.addf %add3A_848, %mul3A_855 : vector<16xf32>
        %reduce_sum3A_857 = arith.constant true
        %reduce_sum3A_858 = vector.broadcast %reduce_sum3A_857 : i1 to vector<16xi1>
        %reduce_sum3A_859 = tpu.scan <sum>, %add3A_856 masked %reduce_sum3A_858 : vector<16xf32>, vector<16xi1> -> vector<16xf32>
        %reduce_sum3A_860 = vector.extract %reduce_sum3A_859[15] : f32 from vector<16xf32>
        %eq3A_861 = arith.constant 5 : i32
        %eq3A_862 = vector.broadcast %eq3A_861 : i32 to vector<16xi32>
        %eq3A_863 = arith.cmpi eq, %iota3A, %eq3A_862 : vector<16xi32>
        %broadcast_in_dim3A_864 = vector.broadcast %reduce_sum3A_860 : f32 to vector<16xf32>
        %select_n3A_865 = arith.select %eq3A_863, %broadcast_in_dim3A_864, %select_n3A_725 : vector<16xi1>, vector<16xf32>
        %mul3A_866 = arith.constant 16 : i32
        %mul3A_867 = arith.muli %scan3A_28, %mul3A_866 : i32
        %add3A_868 = arith.constant 6 : i32
        %add3A_869 = arith.addi %mul3A_867, %add3A_868 : i32
        %get3A_870 = arith.index_cast %add3A_869 : i32 to index
        %get3A_871 = arith.constant 0 : index
        %get3A_872 = tpu.vector_load %arg9[%get3A_870, %get3A_871] {strides = array<i32>} : memref<128x256xf32, #tpu.memory_space<vmem>>, vector<16xf32>,
        %get3A_873 = arith.index_cast %add3A_869 : i32 to index
        %get3A_874 = arith.constant 0 : index
        %get3A_875 = tpu.vector_load %arg10[%get3A_873, %get3A_874] {strides = array<i32>} : memref<128x256xf32, #tpu.memory_space<vmem>>, vector<16xf32>,
        %mul3A_876 = arith.mulf %get3A_872, %get3A_875 : vector<16xf32>
        %get3A_877 = arith.index_cast %add3A_869 : i32 to index
        %get3A_878 = arith.constant 16 : index
        %get3A_879 = tpu.vector_load %arg9[%get3A_877, %get3A_878] {strides = array<i32>} : memref<128x256xf32, #tpu.memory_space<vmem>>, vector<16xf32>,
        %get3A_880 = arith.index_cast %add3A_869 : i32 to index
        %get3A_881 = arith.constant 16 : index
        %get3A_882 = tpu.vector_load %arg10[%get3A_880, %get3A_881] {strides = array<i32>} : memref<128x256xf32, #tpu.memory_space<vmem>>, vector<16xf32>,
        %mul3A_883 = arith.mulf %get3A_879, %get3A_882 : vector<16xf32>
        %add3A_884 = arith.addf %mul3A_876, %mul3A_883 : vector<16xf32>
        %get3A_885 = arith.index_cast %add3A_869 : i32 to index
        %get3A_886 = arith.constant 32 : index
        %get3A_887 = tpu.vector_load %arg9[%get3A_885, %get3A_886] {strides = array<i32>} : memref<128x256xf32, #tpu.memory_space<vmem>>, vector<16xf32>,
        %get3A_888 = arith.index_cast %add3A_869 : i32 to index
        %get3A_889 = arith.constant 32 : index
        %get3A_890 = tpu.vector_load %arg10[%get3A_888, %get3A_889] {strides = array<i32>} : memref<128x256xf32, #tpu.memory_space<vmem>>, vector<16xf32>,
        %mul3A_891 = arith.mulf %get3A_887, %get3A_890 : vector<16xf32>
        %add3A_892 = arith.addf %add3A_884, %mul3A_891 : vector<16xf32>
        %get3A_893 = arith.index_cast %add3A_869 : i32 to index
        %get3A_894 = arith.constant 48 : index
        %get3A_895 = tpu.vector_load %arg9[%get3A_893, %get3A_894] {strides = array<i32>} : memref<128x256xf32, #tpu.memory_space<vmem>>, vector<16xf32>,
        %get3A_896 = arith.index_cast %add3A_869 : i32 to index
        %get3A_897 = arith.constant 48 : index
        %get3A_898 = tpu.vector_load %arg10[%get3A_896, %get3A_897] {strides = array<i32>} : memref<128x256xf32, #tpu.memory_space<vmem>>, vector<16xf32>,
        %mul3A_899 = arith.mulf %get3A_895, %get3A_898 : vector<16xf32>
        %add3A_900 = arith.addf %add3A_892, %mul3A_899 : vector<16xf32>
        %get3A_901 = arith.index_cast %add3A_869 : i32 to index
        %get3A_902 = arith.constant 64 : index
        %get3A_903 = tpu.vector_load %arg9[%get3A_901, %get3A_902] {strides = array<i32>} : memref<128x256xf32, #tpu.memory_space<vmem>>, vector<16xf32>,
        %get3A_904 = arith.index_cast %add3A_869 : i32 to index
        %get3A_905 = arith.constant 64 : index
        %get3A_906 = tpu.vector_load %arg10[%get3A_904, %get3A_905] {strides = array<i32>} : memref<128x256xf32, #tpu.memory_space<vmem>>, vector<16xf32>,
        %mul3A_907 = arith.mulf %get3A_903, %get3A_906 : vector<16xf32>
        %add3A_908 = arith.addf %add3A_900, %mul3A_907 : vector<16xf32>
        %get3A_909 = arith.index_cast %add3A_869 : i32 to index
        %get3A_910 = arith.constant 80 : index
        %get3A_911 = tpu.vector_load %arg9[%get3A_909, %get3A_910] {strides = array<i32>} : memref<128x256xf32, #tpu.memory_space<vmem>>, vector<16xf32>,
        %get3A_912 = arith.index_cast %add3A_869 : i32 to index
        %get3A_913 = arith.constant 80 : index
        %get3A_914 = tpu.vector_load %arg10[%get3A_912, %get3A_913] {strides = array<i32>} : memref<128x256xf32, #tpu.memory_space<vmem>>, vector<16xf32>,
        %mul3A_915 = arith.mulf %get3A_911, %get3A_914 : vector<16xf32>
        %add3A_916 = arith.addf %add3A_908, %mul3A_915 : vector<16xf32>
        %get3A_917 = arith.index_cast %add3A_869 : i32 to index
        %get3A_918 = arith.constant 96 : index
        %get3A_919 = tpu.vector_load %arg9[%get3A_917, %get3A_918] {strides = array<i32>} : memref<128x256xf32, #tpu.memory_space<vmem>>, vector<16xf32>,
        %get3A_920 = arith.index_cast %add3A_869 : i32 to index
        %get3A_921 = arith.constant 96 : index
        %get3A_922 = tpu.vector_load %arg10[%get3A_920, %get3A_921] {strides = array<i32>} : memref<128x256xf32, #tpu.memory_space<vmem>>, vector<16xf32>,
        %mul3A_923 = arith.mulf %get3A_919, %get3A_922 : vector<16xf32>
        %add3A_924 = arith.addf %add3A_916, %mul3A_923 : vector<16xf32>
        %get3A_925 = arith.index_cast %add3A_869 : i32 to index
        %get3A_926 = arith.constant 112 : index
        %get3A_927 = tpu.vector_load %arg9[%get3A_925, %get3A_926] {strides = array<i32>} : memref<128x256xf32, #tpu.memory_space<vmem>>, vector<16xf32>,
        %get3A_928 = arith.index_cast %add3A_869 : i32 to index
        %get3A_929 = arith.constant 112 : index
        %get3A_930 = tpu.vector_load %arg10[%get3A_928, %get3A_929] {strides = array<i32>} : memref<128x256xf32, #tpu.memory_space<vmem>>, vector<16xf32>,
        %mul3A_931 = arith.mulf %get3A_927, %get3A_930 : vector<16xf32>
        %add3A_932 = arith.addf %add3A_924, %mul3A_931 : vector<16xf32>
        %get3A_933 = arith.index_cast %add3A_869 : i32 to index
        %get3A_934 = arith.constant 128 : index
        %get3A_935 = tpu.vector_load %arg9[%get3A_933, %get3A_934] {strides = array<i32>} : memref<128x256xf32, #tpu.memory_space<vmem>>, vector<16xf32>,
        %get3A_936 = arith.index_cast %add3A_869 : i32 to index
        %get3A_937 = arith.constant 128 : index
        %get3A_938 = tpu.vector_load %arg10[%get3A_936, %get3A_937] {strides = array<i32>} : memref<128x256xf32, #tpu.memory_space<vmem>>, vector<16xf32>,
        %mul3A_939 = arith.mulf %get3A_935, %get3A_938 : vector<16xf32>
        %add3A_940 = arith.addf %add3A_932, %mul3A_939 : vector<16xf32>
        %get3A_941 = arith.index_cast %add3A_869 : i32 to index
        %get3A_942 = arith.constant 144 : index
        %get3A_943 = tpu.vector_load %arg9[%get3A_941, %get3A_942] {strides = array<i32>} : memref<128x256xf32, #tpu.memory_space<vmem>>, vector<16xf32>,
        %get3A_944 = arith.index_cast %add3A_869 : i32 to index
        %get3A_945 = arith.constant 144 : index
        %get3A_946 = tpu.vector_load %arg10[%get3A_944, %get3A_945] {strides = array<i32>} : memref<128x256xf32, #tpu.memory_space<vmem>>, vector<16xf32>,
        %mul3A_947 = arith.mulf %get3A_943, %get3A_946 : vector<16xf32>
        %add3A_948 = arith.addf %add3A_940, %mul3A_947 : vector<16xf32>
        %get3A_949 = arith.index_cast %add3A_869 : i32 to index
        %get3A_950 = arith.constant 160 : index
        %get3A_951 = tpu.vector_load %arg9[%get3A_949, %get3A_950] {strides = array<i32>} : memref<128x256xf32, #tpu.memory_space<vmem>>, vector<16xf32>,
        %get3A_952 = arith.index_cast %add3A_869 : i32 to index
        %get3A_953 = arith.constant 160 : index
        %get3A_954 = tpu.vector_load %arg10[%get3A_952, %get3A_953] {strides = array<i32>} : memref<128x256xf32, #tpu.memory_space<vmem>>, vector<16xf32>,
        %mul3A_955 = arith.mulf %get3A_951, %get3A_954 : vector<16xf32>
        %add3A_956 = arith.addf %add3A_948, %mul3A_955 : vector<16xf32>
        %get3A_957 = arith.index_cast %add3A_869 : i32 to index
        %get3A_958 = arith.constant 176 : index
        %get3A_959 = tpu.vector_load %arg9[%get3A_957, %get3A_958] {strides = array<i32>} : memref<128x256xf32, #tpu.memory_space<vmem>>, vector<16xf32>,
        %get3A_960 = arith.index_cast %add3A_869 : i32 to index
        %get3A_961 = arith.constant 176 : index
        %get3A_962 = tpu.vector_load %arg10[%get3A_960, %get3A_961] {strides = array<i32>} : memref<128x256xf32, #tpu.memory_space<vmem>>, vector<16xf32>,
        %mul3A_963 = arith.mulf %get3A_959, %get3A_962 : vector<16xf32>
        %add3A_964 = arith.addf %add3A_956, %mul3A_963 : vector<16xf32>
        %get3A_965 = arith.index_cast %add3A_869 : i32 to index
        %get3A_966 = arith.constant 192 : index
        %get3A_967 = tpu.vector_load %arg9[%get3A_965, %get3A_966] {strides = array<i32>} : memref<128x256xf32, #tpu.memory_space<vmem>>, vector<16xf32>,
        %get3A_968 = arith.index_cast %add3A_869 : i32 to index
        %get3A_969 = arith.constant 192 : index
        %get3A_970 = tpu.vector_load %arg10[%get3A_968, %get3A_969] {strides = array<i32>} : memref<128x256xf32, #tpu.memory_space<vmem>>, vector<16xf32>,
        %mul3A_971 = arith.mulf %get3A_967, %get3A_970 : vector<16xf32>
        %add3A_972 = arith.addf %add3A_964, %mul3A_971 : vector<16xf32>
        %get3A_973 = arith.index_cast %add3A_869 : i32 to index
        %get3A_974 = arith.constant 208 : index
        %get3A_975 = tpu.vector_load %arg9[%get3A_973, %get3A_974] {strides = array<i32>} : memref<128x256xf32, #tpu.memory_space<vmem>>, vector<16xf32>,
        %get3A_976 = arith.index_cast %add3A_869 : i32 to index
        %get3A_977 = arith.constant 208 : index
        %get3A_978 = tpu.vector_load %arg10[%get3A_976, %get3A_977] {strides = array<i32>} : memref<128x256xf32, #tpu.memory_space<vmem>>, vector<16xf32>,
        %mul3A_979 = arith.mulf %get3A_975, %get3A_978 : vector<16xf32>
        %add3A_980 = arith.addf %add3A_972, %mul3A_979 : vector<16xf32>
        %get3A_981 = arith.index_cast %add3A_869 : i32 to index
        %get3A_982 = arith.constant 224 : index
        %get3A_983 = tpu.vector_load %arg9[%get3A_981, %get3A_982] {strides = array<i32>} : memref<128x256xf32, #tpu.memory_space<vmem>>, vector<16xf32>,
        %get3A_984 = arith.index_cast %add3A_869 : i32 to index
        %get3A_985 = arith.constant 224 : index
        %get3A_986 = tpu.vector_load %arg10[%get3A_984, %get3A_985] {strides = array<i32>} : memref<128x256xf32, #tpu.memory_space<vmem>>, vector<16xf32>,
        %mul3A_987 = arith.mulf %get3A_983, %get3A_986 : vector<16xf32>
        %add3A_988 = arith.addf %add3A_980, %mul3A_987 : vector<16xf32>
        %get3A_989 = arith.index_cast %add3A_869 : i32 to index
        %get3A_990 = arith.constant 240 : index
        %get3A_991 = tpu.vector_load %arg9[%get3A_989, %get3A_990] {strides = array<i32>} : memref<128x256xf32, #tpu.memory_space<vmem>>, vector<16xf32>,
        %get3A_992 = arith.index_cast %add3A_869 : i32 to index
        %get3A_993 = arith.constant 240 : index
        %get3A_994 = tpu.vector_load %arg10[%get3A_992, %get3A_993] {strides = array<i32>} : memref<128x256xf32, #tpu.memory_space<vmem>>, vector<16xf32>,
        %mul3A_995 = arith.mulf %get3A_991, %get3A_994 : vector<16xf32>
        %add3A_996 = arith.addf %add3A_988, %mul3A_995 : vector<16xf32>
        %reduce_sum3A_997 = arith.constant true
        %reduce_sum3A_998 = vector.broadcast %reduce_sum3A_997 : i1 to vector<16xi1>
        %reduce_sum3A_999 = tpu.scan <sum>, %add3A_996 masked %reduce_sum3A_998 : vector<16xf32>, vector<16xi1> -> vector<16xf32>
        %reduce_sum3A_1000 = vector.extract %reduce_sum3A_999[15] : f32 from vector<16xf32>
        %eq3A_1001 = arith.constant 6 : i32
        %eq3A_1002 = vector.broadcast %eq3A_1001 : i32 to vector<16xi32>
        %eq3A_1003 = arith.cmpi eq, %iota3A, %eq3A_1002 : vector<16xi32>
        %broadcast_in_dim3A_1004 = vector.broadcast %reduce_sum3A_1000 : f32 to vector<16xf32>
        %select_n3A_1005 = arith.select %eq3A_1003, %broadcast_in_dim3A_1004, %select_n3A_865 : vector<16xi1>, vector<16xf32>
        %mul3A_1006 = arith.constant 16 : i32
        %mul3A_1007 = arith.muli %scan3A_28, %mul3A_1006 : i32
        %add3A_1008 = arith.constant 7 : i32
        %add3A_1009 = arith.addi %mul3A_1007, %add3A_1008 : i32
        %get3A_1010 = arith.index_cast %add3A_1009 : i32 to index
        %get3A_1011 = arith.constant 0 : index
        %get3A_1012 = tpu.vector_load %arg9[%get3A_1010, %get3A_1011] {strides = array<i32>} : memref<128x256xf32, #tpu.memory_space<vmem>>, vector<16xf32>,
        %get3A_1013 = arith.index_cast %add3A_1009 : i32 to index
        %get3A_1014 = arith.constant 0 : index
        %get3A_1015 = tpu.vector_load %arg10[%get3A_1013, %get3A_1014] {strides = array<i32>} : memref<128x256xf32, #tpu.memory_space<vmem>>, vector<16xf32>,
        %mul3A_1016 = arith.mulf %get3A_1012, %get3A_1015 : vector<16xf32>
        %get3A_1017 = arith.index_cast %add3A_1009 : i32 to index
        %get3A_1018 = arith.constant 16 : index
        %get3A_1019 = tpu.vector_load %arg9[%get3A_1017, %get3A_1018] {strides = array<i32>} : memref<128x256xf32, #tpu.memory_space<vmem>>, vector<16xf32>,
        %get3A_1020 = arith.index_cast %add3A_1009 : i32 to index
        %get3A_1021 = arith.constant 16 : index
        %get3A_1022 = tpu.vector_load %arg10[%get3A_1020, %get3A_1021] {strides = array<i32>} : memref<128x256xf32, #tpu.memory_space<vmem>>, vector<16xf32>,
        %mul3A_1023 = arith.mulf %get3A_1019, %get3A_1022 : vector<16xf32>
        %add3A_1024 = arith.addf %mul3A_1016, %mul3A_1023 : vector<16xf32>
        %get3A_1025 = arith.index_cast %add3A_1009 : i32 to index
        %get3A_1026 = arith.constant 32 : index
        %get3A_1027 = tpu.vector_load %arg9[%get3A_1025, %get3A_1026] {strides = array<i32>} : memref<128x256xf32, #tpu.memory_space<vmem>>, vector<16xf32>,
        %get3A_1028 = arith.index_cast %add3A_1009 : i32 to index
        %get3A_1029 = arith.constant 32 : index
        %get3A_1030 = tpu.vector_load %arg10[%get3A_1028, %get3A_1029] {strides = array<i32>} : memref<128x256xf32, #tpu.memory_space<vmem>>, vector<16xf32>,
        %mul3A_1031 = arith.mulf %get3A_1027, %get3A_1030 : vector<16xf32>
        %add3A_1032 = arith.addf %add3A_1024, %mul3A_1031 : vector<16xf32>
        %get3A_1033 = arith.index_cast %add3A_1009 : i32 to index
        %get3A_1034 = arith.constant 48 : index
        %get3A_1035 = tpu.vector_load %arg9[%get3A_1033, %get3A_1034] {strides = array<i32>} : memref<128x256xf32, #tpu.memory_space<vmem>>, vector<16xf32>,
        %get3A_1036 = arith.index_cast %add3A_1009 : i32 to index
        %get3A_1037 = arith.constant 48 : index
        %get3A_1038 = tpu.vector_load %arg10[%get3A_1036, %get3A_1037] {strides = array<i32>} : memref<128x256xf32, #tpu.memory_space<vmem>>, vector<16xf32>,
        %mul3A_1039 = arith.mulf %get3A_1035, %get3A_1038 : vector<16xf32>
        %add3A_1040 = arith.addf %add3A_1032, %mul3A_1039 : vector<16xf32>
        %get3A_1041 = arith.index_cast %add3A_1009 : i32 to index
        %get3A_1042 = arith.constant 64 : index
        %get3A_1043 = tpu.vector_load %arg9[%get3A_1041, %get3A_1042] {strides = array<i32>} : memref<128x256xf32, #tpu.memory_space<vmem>>, vector<16xf32>,
        %get3A_1044 = arith.index_cast %add3A_1009 : i32 to index
        %get3A_1045 = arith.constant 64 : index
        %get3A_1046 = tpu.vector_load %arg10[%get3A_1044, %get3A_1045] {strides = array<i32>} : memref<128x256xf32, #tpu.memory_space<vmem>>, vector<16xf32>,
        %mul3A_1047 = arith.mulf %get3A_1043, %get3A_1046 : vector<16xf32>
        %add3A_1048 = arith.addf %add3A_1040, %mul3A_1047 : vector<16xf32>
        %get3A_1049 = arith.index_cast %add3A_1009 : i32 to index
        %get3A_1050 = arith.constant 80 : index
        %get3A_1051 = tpu.vector_load %arg9[%get3A_1049, %get3A_1050] {strides = array<i32>} : memref<128x256xf32, #tpu.memory_space<vmem>>, vector<16xf32>,
        %get3A_1052 = arith.index_cast %add3A_1009 : i32 to index
        %get3A_1053 = arith.constant 80 : index
        %get3A_1054 = tpu.vector_load %arg10[%get3A_1052, %get3A_1053] {strides = array<i32>} : memref<128x256xf32, #tpu.memory_space<vmem>>, vector<16xf32>,
        %mul3A_1055 = arith.mulf %get3A_1051, %get3A_1054 : vector<16xf32>
        %add3A_1056 = arith.addf %add3A_1048, %mul3A_1055 : vector<16xf32>
        %get3A_1057 = arith.index_cast %add3A_1009 : i32 to index
        %get3A_1058 = arith.constant 96 : index
        %get3A_1059 = tpu.vector_load %arg9[%get3A_1057, %get3A_1058] {strides = array<i32>} : memref<128x256xf32, #tpu.memory_space<vmem>>, vector<16xf32>,
        %get3A_1060 = arith.index_cast %add3A_1009 : i32 to index
        %get3A_1061 = arith.constant 96 : index
        %get3A_1062 = tpu.vector_load %arg10[%get3A_1060, %get3A_1061] {strides = array<i32>} : memref<128x256xf32, #tpu.memory_space<vmem>>, vector<16xf32>,
        %mul3A_1063 = arith.mulf %get3A_1059, %get3A_1062 : vector<16xf32>
        %add3A_1064 = arith.addf %add3A_1056, %mul3A_1063 : vector<16xf32>
        %get3A_1065 = arith.index_cast %add3A_1009 : i32 to index
        %get3A_1066 = arith.constant 112 : index
        %get3A_1067 = tpu.vector_load %arg9[%get3A_1065, %get3A_1066] {strides = array<i32>} : memref<128x256xf32, #tpu.memory_space<vmem>>, vector<16xf32>,
        %get3A_1068 = arith.index_cast %add3A_1009 : i32 to index
        %get3A_1069 = arith.constant 112 : index
        %get3A_1070 = tpu.vector_load %arg10[%get3A_1068, %get3A_1069] {strides = array<i32>} : memref<128x256xf32, #tpu.memory_space<vmem>>, vector<16xf32>,
        %mul3A_1071 = arith.mulf %get3A_1067, %get3A_1070 : vector<16xf32>
        %add3A_1072 = arith.addf %add3A_1064, %mul3A_1071 : vector<16xf32>
        %get3A_1073 = arith.index_cast %add3A_1009 : i32 to index
        %get3A_1074 = arith.constant 128 : index
        %get3A_1075 = tpu.vector_load %arg9[%get3A_1073, %get3A_1074] {strides = array<i32>} : memref<128x256xf32, #tpu.memory_space<vmem>>, vector<16xf32>,
        %get3A_1076 = arith.index_cast %add3A_1009 : i32 to index
        %get3A_1077 = arith.constant 128 : index
        %get3A_1078 = tpu.vector_load %arg10[%get3A_1076, %get3A_1077] {strides = array<i32>} : memref<128x256xf32, #tpu.memory_space<vmem>>, vector<16xf32>,
        %mul3A_1079 = arith.mulf %get3A_1075, %get3A_1078 : vector<16xf32>
        %add3A_1080 = arith.addf %add3A_1072, %mul3A_1079 : vector<16xf32>
        %get3A_1081 = arith.index_cast %add3A_1009 : i32 to index
        %get3A_1082 = arith.constant 144 : index
        %get3A_1083 = tpu.vector_load %arg9[%get3A_1081, %get3A_1082] {strides = array<i32>} : memref<128x256xf32, #tpu.memory_space<vmem>>, vector<16xf32>,
        %get3A_1084 = arith.index_cast %add3A_1009 : i32 to index
        %get3A_1085 = arith.constant 144 : index
        %get3A_1086 = tpu.vector_load %arg10[%get3A_1084, %get3A_1085] {strides = array<i32>} : memref<128x256xf32, #tpu.memory_space<vmem>>, vector<16xf32>,
        %mul3A_1087 = arith.mulf %get3A_1083, %get3A_1086 : vector<16xf32>
        %add3A_1088 = arith.addf %add3A_1080, %mul3A_1087 : vector<16xf32>
        %get3A_1089 = arith.index_cast %add3A_1009 : i32 to index
        %get3A_1090 = arith.constant 160 : index
        %get3A_1091 = tpu.vector_load %arg9[%get3A_1089, %get3A_1090] {strides = array<i32>} : memref<128x256xf32, #tpu.memory_space<vmem>>, vector<16xf32>,
        %get3A_1092 = arith.index_cast %add3A_1009 : i32 to index
        %get3A_1093 = arith.constant 160 : index
        %get3A_1094 = tpu.vector_load %arg10[%get3A_1092, %get3A_1093] {strides = array<i32>} : memref<128x256xf32, #tpu.memory_space<vmem>>, vector<16xf32>,
        %mul3A_1095 = arith.mulf %get3A_1091, %get3A_1094 : vector<16xf32>
        %add3A_1096 = arith.addf %add3A_1088, %mul3A_1095 : vector<16xf32>
        %get3A_1097 = arith.index_cast %add3A_1009 : i32 to index
        %get3A_1098 = arith.constant 176 : index
        %get3A_1099 = tpu.vector_load %arg9[%get3A_1097, %get3A_1098] {strides = array<i32>} : memref<128x256xf32, #tpu.memory_space<vmem>>, vector<16xf32>,
        %get3A_1100 = arith.index_cast %add3A_1009 : i32 to index
        %get3A_1101 = arith.constant 176 : index
        %get3A_1102 = tpu.vector_load %arg10[%get3A_1100, %get3A_1101] {strides = array<i32>} : memref<128x256xf32, #tpu.memory_space<vmem>>, vector<16xf32>,
        %mul3A_1103 = arith.mulf %get3A_1099, %get3A_1102 : vector<16xf32>
        %add3A_1104 = arith.addf %add3A_1096, %mul3A_1103 : vector<16xf32>
        %get3A_1105 = arith.index_cast %add3A_1009 : i32 to index
        %get3A_1106 = arith.constant 192 : index
        %get3A_1107 = tpu.vector_load %arg9[%get3A_1105, %get3A_1106] {strides = array<i32>} : memref<128x256xf32, #tpu.memory_space<vmem>>, vector<16xf32>,
        %get3A_1108 = arith.index_cast %add3A_1009 : i32 to index
        %get3A_1109 = arith.constant 192 : index
        %get3A_1110 = tpu.vector_load %arg10[%get3A_1108, %get3A_1109] {strides = array<i32>} : memref<128x256xf32, #tpu.memory_space<vmem>>, vector<16xf32>,
        %mul3A_1111 = arith.mulf %get3A_1107, %get3A_1110 : vector<16xf32>
        %add3A_1112 = arith.addf %add3A_1104, %mul3A_1111 : vector<16xf32>
        %get3A_1113 = arith.index_cast %add3A_1009 : i32 to index
        %get3A_1114 = arith.constant 208 : index
        %get3A_1115 = tpu.vector_load %arg9[%get3A_1113, %get3A_1114] {strides = array<i32>} : memref<128x256xf32, #tpu.memory_space<vmem>>, vector<16xf32>,
        %get3A_1116 = arith.index_cast %add3A_1009 : i32 to index
        %get3A_1117 = arith.constant 208 : index
        %get3A_1118 = tpu.vector_load %arg10[%get3A_1116, %get3A_1117] {strides = array<i32>} : memref<128x256xf32, #tpu.memory_space<vmem>>, vector<16xf32>,
        %mul3A_1119 = arith.mulf %get3A_1115, %get3A_1118 : vector<16xf32>
        %add3A_1120 = arith.addf %add3A_1112, %mul3A_1119 : vector<16xf32>
        %get3A_1121 = arith.index_cast %add3A_1009 : i32 to index
        %get3A_1122 = arith.constant 224 : index
        %get3A_1123 = tpu.vector_load %arg9[%get3A_1121, %get3A_1122] {strides = array<i32>} : memref<128x256xf32, #tpu.memory_space<vmem>>, vector<16xf32>,
        %get3A_1124 = arith.index_cast %add3A_1009 : i32 to index
        %get3A_1125 = arith.constant 224 : index
        %get3A_1126 = tpu.vector_load %arg10[%get3A_1124, %get3A_1125] {strides = array<i32>} : memref<128x256xf32, #tpu.memory_space<vmem>>, vector<16xf32>,
        %mul3A_1127 = arith.mulf %get3A_1123, %get3A_1126 : vector<16xf32>
        %add3A_1128 = arith.addf %add3A_1120, %mul3A_1127 : vector<16xf32>
        %get3A_1129 = arith.index_cast %add3A_1009 : i32 to index
        %get3A_1130 = arith.constant 240 : index
        %get3A_1131 = tpu.vector_load %arg9[%get3A_1129, %get3A_1130] {strides = array<i32>} : memref<128x256xf32, #tpu.memory_space<vmem>>, vector<16xf32>,
        %get3A_1132 = arith.index_cast %add3A_1009 : i32 to index
        %get3A_1133 = arith.constant 240 : index
        %get3A_1134 = tpu.vector_load %arg10[%get3A_1132, %get3A_1133] {strides = array<i32>} : memref<128x256xf32, #tpu.memory_space<vmem>>, vector<16xf32>,
        %mul3A_1135 = arith.mulf %get3A_1131, %get3A_1134 : vector<16xf32>
        %add3A_1136 = arith.addf %add3A_1128, %mul3A_1135 : vector<16xf32>
        %reduce_sum3A_1137 = arith.constant true
        %reduce_sum3A_1138 = vector.broadcast %reduce_sum3A_1137 : i1 to vector<16xi1>
        %reduce_sum3A_1139 = tpu.scan <sum>, %add3A_1136 masked %reduce_sum3A_1138 : vector<16xf32>, vector<16xi1> -> vector<16xf32>
        %reduce_sum3A_1140 = vector.extract %reduce_sum3A_1139[15] : f32 from vector<16xf32>
        %eq3A_1141 = arith.constant 7 : i32
        %eq3A_1142 = vector.broadcast %eq3A_1141 : i32 to vector<16xi32>
        %eq3A_1143 = arith.cmpi eq, %iota3A, %eq3A_1142 : vector<16xi32>
        %broadcast_in_dim3A_1144 = vector.broadcast %reduce_sum3A_1140 : f32 to vector<16xf32>
        %select_n3A_1145 = arith.select %eq3A_1143, %broadcast_in_dim3A_1144, %select_n3A_1005 : vector<16xi1>, vector<16xf32>
        %mul3A_1146 = arith.constant 16 : i32
        %mul3A_1147 = arith.muli %scan3A_28, %mul3A_1146 : i32
        %add3A_1148 = arith.constant 8 : i32
        %add3A_1149 = arith.addi %mul3A_1147, %add3A_1148 : i32
        %get3A_1150 = arith.index_cast %add3A_1149 : i32 to index
        %get3A_1151 = arith.constant 0 : index
        %get3A_1152 = tpu.vector_load %arg9[%get3A_1150, %get3A_1151] {strides = array<i32>} : memref<128x256xf32, #tpu.memory_space<vmem>>, vector<16xf32>,
        %get3A_1153 = arith.index_cast %add3A_1149 : i32 to index
        %get3A_1154 = arith.constant 0 : index
        %get3A_1155 = tpu.vector_load %arg10[%get3A_1153, %get3A_1154] {strides = array<i32>} : memref<128x256xf32, #tpu.memory_space<vmem>>, vector<16xf32>,
        %mul3A_1156 = arith.mulf %get3A_1152, %get3A_1155 : vector<16xf32>
        %get3A_1157 = arith.index_cast %add3A_1149 : i32 to index
        %get3A_1158 = arith.constant 16 : index
        %get3A_1159 = tpu.vector_load %arg9[%get3A_1157, %get3A_1158] {strides = array<i32>} : memref<128x256xf32, #tpu.memory_space<vmem>>, vector<16xf32>,
        %get3A_1160 = arith.index_cast %add3A_1149 : i32 to index
        %get3A_1161 = arith.constant 16 : index
        %get3A_1162 = tpu.vector_load %arg10[%get3A_1160, %get3A_1161] {strides = array<i32>} : memref<128x256xf32, #tpu.memory_space<vmem>>, vector<16xf32>,
        %mul3A_1163 = arith.mulf %get3A_1159, %get3A_1162 : vector<16xf32>
        %add3A_1164 = arith.addf %mul3A_1156, %mul3A_1163 : vector<16xf32>
        %get3A_1165 = arith.index_cast %add3A_1149 : i32 to index
        %get3A_1166 = arith.constant 32 : index
        %get3A_1167 = tpu.vector_load %arg9[%get3A_1165, %get3A_1166] {strides = array<i32>} : memref<128x256xf32, #tpu.memory_space<vmem>>, vector<16xf32>,
        %get3A_1168 = arith.index_cast %add3A_1149 : i32 to index
        %get3A_1169 = arith.constant 32 : index
        %get3A_1170 = tpu.vector_load %arg10[%get3A_1168, %get3A_1169] {strides = array<i32>} : memref<128x256xf32, #tpu.memory_space<vmem>>, vector<16xf32>,
        %mul3A_1171 = arith.mulf %get3A_1167, %get3A_1170 : vector<16xf32>
        %add3A_1172 = arith.addf %add3A_1164, %mul3A_1171 : vector<16xf32>
        %get3A_1173 = arith.index_cast %add3A_1149 : i32 to index
        %get3A_1174 = arith.constant 48 : index
        %get3A_1175 = tpu.vector_load %arg9[%get3A_1173, %get3A_1174] {strides = array<i32>} : memref<128x256xf32, #tpu.memory_space<vmem>>, vector<16xf32>,
        %get3A_1176 = arith.index_cast %add3A_1149 : i32 to index
        %get3A_1177 = arith.constant 48 : index
        %get3A_1178 = tpu.vector_load %arg10[%get3A_1176, %get3A_1177] {strides = array<i32>} : memref<128x256xf32, #tpu.memory_space<vmem>>, vector<16xf32>,
        %mul3A_1179 = arith.mulf %get3A_1175, %get3A_1178 : vector<16xf32>
        %add3A_1180 = arith.addf %add3A_1172, %mul3A_1179 : vector<16xf32>
        %get3A_1181 = arith.index_cast %add3A_1149 : i32 to index
        %get3A_1182 = arith.constant 64 : index
        %get3A_1183 = tpu.vector_load %arg9[%get3A_1181, %get3A_1182] {strides = array<i32>} : memref<128x256xf32, #tpu.memory_space<vmem>>, vector<16xf32>,
        %get3A_1184 = arith.index_cast %add3A_1149 : i32 to index
        %get3A_1185 = arith.constant 64 : index
        %get3A_1186 = tpu.vector_load %arg10[%get3A_1184, %get3A_1185] {strides = array<i32>} : memref<128x256xf32, #tpu.memory_space<vmem>>, vector<16xf32>,
        %mul3A_1187 = arith.mulf %get3A_1183, %get3A_1186 : vector<16xf32>
        %add3A_1188 = arith.addf %add3A_1180, %mul3A_1187 : vector<16xf32>
        %get3A_1189 = arith.index_cast %add3A_1149 : i32 to index
        %get3A_1190 = arith.constant 80 : index
        %get3A_1191 = tpu.vector_load %arg9[%get3A_1189, %get3A_1190] {strides = array<i32>} : memref<128x256xf32, #tpu.memory_space<vmem>>, vector<16xf32>,
        %get3A_1192 = arith.index_cast %add3A_1149 : i32 to index
        %get3A_1193 = arith.constant 80 : index
        %get3A_1194 = tpu.vector_load %arg10[%get3A_1192, %get3A_1193] {strides = array<i32>} : memref<128x256xf32, #tpu.memory_space<vmem>>, vector<16xf32>,
        %mul3A_1195 = arith.mulf %get3A_1191, %get3A_1194 : vector<16xf32>
        %add3A_1196 = arith.addf %add3A_1188, %mul3A_1195 : vector<16xf32>
        %get3A_1197 = arith.index_cast %add3A_1149 : i32 to index
        %get3A_1198 = arith.constant 96 : index
        %get3A_1199 = tpu.vector_load %arg9[%get3A_1197, %get3A_1198] {strides = array<i32>} : memref<128x256xf32, #tpu.memory_space<vmem>>, vector<16xf32>,
        %get3A_1200 = arith.index_cast %add3A_1149 : i32 to index
        %get3A_1201 = arith.constant 96 : index
        %get3A_1202 = tpu.vector_load %arg10[%get3A_1200, %get3A_1201] {strides = array<i32>} : memref<128x256xf32, #tpu.memory_space<vmem>>, vector<16xf32>,
        %mul3A_1203 = arith.mulf %get3A_1199, %get3A_1202 : vector<16xf32>
        %add3A_1204 = arith.addf %add3A_1196, %mul3A_1203 : vector<16xf32>
        %get3A_1205 = arith.index_cast %add3A_1149 : i32 to index
        %get3A_1206 = arith.constant 112 : index
        %get3A_1207 = tpu.vector_load %arg9[%get3A_1205, %get3A_1206] {strides = array<i32>} : memref<128x256xf32, #tpu.memory_space<vmem>>, vector<16xf32>,
        %get3A_1208 = arith.index_cast %add3A_1149 : i32 to index
        %get3A_1209 = arith.constant 112 : index
        %get3A_1210 = tpu.vector_load %arg10[%get3A_1208, %get3A_1209] {strides = array<i32>} : memref<128x256xf32, #tpu.memory_space<vmem>>, vector<16xf32>,
        %mul3A_1211 = arith.mulf %get3A_1207, %get3A_1210 : vector<16xf32>
        %add3A_1212 = arith.addf %add3A_1204, %mul3A_1211 : vector<16xf32>
        %get3A_1213 = arith.index_cast %add3A_1149 : i32 to index
        %get3A_1214 = arith.constant 128 : index
        %get3A_1215 = tpu.vector_load %arg9[%get3A_1213, %get3A_1214] {strides = array<i32>} : memref<128x256xf32, #tpu.memory_space<vmem>>, vector<16xf32>,
        %get3A_1216 = arith.index_cast %add3A_1149 : i32 to index
        %get3A_1217 = arith.constant 128 : index
        %get3A_1218 = tpu.vector_load %arg10[%get3A_1216, %get3A_1217] {strides = array<i32>} : memref<128x256xf32, #tpu.memory_space<vmem>>, vector<16xf32>,
        %mul3A_1219 = arith.mulf %get3A_1215, %get3A_1218 : vector<16xf32>
        %add3A_1220 = arith.addf %add3A_1212, %mul3A_1219 : vector<16xf32>
        %get3A_1221 = arith.index_cast %add3A_1149 : i32 to index
        %get3A_1222 = arith.constant 144 : index
        %get3A_1223 = tpu.vector_load %arg9[%get3A_1221, %get3A_1222] {strides = array<i32>} : memref<128x256xf32, #tpu.memory_space<vmem>>, vector<16xf32>,
        %get3A_1224 = arith.index_cast %add3A_1149 : i32 to index
        %get3A_1225 = arith.constant 144 : index
        %get3A_1226 = tpu.vector_load %arg10[%get3A_1224, %get3A_1225] {strides = array<i32>} : memref<128x256xf32, #tpu.memory_space<vmem>>, vector<16xf32>,
        %mul3A_1227 = arith.mulf %get3A_1223, %get3A_1226 : vector<16xf32>
        %add3A_1228 = arith.addf %add3A_1220, %mul3A_1227 : vector<16xf32>
        %get3A_1229 = arith.index_cast %add3A_1149 : i32 to index
        %get3A_1230 = arith.constant 160 : index
        %get3A_1231 = tpu.vector_load %arg9[%get3A_1229, %get3A_1230] {strides = array<i32>} : memref<128x256xf32, #tpu.memory_space<vmem>>, vector<16xf32>,
        %get3A_1232 = arith.index_cast %add3A_1149 : i32 to index
        %get3A_1233 = arith.constant 160 : index
        %get3A_1234 = tpu.vector_load %arg10[%get3A_1232, %get3A_1233] {strides = array<i32>} : memref<128x256xf32, #tpu.memory_space<vmem>>, vector<16xf32>,
        %mul3A_1235 = arith.mulf %get3A_1231, %get3A_1234 : vector<16xf32>
        %add3A_1236 = arith.addf %add3A_1228, %mul3A_1235 : vector<16xf32>
        %get3A_1237 = arith.index_cast %add3A_1149 : i32 to index
        %get3A_1238 = arith.constant 176 : index
        %get3A_1239 = tpu.vector_load %arg9[%get3A_1237, %get3A_1238] {strides = array<i32>} : memref<128x256xf32, #tpu.memory_space<vmem>>, vector<16xf32>,
        %get3A_1240 = arith.index_cast %add3A_1149 : i32 to index
        %get3A_1241 = arith.constant 176 : index
        %get3A_1242 = tpu.vector_load %arg10[%get3A_1240, %get3A_1241] {strides = array<i32>} : memref<128x256xf32, #tpu.memory_space<vmem>>, vector<16xf32>,
        %mul3A_1243 = arith.mulf %get3A_1239, %get3A_1242 : vector<16xf32>
        %add3A_1244 = arith.addf %add3A_1236, %mul3A_1243 : vector<16xf32>
        %get3A_1245 = arith.index_cast %add3A_1149 : i32 to index
        %get3A_1246 = arith.constant 192 : index
        %get3A_1247 = tpu.vector_load %arg9[%get3A_1245, %get3A_1246] {strides = array<i32>} : memref<128x256xf32, #tpu.memory_space<vmem>>, vector<16xf32>,
        %get3A_1248 = arith.index_cast %add3A_1149 : i32 to index
        %get3A_1249 = arith.constant 192 : index
        %get3A_1250 = tpu.vector_load %arg10[%get3A_1248, %get3A_1249] {strides = array<i32>} : memref<128x256xf32, #tpu.memory_space<vmem>>, vector<16xf32>,
        %mul3A_1251 = arith.mulf %get3A_1247, %get3A_1250 : vector<16xf32>
        %add3A_1252 = arith.addf %add3A_1244, %mul3A_1251 : vector<16xf32>
        %get3A_1253 = arith.index_cast %add3A_1149 : i32 to index
        %get3A_1254 = arith.constant 208 : index
        %get3A_1255 = tpu.vector_load %arg9[%get3A_1253, %get3A_1254] {strides = array<i32>} : memref<128x256xf32, #tpu.memory_space<vmem>>, vector<16xf32>,
        %get3A_1256 = arith.index_cast %add3A_1149 : i32 to index
        %get3A_1257 = arith.constant 208 : index
        %get3A_1258 = tpu.vector_load %arg10[%get3A_1256, %get3A_1257] {strides = array<i32>} : memref<128x256xf32, #tpu.memory_space<vmem>>, vector<16xf32>,
        %mul3A_1259 = arith.mulf %get3A_1255, %get3A_1258 : vector<16xf32>
        %add3A_1260 = arith.addf %add3A_1252, %mul3A_1259 : vector<16xf32>
        %get3A_1261 = arith.index_cast %add3A_1149 : i32 to index
        %get3A_1262 = arith.constant 224 : index
        %get3A_1263 = tpu.vector_load %arg9[%get3A_1261, %get3A_1262] {strides = array<i32>} : memref<128x256xf32, #tpu.memory_space<vmem>>, vector<16xf32>,
        %get3A_1264 = arith.index_cast %add3A_1149 : i32 to index
        %get3A_1265 = arith.constant 224 : index
        %get3A_1266 = tpu.vector_load %arg10[%get3A_1264, %get3A_1265] {strides = array<i32>} : memref<128x256xf32, #tpu.memory_space<vmem>>, vector<16xf32>,
        %mul3A_1267 = arith.mulf %get3A_1263, %get3A_1266 : vector<16xf32>
        %add3A_1268 = arith.addf %add3A_1260, %mul3A_1267 : vector<16xf32>
        %get3A_1269 = arith.index_cast %add3A_1149 : i32 to index
        %get3A_1270 = arith.constant 240 : index
        %get3A_1271 = tpu.vector_load %arg9[%get3A_1269, %get3A_1270] {strides = array<i32>} : memref<128x256xf32, #tpu.memory_space<vmem>>, vector<16xf32>,
        %get3A_1272 = arith.index_cast %add3A_1149 : i32 to index
        %get3A_1273 = arith.constant 240 : index
        %get3A_1274 = tpu.vector_load %arg10[%get3A_1272, %get3A_1273] {strides = array<i32>} : memref<128x256xf32, #tpu.memory_space<vmem>>, vector<16xf32>,
        %mul3A_1275 = arith.mulf %get3A_1271, %get3A_1274 : vector<16xf32>
        %add3A_1276 = arith.addf %add3A_1268, %mul3A_1275 : vector<16xf32>
        %reduce_sum3A_1277 = arith.constant true
        %reduce_sum3A_1278 = vector.broadcast %reduce_sum3A_1277 : i1 to vector<16xi1>
        %reduce_sum3A_1279 = tpu.scan <sum>, %add3A_1276 masked %reduce_sum3A_1278 : vector<16xf32>, vector<16xi1> -> vector<16xf32>
        %reduce_sum3A_1280 = vector.extract %reduce_sum3A_1279[15] : f32 from vector<16xf32>
        %eq3A_1281 = arith.constant 8 : i32
        %eq3A_1282 = vector.broadcast %eq3A_1281 : i32 to vector<16xi32>
        %eq3A_1283 = arith.cmpi eq, %iota3A, %eq3A_1282 : vector<16xi32>
        %broadcast_in_dim3A_1284 = vector.broadcast %reduce_sum3A_1280 : f32 to vector<16xf32>
        %select_n3A_1285 = arith.select %eq3A_1283, %broadcast_in_dim3A_1284, %select_n3A_1145 : vector<16xi1>, vector<16xf32>
        %mul3A_1286 = arith.constant 16 : i32
        %mul3A_1287 = arith.muli %scan3A_28, %mul3A_1286 : i32
        %add3A_1288 = arith.constant 9 : i32
        %add3A_1289 = arith.addi %mul3A_1287, %add3A_1288 : i32
        %get3A_1290 = arith.index_cast %add3A_1289 : i32 to index
        %get3A_1291 = arith.constant 0 : index
        %get3A_1292 = tpu.vector_load %arg9[%get3A_1290, %get3A_1291] {strides = array<i32>} : memref<128x256xf32, #tpu.memory_space<vmem>>, vector<16xf32>,
        %get3A_1293 = arith.index_cast %add3A_1289 : i32 to index
        %get3A_1294 = arith.constant 0 : index
        %get3A_1295 = tpu.vector_load %arg10[%get3A_1293, %get3A_1294] {strides = array<i32>} : memref<128x256xf32, #tpu.memory_space<vmem>>, vector<16xf32>,
        %mul3A_1296 = arith.mulf %get3A_1292, %get3A_1295 : vector<16xf32>
        %get3A_1297 = arith.index_cast %add3A_1289 : i32 to index
        %get3A_1298 = arith.constant 16 : index
        %get3A_1299 = tpu.vector_load %arg9[%get3A_1297, %get3A_1298] {strides = array<i32>} : memref<128x256xf32, #tpu.memory_space<vmem>>, vector<16xf32>,
        %get3A_1300 = arith.index_cast %add3A_1289 : i32 to index
        %get3A_1301 = arith.constant 16 : index
        %get3A_1302 = tpu.vector_load %arg10[%get3A_1300, %get3A_1301] {strides = array<i32>} : memref<128x256xf32, #tpu.memory_space<vmem>>, vector<16xf32>,
        %mul3A_1303 = arith.mulf %get3A_1299, %get3A_1302 : vector<16xf32>
        %add3A_1304 = arith.addf %mul3A_1296, %mul3A_1303 : vector<16xf32>
        %get3A_1305 = arith.index_cast %add3A_1289 : i32 to index
        %get3A_1306 = arith.constant 32 : index
        %get3A_1307 = tpu.vector_load %arg9[%get3A_1305, %get3A_1306] {strides = array<i32>} : memref<128x256xf32, #tpu.memory_space<vmem>>, vector<16xf32>,
        %get3A_1308 = arith.index_cast %add3A_1289 : i32 to index
        %get3A_1309 = arith.constant 32 : index
        %get3A_1310 = tpu.vector_load %arg10[%get3A_1308, %get3A_1309] {strides = array<i32>} : memref<128x256xf32, #tpu.memory_space<vmem>>, vector<16xf32>,
        %mul3A_1311 = arith.mulf %get3A_1307, %get3A_1310 : vector<16xf32>
        %add3A_1312 = arith.addf %add3A_1304, %mul3A_1311 : vector<16xf32>
        %get3A_1313 = arith.index_cast %add3A_1289 : i32 to index
        %get3A_1314 = arith.constant 48 : index
        %get3A_1315 = tpu.vector_load %arg9[%get3A_1313, %get3A_1314] {strides = array<i32>} : memref<128x256xf32, #tpu.memory_space<vmem>>, vector<16xf32>,
        %get3A_1316 = arith.index_cast %add3A_1289 : i32 to index
        %get3A_1317 = arith.constant 48 : index
        %get3A_1318 = tpu.vector_load %arg10[%get3A_1316, %get3A_1317] {strides = array<i32>} : memref<128x256xf32, #tpu.memory_space<vmem>>, vector<16xf32>,
        %mul3A_1319 = arith.mulf %get3A_1315, %get3A_1318 : vector<16xf32>
        %add3A_1320 = arith.addf %add3A_1312, %mul3A_1319 : vector<16xf32>
        %get3A_1321 = arith.index_cast %add3A_1289 : i32 to index
        %get3A_1322 = arith.constant 64 : index
        %get3A_1323 = tpu.vector_load %arg9[%get3A_1321, %get3A_1322] {strides = array<i32>} : memref<128x256xf32, #tpu.memory_space<vmem>>, vector<16xf32>,
        %get3A_1324 = arith.index_cast %add3A_1289 : i32 to index
        %get3A_1325 = arith.constant 64 : index
        %get3A_1326 = tpu.vector_load %arg10[%get3A_1324, %get3A_1325] {strides = array<i32>} : memref<128x256xf32, #tpu.memory_space<vmem>>, vector<16xf32>,
        %mul3A_1327 = arith.mulf %get3A_1323, %get3A_1326 : vector<16xf32>
        %add3A_1328 = arith.addf %add3A_1320, %mul3A_1327 : vector<16xf32>
        %get3A_1329 = arith.index_cast %add3A_1289 : i32 to index
        %get3A_1330 = arith.constant 80 : index
        %get3A_1331 = tpu.vector_load %arg9[%get3A_1329, %get3A_1330] {strides = array<i32>} : memref<128x256xf32, #tpu.memory_space<vmem>>, vector<16xf32>,
        %get3A_1332 = arith.index_cast %add3A_1289 : i32 to index
        %get3A_1333 = arith.constant 80 : index
        %get3A_1334 = tpu.vector_load %arg10[%get3A_1332, %get3A_1333] {strides = array<i32>} : memref<128x256xf32, #tpu.memory_space<vmem>>, vector<16xf32>,
        %mul3A_1335 = arith.mulf %get3A_1331, %get3A_1334 : vector<16xf32>
        %add3A_1336 = arith.addf %add3A_1328, %mul3A_1335 : vector<16xf32>
        %get3A_1337 = arith.index_cast %add3A_1289 : i32 to index
        %get3A_1338 = arith.constant 96 : index
        %get3A_1339 = tpu.vector_load %arg9[%get3A_1337, %get3A_1338] {strides = array<i32>} : memref<128x256xf32, #tpu.memory_space<vmem>>, vector<16xf32>,
        %get3A_1340 = arith.index_cast %add3A_1289 : i32 to index
        %get3A_1341 = arith.constant 96 : index
        %get3A_1342 = tpu.vector_load %arg10[%get3A_1340, %get3A_1341] {strides = array<i32>} : memref<128x256xf32, #tpu.memory_space<vmem>>, vector<16xf32>,
        %mul3A_1343 = arith.mulf %get3A_1339, %get3A_1342 : vector<16xf32>
        %add3A_1344 = arith.addf %add3A_1336, %mul3A_1343 : vector<16xf32>
        %get3A_1345 = arith.index_cast %add3A_1289 : i32 to index
        %get3A_1346 = arith.constant 112 : index
        %get3A_1347 = tpu.vector_load %arg9[%get3A_1345, %get3A_1346] {strides = array<i32>} : memref<128x256xf32, #tpu.memory_space<vmem>>, vector<16xf32>,
        %get3A_1348 = arith.index_cast %add3A_1289 : i32 to index
        %get3A_1349 = arith.constant 112 : index
        %get3A_1350 = tpu.vector_load %arg10[%get3A_1348, %get3A_1349] {strides = array<i32>} : memref<128x256xf32, #tpu.memory_space<vmem>>, vector<16xf32>,
        %mul3A_1351 = arith.mulf %get3A_1347, %get3A_1350 : vector<16xf32>
        %add3A_1352 = arith.addf %add3A_1344, %mul3A_1351 : vector<16xf32>
        %get3A_1353 = arith.index_cast %add3A_1289 : i32 to index
        %get3A_1354 = arith.constant 128 : index
        %get3A_1355 = tpu.vector_load %arg9[%get3A_1353, %get3A_1354] {strides = array<i32>} : memref<128x256xf32, #tpu.memory_space<vmem>>, vector<16xf32>,
        %get3A_1356 = arith.index_cast %add3A_1289 : i32 to index
        %get3A_1357 = arith.constant 128 : index
        %get3A_1358 = tpu.vector_load %arg10[%get3A_1356, %get3A_1357] {strides = array<i32>} : memref<128x256xf32, #tpu.memory_space<vmem>>, vector<16xf32>,
        %mul3A_1359 = arith.mulf %get3A_1355, %get3A_1358 : vector<16xf32>
        %add3A_1360 = arith.addf %add3A_1352, %mul3A_1359 : vector<16xf32>
        %get3A_1361 = arith.index_cast %add3A_1289 : i32 to index
        %get3A_1362 = arith.constant 144 : index
        %get3A_1363 = tpu.vector_load %arg9[%get3A_1361, %get3A_1362] {strides = array<i32>} : memref<128x256xf32, #tpu.memory_space<vmem>>, vector<16xf32>,
        %get3A_1364 = arith.index_cast %add3A_1289 : i32 to index
        %get3A_1365 = arith.constant 144 : index
        %get3A_1366 = tpu.vector_load %arg10[%get3A_1364, %get3A_1365] {strides = array<i32>} : memref<128x256xf32, #tpu.memory_space<vmem>>, vector<16xf32>,
        %mul3A_1367 = arith.mulf %get3A_1363, %get3A_1366 : vector<16xf32>
        %add3A_1368 = arith.addf %add3A_1360, %mul3A_1367 : vector<16xf32>
        %get3A_1369 = arith.index_cast %add3A_1289 : i32 to index
        %get3A_1370 = arith.constant 160 : index
        %get3A_1371 = tpu.vector_load %arg9[%get3A_1369, %get3A_1370] {strides = array<i32>} : memref<128x256xf32, #tpu.memory_space<vmem>>, vector<16xf32>,
        %get3A_1372 = arith.index_cast %add3A_1289 : i32 to index
        %get3A_1373 = arith.constant 160 : index
        %get3A_1374 = tpu.vector_load %arg10[%get3A_1372, %get3A_1373] {strides = array<i32>} : memref<128x256xf32, #tpu.memory_space<vmem>>, vector<16xf32>,
        %mul3A_1375 = arith.mulf %get3A_1371, %get3A_1374 : vector<16xf32>
        %add3A_1376 = arith.addf %add3A_1368, %mul3A_1375 : vector<16xf32>
        %get3A_1377 = arith.index_cast %add3A_1289 : i32 to index
        %get3A_1378 = arith.constant 176 : index
        %get3A_1379 = tpu.vector_load %arg9[%get3A_1377, %get3A_1378] {strides = array<i32>} : memref<128x256xf32, #tpu.memory_space<vmem>>, vector<16xf32>,
        %get3A_1380 = arith.index_cast %add3A_1289 : i32 to index
        %get3A_1381 = arith.constant 176 : index
        %get3A_1382 = tpu.vector_load %arg10[%get3A_1380, %get3A_1381] {strides = array<i32>} : memref<128x256xf32, #tpu.memory_space<vmem>>, vector<16xf32>,
        %mul3A_1383 = arith.mulf %get3A_1379, %get3A_1382 : vector<16xf32>
        %add3A_1384 = arith.addf %add3A_1376, %mul3A_1383 : vector<16xf32>
        %get3A_1385 = arith.index_cast %add3A_1289 : i32 to index
        %get3A_1386 = arith.constant 192 : index
        %get3A_1387 = tpu.vector_load %arg9[%get3A_1385, %get3A_1386] {strides = array<i32>} : memref<128x256xf32, #tpu.memory_space<vmem>>, vector<16xf32>,
        %get3A_1388 = arith.index_cast %add3A_1289 : i32 to index
        %get3A_1389 = arith.constant 192 : index
        %get3A_1390 = tpu.vector_load %arg10[%get3A_1388, %get3A_1389] {strides = array<i32>} : memref<128x256xf32, #tpu.memory_space<vmem>>, vector<16xf32>,
        %mul3A_1391 = arith.mulf %get3A_1387, %get3A_1390 : vector<16xf32>
        %add3A_1392 = arith.addf %add3A_1384, %mul3A_1391 : vector<16xf32>
        %get3A_1393 = arith.index_cast %add3A_1289 : i32 to index
        %get3A_1394 = arith.constant 208 : index
        %get3A_1395 = tpu.vector_load %arg9[%get3A_1393, %get3A_1394] {strides = array<i32>} : memref<128x256xf32, #tpu.memory_space<vmem>>, vector<16xf32>,
        %get3A_1396 = arith.index_cast %add3A_1289 : i32 to index
        %get3A_1397 = arith.constant 208 : index
        %get3A_1398 = tpu.vector_load %arg10[%get3A_1396, %get3A_1397] {strides = array<i32>} : memref<128x256xf32, #tpu.memory_space<vmem>>, vector<16xf32>,
        %mul3A_1399 = arith.mulf %get3A_1395, %get3A_1398 : vector<16xf32>
        %add3A_1400 = arith.addf %add3A_1392, %mul3A_1399 : vector<16xf32>
        %get3A_1401 = arith.index_cast %add3A_1289 : i32 to index
        %get3A_1402 = arith.constant 224 : index
        %get3A_1403 = tpu.vector_load %arg9[%get3A_1401, %get3A_1402] {strides = array<i32>} : memref<128x256xf32, #tpu.memory_space<vmem>>, vector<16xf32>,
        %get3A_1404 = arith.index_cast %add3A_1289 : i32 to index
        %get3A_1405 = arith.constant 224 : index
        %get3A_1406 = tpu.vector_load %arg10[%get3A_1404, %get3A_1405] {strides = array<i32>} : memref<128x256xf32, #tpu.memory_space<vmem>>, vector<16xf32>,
        %mul3A_1407 = arith.mulf %get3A_1403, %get3A_1406 : vector<16xf32>
        %add3A_1408 = arith.addf %add3A_1400, %mul3A_1407 : vector<16xf32>
        %get3A_1409 = arith.index_cast %add3A_1289 : i32 to index
        %get3A_1410 = arith.constant 240 : index
        %get3A_1411 = tpu.vector_load %arg9[%get3A_1409, %get3A_1410] {strides = array<i32>} : memref<128x256xf32, #tpu.memory_space<vmem>>, vector<16xf32>,
        %get3A_1412 = arith.index_cast %add3A_1289 : i32 to index
        %get3A_1413 = arith.constant 240 : index
        %get3A_1414 = tpu.vector_load %arg10[%get3A_1412, %get3A_1413] {strides = array<i32>} : memref<128x256xf32, #tpu.memory_space<vmem>>, vector<16xf32>,
        %mul3A_1415 = arith.mulf %get3A_1411, %get3A_1414 : vector<16xf32>
        %add3A_1416 = arith.addf %add3A_1408, %mul3A_1415 : vector<16xf32>
        %reduce_sum3A_1417 = arith.constant true
        %reduce_sum3A_1418 = vector.broadcast %reduce_sum3A_1417 : i1 to vector<16xi1>
        %reduce_sum3A_1419 = tpu.scan <sum>, %add3A_1416 masked %reduce_sum3A_1418 : vector<16xf32>, vector<16xi1> -> vector<16xf32>
        %reduce_sum3A_1420 = vector.extract %reduce_sum3A_1419[15] : f32 from vector<16xf32>
        %eq3A_1421 = arith.constant 9 : i32
        %eq3A_1422 = vector.broadcast %eq3A_1421 : i32 to vector<16xi32>
        %eq3A_1423 = arith.cmpi eq, %iota3A, %eq3A_1422 : vector<16xi32>
        %broadcast_in_dim3A_1424 = vector.broadcast %reduce_sum3A_1420 : f32 to vector<16xf32>
        %select_n3A_1425 = arith.select %eq3A_1423, %broadcast_in_dim3A_1424, %select_n3A_1285 : vector<16xi1>, vector<16xf32>
        %mul3A_1426 = arith.constant 16 : i32
        %mul3A_1427 = arith.muli %scan3A_28, %mul3A_1426 : i32
        %add3A_1428 = arith.constant 10 : i32
        %add3A_1429 = arith.addi %mul3A_1427, %add3A_1428 : i32
        %get3A_1430 = arith.index_cast %add3A_1429 : i32 to index
        %get3A_1431 = arith.constant 0 : index
        %get3A_1432 = tpu.vector_load %arg9[%get3A_1430, %get3A_1431] {strides = array<i32>} : memref<128x256xf32, #tpu.memory_space<vmem>>, vector<16xf32>,
        %get3A_1433 = arith.index_cast %add3A_1429 : i32 to index
        %get3A_1434 = arith.constant 0 : index
        %get3A_1435 = tpu.vector_load %arg10[%get3A_1433, %get3A_1434] {strides = array<i32>} : memref<128x256xf32, #tpu.memory_space<vmem>>, vector<16xf32>,
        %mul3A_1436 = arith.mulf %get3A_1432, %get3A_1435 : vector<16xf32>
        %get3A_1437 = arith.index_cast %add3A_1429 : i32 to index
        %get3A_1438 = arith.constant 16 : index
        %get3A_1439 = tpu.vector_load %arg9[%get3A_1437, %get3A_1438] {strides = array<i32>} : memref<128x256xf32, #tpu.memory_space<vmem>>, vector<16xf32>,
        %get3A_1440 = arith.index_cast %add3A_1429 : i32 to index
        %get3A_1441 = arith.constant 16 : index
        %get3A_1442 = tpu.vector_load %arg10[%get3A_1440, %get3A_1441] {strides = array<i32>} : memref<128x256xf32, #tpu.memory_space<vmem>>, vector<16xf32>,
        %mul3A_1443 = arith.mulf %get3A_1439, %get3A_1442 : vector<16xf32>
        %add3A_1444 = arith.addf %mul3A_1436, %mul3A_1443 : vector<16xf32>
        %get3A_1445 = arith.index_cast %add3A_1429 : i32 to index
        %get3A_1446 = arith.constant 32 : index
        %get3A_1447 = tpu.vector_load %arg9[%get3A_1445, %get3A_1446] {strides = array<i32>} : memref<128x256xf32, #tpu.memory_space<vmem>>, vector<16xf32>,
        %get3A_1448 = arith.index_cast %add3A_1429 : i32 to index
        %get3A_1449 = arith.constant 32 : index
        %get3A_1450 = tpu.vector_load %arg10[%get3A_1448, %get3A_1449] {strides = array<i32>} : memref<128x256xf32, #tpu.memory_space<vmem>>, vector<16xf32>,
        %mul3A_1451 = arith.mulf %get3A_1447, %get3A_1450 : vector<16xf32>
        %add3A_1452 = arith.addf %add3A_1444, %mul3A_1451 : vector<16xf32>
        %get3A_1453 = arith.index_cast %add3A_1429 : i32 to index
        %get3A_1454 = arith.constant 48 : index
        %get3A_1455 = tpu.vector_load %arg9[%get3A_1453, %get3A_1454] {strides = array<i32>} : memref<128x256xf32, #tpu.memory_space<vmem>>, vector<16xf32>,
        %get3A_1456 = arith.index_cast %add3A_1429 : i32 to index
        %get3A_1457 = arith.constant 48 : index
        %get3A_1458 = tpu.vector_load %arg10[%get3A_1456, %get3A_1457] {strides = array<i32>} : memref<128x256xf32, #tpu.memory_space<vmem>>, vector<16xf32>,
        %mul3A_1459 = arith.mulf %get3A_1455, %get3A_1458 : vector<16xf32>
        %add3A_1460 = arith.addf %add3A_1452, %mul3A_1459 : vector<16xf32>
        %get3A_1461 = arith.index_cast %add3A_1429 : i32 to index
        %get3A_1462 = arith.constant 64 : index
        %get3A_1463 = tpu.vector_load %arg9[%get3A_1461, %get3A_1462] {strides = array<i32>} : memref<128x256xf32, #tpu.memory_space<vmem>>, vector<16xf32>,
        %get3A_1464 = arith.index_cast %add3A_1429 : i32 to index
        %get3A_1465 = arith.constant 64 : index
        %get3A_1466 = tpu.vector_load %arg10[%get3A_1464, %get3A_1465] {strides = array<i32>} : memref<128x256xf32, #tpu.memory_space<vmem>>, vector<16xf32>,
        %mul3A_1467 = arith.mulf %get3A_1463, %get3A_1466 : vector<16xf32>
        %add3A_1468 = arith.addf %add3A_1460, %mul3A_1467 : vector<16xf32>
        %get3A_1469 = arith.index_cast %add3A_1429 : i32 to index
        %get3A_1470 = arith.constant 80 : index
        %get3A_1471 = tpu.vector_load %arg9[%get3A_1469, %get3A_1470] {strides = array<i32>} : memref<128x256xf32, #tpu.memory_space<vmem>>, vector<16xf32>,
        %get3A_1472 = arith.index_cast %add3A_1429 : i32 to index
        %get3A_1473 = arith.constant 80 : index
        %get3A_1474 = tpu.vector_load %arg10[%get3A_1472, %get3A_1473] {strides = array<i32>} : memref<128x256xf32, #tpu.memory_space<vmem>>, vector<16xf32>,
        %mul3A_1475 = arith.mulf %get3A_1471, %get3A_1474 : vector<16xf32>
        %add3A_1476 = arith.addf %add3A_1468, %mul3A_1475 : vector<16xf32>
        %get3A_1477 = arith.index_cast %add3A_1429 : i32 to index
        %get3A_1478 = arith.constant 96 : index
        %get3A_1479 = tpu.vector_load %arg9[%get3A_1477, %get3A_1478] {strides = array<i32>} : memref<128x256xf32, #tpu.memory_space<vmem>>, vector<16xf32>,
        %get3A_1480 = arith.index_cast %add3A_1429 : i32 to index
        %get3A_1481 = arith.constant 96 : index
        %get3A_1482 = tpu.vector_load %arg10[%get3A_1480, %get3A_1481] {strides = array<i32>} : memref<128x256xf32, #tpu.memory_space<vmem>>, vector<16xf32>,
        %mul3A_1483 = arith.mulf %get3A_1479, %get3A_1482 : vector<16xf32>
        %add3A_1484 = arith.addf %add3A_1476, %mul3A_1483 : vector<16xf32>
        %get3A_1485 = arith.index_cast %add3A_1429 : i32 to index
        %get3A_1486 = arith.constant 112 : index
        %get3A_1487 = tpu.vector_load %arg9[%get3A_1485, %get3A_1486] {strides = array<i32>} : memref<128x256xf32, #tpu.memory_space<vmem>>, vector<16xf32>,
        %get3A_1488 = arith.index_cast %add3A_1429 : i32 to index
        %get3A_1489 = arith.constant 112 : index
        %get3A_1490 = tpu.vector_load %arg10[%get3A_1488, %get3A_1489] {strides = array<i32>} : memref<128x256xf32, #tpu.memory_space<vmem>>, vector<16xf32>,
        %mul3A_1491 = arith.mulf %get3A_1487, %get3A_1490 : vector<16xf32>
        %add3A_1492 = arith.addf %add3A_1484, %mul3A_1491 : vector<16xf32>
        %get3A_1493 = arith.index_cast %add3A_1429 : i32 to index
        %get3A_1494 = arith.constant 128 : index
        %get3A_1495 = tpu.vector_load %arg9[%get3A_1493, %get3A_1494] {strides = array<i32>} : memref<128x256xf32, #tpu.memory_space<vmem>>, vector<16xf32>,
        %get3A_1496 = arith.index_cast %add3A_1429 : i32 to index
        %get3A_1497 = arith.constant 128 : index
        %get3A_1498 = tpu.vector_load %arg10[%get3A_1496, %get3A_1497] {strides = array<i32>} : memref<128x256xf32, #tpu.memory_space<vmem>>, vector<16xf32>,
        %mul3A_1499 = arith.mulf %get3A_1495, %get3A_1498 : vector<16xf32>
        %add3A_1500 = arith.addf %add3A_1492, %mul3A_1499 : vector<16xf32>
        %get3A_1501 = arith.index_cast %add3A_1429 : i32 to index
        %get3A_1502 = arith.constant 144 : index
        %get3A_1503 = tpu.vector_load %arg9[%get3A_1501, %get3A_1502] {strides = array<i32>} : memref<128x256xf32, #tpu.memory_space<vmem>>, vector<16xf32>,
        %get3A_1504 = arith.index_cast %add3A_1429 : i32 to index
        %get3A_1505 = arith.constant 144 : index
        %get3A_1506 = tpu.vector_load %arg10[%get3A_1504, %get3A_1505] {strides = array<i32>} : memref<128x256xf32, #tpu.memory_space<vmem>>, vector<16xf32>,
        %mul3A_1507 = arith.mulf %get3A_1503, %get3A_1506 : vector<16xf32>
        %add3A_1508 = arith.addf %add3A_1500, %mul3A_1507 : vector<16xf32>
        %get3A_1509 = arith.index_cast %add3A_1429 : i32 to index
        %get3A_1510 = arith.constant 160 : index
        %get3A_1511 = tpu.vector_load %arg9[%get3A_1509, %get3A_1510] {strides = array<i32>} : memref<128x256xf32, #tpu.memory_space<vmem>>, vector<16xf32>,
        %get3A_1512 = arith.index_cast %add3A_1429 : i32 to index
        %get3A_1513 = arith.constant 160 : index
        %get3A_1514 = tpu.vector_load %arg10[%get3A_1512, %get3A_1513] {strides = array<i32>} : memref<128x256xf32, #tpu.memory_space<vmem>>, vector<16xf32>,
        %mul3A_1515 = arith.mulf %get3A_1511, %get3A_1514 : vector<16xf32>
        %add3A_1516 = arith.addf %add3A_1508, %mul3A_1515 : vector<16xf32>
        %get3A_1517 = arith.index_cast %add3A_1429 : i32 to index
        %get3A_1518 = arith.constant 176 : index
        %get3A_1519 = tpu.vector_load %arg9[%get3A_1517, %get3A_1518] {strides = array<i32>} : memref<128x256xf32, #tpu.memory_space<vmem>>, vector<16xf32>,
        %get3A_1520 = arith.index_cast %add3A_1429 : i32 to index
        %get3A_1521 = arith.constant 176 : index
        %get3A_1522 = tpu.vector_load %arg10[%get3A_1520, %get3A_1521] {strides = array<i32>} : memref<128x256xf32, #tpu.memory_space<vmem>>, vector<16xf32>,
        %mul3A_1523 = arith.mulf %get3A_1519, %get3A_1522 : vector<16xf32>
        %add3A_1524 = arith.addf %add3A_1516, %mul3A_1523 : vector<16xf32>
        %get3A_1525 = arith.index_cast %add3A_1429 : i32 to index
        %get3A_1526 = arith.constant 192 : index
        %get3A_1527 = tpu.vector_load %arg9[%get3A_1525, %get3A_1526] {strides = array<i32>} : memref<128x256xf32, #tpu.memory_space<vmem>>, vector<16xf32>,
        %get3A_1528 = arith.index_cast %add3A_1429 : i32 to index
        %get3A_1529 = arith.constant 192 : index
        %get3A_1530 = tpu.vector_load %arg10[%get3A_1528, %get3A_1529] {strides = array<i32>} : memref<128x256xf32, #tpu.memory_space<vmem>>, vector<16xf32>,
        %mul3A_1531 = arith.mulf %get3A_1527, %get3A_1530 : vector<16xf32>
        %add3A_1532 = arith.addf %add3A_1524, %mul3A_1531 : vector<16xf32>
        %get3A_1533 = arith.index_cast %add3A_1429 : i32 to index
        %get3A_1534 = arith.constant 208 : index
        %get3A_1535 = tpu.vector_load %arg9[%get3A_1533, %get3A_1534] {strides = array<i32>} : memref<128x256xf32, #tpu.memory_space<vmem>>, vector<16xf32>,
        %get3A_1536 = arith.index_cast %add3A_1429 : i32 to index
        %get3A_1537 = arith.constant 208 : index
        %get3A_1538 = tpu.vector_load %arg10[%get3A_1536, %get3A_1537] {strides = array<i32>} : memref<128x256xf32, #tpu.memory_space<vmem>>, vector<16xf32>,
        %mul3A_1539 = arith.mulf %get3A_1535, %get3A_1538 : vector<16xf32>
        %add3A_1540 = arith.addf %add3A_1532, %mul3A_1539 : vector<16xf32>
        %get3A_1541 = arith.index_cast %add3A_1429 : i32 to index
        %get3A_1542 = arith.constant 224 : index
        %get3A_1543 = tpu.vector_load %arg9[%get3A_1541, %get3A_1542] {strides = array<i32>} : memref<128x256xf32, #tpu.memory_space<vmem>>, vector<16xf32>,
        %get3A_1544 = arith.index_cast %add3A_1429 : i32 to index
        %get3A_1545 = arith.constant 224 : index
        %get3A_1546 = tpu.vector_load %arg10[%get3A_1544, %get3A_1545] {strides = array<i32>} : memref<128x256xf32, #tpu.memory_space<vmem>>, vector<16xf32>,
        %mul3A_1547 = arith.mulf %get3A_1543, %get3A_1546 : vector<16xf32>
        %add3A_1548 = arith.addf %add3A_1540, %mul3A_1547 : vector<16xf32>
        %get3A_1549 = arith.index_cast %add3A_1429 : i32 to index
        %get3A_1550 = arith.constant 240 : index
        %get3A_1551 = tpu.vector_load %arg9[%get3A_1549, %get3A_1550] {strides = array<i32>} : memref<128x256xf32, #tpu.memory_space<vmem>>, vector<16xf32>,
        %get3A_1552 = arith.index_cast %add3A_1429 : i32 to index
        %get3A_1553 = arith.constant 240 : index
        %get3A_1554 = tpu.vector_load %arg10[%get3A_1552, %get3A_1553] {strides = array<i32>} : memref<128x256xf32, #tpu.memory_space<vmem>>, vector<16xf32>,
        %mul3A_1555 = arith.mulf %get3A_1551, %get3A_1554 : vector<16xf32>
        %add3A_1556 = arith.addf %add3A_1548, %mul3A_1555 : vector<16xf32>
        %reduce_sum3A_1557 = arith.constant true
        %reduce_sum3A_1558 = vector.broadcast %reduce_sum3A_1557 : i1 to vector<16xi1>
        %reduce_sum3A_1559 = tpu.scan <sum>, %add3A_1556 masked %reduce_sum3A_1558 : vector<16xf32>, vector<16xi1> -> vector<16xf32>
        %reduce_sum3A_1560 = vector.extract %reduce_sum3A_1559[15] : f32 from vector<16xf32>
        %eq3A_1561 = arith.constant 10 : i32
        %eq3A_1562 = vector.broadcast %eq3A_1561 : i32 to vector<16xi32>
        %eq3A_1563 = arith.cmpi eq, %iota3A, %eq3A_1562 : vector<16xi32>
        %broadcast_in_dim3A_1564 = vector.broadcast %reduce_sum3A_1560 : f32 to vector<16xf32>
        %select_n3A_1565 = arith.select %eq3A_1563, %broadcast_in_dim3A_1564, %select_n3A_1425 : vector<16xi1>, vector<16xf32>
        %mul3A_1566 = arith.constant 16 : i32
        %mul3A_1567 = arith.muli %scan3A_28, %mul3A_1566 : i32
        %add3A_1568 = arith.constant 11 : i32
        %add3A_1569 = arith.addi %mul3A_1567, %add3A_1568 : i32
        %get3A_1570 = arith.index_cast %add3A_1569 : i32 to index
        %get3A_1571 = arith.constant 0 : index
        %get3A_1572 = tpu.vector_load %arg9[%get3A_1570, %get3A_1571] {strides = array<i32>} : memref<128x256xf32, #tpu.memory_space<vmem>>, vector<16xf32>,
        %get3A_1573 = arith.index_cast %add3A_1569 : i32 to index
        %get3A_1574 = arith.constant 0 : index
        %get3A_1575 = tpu.vector_load %arg10[%get3A_1573, %get3A_1574] {strides = array<i32>} : memref<128x256xf32, #tpu.memory_space<vmem>>, vector<16xf32>,
        %mul3A_1576 = arith.mulf %get3A_1572, %get3A_1575 : vector<16xf32>
        %get3A_1577 = arith.index_cast %add3A_1569 : i32 to index
        %get3A_1578 = arith.constant 16 : index
        %get3A_1579 = tpu.vector_load %arg9[%get3A_1577, %get3A_1578] {strides = array<i32>} : memref<128x256xf32, #tpu.memory_space<vmem>>, vector<16xf32>,
        %get3A_1580 = arith.index_cast %add3A_1569 : i32 to index
        %get3A_1581 = arith.constant 16 : index
        %get3A_1582 = tpu.vector_load %arg10[%get3A_1580, %get3A_1581] {strides = array<i32>} : memref<128x256xf32, #tpu.memory_space<vmem>>, vector<16xf32>,
        %mul3A_1583 = arith.mulf %get3A_1579, %get3A_1582 : vector<16xf32>
        %add3A_1584 = arith.addf %mul3A_1576, %mul3A_1583 : vector<16xf32>
        %get3A_1585 = arith.index_cast %add3A_1569 : i32 to index
        %get3A_1586 = arith.constant 32 : index
        %get3A_1587 = tpu.vector_load %arg9[%get3A_1585, %get3A_1586] {strides = array<i32>} : memref<128x256xf32, #tpu.memory_space<vmem>>, vector<16xf32>,
        %get3A_1588 = arith.index_cast %add3A_1569 : i32 to index
        %get3A_1589 = arith.constant 32 : index
        %get3A_1590 = tpu.vector_load %arg10[%get3A_1588, %get3A_1589] {strides = array<i32>} : memref<128x256xf32, #tpu.memory_space<vmem>>, vector<16xf32>,
        %mul3A_1591 = arith.mulf %get3A_1587, %get3A_1590 : vector<16xf32>
        %add3A_1592 = arith.addf %add3A_1584, %mul3A_1591 : vector<16xf32>
        %get3A_1593 = arith.index_cast %add3A_1569 : i32 to index
        %get3A_1594 = arith.constant 48 : index
        %get3A_1595 = tpu.vector_load %arg9[%get3A_1593, %get3A_1594] {strides = array<i32>} : memref<128x256xf32, #tpu.memory_space<vmem>>, vector<16xf32>,
        %get3A_1596 = arith.index_cast %add3A_1569 : i32 to index
        %get3A_1597 = arith.constant 48 : index
        %get3A_1598 = tpu.vector_load %arg10[%get3A_1596, %get3A_1597] {strides = array<i32>} : memref<128x256xf32, #tpu.memory_space<vmem>>, vector<16xf32>,
        %mul3A_1599 = arith.mulf %get3A_1595, %get3A_1598 : vector<16xf32>
        %add3A_1600 = arith.addf %add3A_1592, %mul3A_1599 : vector<16xf32>
        %get3A_1601 = arith.index_cast %add3A_1569 : i32 to index
        %get3A_1602 = arith.constant 64 : index
        %get3A_1603 = tpu.vector_load %arg9[%get3A_1601, %get3A_1602] {strides = array<i32>} : memref<128x256xf32, #tpu.memory_space<vmem>>, vector<16xf32>,
        %get3A_1604 = arith.index_cast %add3A_1569 : i32 to index
        %get3A_1605 = arith.constant 64 : index
        %get3A_1606 = tpu.vector_load %arg10[%get3A_1604, %get3A_1605] {strides = array<i32>} : memref<128x256xf32, #tpu.memory_space<vmem>>, vector<16xf32>,
        %mul3A_1607 = arith.mulf %get3A_1603, %get3A_1606 : vector<16xf32>
        %add3A_1608 = arith.addf %add3A_1600, %mul3A_1607 : vector<16xf32>
        %get3A_1609 = arith.index_cast %add3A_1569 : i32 to index
        %get3A_1610 = arith.constant 80 : index
        %get3A_1611 = tpu.vector_load %arg9[%get3A_1609, %get3A_1610] {strides = array<i32>} : memref<128x256xf32, #tpu.memory_space<vmem>>, vector<16xf32>,
        %get3A_1612 = arith.index_cast %add3A_1569 : i32 to index
        %get3A_1613 = arith.constant 80 : index
        %get3A_1614 = tpu.vector_load %arg10[%get3A_1612, %get3A_1613] {strides = array<i32>} : memref<128x256xf32, #tpu.memory_space<vmem>>, vector<16xf32>,
        %mul3A_1615 = arith.mulf %get3A_1611, %get3A_1614 : vector<16xf32>
        %add3A_1616 = arith.addf %add3A_1608, %mul3A_1615 : vector<16xf32>
        %get3A_1617 = arith.index_cast %add3A_1569 : i32 to index
        %get3A_1618 = arith.constant 96 : index
        %get3A_1619 = tpu.vector_load %arg9[%get3A_1617, %get3A_1618] {strides = array<i32>} : memref<128x256xf32, #tpu.memory_space<vmem>>, vector<16xf32>,
        %get3A_1620 = arith.index_cast %add3A_1569 : i32 to index
        %get3A_1621 = arith.constant 96 : index
        %get3A_1622 = tpu.vector_load %arg10[%get3A_1620, %get3A_1621] {strides = array<i32>} : memref<128x256xf32, #tpu.memory_space<vmem>>, vector<16xf32>,
        %mul3A_1623 = arith.mulf %get3A_1619, %get3A_1622 : vector<16xf32>
        %add3A_1624 = arith.addf %add3A_1616, %mul3A_1623 : vector<16xf32>
        %get3A_1625 = arith.index_cast %add3A_1569 : i32 to index
        %get3A_1626 = arith.constant 112 : index
        %get3A_1627 = tpu.vector_load %arg9[%get3A_1625, %get3A_1626] {strides = array<i32>} : memref<128x256xf32, #tpu.memory_space<vmem>>, vector<16xf32>,
        %get3A_1628 = arith.index_cast %add3A_1569 : i32 to index
        %get3A_1629 = arith.constant 112 : index
        %get3A_1630 = tpu.vector_load %arg10[%get3A_1628, %get3A_1629] {strides = array<i32>} : memref<128x256xf32, #tpu.memory_space<vmem>>, vector<16xf32>,
        %mul3A_1631 = arith.mulf %get3A_1627, %get3A_1630 : vector<16xf32>
        %add3A_1632 = arith.addf %add3A_1624, %mul3A_1631 : vector<16xf32>
        %get3A_1633 = arith.index_cast %add3A_1569 : i32 to index
        %get3A_1634 = arith.constant 128 : index
        %get3A_1635 = tpu.vector_load %arg9[%get3A_1633, %get3A_1634] {strides = array<i32>} : memref<128x256xf32, #tpu.memory_space<vmem>>, vector<16xf32>,
        %get3A_1636 = arith.index_cast %add3A_1569 : i32 to index
        %get3A_1637 = arith.constant 128 : index
        %get3A_1638 = tpu.vector_load %arg10[%get3A_1636, %get3A_1637] {strides = array<i32>} : memref<128x256xf32, #tpu.memory_space<vmem>>, vector<16xf32>,
        %mul3A_1639 = arith.mulf %get3A_1635, %get3A_1638 : vector<16xf32>
        %add3A_1640 = arith.addf %add3A_1632, %mul3A_1639 : vector<16xf32>
        %get3A_1641 = arith.index_cast %add3A_1569 : i32 to index
        %get3A_1642 = arith.constant 144 : index
        %get3A_1643 = tpu.vector_load %arg9[%get3A_1641, %get3A_1642] {strides = array<i32>} : memref<128x256xf32, #tpu.memory_space<vmem>>, vector<16xf32>,
        %get3A_1644 = arith.index_cast %add3A_1569 : i32 to index
        %get3A_1645 = arith.constant 144 : index
        %get3A_1646 = tpu.vector_load %arg10[%get3A_1644, %get3A_1645] {strides = array<i32>} : memref<128x256xf32, #tpu.memory_space<vmem>>, vector<16xf32>,
        %mul3A_1647 = arith.mulf %get3A_1643, %get3A_1646 : vector<16xf32>
        %add3A_1648 = arith.addf %add3A_1640, %mul3A_1647 : vector<16xf32>
        %get3A_1649 = arith.index_cast %add3A_1569 : i32 to index
        %get3A_1650 = arith.constant 160 : index
        %get3A_1651 = tpu.vector_load %arg9[%get3A_1649, %get3A_1650] {strides = array<i32>} : memref<128x256xf32, #tpu.memory_space<vmem>>, vector<16xf32>,
        %get3A_1652 = arith.index_cast %add3A_1569 : i32 to index
        %get3A_1653 = arith.constant 160 : index
        %get3A_1654 = tpu.vector_load %arg10[%get3A_1652, %get3A_1653] {strides = array<i32>} : memref<128x256xf32, #tpu.memory_space<vmem>>, vector<16xf32>,
        %mul3A_1655 = arith.mulf %get3A_1651, %get3A_1654 : vector<16xf32>
        %add3A_1656 = arith.addf %add3A_1648, %mul3A_1655 : vector<16xf32>
        %get3A_1657 = arith.index_cast %add3A_1569 : i32 to index
        %get3A_1658 = arith.constant 176 : index
        %get3A_1659 = tpu.vector_load %arg9[%get3A_1657, %get3A_1658] {strides = array<i32>} : memref<128x256xf32, #tpu.memory_space<vmem>>, vector<16xf32>,
        %get3A_1660 = arith.index_cast %add3A_1569 : i32 to index
        %get3A_1661 = arith.constant 176 : index
        %get3A_1662 = tpu.vector_load %arg10[%get3A_1660, %get3A_1661] {strides = array<i32>} : memref<128x256xf32, #tpu.memory_space<vmem>>, vector<16xf32>,
        %mul3A_1663 = arith.mulf %get3A_1659, %get3A_1662 : vector<16xf32>
        %add3A_1664 = arith.addf %add3A_1656, %mul3A_1663 : vector<16xf32>
        %get3A_1665 = arith.index_cast %add3A_1569 : i32 to index
        %get3A_1666 = arith.constant 192 : index
        %get3A_1667 = tpu.vector_load %arg9[%get3A_1665, %get3A_1666] {strides = array<i32>} : memref<128x256xf32, #tpu.memory_space<vmem>>, vector<16xf32>,
        %get3A_1668 = arith.index_cast %add3A_1569 : i32 to index
        %get3A_1669 = arith.constant 192 : index
        %get3A_1670 = tpu.vector_load %arg10[%get3A_1668, %get3A_1669] {strides = array<i32>} : memref<128x256xf32, #tpu.memory_space<vmem>>, vector<16xf32>,
        %mul3A_1671 = arith.mulf %get3A_1667, %get3A_1670 : vector<16xf32>
        %add3A_1672 = arith.addf %add3A_1664, %mul3A_1671 : vector<16xf32>
        %get3A_1673 = arith.index_cast %add3A_1569 : i32 to index
        %get3A_1674 = arith.constant 208 : index
        %get3A_1675 = tpu.vector_load %arg9[%get3A_1673, %get3A_1674] {strides = array<i32>} : memref<128x256xf32, #tpu.memory_space<vmem>>, vector<16xf32>,
        %get3A_1676 = arith.index_cast %add3A_1569 : i32 to index
        %get3A_1677 = arith.constant 208 : index
        %get3A_1678 = tpu.vector_load %arg10[%get3A_1676, %get3A_1677] {strides = array<i32>} : memref<128x256xf32, #tpu.memory_space<vmem>>, vector<16xf32>,
        %mul3A_1679 = arith.mulf %get3A_1675, %get3A_1678 : vector<16xf32>
        %add3A_1680 = arith.addf %add3A_1672, %mul3A_1679 : vector<16xf32>
        %get3A_1681 = arith.index_cast %add3A_1569 : i32 to index
        %get3A_1682 = arith.constant 224 : index
        %get3A_1683 = tpu.vector_load %arg9[%get3A_1681, %get3A_1682] {strides = array<i32>} : memref<128x256xf32, #tpu.memory_space<vmem>>, vector<16xf32>,
        %get3A_1684 = arith.index_cast %add3A_1569 : i32 to index
        %get3A_1685 = arith.constant 224 : index
        %get3A_1686 = tpu.vector_load %arg10[%get3A_1684, %get3A_1685] {strides = array<i32>} : memref<128x256xf32, #tpu.memory_space<vmem>>, vector<16xf32>,
        %mul3A_1687 = arith.mulf %get3A_1683, %get3A_1686 : vector<16xf32>
        %add3A_1688 = arith.addf %add3A_1680, %mul3A_1687 : vector<16xf32>
        %get3A_1689 = arith.index_cast %add3A_1569 : i32 to index
        %get3A_1690 = arith.constant 240 : index
        %get3A_1691 = tpu.vector_load %arg9[%get3A_1689, %get3A_1690] {strides = array<i32>} : memref<128x256xf32, #tpu.memory_space<vmem>>, vector<16xf32>,
        %get3A_1692 = arith.index_cast %add3A_1569 : i32 to index
        %get3A_1693 = arith.constant 240 : index
        %get3A_1694 = tpu.vector_load %arg10[%get3A_1692, %get3A_1693] {strides = array<i32>} : memref<128x256xf32, #tpu.memory_space<vmem>>, vector<16xf32>,
        %mul3A_1695 = arith.mulf %get3A_1691, %get3A_1694 : vector<16xf32>
        %add3A_1696 = arith.addf %add3A_1688, %mul3A_1695 : vector<16xf32>
        %reduce_sum3A_1697 = arith.constant true
        %reduce_sum3A_1698 = vector.broadcast %reduce_sum3A_1697 : i1 to vector<16xi1>
        %reduce_sum3A_1699 = tpu.scan <sum>, %add3A_1696 masked %reduce_sum3A_1698 : vector<16xf32>, vector<16xi1> -> vector<16xf32>
        %reduce_sum3A_1700 = vector.extract %reduce_sum3A_1699[15] : f32 from vector<16xf32>
        %eq3A_1701 = arith.constant 11 : i32
        %eq3A_1702 = vector.broadcast %eq3A_1701 : i32 to vector<16xi32>
        %eq3A_1703 = arith.cmpi eq, %iota3A, %eq3A_1702 : vector<16xi32>
        %broadcast_in_dim3A_1704 = vector.broadcast %reduce_sum3A_1700 : f32 to vector<16xf32>
        %select_n3A_1705 = arith.select %eq3A_1703, %broadcast_in_dim3A_1704, %select_n3A_1565 : vector<16xi1>, vector<16xf32>
        %mul3A_1706 = arith.constant 16 : i32
        %mul3A_1707 = arith.muli %scan3A_28, %mul3A_1706 : i32
        %add3A_1708 = arith.constant 12 : i32
        %add3A_1709 = arith.addi %mul3A_1707, %add3A_1708 : i32
        %get3A_1710 = arith.index_cast %add3A_1709 : i32 to index
        %get3A_1711 = arith.constant 0 : index
        %get3A_1712 = tpu.vector_load %arg9[%get3A_1710, %get3A_1711] {strides = array<i32>} : memref<128x256xf32, #tpu.memory_space<vmem>>, vector<16xf32>,
        %get3A_1713 = arith.index_cast %add3A_1709 : i32 to index
        %get3A_1714 = arith.constant 0 : index
        %get3A_1715 = tpu.vector_load %arg10[%get3A_1713, %get3A_1714] {strides = array<i32>} : memref<128x256xf32, #tpu.memory_space<vmem>>, vector<16xf32>,
        %mul3A_1716 = arith.mulf %get3A_1712, %get3A_1715 : vector<16xf32>
        %get3A_1717 = arith.index_cast %add3A_1709 : i32 to index
        %get3A_1718 = arith.constant 16 : index
        %get3A_1719 = tpu.vector_load %arg9[%get3A_1717, %get3A_1718] {strides = array<i32>} : memref<128x256xf32, #tpu.memory_space<vmem>>, vector<16xf32>,
        %get3A_1720 = arith.index_cast %add3A_1709 : i32 to index
        %get3A_1721 = arith.constant 16 : index
        %get3A_1722 = tpu.vector_load %arg10[%get3A_1720, %get3A_1721] {strides = array<i32>} : memref<128x256xf32, #tpu.memory_space<vmem>>, vector<16xf32>,
        %mul3A_1723 = arith.mulf %get3A_1719, %get3A_1722 : vector<16xf32>
        %add3A_1724 = arith.addf %mul3A_1716, %mul3A_1723 : vector<16xf32>
        %get3A_1725 = arith.index_cast %add3A_1709 : i32 to index
        %get3A_1726 = arith.constant 32 : index
        %get3A_1727 = tpu.vector_load %arg9[%get3A_1725, %get3A_1726] {strides = array<i32>} : memref<128x256xf32, #tpu.memory_space<vmem>>, vector<16xf32>,
        %get3A_1728 = arith.index_cast %add3A_1709 : i32 to index
        %get3A_1729 = arith.constant 32 : index
        %get3A_1730 = tpu.vector_load %arg10[%get3A_1728, %get3A_1729] {strides = array<i32>} : memref<128x256xf32, #tpu.memory_space<vmem>>, vector<16xf32>,
        %mul3A_1731 = arith.mulf %get3A_1727, %get3A_1730 : vector<16xf32>
        %add3A_1732 = arith.addf %add3A_1724, %mul3A_1731 : vector<16xf32>
        %get3A_1733 = arith.index_cast %add3A_1709 : i32 to index
        %get3A_1734 = arith.constant 48 : index
        %get3A_1735 = tpu.vector_load %arg9[%get3A_1733, %get3A_1734] {strides = array<i32>} : memref<128x256xf32, #tpu.memory_space<vmem>>, vector<16xf32>,
        %get3A_1736 = arith.index_cast %add3A_1709 : i32 to index
        %get3A_1737 = arith.constant 48 : index
        %get3A_1738 = tpu.vector_load %arg10[%get3A_1736, %get3A_1737] {strides = array<i32>} : memref<128x256xf32, #tpu.memory_space<vmem>>, vector<16xf32>,
        %mul3A_1739 = arith.mulf %get3A_1735, %get3A_1738 : vector<16xf32>
        %add3A_1740 = arith.addf %add3A_1732, %mul3A_1739 : vector<16xf32>
        %get3A_1741 = arith.index_cast %add3A_1709 : i32 to index
        %get3A_1742 = arith.constant 64 : index
        %get3A_1743 = tpu.vector_load %arg9[%get3A_1741, %get3A_1742] {strides = array<i32>} : memref<128x256xf32, #tpu.memory_space<vmem>>, vector<16xf32>,
        %get3A_1744 = arith.index_cast %add3A_1709 : i32 to index
        %get3A_1745 = arith.constant 64 : index
        %get3A_1746 = tpu.vector_load %arg10[%get3A_1744, %get3A_1745] {strides = array<i32>} : memref<128x256xf32, #tpu.memory_space<vmem>>, vector<16xf32>,
        %mul3A_1747 = arith.mulf %get3A_1743, %get3A_1746 : vector<16xf32>
        %add3A_1748 = arith.addf %add3A_1740, %mul3A_1747 : vector<16xf32>
        %get3A_1749 = arith.index_cast %add3A_1709 : i32 to index
        %get3A_1750 = arith.constant 80 : index
        %get3A_1751 = tpu.vector_load %arg9[%get3A_1749, %get3A_1750] {strides = array<i32>} : memref<128x256xf32, #tpu.memory_space<vmem>>, vector<16xf32>,
        %get3A_1752 = arith.index_cast %add3A_1709 : i32 to index
        %get3A_1753 = arith.constant 80 : index
        %get3A_1754 = tpu.vector_load %arg10[%get3A_1752, %get3A_1753] {strides = array<i32>} : memref<128x256xf32, #tpu.memory_space<vmem>>, vector<16xf32>,
        %mul3A_1755 = arith.mulf %get3A_1751, %get3A_1754 : vector<16xf32>
        %add3A_1756 = arith.addf %add3A_1748, %mul3A_1755 : vector<16xf32>
        %get3A_1757 = arith.index_cast %add3A_1709 : i32 to index
        %get3A_1758 = arith.constant 96 : index
        %get3A_1759 = tpu.vector_load %arg9[%get3A_1757, %get3A_1758] {strides = array<i32>} : memref<128x256xf32, #tpu.memory_space<vmem>>, vector<16xf32>,
        %get3A_1760 = arith.index_cast %add3A_1709 : i32 to index
        %get3A_1761 = arith.constant 96 : index
        %get3A_1762 = tpu.vector_load %arg10[%get3A_1760, %get3A_1761] {strides = array<i32>} : memref<128x256xf32, #tpu.memory_space<vmem>>, vector<16xf32>,
        %mul3A_1763 = arith.mulf %get3A_1759, %get3A_1762 : vector<16xf32>
        %add3A_1764 = arith.addf %add3A_1756, %mul3A_1763 : vector<16xf32>
        %get3A_1765 = arith.index_cast %add3A_1709 : i32 to index
        %get3A_1766 = arith.constant 112 : index
        %get3A_1767 = tpu.vector_load %arg9[%get3A_1765, %get3A_1766] {strides = array<i32>} : memref<128x256xf32, #tpu.memory_space<vmem>>, vector<16xf32>,
        %get3A_1768 = arith.index_cast %add3A_1709 : i32 to index
        %get3A_1769 = arith.constant 112 : index
        %get3A_1770 = tpu.vector_load %arg10[%get3A_1768, %get3A_1769] {strides = array<i32>} : memref<128x256xf32, #tpu.memory_space<vmem>>, vector<16xf32>,
        %mul3A_1771 = arith.mulf %get3A_1767, %get3A_1770 : vector<16xf32>
        %add3A_1772 = arith.addf %add3A_1764, %mul3A_1771 : vector<16xf32>
        %get3A_1773 = arith.index_cast %add3A_1709 : i32 to index
        %get3A_1774 = arith.constant 128 : index
        %get3A_1775 = tpu.vector_load %arg9[%get3A_1773, %get3A_1774] {strides = array<i32>} : memref<128x256xf32, #tpu.memory_space<vmem>>, vector<16xf32>,
        %get3A_1776 = arith.index_cast %add3A_1709 : i32 to index
        %get3A_1777 = arith.constant 128 : index
        %get3A_1778 = tpu.vector_load %arg10[%get3A_1776, %get3A_1777] {strides = array<i32>} : memref<128x256xf32, #tpu.memory_space<vmem>>, vector<16xf32>,
        %mul3A_1779 = arith.mulf %get3A_1775, %get3A_1778 : vector<16xf32>
        %add3A_1780 = arith.addf %add3A_1772, %mul3A_1779 : vector<16xf32>
        %get3A_1781 = arith.index_cast %add3A_1709 : i32 to index
        %get3A_1782 = arith.constant 144 : index
        %get3A_1783 = tpu.vector_load %arg9[%get3A_1781, %get3A_1782] {strides = array<i32>} : memref<128x256xf32, #tpu.memory_space<vmem>>, vector<16xf32>,
        %get3A_1784 = arith.index_cast %add3A_1709 : i32 to index
        %get3A_1785 = arith.constant 144 : index
        %get3A_1786 = tpu.vector_load %arg10[%get3A_1784, %get3A_1785] {strides = array<i32>} : memref<128x256xf32, #tpu.memory_space<vmem>>, vector<16xf32>,
        %mul3A_1787 = arith.mulf %get3A_1783, %get3A_1786 : vector<16xf32>
        %add3A_1788 = arith.addf %add3A_1780, %mul3A_1787 : vector<16xf32>
        %get3A_1789 = arith.index_cast %add3A_1709 : i32 to index
        %get3A_1790 = arith.constant 160 : index
        %get3A_1791 = tpu.vector_load %arg9[%get3A_1789, %get3A_1790] {strides = array<i32>} : memref<128x256xf32, #tpu.memory_space<vmem>>, vector<16xf32>,
        %get3A_1792 = arith.index_cast %add3A_1709 : i32 to index
        %get3A_1793 = arith.constant 160 : index
        %get3A_1794 = tpu.vector_load %arg10[%get3A_1792, %get3A_1793] {strides = array<i32>} : memref<128x256xf32, #tpu.memory_space<vmem>>, vector<16xf32>,
        %mul3A_1795 = arith.mulf %get3A_1791, %get3A_1794 : vector<16xf32>
        %add3A_1796 = arith.addf %add3A_1788, %mul3A_1795 : vector<16xf32>
        %get3A_1797 = arith.index_cast %add3A_1709 : i32 to index
        %get3A_1798 = arith.constant 176 : index
        %get3A_1799 = tpu.vector_load %arg9[%get3A_1797, %get3A_1798] {strides = array<i32>} : memref<128x256xf32, #tpu.memory_space<vmem>>, vector<16xf32>,
        %get3A_1800 = arith.index_cast %add3A_1709 : i32 to index
        %get3A_1801 = arith.constant 176 : index
        %get3A_1802 = tpu.vector_load %arg10[%get3A_1800, %get3A_1801] {strides = array<i32>} : memref<128x256xf32, #tpu.memory_space<vmem>>, vector<16xf32>,
        %mul3A_1803 = arith.mulf %get3A_1799, %get3A_1802 : vector<16xf32>
        %add3A_1804 = arith.addf %add3A_1796, %mul3A_1803 : vector<16xf32>
        %get3A_1805 = arith.index_cast %add3A_1709 : i32 to index
        %get3A_1806 = arith.constant 192 : index
        %get3A_1807 = tpu.vector_load %arg9[%get3A_1805, %get3A_1806] {strides = array<i32>} : memref<128x256xf32, #tpu.memory_space<vmem>>, vector<16xf32>,
        %get3A_1808 = arith.index_cast %add3A_1709 : i32 to index
        %get3A_1809 = arith.constant 192 : index
        %get3A_1810 = tpu.vector_load %arg10[%get3A_1808, %get3A_1809] {strides = array<i32>} : memref<128x256xf32, #tpu.memory_space<vmem>>, vector<16xf32>,
        %mul3A_1811 = arith.mulf %get3A_1807, %get3A_1810 : vector<16xf32>
        %add3A_1812 = arith.addf %add3A_1804, %mul3A_1811 : vector<16xf32>
        %get3A_1813 = arith.index_cast %add3A_1709 : i32 to index
        %get3A_1814 = arith.constant 208 : index
        %get3A_1815 = tpu.vector_load %arg9[%get3A_1813, %get3A_1814] {strides = array<i32>} : memref<128x256xf32, #tpu.memory_space<vmem>>, vector<16xf32>,
        %get3A_1816 = arith.index_cast %add3A_1709 : i32 to index
        %get3A_1817 = arith.constant 208 : index
        %get3A_1818 = tpu.vector_load %arg10[%get3A_1816, %get3A_1817] {strides = array<i32>} : memref<128x256xf32, #tpu.memory_space<vmem>>, vector<16xf32>,
        %mul3A_1819 = arith.mulf %get3A_1815, %get3A_1818 : vector<16xf32>
        %add3A_1820 = arith.addf %add3A_1812, %mul3A_1819 : vector<16xf32>
        %get3A_1821 = arith.index_cast %add3A_1709 : i32 to index
        %get3A_1822 = arith.constant 224 : index
        %get3A_1823 = tpu.vector_load %arg9[%get3A_1821, %get3A_1822] {strides = array<i32>} : memref<128x256xf32, #tpu.memory_space<vmem>>, vector<16xf32>,
        %get3A_1824 = arith.index_cast %add3A_1709 : i32 to index
        %get3A_1825 = arith.constant 224 : index
        %get3A_1826 = tpu.vector_load %arg10[%get3A_1824, %get3A_1825] {strides = array<i32>} : memref<128x256xf32, #tpu.memory_space<vmem>>, vector<16xf32>,
        %mul3A_1827 = arith.mulf %get3A_1823, %get3A_1826 : vector<16xf32>
        %add3A_1828 = arith.addf %add3A_1820, %mul3A_1827 : vector<16xf32>
        %get3A_1829 = arith.index_cast %add3A_1709 : i32 to index
        %get3A_1830 = arith.constant 240 : index
        %get3A_1831 = tpu.vector_load %arg9[%get3A_1829, %get3A_1830] {strides = array<i32>} : memref<128x256xf32, #tpu.memory_space<vmem>>, vector<16xf32>,
        %get3A_1832 = arith.index_cast %add3A_1709 : i32 to index
        %get3A_1833 = arith.constant 240 : index
        %get3A_1834 = tpu.vector_load %arg10[%get3A_1832, %get3A_1833] {strides = array<i32>} : memref<128x256xf32, #tpu.memory_space<vmem>>, vector<16xf32>,
        %mul3A_1835 = arith.mulf %get3A_1831, %get3A_1834 : vector<16xf32>
        %add3A_1836 = arith.addf %add3A_1828, %mul3A_1835 : vector<16xf32>
        %reduce_sum3A_1837 = arith.constant true
        %reduce_sum3A_1838 = vector.broadcast %reduce_sum3A_1837 : i1 to vector<16xi1>
        %reduce_sum3A_1839 = tpu.scan <sum>, %add3A_1836 masked %reduce_sum3A_1838 : vector<16xf32>, vector<16xi1> -> vector<16xf32>
        %reduce_sum3A_1840 = vector.extract %reduce_sum3A_1839[15] : f32 from vector<16xf32>
        %eq3A_1841 = arith.constant 12 : i32
        %eq3A_1842 = vector.broadcast %eq3A_1841 : i32 to vector<16xi32>
        %eq3A_1843 = arith.cmpi eq, %iota3A, %eq3A_1842 : vector<16xi32>
        %broadcast_in_dim3A_1844 = vector.broadcast %reduce_sum3A_1840 : f32 to vector<16xf32>
        %select_n3A_1845 = arith.select %eq3A_1843, %broadcast_in_dim3A_1844, %select_n3A_1705 : vector<16xi1>, vector<16xf32>
        %mul3A_1846 = arith.constant 16 : i32
        %mul3A_1847 = arith.muli %scan3A_28, %mul3A_1846 : i32
        %add3A_1848 = arith.constant 13 : i32
        %add3A_1849 = arith.addi %mul3A_1847, %add3A_1848 : i32
        %get3A_1850 = arith.index_cast %add3A_1849 : i32 to index
        %get3A_1851 = arith.constant 0 : index
        %get3A_1852 = tpu.vector_load %arg9[%get3A_1850, %get3A_1851] {strides = array<i32>} : memref<128x256xf32, #tpu.memory_space<vmem>>, vector<16xf32>,
        %get3A_1853 = arith.index_cast %add3A_1849 : i32 to index
        %get3A_1854 = arith.constant 0 : index
        %get3A_1855 = tpu.vector_load %arg10[%get3A_1853, %get3A_1854] {strides = array<i32>} : memref<128x256xf32, #tpu.memory_space<vmem>>, vector<16xf32>,
        %mul3A_1856 = arith.mulf %get3A_1852, %get3A_1855 : vector<16xf32>
        %get3A_1857 = arith.index_cast %add3A_1849 : i32 to index
        %get3A_1858 = arith.constant 16 : index
        %get3A_1859 = tpu.vector_load %arg9[%get3A_1857, %get3A_1858] {strides = array<i32>} : memref<128x256xf32, #tpu.memory_space<vmem>>, vector<16xf32>,
        %get3A_1860 = arith.index_cast %add3A_1849 : i32 to index
        %get3A_1861 = arith.constant 16 : index
        %get3A_1862 = tpu.vector_load %arg10[%get3A_1860, %get3A_1861] {strides = array<i32>} : memref<128x256xf32, #tpu.memory_space<vmem>>, vector<16xf32>,
        %mul3A_1863 = arith.mulf %get3A_1859, %get3A_1862 : vector<16xf32>
        %add3A_1864 = arith.addf %mul3A_1856, %mul3A_1863 : vector<16xf32>
        %get3A_1865 = arith.index_cast %add3A_1849 : i32 to index
        %get3A_1866 = arith.constant 32 : index
        %get3A_1867 = tpu.vector_load %arg9[%get3A_1865, %get3A_1866] {strides = array<i32>} : memref<128x256xf32, #tpu.memory_space<vmem>>, vector<16xf32>,
        %get3A_1868 = arith.index_cast %add3A_1849 : i32 to index
        %get3A_1869 = arith.constant 32 : index
        %get3A_1870 = tpu.vector_load %arg10[%get3A_1868, %get3A_1869] {strides = array<i32>} : memref<128x256xf32, #tpu.memory_space<vmem>>, vector<16xf32>,
        %mul3A_1871 = arith.mulf %get3A_1867, %get3A_1870 : vector<16xf32>
        %add3A_1872 = arith.addf %add3A_1864, %mul3A_1871 : vector<16xf32>
        %get3A_1873 = arith.index_cast %add3A_1849 : i32 to index
        %get3A_1874 = arith.constant 48 : index
        %get3A_1875 = tpu.vector_load %arg9[%get3A_1873, %get3A_1874] {strides = array<i32>} : memref<128x256xf32, #tpu.memory_space<vmem>>, vector<16xf32>,
        %get3A_1876 = arith.index_cast %add3A_1849 : i32 to index
        %get3A_1877 = arith.constant 48 : index
        %get3A_1878 = tpu.vector_load %arg10[%get3A_1876, %get3A_1877] {strides = array<i32>} : memref<128x256xf32, #tpu.memory_space<vmem>>, vector<16xf32>,
        %mul3A_1879 = arith.mulf %get3A_1875, %get3A_1878 : vector<16xf32>
        %add3A_1880 = arith.addf %add3A_1872, %mul3A_1879 : vector<16xf32>
        %get3A_1881 = arith.index_cast %add3A_1849 : i32 to index
        %get3A_1882 = arith.constant 64 : index
        %get3A_1883 = tpu.vector_load %arg9[%get3A_1881, %get3A_1882] {strides = array<i32>} : memref<128x256xf32, #tpu.memory_space<vmem>>, vector<16xf32>,
        %get3A_1884 = arith.index_cast %add3A_1849 : i32 to index
        %get3A_1885 = arith.constant 64 : index
        %get3A_1886 = tpu.vector_load %arg10[%get3A_1884, %get3A_1885] {strides = array<i32>} : memref<128x256xf32, #tpu.memory_space<vmem>>, vector<16xf32>,
        %mul3A_1887 = arith.mulf %get3A_1883, %get3A_1886 : vector<16xf32>
        %add3A_1888 = arith.addf %add3A_1880, %mul3A_1887 : vector<16xf32>
        %get3A_1889 = arith.index_cast %add3A_1849 : i32 to index
        %get3A_1890 = arith.constant 80 : index
        %get3A_1891 = tpu.vector_load %arg9[%get3A_1889, %get3A_1890] {strides = array<i32>} : memref<128x256xf32, #tpu.memory_space<vmem>>, vector<16xf32>,
        %get3A_1892 = arith.index_cast %add3A_1849 : i32 to index
        %get3A_1893 = arith.constant 80 : index
        %get3A_1894 = tpu.vector_load %arg10[%get3A_1892, %get3A_1893] {strides = array<i32>} : memref<128x256xf32, #tpu.memory_space<vmem>>, vector<16xf32>,
        %mul3A_1895 = arith.mulf %get3A_1891, %get3A_1894 : vector<16xf32>
        %add3A_1896 = arith.addf %add3A_1888, %mul3A_1895 : vector<16xf32>
        %get3A_1897 = arith.index_cast %add3A_1849 : i32 to index
        %get3A_1898 = arith.constant 96 : index
        %get3A_1899 = tpu.vector_load %arg9[%get3A_1897, %get3A_1898] {strides = array<i32>} : memref<128x256xf32, #tpu.memory_space<vmem>>, vector<16xf32>,
        %get3A_1900 = arith.index_cast %add3A_1849 : i32 to index
        %get3A_1901 = arith.constant 96 : index
        %get3A_1902 = tpu.vector_load %arg10[%get3A_1900, %get3A_1901] {strides = array<i32>} : memref<128x256xf32, #tpu.memory_space<vmem>>, vector<16xf32>,
        %mul3A_1903 = arith.mulf %get3A_1899, %get3A_1902 : vector<16xf32>
        %add3A_1904 = arith.addf %add3A_1896, %mul3A_1903 : vector<16xf32>
        %get3A_1905 = arith.index_cast %add3A_1849 : i32 to index
        %get3A_1906 = arith.constant 112 : index
        %get3A_1907 = tpu.vector_load %arg9[%get3A_1905, %get3A_1906] {strides = array<i32>} : memref<128x256xf32, #tpu.memory_space<vmem>>, vector<16xf32>,
        %get3A_1908 = arith.index_cast %add3A_1849 : i32 to index
        %get3A_1909 = arith.constant 112 : index
        %get3A_1910 = tpu.vector_load %arg10[%get3A_1908, %get3A_1909] {strides = array<i32>} : memref<128x256xf32, #tpu.memory_space<vmem>>, vector<16xf32>,
        %mul3A_1911 = arith.mulf %get3A_1907, %get3A_1910 : vector<16xf32>
        %add3A_1912 = arith.addf %add3A_1904, %mul3A_1911 : vector<16xf32>
        %get3A_1913 = arith.index_cast %add3A_1849 : i32 to index
        %get3A_1914 = arith.constant 128 : index
        %get3A_1915 = tpu.vector_load %arg9[%get3A_1913, %get3A_1914] {strides = array<i32>} : memref<128x256xf32, #tpu.memory_space<vmem>>, vector<16xf32>,
        %get3A_1916 = arith.index_cast %add3A_1849 : i32 to index
        %get3A_1917 = arith.constant 128 : index
        %get3A_1918 = tpu.vector_load %arg10[%get3A_1916, %get3A_1917] {strides = array<i32>} : memref<128x256xf32, #tpu.memory_space<vmem>>, vector<16xf32>,
        %mul3A_1919 = arith.mulf %get3A_1915, %get3A_1918 : vector<16xf32>
        %add3A_1920 = arith.addf %add3A_1912, %mul3A_1919 : vector<16xf32>
        %get3A_1921 = arith.index_cast %add3A_1849 : i32 to index
        %get3A_1922 = arith.constant 144 : index
        %get3A_1923 = tpu.vector_load %arg9[%get3A_1921, %get3A_1922] {strides = array<i32>} : memref<128x256xf32, #tpu.memory_space<vmem>>, vector<16xf32>,
        %get3A_1924 = arith.index_cast %add3A_1849 : i32 to index
        %get3A_1925 = arith.constant 144 : index
        %get3A_1926 = tpu.vector_load %arg10[%get3A_1924, %get3A_1925] {strides = array<i32>} : memref<128x256xf32, #tpu.memory_space<vmem>>, vector<16xf32>,
        %mul3A_1927 = arith.mulf %get3A_1923, %get3A_1926 : vector<16xf32>
        %add3A_1928 = arith.addf %add3A_1920, %mul3A_1927 : vector<16xf32>
        %get3A_1929 = arith.index_cast %add3A_1849 : i32 to index
        %get3A_1930 = arith.constant 160 : index
        %get3A_1931 = tpu.vector_load %arg9[%get3A_1929, %get3A_1930] {strides = array<i32>} : memref<128x256xf32, #tpu.memory_space<vmem>>, vector<16xf32>,
        %get3A_1932 = arith.index_cast %add3A_1849 : i32 to index
        %get3A_1933 = arith.constant 160 : index
        %get3A_1934 = tpu.vector_load %arg10[%get3A_1932, %get3A_1933] {strides = array<i32>} : memref<128x256xf32, #tpu.memory_space<vmem>>, vector<16xf32>,
        %mul3A_1935 = arith.mulf %get3A_1931, %get3A_1934 : vector<16xf32>
        %add3A_1936 = arith.addf %add3A_1928, %mul3A_1935 : vector<16xf32>
        %get3A_1937 = arith.index_cast %add3A_1849 : i32 to index
        %get3A_1938 = arith.constant 176 : index
        %get3A_1939 = tpu.vector_load %arg9[%get3A_1937, %get3A_1938] {strides = array<i32>} : memref<128x256xf32, #tpu.memory_space<vmem>>, vector<16xf32>,
        %get3A_1940 = arith.index_cast %add3A_1849 : i32 to index
        %get3A_1941 = arith.constant 176 : index
        %get3A_1942 = tpu.vector_load %arg10[%get3A_1940, %get3A_1941] {strides = array<i32>} : memref<128x256xf32, #tpu.memory_space<vmem>>, vector<16xf32>,
        %mul3A_1943 = arith.mulf %get3A_1939, %get3A_1942 : vector<16xf32>
        %add3A_1944 = arith.addf %add3A_1936, %mul3A_1943 : vector<16xf32>
        %get3A_1945 = arith.index_cast %add3A_1849 : i32 to index
        %get3A_1946 = arith.constant 192 : index
        %get3A_1947 = tpu.vector_load %arg9[%get3A_1945, %get3A_1946] {strides = array<i32>} : memref<128x256xf32, #tpu.memory_space<vmem>>, vector<16xf32>,
        %get3A_1948 = arith.index_cast %add3A_1849 : i32 to index
        %get3A_1949 = arith.constant 192 : index
        %get3A_1950 = tpu.vector_load %arg10[%get3A_1948, %get3A_1949] {strides = array<i32>} : memref<128x256xf32, #tpu.memory_space<vmem>>, vector<16xf32>,
        %mul3A_1951 = arith.mulf %get3A_1947, %get3A_1950 : vector<16xf32>
        %add3A_1952 = arith.addf %add3A_1944, %mul3A_1951 : vector<16xf32>
        %get3A_1953 = arith.index_cast %add3A_1849 : i32 to index
        %get3A_1954 = arith.constant 208 : index
        %get3A_1955 = tpu.vector_load %arg9[%get3A_1953, %get3A_1954] {strides = array<i32>} : memref<128x256xf32, #tpu.memory_space<vmem>>, vector<16xf32>,
        %get3A_1956 = arith.index_cast %add3A_1849 : i32 to index
        %get3A_1957 = arith.constant 208 : index
        %get3A_1958 = tpu.vector_load %arg10[%get3A_1956, %get3A_1957] {strides = array<i32>} : memref<128x256xf32, #tpu.memory_space<vmem>>, vector<16xf32>,
        %mul3A_1959 = arith.mulf %get3A_1955, %get3A_1958 : vector<16xf32>
        %add3A_1960 = arith.addf %add3A_1952, %mul3A_1959 : vector<16xf32>
        %get3A_1961 = arith.index_cast %add3A_1849 : i32 to index
        %get3A_1962 = arith.constant 224 : index
        %get3A_1963 = tpu.vector_load %arg9[%get3A_1961, %get3A_1962] {strides = array<i32>} : memref<128x256xf32, #tpu.memory_space<vmem>>, vector<16xf32>,
        %get3A_1964 = arith.index_cast %add3A_1849 : i32 to index
        %get3A_1965 = arith.constant 224 : index
        %get3A_1966 = tpu.vector_load %arg10[%get3A_1964, %get3A_1965] {strides = array<i32>} : memref<128x256xf32, #tpu.memory_space<vmem>>, vector<16xf32>,
        %mul3A_1967 = arith.mulf %get3A_1963, %get3A_1966 : vector<16xf32>
        %add3A_1968 = arith.addf %add3A_1960, %mul3A_1967 : vector<16xf32>
        %get3A_1969 = arith.index_cast %add3A_1849 : i32 to index
        %get3A_1970 = arith.constant 240 : index
        %get3A_1971 = tpu.vector_load %arg9[%get3A_1969, %get3A_1970] {strides = array<i32>} : memref<128x256xf32, #tpu.memory_space<vmem>>, vector<16xf32>,
        %get3A_1972 = arith.index_cast %add3A_1849 : i32 to index
        %get3A_1973 = arith.constant 240 : index
        %get3A_1974 = tpu.vector_load %arg10[%get3A_1972, %get3A_1973] {strides = array<i32>} : memref<128x256xf32, #tpu.memory_space<vmem>>, vector<16xf32>,
        %mul3A_1975 = arith.mulf %get3A_1971, %get3A_1974 : vector<16xf32>
        %add3A_1976 = arith.addf %add3A_1968, %mul3A_1975 : vector<16xf32>
        %reduce_sum3A_1977 = arith.constant true
        %reduce_sum3A_1978 = vector.broadcast %reduce_sum3A_1977 : i1 to vector<16xi1>
        %reduce_sum3A_1979 = tpu.scan <sum>, %add3A_1976 masked %reduce_sum3A_1978 : vector<16xf32>, vector<16xi1> -> vector<16xf32>
        %reduce_sum3A_1980 = vector.extract %reduce_sum3A_1979[15] : f32 from vector<16xf32>
        %eq3A_1981 = arith.constant 13 : i32
        %eq3A_1982 = vector.broadcast %eq3A_1981 : i32 to vector<16xi32>
        %eq3A_1983 = arith.cmpi eq, %iota3A, %eq3A_1982 : vector<16xi32>
        %broadcast_in_dim3A_1984 = vector.broadcast %reduce_sum3A_1980 : f32 to vector<16xf32>
        %select_n3A_1985 = arith.select %eq3A_1983, %broadcast_in_dim3A_1984, %select_n3A_1845 : vector<16xi1>, vector<16xf32>
        %mul3A_1986 = arith.constant 16 : i32
        %mul3A_1987 = arith.muli %scan3A_28, %mul3A_1986 : i32
        %add3A_1988 = arith.constant 14 : i32
        %add3A_1989 = arith.addi %mul3A_1987, %add3A_1988 : i32
        %get3A_1990 = arith.index_cast %add3A_1989 : i32 to index
        %get3A_1991 = arith.constant 0 : index
        %get3A_1992 = tpu.vector_load %arg9[%get3A_1990, %get3A_1991] {strides = array<i32>} : memref<128x256xf32, #tpu.memory_space<vmem>>, vector<16xf32>,
        %get3A_1993 = arith.index_cast %add3A_1989 : i32 to index
        %get3A_1994 = arith.constant 0 : index
        %get3A_1995 = tpu.vector_load %arg10[%get3A_1993, %get3A_1994] {strides = array<i32>} : memref<128x256xf32, #tpu.memory_space<vmem>>, vector<16xf32>,
        %mul3A_1996 = arith.mulf %get3A_1992, %get3A_1995 : vector<16xf32>
        %get3A_1997 = arith.index_cast %add3A_1989 : i32 to index
        %get3A_1998 = arith.constant 16 : index
        %get3A_1999 = tpu.vector_load %arg9[%get3A_1997, %get3A_1998] {strides = array<i32>} : memref<128x256xf32, #tpu.memory_space<vmem>>, vector<16xf32>,
        %get3A_2000 = arith.index_cast %add3A_1989 : i32 to index
        %get3A_2001 = arith.constant 16 : index
        %get3A_2002 = tpu.vector_load %arg10[%get3A_2000, %get3A_2001] {strides = array<i32>} : memref<128x256xf32, #tpu.memory_space<vmem>>, vector<16xf32>,
        %mul3A_2003 = arith.mulf %get3A_1999, %get3A_2002 : vector<16xf32>
        %add3A_2004 = arith.addf %mul3A_1996, %mul3A_2003 : vector<16xf32>
        %get3A_2005 = arith.index_cast %add3A_1989 : i32 to index
        %get3A_2006 = arith.constant 32 : index
        %get3A_2007 = tpu.vector_load %arg9[%get3A_2005, %get3A_2006] {strides = array<i32>} : memref<128x256xf32, #tpu.memory_space<vmem>>, vector<16xf32>,
        %get3A_2008 = arith.index_cast %add3A_1989 : i32 to index
        %get3A_2009 = arith.constant 32 : index
        %get3A_2010 = tpu.vector_load %arg10[%get3A_2008, %get3A_2009] {strides = array<i32>} : memref<128x256xf32, #tpu.memory_space<vmem>>, vector<16xf32>,
        %mul3A_2011 = arith.mulf %get3A_2007, %get3A_2010 : vector<16xf32>
        %add3A_2012 = arith.addf %add3A_2004, %mul3A_2011 : vector<16xf32>
        %get3A_2013 = arith.index_cast %add3A_1989 : i32 to index
        %get3A_2014 = arith.constant 48 : index
        %get3A_2015 = tpu.vector_load %arg9[%get3A_2013, %get3A_2014] {strides = array<i32>} : memref<128x256xf32, #tpu.memory_space<vmem>>, vector<16xf32>,
        %get3A_2016 = arith.index_cast %add3A_1989 : i32 to index
        %get3A_2017 = arith.constant 48 : index
        %get3A_2018 = tpu.vector_load %arg10[%get3A_2016, %get3A_2017] {strides = array<i32>} : memref<128x256xf32, #tpu.memory_space<vmem>>, vector<16xf32>,
        %mul3A_2019 = arith.mulf %get3A_2015, %get3A_2018 : vector<16xf32>
        %add3A_2020 = arith.addf %add3A_2012, %mul3A_2019 : vector<16xf32>
        %get3A_2021 = arith.index_cast %add3A_1989 : i32 to index
        %get3A_2022 = arith.constant 64 : index
        %get3A_2023 = tpu.vector_load %arg9[%get3A_2021, %get3A_2022] {strides = array<i32>} : memref<128x256xf32, #tpu.memory_space<vmem>>, vector<16xf32>,
        %get3A_2024 = arith.index_cast %add3A_1989 : i32 to index
        %get3A_2025 = arith.constant 64 : index
        %get3A_2026 = tpu.vector_load %arg10[%get3A_2024, %get3A_2025] {strides = array<i32>} : memref<128x256xf32, #tpu.memory_space<vmem>>, vector<16xf32>,
        %mul3A_2027 = arith.mulf %get3A_2023, %get3A_2026 : vector<16xf32>
        %add3A_2028 = arith.addf %add3A_2020, %mul3A_2027 : vector<16xf32>
        %get3A_2029 = arith.index_cast %add3A_1989 : i32 to index
        %get3A_2030 = arith.constant 80 : index
        %get3A_2031 = tpu.vector_load %arg9[%get3A_2029, %get3A_2030] {strides = array<i32>} : memref<128x256xf32, #tpu.memory_space<vmem>>, vector<16xf32>,
        %get3A_2032 = arith.index_cast %add3A_1989 : i32 to index
        %get3A_2033 = arith.constant 80 : index
        %get3A_2034 = tpu.vector_load %arg10[%get3A_2032, %get3A_2033] {strides = array<i32>} : memref<128x256xf32, #tpu.memory_space<vmem>>, vector<16xf32>,
        %mul3A_2035 = arith.mulf %get3A_2031, %get3A_2034 : vector<16xf32>
        %add3A_2036 = arith.addf %add3A_2028, %mul3A_2035 : vector<16xf32>
        %get3A_2037 = arith.index_cast %add3A_1989 : i32 to index
        %get3A_2038 = arith.constant 96 : index
        %get3A_2039 = tpu.vector_load %arg9[%get3A_2037, %get3A_2038] {strides = array<i32>} : memref<128x256xf32, #tpu.memory_space<vmem>>, vector<16xf32>,
        %get3A_2040 = arith.index_cast %add3A_1989 : i32 to index
        %get3A_2041 = arith.constant 96 : index
        %get3A_2042 = tpu.vector_load %arg10[%get3A_2040, %get3A_2041] {strides = array<i32>} : memref<128x256xf32, #tpu.memory_space<vmem>>, vector<16xf32>,
        %mul3A_2043 = arith.mulf %get3A_2039, %get3A_2042 : vector<16xf32>
        %add3A_2044 = arith.addf %add3A_2036, %mul3A_2043 : vector<16xf32>
        %get3A_2045 = arith.index_cast %add3A_1989 : i32 to index
        %get3A_2046 = arith.constant 112 : index
        %get3A_2047 = tpu.vector_load %arg9[%get3A_2045, %get3A_2046] {strides = array<i32>} : memref<128x256xf32, #tpu.memory_space<vmem>>, vector<16xf32>,
        %get3A_2048 = arith.index_cast %add3A_1989 : i32 to index
        %get3A_2049 = arith.constant 112 : index
        %get3A_2050 = tpu.vector_load %arg10[%get3A_2048, %get3A_2049] {strides = array<i32>} : memref<128x256xf32, #tpu.memory_space<vmem>>, vector<16xf32>,
        %mul3A_2051 = arith.mulf %get3A_2047, %get3A_2050 : vector<16xf32>
        %add3A_2052 = arith.addf %add3A_2044, %mul3A_2051 : vector<16xf32>
        %get3A_2053 = arith.index_cast %add3A_1989 : i32 to index
        %get3A_2054 = arith.constant 128 : index
        %get3A_2055 = tpu.vector_load %arg9[%get3A_2053, %get3A_2054] {strides = array<i32>} : memref<128x256xf32, #tpu.memory_space<vmem>>, vector<16xf32>,
        %get3A_2056 = arith.index_cast %add3A_1989 : i32 to index
        %get3A_2057 = arith.constant 128 : index
        %get3A_2058 = tpu.vector_load %arg10[%get3A_2056, %get3A_2057] {strides = array<i32>} : memref<128x256xf32, #tpu.memory_space<vmem>>, vector<16xf32>,
        %mul3A_2059 = arith.mulf %get3A_2055, %get3A_2058 : vector<16xf32>
        %add3A_2060 = arith.addf %add3A_2052, %mul3A_2059 : vector<16xf32>
        %get3A_2061 = arith.index_cast %add3A_1989 : i32 to index
        %get3A_2062 = arith.constant 144 : index
        %get3A_2063 = tpu.vector_load %arg9[%get3A_2061, %get3A_2062] {strides = array<i32>} : memref<128x256xf32, #tpu.memory_space<vmem>>, vector<16xf32>,
        %get3A_2064 = arith.index_cast %add3A_1989 : i32 to index
        %get3A_2065 = arith.constant 144 : index
        %get3A_2066 = tpu.vector_load %arg10[%get3A_2064, %get3A_2065] {strides = array<i32>} : memref<128x256xf32, #tpu.memory_space<vmem>>, vector<16xf32>,
        %mul3A_2067 = arith.mulf %get3A_2063, %get3A_2066 : vector<16xf32>
        %add3A_2068 = arith.addf %add3A_2060, %mul3A_2067 : vector<16xf32>
        %get3A_2069 = arith.index_cast %add3A_1989 : i32 to index
        %get3A_2070 = arith.constant 160 : index
        %get3A_2071 = tpu.vector_load %arg9[%get3A_2069, %get3A_2070] {strides = array<i32>} : memref<128x256xf32, #tpu.memory_space<vmem>>, vector<16xf32>,
        %get3A_2072 = arith.index_cast %add3A_1989 : i32 to index
        %get3A_2073 = arith.constant 160 : index
        %get3A_2074 = tpu.vector_load %arg10[%get3A_2072, %get3A_2073] {strides = array<i32>} : memref<128x256xf32, #tpu.memory_space<vmem>>, vector<16xf32>,
        %mul3A_2075 = arith.mulf %get3A_2071, %get3A_2074 : vector<16xf32>
        %add3A_2076 = arith.addf %add3A_2068, %mul3A_2075 : vector<16xf32>
        %get3A_2077 = arith.index_cast %add3A_1989 : i32 to index
        %get3A_2078 = arith.constant 176 : index
        %get3A_2079 = tpu.vector_load %arg9[%get3A_2077, %get3A_2078] {strides = array<i32>} : memref<128x256xf32, #tpu.memory_space<vmem>>, vector<16xf32>,
        %get3A_2080 = arith.index_cast %add3A_1989 : i32 to index
        %get3A_2081 = arith.constant 176 : index
        %get3A_2082 = tpu.vector_load %arg10[%get3A_2080, %get3A_2081] {strides = array<i32>} : memref<128x256xf32, #tpu.memory_space<vmem>>, vector<16xf32>,
        %mul3A_2083 = arith.mulf %get3A_2079, %get3A_2082 : vector<16xf32>
        %add3A_2084 = arith.addf %add3A_2076, %mul3A_2083 : vector<16xf32>
        %get3A_2085 = arith.index_cast %add3A_1989 : i32 to index
        %get3A_2086 = arith.constant 192 : index
        %get3A_2087 = tpu.vector_load %arg9[%get3A_2085, %get3A_2086] {strides = array<i32>} : memref<128x256xf32, #tpu.memory_space<vmem>>, vector<16xf32>,
        %get3A_2088 = arith.index_cast %add3A_1989 : i32 to index
        %get3A_2089 = arith.constant 192 : index
        %get3A_2090 = tpu.vector_load %arg10[%get3A_2088, %get3A_2089] {strides = array<i32>} : memref<128x256xf32, #tpu.memory_space<vmem>>, vector<16xf32>,
        %mul3A_2091 = arith.mulf %get3A_2087, %get3A_2090 : vector<16xf32>
        %add3A_2092 = arith.addf %add3A_2084, %mul3A_2091 : vector<16xf32>
        %get3A_2093 = arith.index_cast %add3A_1989 : i32 to index
        %get3A_2094 = arith.constant 208 : index
        %get3A_2095 = tpu.vector_load %arg9[%get3A_2093, %get3A_2094] {strides = array<i32>} : memref<128x256xf32, #tpu.memory_space<vmem>>, vector<16xf32>,
        %get3A_2096 = arith.index_cast %add3A_1989 : i32 to index
        %get3A_2097 = arith.constant 208 : index
        %get3A_2098 = tpu.vector_load %arg10[%get3A_2096, %get3A_2097] {strides = array<i32>} : memref<128x256xf32, #tpu.memory_space<vmem>>, vector<16xf32>,
        %mul3A_2099 = arith.mulf %get3A_2095, %get3A_2098 : vector<16xf32>
        %add3A_2100 = arith.addf %add3A_2092, %mul3A_2099 : vector<16xf32>
        %get3A_2101 = arith.index_cast %add3A_1989 : i32 to index
        %get3A_2102 = arith.constant 224 : index
        %get3A_2103 = tpu.vector_load %arg9[%get3A_2101, %get3A_2102] {strides = array<i32>} : memref<128x256xf32, #tpu.memory_space<vmem>>, vector<16xf32>,
        %get3A_2104 = arith.index_cast %add3A_1989 : i32 to index
        %get3A_2105 = arith.constant 224 : index
        %get3A_2106 = tpu.vector_load %arg10[%get3A_2104, %get3A_2105] {strides = array<i32>} : memref<128x256xf32, #tpu.memory_space<vmem>>, vector<16xf32>,
        %mul3A_2107 = arith.mulf %get3A_2103, %get3A_2106 : vector<16xf32>
        %add3A_2108 = arith.addf %add3A_2100, %mul3A_2107 : vector<16xf32>
        %get3A_2109 = arith.index_cast %add3A_1989 : i32 to index
        %get3A_2110 = arith.constant 240 : index
        %get3A_2111 = tpu.vector_load %arg9[%get3A_2109, %get3A_2110] {strides = array<i32>} : memref<128x256xf32, #tpu.memory_space<vmem>>, vector<16xf32>,
        %get3A_2112 = arith.index_cast %add3A_1989 : i32 to index
        %get3A_2113 = arith.constant 240 : index
        %get3A_2114 = tpu.vector_load %arg10[%get3A_2112, %get3A_2113] {strides = array<i32>} : memref<128x256xf32, #tpu.memory_space<vmem>>, vector<16xf32>,
        %mul3A_2115 = arith.mulf %get3A_2111, %get3A_2114 : vector<16xf32>
        %add3A_2116 = arith.addf %add3A_2108, %mul3A_2115 : vector<16xf32>
        %reduce_sum3A_2117 = arith.constant true
        %reduce_sum3A_2118 = vector.broadcast %reduce_sum3A_2117 : i1 to vector<16xi1>
        %reduce_sum3A_2119 = tpu.scan <sum>, %add3A_2116 masked %reduce_sum3A_2118 : vector<16xf32>, vector<16xi1> -> vector<16xf32>
        %reduce_sum3A_2120 = vector.extract %reduce_sum3A_2119[15] : f32 from vector<16xf32>
        %eq3A_2121 = arith.constant 14 : i32
        %eq3A_2122 = vector.broadcast %eq3A_2121 : i32 to vector<16xi32>
        %eq3A_2123 = arith.cmpi eq, %iota3A, %eq3A_2122 : vector<16xi32>
        %broadcast_in_dim3A_2124 = vector.broadcast %reduce_sum3A_2120 : f32 to vector<16xf32>
        %select_n3A_2125 = arith.select %eq3A_2123, %broadcast_in_dim3A_2124, %select_n3A_1985 : vector<16xi1>, vector<16xf32>
        %mul3A_2126 = arith.constant 16 : i32
        %mul3A_2127 = arith.muli %scan3A_28, %mul3A_2126 : i32
        %add3A_2128 = arith.constant 15 : i32
        %add3A_2129 = arith.addi %mul3A_2127, %add3A_2128 : i32
        %get3A_2130 = arith.index_cast %add3A_2129 : i32 to index
        %get3A_2131 = arith.constant 0 : index
        %get3A_2132 = tpu.vector_load %arg9[%get3A_2130, %get3A_2131] {strides = array<i32>} : memref<128x256xf32, #tpu.memory_space<vmem>>, vector<16xf32>,
        %get3A_2133 = arith.index_cast %add3A_2129 : i32 to index
        %get3A_2134 = arith.constant 0 : index
        %get3A_2135 = tpu.vector_load %arg10[%get3A_2133, %get3A_2134] {strides = array<i32>} : memref<128x256xf32, #tpu.memory_space<vmem>>, vector<16xf32>,
        %mul3A_2136 = arith.mulf %get3A_2132, %get3A_2135 : vector<16xf32>
        %get3A_2137 = arith.index_cast %add3A_2129 : i32 to index
        %get3A_2138 = arith.constant 16 : index
        %get3A_2139 = tpu.vector_load %arg9[%get3A_2137, %get3A_2138] {strides = array<i32>} : memref<128x256xf32, #tpu.memory_space<vmem>>, vector<16xf32>,
        %get3A_2140 = arith.index_cast %add3A_2129 : i32 to index
        %get3A_2141 = arith.constant 16 : index
        %get3A_2142 = tpu.vector_load %arg10[%get3A_2140, %get3A_2141] {strides = array<i32>} : memref<128x256xf32, #tpu.memory_space<vmem>>, vector<16xf32>,
        %mul3A_2143 = arith.mulf %get3A_2139, %get3A_2142 : vector<16xf32>
        %add3A_2144 = arith.addf %mul3A_2136, %mul3A_2143 : vector<16xf32>
        %get3A_2145 = arith.index_cast %add3A_2129 : i32 to index
        %get3A_2146 = arith.constant 32 : index
        %get3A_2147 = tpu.vector_load %arg9[%get3A_2145, %get3A_2146] {strides = array<i32>} : memref<128x256xf32, #tpu.memory_space<vmem>>, vector<16xf32>,
        %get3A_2148 = arith.index_cast %add3A_2129 : i32 to index
        %get3A_2149 = arith.constant 32 : index
        %get3A_2150 = tpu.vector_load %arg10[%get3A_2148, %get3A_2149] {strides = array<i32>} : memref<128x256xf32, #tpu.memory_space<vmem>>, vector<16xf32>,
        %mul3A_2151 = arith.mulf %get3A_2147, %get3A_2150 : vector<16xf32>
        %add3A_2152 = arith.addf %add3A_2144, %mul3A_2151 : vector<16xf32>
        %get3A_2153 = arith.index_cast %add3A_2129 : i32 to index
        %get3A_2154 = arith.constant 48 : index
        %get3A_2155 = tpu.vector_load %arg9[%get3A_2153, %get3A_2154] {strides = array<i32>} : memref<128x256xf32, #tpu.memory_space<vmem>>, vector<16xf32>,
        %get3A_2156 = arith.index_cast %add3A_2129 : i32 to index
        %get3A_2157 = arith.constant 48 : index
        %get3A_2158 = tpu.vector_load %arg10[%get3A_2156, %get3A_2157] {strides = array<i32>} : memref<128x256xf32, #tpu.memory_space<vmem>>, vector<16xf32>,
        %mul3A_2159 = arith.mulf %get3A_2155, %get3A_2158 : vector<16xf32>
        %add3A_2160 = arith.addf %add3A_2152, %mul3A_2159 : vector<16xf32>
        %get3A_2161 = arith.index_cast %add3A_2129 : i32 to index
        %get3A_2162 = arith.constant 64 : index
        %get3A_2163 = tpu.vector_load %arg9[%get3A_2161, %get3A_2162] {strides = array<i32>} : memref<128x256xf32, #tpu.memory_space<vmem>>, vector<16xf32>,
        %get3A_2164 = arith.index_cast %add3A_2129 : i32 to index
        %get3A_2165 = arith.constant 64 : index
        %get3A_2166 = tpu.vector_load %arg10[%get3A_2164, %get3A_2165] {strides = array<i32>} : memref<128x256xf32, #tpu.memory_space<vmem>>, vector<16xf32>,
        %mul3A_2167 = arith.mulf %get3A_2163, %get3A_2166 : vector<16xf32>
        %add3A_2168 = arith.addf %add3A_2160, %mul3A_2167 : vector<16xf32>
        %get3A_2169 = arith.index_cast %add3A_2129 : i32 to index
        %get3A_2170 = arith.constant 80 : index
        %get3A_2171 = tpu.vector_load %arg9[%get3A_2169, %get3A_2170] {strides = array<i32>} : memref<128x256xf32, #tpu.memory_space<vmem>>, vector<16xf32>,
        %get3A_2172 = arith.index_cast %add3A_2129 : i32 to index
        %get3A_2173 = arith.constant 80 : index
        %get3A_2174 = tpu.vector_load %arg10[%get3A_2172, %get3A_2173] {strides = array<i32>} : memref<128x256xf32, #tpu.memory_space<vmem>>, vector<16xf32>,
        %mul3A_2175 = arith.mulf %get3A_2171, %get3A_2174 : vector<16xf32>
        %add3A_2176 = arith.addf %add3A_2168, %mul3A_2175 : vector<16xf32>
        %get3A_2177 = arith.index_cast %add3A_2129 : i32 to index
        %get3A_2178 = arith.constant 96 : index
        %get3A_2179 = tpu.vector_load %arg9[%get3A_2177, %get3A_2178] {strides = array<i32>} : memref<128x256xf32, #tpu.memory_space<vmem>>, vector<16xf32>,
        %get3A_2180 = arith.index_cast %add3A_2129 : i32 to index
        %get3A_2181 = arith.constant 96 : index
        %get3A_2182 = tpu.vector_load %arg10[%get3A_2180, %get3A_2181] {strides = array<i32>} : memref<128x256xf32, #tpu.memory_space<vmem>>, vector<16xf32>,
        %mul3A_2183 = arith.mulf %get3A_2179, %get3A_2182 : vector<16xf32>
        %add3A_2184 = arith.addf %add3A_2176, %mul3A_2183 : vector<16xf32>
        %get3A_2185 = arith.index_cast %add3A_2129 : i32 to index
        %get3A_2186 = arith.constant 112 : index
        %get3A_2187 = tpu.vector_load %arg9[%get3A_2185, %get3A_2186] {strides = array<i32>} : memref<128x256xf32, #tpu.memory_space<vmem>>, vector<16xf32>,
        %get3A_2188 = arith.index_cast %add3A_2129 : i32 to index
        %get3A_2189 = arith.constant 112 : index
        %get3A_2190 = tpu.vector_load %arg10[%get3A_2188, %get3A_2189] {strides = array<i32>} : memref<128x256xf32, #tpu.memory_space<vmem>>, vector<16xf32>,
        %mul3A_2191 = arith.mulf %get3A_2187, %get3A_2190 : vector<16xf32>
        %add3A_2192 = arith.addf %add3A_2184, %mul3A_2191 : vector<16xf32>
        %get3A_2193 = arith.index_cast %add3A_2129 : i32 to index
        %get3A_2194 = arith.constant 128 : index
        %get3A_2195 = tpu.vector_load %arg9[%get3A_2193, %get3A_2194] {strides = array<i32>} : memref<128x256xf32, #tpu.memory_space<vmem>>, vector<16xf32>,
        %get3A_2196 = arith.index_cast %add3A_2129 : i32 to index
        %get3A_2197 = arith.constant 128 : index
        %get3A_2198 = tpu.vector_load %arg10[%get3A_2196, %get3A_2197] {strides = array<i32>} : memref<128x256xf32, #tpu.memory_space<vmem>>, vector<16xf32>,
        %mul3A_2199 = arith.mulf %get3A_2195, %get3A_2198 : vector<16xf32>
        %add3A_2200 = arith.addf %add3A_2192, %mul3A_2199 : vector<16xf32>
        %get3A_2201 = arith.index_cast %add3A_2129 : i32 to index
        %get3A_2202 = arith.constant 144 : index
        %get3A_2203 = tpu.vector_load %arg9[%get3A_2201, %get3A_2202] {strides = array<i32>} : memref<128x256xf32, #tpu.memory_space<vmem>>, vector<16xf32>,
        %get3A_2204 = arith.index_cast %add3A_2129 : i32 to index
        %get3A_2205 = arith.constant 144 : index
        %get3A_2206 = tpu.vector_load %arg10[%get3A_2204, %get3A_2205] {strides = array<i32>} : memref<128x256xf32, #tpu.memory_space<vmem>>, vector<16xf32>,
        %mul3A_2207 = arith.mulf %get3A_2203, %get3A_2206 : vector<16xf32>
        %add3A_2208 = arith.addf %add3A_2200, %mul3A_2207 : vector<16xf32>
        %get3A_2209 = arith.index_cast %add3A_2129 : i32 to index
        %get3A_2210 = arith.constant 160 : index
        %get3A_2211 = tpu.vector_load %arg9[%get3A_2209, %get3A_2210] {strides = array<i32>} : memref<128x256xf32, #tpu.memory_space<vmem>>, vector<16xf32>,
        %get3A_2212 = arith.index_cast %add3A_2129 : i32 to index
        %get3A_2213 = arith.constant 160 : index
        %get3A_2214 = tpu.vector_load %arg10[%get3A_2212, %get3A_2213] {strides = array<i32>} : memref<128x256xf32, #tpu.memory_space<vmem>>, vector<16xf32>,
        %mul3A_2215 = arith.mulf %get3A_2211, %get3A_2214 : vector<16xf32>
        %add3A_2216 = arith.addf %add3A_2208, %mul3A_2215 : vector<16xf32>
        %get3A_2217 = arith.index_cast %add3A_2129 : i32 to index
        %get3A_2218 = arith.constant 176 : index
        %get3A_2219 = tpu.vector_load %arg9[%get3A_2217, %get3A_2218] {strides = array<i32>} : memref<128x256xf32, #tpu.memory_space<vmem>>, vector<16xf32>,
        %get3A_2220 = arith.index_cast %add3A_2129 : i32 to index
        %get3A_2221 = arith.constant 176 : index
        %get3A_2222 = tpu.vector_load %arg10[%get3A_2220, %get3A_2221] {strides = array<i32>} : memref<128x256xf32, #tpu.memory_space<vmem>>, vector<16xf32>,
        %mul3A_2223 = arith.mulf %get3A_2219, %get3A_2222 : vector<16xf32>
        %add3A_2224 = arith.addf %add3A_2216, %mul3A_2223 : vector<16xf32>
        %get3A_2225 = arith.index_cast %add3A_2129 : i32 to index
        %get3A_2226 = arith.constant 192 : index
        %get3A_2227 = tpu.vector_load %arg9[%get3A_2225, %get3A_2226] {strides = array<i32>} : memref<128x256xf32, #tpu.memory_space<vmem>>, vector<16xf32>,
        %get3A_2228 = arith.index_cast %add3A_2129 : i32 to index
        %get3A_2229 = arith.constant 192 : index
        %get3A_2230 = tpu.vector_load %arg10[%get3A_2228, %get3A_2229] {strides = array<i32>} : memref<128x256xf32, #tpu.memory_space<vmem>>, vector<16xf32>,
        %mul3A_2231 = arith.mulf %get3A_2227, %get3A_2230 : vector<16xf32>
        %add3A_2232 = arith.addf %add3A_2224, %mul3A_2231 : vector<16xf32>
        %get3A_2233 = arith.index_cast %add3A_2129 : i32 to index
        %get3A_2234 = arith.constant 208 : index
        %get3A_2235 = tpu.vector_load %arg9[%get3A_2233, %get3A_2234] {strides = array<i32>} : memref<128x256xf32, #tpu.memory_space<vmem>>, vector<16xf32>,
        %get3A_2236 = arith.index_cast %add3A_2129 : i32 to index
        %get3A_2237 = arith.constant 208 : index
        %get3A_2238 = tpu.vector_load %arg10[%get3A_2236, %get3A_2237] {strides = array<i32>} : memref<128x256xf32, #tpu.memory_space<vmem>>, vector<16xf32>,
        %mul3A_2239 = arith.mulf %get3A_2235, %get3A_2238 : vector<16xf32>
        %add3A_2240 = arith.addf %add3A_2232, %mul3A_2239 : vector<16xf32>
        %get3A_2241 = arith.index_cast %add3A_2129 : i32 to index
        %get3A_2242 = arith.constant 224 : index
        %get3A_2243 = tpu.vector_load %arg9[%get3A_2241, %get3A_2242] {strides = array<i32>} : memref<128x256xf32, #tpu.memory_space<vmem>>, vector<16xf32>,
        %get3A_2244 = arith.index_cast %add3A_2129 : i32 to index
        %get3A_2245 = arith.constant 224 : index
        %get3A_2246 = tpu.vector_load %arg10[%get3A_2244, %get3A_2245] {strides = array<i32>} : memref<128x256xf32, #tpu.memory_space<vmem>>, vector<16xf32>,
        %mul3A_2247 = arith.mulf %get3A_2243, %get3A_2246 : vector<16xf32>
        %add3A_2248 = arith.addf %add3A_2240, %mul3A_2247 : vector<16xf32>
        %get3A_2249 = arith.index_cast %add3A_2129 : i32 to index
        %get3A_2250 = arith.constant 240 : index
        %get3A_2251 = tpu.vector_load %arg9[%get3A_2249, %get3A_2250] {strides = array<i32>} : memref<128x256xf32, #tpu.memory_space<vmem>>, vector<16xf32>,
        %get3A_2252 = arith.index_cast %add3A_2129 : i32 to index
        %get3A_2253 = arith.constant 240 : index
        %get3A_2254 = tpu.vector_load %arg10[%get3A_2252, %get3A_2253] {strides = array<i32>} : memref<128x256xf32, #tpu.memory_space<vmem>>, vector<16xf32>,
        %mul3A_2255 = arith.mulf %get3A_2251, %get3A_2254 : vector<16xf32>
        %add3A_2256 = arith.addf %add3A_2248, %mul3A_2255 : vector<16xf32>
        %reduce_sum3A_2257 = arith.constant true
        %reduce_sum3A_2258 = vector.broadcast %reduce_sum3A_2257 : i1 to vector<16xi1>
        %reduce_sum3A_2259 = tpu.scan <sum>, %add3A_2256 masked %reduce_sum3A_2258 : vector<16xf32>, vector<16xi1> -> vector<16xf32>
        %reduce_sum3A_2260 = vector.extract %reduce_sum3A_2259[15] : f32 from vector<16xf32>
        %eq3A_2261 = arith.constant 15 : i32
        %eq3A_2262 = vector.broadcast %eq3A_2261 : i32 to vector<16xi32>
        %eq3A_2263 = arith.cmpi eq, %iota3A, %eq3A_2262 : vector<16xi32>
        %broadcast_in_dim3A_2264 = vector.broadcast %reduce_sum3A_2260 : f32 to vector<16xf32>
        %select_n3A_2265 = arith.select %eq3A_2263, %broadcast_in_dim3A_2264, %select_n3A_2125 : vector<16xi1>, vector<16xf32>
        %mul3A_2266 = arith.constant 0.176776692 : f32
        %mul3A_2267 = vector.broadcast %mul3A_2266 : f32 to vector<16xf32>
        %mul3A_2268 = arith.mulf %select_n3A_2265, %mul3A_2267 : vector<16xf32>
        %exp3A = math.exp %mul3A_2268 : vector<16xf32>
        %mul3A_2269 = arith.constant 16 : i32
        %mul3A_2270 = arith.muli %scan3A_28, %mul3A_2269 : i32
        %swap3A = arith.index_cast %mul3A_2270 : i32 to index
        %swap3A_2271 = tpu.vector_load %arg11[%swap3A] {strides = array<i32>} : memref<128xf32, #tpu.memory_space<vmem>>, vector<16xf32>,
        tpu.vector_store %arg11[%swap3A], %exp3A {strides = array<i32>} : memref<128xf32, #tpu.memory_space<vmem>>, vector<16xf32>,
      }
      %scan3A_27 = arith.constant 8 : i32
      "tpu.region"() ({
        %run_scoped3A = tpu.sem_alloc : memref<!tpu.dma_semaphore, #tpu.memory_space<semaphore_mem>>
        %dma_start3A_28 = tpu.memref_slice %arg6[%add3A_11] : memref<163840xf32, #tpu.memory_space<hbm>> -> memref<128xf32, #tpu.memory_space<hbm>>
        %dma_start3A_29 = tpu.memref_slice %arg6[%add3A_11] : memref<163840xf32, #tpu.memory_space<hbm>> -> memref<128xf32, #tpu.memory_space<hbm>>
        tpu.enqueue_dma source(%arg11 : memref<128xf32, #tpu.memory_space<vmem>>) target(%dma_start3A_29 : memref<128xf32, #tpu.memory_space<hbm>>) target_semaphore(%run_scoped3A : memref<!tpu.dma_semaphore, #tpu.memory_space<semaphore_mem>>)
        %dma_wait3A_30 = tpu.memref_slice %arg6[%add3A_11] : memref<163840xf32, #tpu.memory_space<hbm>> -> memref<128xf32, #tpu.memory_space<hbm>>
        %dma_wait3A_31 = tpu.memref_slice %arg6[%add3A_11] : memref<163840xf32, #tpu.memory_space<hbm>> -> memref<128xf32, #tpu.memory_space<hbm>>
        tpu.wait_dma2 semaphore(%run_scoped3A : memref<!tpu.dma_semaphore, #tpu.memory_space<semaphore_mem>>) src(%arg11 : memref<128xf32, #tpu.memory_space<vmem>>) dst(%dma_wait3A_31 : memref<128xf32, #tpu.memory_space<hbm>>)
        tpu.yield
      }) : () -> ()
    }
    %scan3A_5 = arith.constant 40 : i32
    return
  }
}

module attributes {stable_mosaic.version = 14 : i64} {
  func.func @_proj_body(%arg0: i32, %arg1: memref<1000x256xf32, #tpu.memory_space<vmem>>, %arg2: memref<256x256xf32, #tpu.memory_space<vmem>>, %arg3: memref<256x256xf32, #tpu.memory_space<vmem>>, %arg4: memref<256x256xf32, #tpu.memory_space<vmem>>, %arg5: memref<256x256xf32, #tpu.memory_space<vmem>>, %arg6: memref<1000x256xf32, #tpu.memory_space<vmem>>, %arg7: memref<1000x256xf32, #tpu.memory_space<vmem>>, %arg8: memref<1000x256xf32, #tpu.memory_space<vmem>>, %arg9: memref<1000x256xf32, #tpu.memory_space<vmem>>) attributes {dimension_semantics = [#tpu.dimension_semantics<arbitrary>], iteration_bounds = array<i64: 10>, scalar_prefetch = 0 : i64, scratch_operands = 0 : i64, tpu.core_type = #tpu.core_type<tc>, window_params = [{transform_indices = @transform_0, window_bounds = array<i64: 1000, 256>}, {pipeline_mode = #tpu.pipeline_mode<synchronous>, transform_indices = @transform_1, window_bounds = array<i64: 256, 256>}, {pipeline_mode = #tpu.pipeline_mode<synchronous>, transform_indices = @transform_2, window_bounds = array<i64: 256, 256>}, {pipeline_mode = #tpu.pipeline_mode<synchronous>, transform_indices = @transform_3, window_bounds = array<i64: 256, 256>}, {pipeline_mode = #tpu.pipeline_mode<synchronous>, transform_indices = @transform_4, window_bounds = array<i64: 256, 256>}, {transform_indices = @transform_5, window_bounds = array<i64: 1000, 256>}, {transform_indices = @transform_6, window_bounds = array<i64: 1000, 256>}, {transform_indices = @transform_7, window_bounds = array<i64: 1000, 256>}, {transform_indices = @transform_8, window_bounds = array<i64: 1000, 256>}]} {
    %get3A = arith.constant 0 : index
    %get3A_0 = arith.constant 0 : index
    %get3A_1 = vector.load %arg1[%get3A, %get3A_0] : memref<1000x256xf32, #tpu.memory_space<vmem>>, vector<1000x256xf32>
    %get3A_2 = arith.constant 0 : index
    %get3A_3 = arith.constant 0 : index
    %get3A_4 = vector.load %arg2[%get3A_2, %get3A_3] : memref<256x256xf32, #tpu.memory_space<vmem>>, vector<256x256xf32>
    %dot_general3A = arith.constant dense<0.000000e+00> : vector<1000x256xf32>
    %dot_general3A_5 = tpu.matmul %get3A_1, %get3A_4, %dot_general3A {dimension_numbers = #tpu.dot_dimension_numbers<[1], [0], [0], [1], [0, 0, 1, 1], [], []>, transpose_lhs_hint = false} : vector<1000x256xf32>, vector<256x256xf32>, vector<1000x256xf32> -> vector<1000x256xf32>
    %swap3A = arith.constant 0 : index
    %swap3A_6 = arith.constant 0 : index
    %swap3A_7 = vector.load %arg6[%swap3A, %swap3A_6] : memref<1000x256xf32, #tpu.memory_space<vmem>>, vector<1000x256xf32>
    tpu.vector_store %arg6[%swap3A, %swap3A_6], %dot_general3A_5 {strides = array<i32>} : memref<1000x256xf32, #tpu.memory_space<vmem>>, vector<1000x256xf32>,
    %get3A_8 = arith.constant 0 : index
    %get3A_9 = arith.constant 0 : index
    %get3A_10 = vector.load %arg3[%get3A_8, %get3A_9] : memref<256x256xf32, #tpu.memory_space<vmem>>, vector<256x256xf32>
    %dot_general3A_11 = arith.constant dense<0.000000e+00> : vector<1000x256xf32>
    %dot_general3A_12 = tpu.matmul %get3A_1, %get3A_10, %dot_general3A_11 {dimension_numbers = #tpu.dot_dimension_numbers<[1], [0], [0], [1], [0, 0, 1, 1], [], []>, transpose_lhs_hint = false} : vector<1000x256xf32>, vector<256x256xf32>, vector<1000x256xf32> -> vector<1000x256xf32>
    %swap3A_13 = arith.constant 0 : index
    %swap3A_14 = arith.constant 0 : index
    %swap3A_15 = vector.load %arg7[%swap3A_13, %swap3A_14] : memref<1000x256xf32, #tpu.memory_space<vmem>>, vector<1000x256xf32>
    tpu.vector_store %arg7[%swap3A_13, %swap3A_14], %dot_general3A_12 {strides = array<i32>} : memref<1000x256xf32, #tpu.memory_space<vmem>>, vector<1000x256xf32>,
    %get3A_16 = arith.constant 0 : index
    %get3A_17 = arith.constant 0 : index
    %get3A_18 = vector.load %arg4[%get3A_16, %get3A_17] : memref<256x256xf32, #tpu.memory_space<vmem>>, vector<256x256xf32>
    %dot_general3A_19 = arith.constant dense<0.000000e+00> : vector<1000x256xf32>
    %dot_general3A_20 = tpu.matmul %get3A_1, %get3A_18, %dot_general3A_19 {dimension_numbers = #tpu.dot_dimension_numbers<[1], [0], [0], [1], [0, 0, 1, 1], [], []>, transpose_lhs_hint = false} : vector<1000x256xf32>, vector<256x256xf32>, vector<1000x256xf32> -> vector<1000x256xf32>
    %swap3A_21 = arith.constant 0 : index
    %swap3A_22 = arith.constant 0 : index
    %swap3A_23 = vector.load %arg8[%swap3A_21, %swap3A_22] : memref<1000x256xf32, #tpu.memory_space<vmem>>, vector<1000x256xf32>
    tpu.vector_store %arg8[%swap3A_21, %swap3A_22], %dot_general3A_20 {strides = array<i32>} : memref<1000x256xf32, #tpu.memory_space<vmem>>, vector<1000x256xf32>,
    %get3A_24 = arith.constant 0 : index
    %get3A_25 = arith.constant 0 : index
    %get3A_26 = vector.load %arg5[%get3A_24, %get3A_25] : memref<256x256xf32, #tpu.memory_space<vmem>>, vector<256x256xf32>
    %dot_general3A_27 = arith.constant dense<0.000000e+00> : vector<1000x256xf32>
    %dot_general3A_28 = tpu.matmul %get3A_1, %get3A_26, %dot_general3A_27 {dimension_numbers = #tpu.dot_dimension_numbers<[1], [0], [0], [1], [0, 0, 1, 1], [], []>, transpose_lhs_hint = false} : vector<1000x256xf32>, vector<256x256xf32>, vector<1000x256xf32> -> vector<1000x256xf32>
    %swap3A_29 = arith.constant 0 : index
    %swap3A_30 = arith.constant 0 : index
    %swap3A_31 = vector.load %arg9[%swap3A_29, %swap3A_30] : memref<1000x256xf32, #tpu.memory_space<vmem>>, vector<1000x256xf32>
    tpu.vector_store %arg9[%swap3A_29, %swap3A_30], %dot_general3A_28 {strides = array<i32>} : memref<1000x256xf32, #tpu.memory_space<vmem>>, vector<1000x256xf32>,
    return
  }
  func.func @transform_0(%arg0: i32) -> (i32, i32) {
    %c0_i32 = arith.constant 0 : i32
    %c0_i32_0 = arith.constant 0 : i32
    return %arg0, %c0_i32 : i32, i32
  }
  func.func @transform_1(%arg0: i32) -> (i32, i32) {
    %c0_i32 = arith.constant 0 : i32
    %c0_i32_0 = arith.constant 0 : i32
    %c0_i32_1 = arith.constant 0 : i32
    return %c0_i32, %c0_i32_0 : i32, i32
  }
  func.func @transform_2(%arg0: i32) -> (i32, i32) {
    %c0_i32 = arith.constant 0 : i32
    %c0_i32_0 = arith.constant 0 : i32
    %c0_i32_1 = arith.constant 0 : i32
    return %c0_i32, %c0_i32_0 : i32, i32
  }
  func.func @transform_3(%arg0: i32) -> (i32, i32) {
    %c0_i32 = arith.constant 0 : i32
    %c0_i32_0 = arith.constant 0 : i32
    %c0_i32_1 = arith.constant 0 : i32
    return %c0_i32, %c0_i32_0 : i32, i32
  }
  func.func @transform_4(%arg0: i32) -> (i32, i32) {
    %c0_i32 = arith.constant 0 : i32
    %c0_i32_0 = arith.constant 0 : i32
    %c0_i32_1 = arith.constant 0 : i32
    return %c0_i32, %c0_i32_0 : i32, i32
  }
  func.func @transform_5(%arg0: i32) -> (i32, i32) {
    %c0_i32 = arith.constant 0 : i32
    %c0_i32_0 = arith.constant 0 : i32
    return %arg0, %c0_i32 : i32, i32
  }
  func.func @transform_6(%arg0: i32) -> (i32, i32) {
    %c0_i32 = arith.constant 0 : i32
    %c0_i32_0 = arith.constant 0 : i32
    return %arg0, %c0_i32 : i32, i32
  }
  func.func @transform_7(%arg0: i32) -> (i32, i32) {
    %c0_i32 = arith.constant 0 : i32
    %c0_i32_0 = arith.constant 0 : i32
    return %arg0, %c0_i32 : i32, i32
  }
  func.func @transform_8(%arg0: i32) -> (i32, i32) {
    %c0_i32 = arith.constant 0 : i32
    %c0_i32_0 = arith.constant 0 : i32
    return %arg0, %c0_i32 : i32, i32
  }
}

module attributes {stable_mosaic.version = 14 : i64} {
  func.func @_out_body(%arg0: i32, %arg1: memref<1000x256xf32, #tpu.memory_space<vmem>>, %arg2: memref<1000x256xf32, #tpu.memory_space<vmem>>, %arg3: memref<256x256xf32, #tpu.memory_space<vmem>>, %arg4: memref<256x256xf32, #tpu.memory_space<vmem>>, %arg5: memref<1000x256xf32, #tpu.memory_space<vmem>>) attributes {dimension_semantics = [#tpu.dimension_semantics<arbitrary>], iteration_bounds = array<i64: 10>, scalar_prefetch = 0 : i64, scratch_operands = 0 : i64, tpu.core_type = #tpu.core_type<tc>, window_params = [{transform_indices = @transform_0, window_bounds = array<i64: 1000, 256>}, {transform_indices = @transform_1, window_bounds = array<i64: 1000, 256>}, {pipeline_mode = #tpu.pipeline_mode<synchronous>, transform_indices = @transform_2, window_bounds = array<i64: 256, 256>}, {pipeline_mode = #tpu.pipeline_mode<synchronous>, transform_indices = @transform_3, window_bounds = array<i64: 256, 256>}, {transform_indices = @transform_4, window_bounds = array<i64: 1000, 256>}]} {
    %get3A = arith.constant 0 : index
    %get3A_0 = arith.constant 0 : index
    %get3A_1 = vector.load %arg1[%get3A, %get3A_0] : memref<1000x256xf32, #tpu.memory_space<vmem>>, vector<1000x256xf32>
    %get3A_2 = arith.constant 0 : index
    %get3A_3 = arith.constant 0 : index
    %get3A_4 = vector.load %arg3[%get3A_2, %get3A_3] : memref<256x256xf32, #tpu.memory_space<vmem>>, vector<256x256xf32>
    %dot_general3A = arith.constant dense<0.000000e+00> : vector<1000x256xf32>
    %dot_general3A_5 = tpu.matmul %get3A_1, %get3A_4, %dot_general3A {dimension_numbers = #tpu.dot_dimension_numbers<[1], [0], [0], [1], [0, 0, 1, 1], [], []>, transpose_lhs_hint = false} : vector<1000x256xf32>, vector<256x256xf32>, vector<1000x256xf32> -> vector<1000x256xf32>
    %get3A_6 = arith.constant 0 : index
    %get3A_7 = arith.constant 0 : index
    %get3A_8 = vector.load %arg2[%get3A_6, %get3A_7] : memref<1000x256xf32, #tpu.memory_space<vmem>>, vector<1000x256xf32>
    %get3A_9 = arith.constant 0 : index
    %get3A_10 = arith.constant 0 : index
    %get3A_11 = vector.load %arg4[%get3A_9, %get3A_10] : memref<256x256xf32, #tpu.memory_space<vmem>>, vector<256x256xf32>
    %dot_general3A_12 = arith.constant dense<0.000000e+00> : vector<1000x256xf32>
    %dot_general3A_13 = tpu.matmul %get3A_8, %get3A_11, %dot_general3A_12 {dimension_numbers = #tpu.dot_dimension_numbers<[1], [0], [0], [1], [0, 0, 1, 1], [], []>, transpose_lhs_hint = false} : vector<1000x256xf32>, vector<256x256xf32>, vector<1000x256xf32> -> vector<1000x256xf32>
    %add3A = arith.addf %dot_general3A_5, %dot_general3A_13 : vector<1000x256xf32>
    %swap3A = arith.constant 0 : index
    %swap3A_14 = arith.constant 0 : index
    %swap3A_15 = vector.load %arg5[%swap3A, %swap3A_14] : memref<1000x256xf32, #tpu.memory_space<vmem>>, vector<1000x256xf32>
    tpu.vector_store %arg5[%swap3A, %swap3A_14], %add3A {strides = array<i32>} : memref<1000x256xf32, #tpu.memory_space<vmem>>, vector<1000x256xf32>,
    return
  }
  func.func @transform_0(%arg0: i32) -> (i32, i32) {
    %c0_i32 = arith.constant 0 : i32
    %c0_i32_0 = arith.constant 0 : i32
    return %arg0, %c0_i32 : i32, i32
  }
  func.func @transform_1(%arg0: i32) -> (i32, i32) {
    %c0_i32 = arith.constant 0 : i32
    %c0_i32_0 = arith.constant 0 : i32
    return %arg0, %c0_i32 : i32, i32
  }
  func.func @transform_2(%arg0: i32) -> (i32, i32) {
    %c0_i32 = arith.constant 0 : i32
    %c0_i32_0 = arith.constant 0 : i32
    %c0_i32_1 = arith.constant 0 : i32
    return %c0_i32, %c0_i32_0 : i32, i32
  }
  func.func @transform_3(%arg0: i32) -> (i32, i32) {
    %c0_i32 = arith.constant 0 : i32
    %c0_i32_0 = arith.constant 0 : i32
    %c0_i32_1 = arith.constant 0 : i32
    return %c0_i32, %c0_i32_0 : i32, i32
  }
  func.func @transform_4(%arg0: i32) -> (i32, i32) {
    %c0_i32 = arith.constant 0 : i32
    %c0_i32_0 = arith.constant 0 : i32
    return %arg0, %c0_i32 : i32, i32
  }
}

</mosaic_0001>

<sc_bundles>
// kernel: kernel.6.cloned.1.call-start
scs
__scs_entry_jumppad:
0x0: {  	(pc) =	sbr.rel $0x88, $3  }
0x1: {  	(tag) =	ssettag $0x0;
	lr =	simm.s32 $0x1  }
0x2: {  	[smem:$0x3F9A] =	sst lr;
	_ =	strace $0xD0000000  }
0x3: {  	_ = 	snop  }
0x4: {  	_ = 	snop  }
0x5: {  	_ = 	snop  }
0x6: {  	_ = 	snop  }
0x7: {  	_ = 	snop  }
__scs_overlays_trampoline_lowered:
0x8: {  	[smem:$0x3FA9] =	sst s0  }
0x9: {  	[smem:$0x3FAA] =	sst s1  }
0xa: {  	[smem:$0x3FAB] =	sst s2  }
0xb: {  	[smem:$0x3FAC] =	sst s3  }
0xc: {  	[smem:$0x3FAD] =	sst s4  }
0xd: {  	[smem:$0x3FAE] =	sst s5  }
0xe: {  	[smem:$0x3FAF] =	sst s6  }
0xf: {  	[smem:$0x3FB0] =	sst s7  }
0x10: {  	[smem:$0x3FB1] =	sst s8  }
0x11: {  	[smem:$0x3FB2] =	sst s9;
	s0 =	simm.s32 @!p0 $0x0  }
0x12: {  	s1 =	sld [smem:$0x3F98];
	s0 =	simm.s32 @p0 $0x1  }
0x13: {  	[smem:$0x3FB3] =	sst s0;
	s0 =	simm.s32 @!p1 $0x0  }
0x14: {  	s2 =	sld [smem:$0x3F97];
	s0 =	simm.s32 @p1 $0x1  }
0x15: {  	[smem:$0x3FB4] =	sst s0;
	s0 =	simm.s32 @!p2 $0x0  }
0x16: {  	s3 =	sld [smem:$0x3FDB];
	s0 =	simm.s32 @p2 $0x1  }
0x17: {  	s4 =	simm.s32 $0x1BF5;
	[smem:$0x3FB6] =	sst s0  }
0x18: {  	s0 =	sld [smem:$0x3F99];
	_ =	swait.ge [sflag:s4], $0x0  }
0x19: {  	s7 =	sld [smem:$0x3F9A]  }
0x1a: {  	s8 =	sadd.s32 $0xFFFFE003, lr  }
0x1b: {  	s9 =	sadd.s32 $0xFFFFFEF7, lr;
	s5 =	simm.s32 $0xFFFFFFFF;
	p2 =	slt.u32 s8, $0xFFFFF086  }
0x1c: {  	p1 =	slt.u32 s9, $0xF7A;
	s5 =	simm.s32 @!p2 $0x0  }
0x1d: {  	s5 =	simm.s32 @p1 $0x1;
	p0 =	seq.s32 s7, s2  }
0x1e: {  	s7 =	smul.u32 @!p0 $0xF7A, s2;
	p2 =	seq.s32 @!p0 s5, $0x0  }
0x1f: {  	s9 =	smul.u32 $0xF7A, s1;
	s8 =	simm.s32 @!p0 $0x1BF5;
	p2 =	por !p2, p0  }
0x20: {  	[sflag:s8] =	ssyncset.s32 @!p0 $0xFFFFF086;
	s6 =	sadd.s32 @!p0 s3, s7;
	s7 =	simm.s32 @!p0 $0x108  }
0x21: {  	s3 =	sadd.s32 s3, s9;
	s6 =	sadd.s32 @!p0 $0x88, s6;
	s7 =	simm.s32 @p2 $0x1082  }
0x22: {  	[simem:s7], [sflag:s8] =	dma.local @!p0 [hbm:s6], $0xF7A  }
0x23: {  	s9 =	sor.u32 $0xD0000000, s2;
	s6 =	simm.s32 $0x108;
	_ =	swait.ge @!p0 [sflag:s8], $0x0  }
0x24: {  	s3 =	sadd.s32 $0x88, s3;
	s6 =	simm.s32 @!p1 $0x1082;
	[sflag:s4] =	ssyncset.s32 $0xFFFFF086  }
0x25: {  	[simem:s6], [sflag:s4] =	dma.local [hbm:s3], $0xF7A  }
0x26: {  	[smem:$0x3F9A] =	sst s1;
	(tag) =	ssettag s2;
	_ =	strace s9  }
0x27: {  	s1 =	sld [smem:$0x3FAA]  }
0x28: {  	s2 =	sld [smem:$0x3FAB]  }
0x29: {  	s4 =	sld [smem:$0x3FAD]  }
0x2a: {  	p0 =	seq.s32 s5, $0x0;
	s5 =	sld [smem:$0x3FAE]  }
0x2b: {  	s6 =	sld [smem:$0x3FAF]  }
0x2c: {  	s7 =	sld [smem:$0x3FB0]  }
0x2d: {  	s3 =	simm.s32 $0x108;
	s8 =	sld [smem:$0x3FB1]  }
0x2e: {  	s3 =	simm.s32 @!p0 $0x1082;
	s9 =	sld [smem:$0x3FB2]  }
0x2f: {  	lr =	sadd.s32 s0, s3;
	s0 =	sld [smem:$0x3FA9]  }
0x30: {  	s3 =	sld [smem:$0x3FAC]  }
0x31: {  	[smem:$0x3FB5] =	sst s10  }
0x32: {  	s10 =	sld [smem:$0x3FB3];
	_ =	sdelay $0x3  }
0x33: {  	p0 =	seq.s32 s10, $0x1;
	s10 =	sld [smem:$0x3FB5];
	_ =	sdelay $0x3  }
0x34: {  	[smem:$0x3FB5] =	sst s10  }
0x35: {  	s10 =	sld [smem:$0x3FB4];
	_ =	sdelay $0x3  }
0x36: {  	p1 =	seq.s32 s10, $0x1;
	s10 =	sld [smem:$0x3FB5];
	_ =	sdelay $0x3  }
0x37: {  	[smem:$0x3FB5] =	sst s10  }
0x38: {  	s10 =	sld [smem:$0x3FB6]  }
0x39: {  	_ = 	snop;
	(pc) =	sbr.ind lr, $3  }
0x3a: {  	_ = 	snop  }
0x3b: {  	_ = 	snop  }
0x3c: {  	p2 =	seq.s32 s10, $0x1;
	s10 =	sld [smem:$0x3FB5]  }
0x3d: {  	_ =	shalt  }
0x3e: {  	_ =	shalt  }
0x3f: {  	_ =	shalt  }
0x40: {  	_ =	shalt  }
0x41: {  	_ =	shalt  }
0x42: {  	_ =	shalt  }
0x43: {  	_ =	shalt  }
0x44: {  	_ =	shalt  }
0x45: {  	_ =	shalt  }
0x46: {  	_ =	shalt  }
0x47: {  	_ =	shalt  }
0x48: {  	_ =	shalt  }
0x49: {  	_ =	shalt  }
0x4a: {  	_ =	shalt  }
0x4b: {  	_ =	shalt  }
0x4c: {  	_ =	shalt  }
0x4d: {  	_ =	shalt  }
0x4e: {  	_ =	shalt  }
0x4f: {  	_ =	shalt  }
0x50: {  	_ =	shalt  }
0x51: {  	_ =	shalt  }
0x52: {  	_ =	shalt  }
0x53: {  	_ =	shalt  }
0x54: {  	_ =	shalt  }
0x55: {  	_ =	shalt  }
0x56: {  	_ =	shalt  }
0x57: {  	_ =	shalt  }
0x58: {  	_ =	shalt  }
0x59: {  	_ =	shalt  }
0x5a: {  	_ =	shalt  }
0x5b: {  	_ =	shalt  }
0x5c: {  	_ =	shalt  }
0x5d: {  	_ =	shalt  }
0x5e: {  	_ =	shalt  }
0x5f: {  	_ =	shalt  }
0x60: {  	_ =	shalt  }
0x61: {  	_ =	shalt  }
0x62: {  	_ =	shalt  }
0x63: {  	_ =	shalt  }
0x64: {  	_ =	shalt  }
0x65: {  	_ =	shalt  }
0x66: {  	_ =	shalt  }
0x67: {  	_ =	shalt  }
0x68: {  	_ =	shalt  }
0x69: {  	_ =	shalt  }
0x6a: {  	_ =	shalt  }
0x6b: {  	_ =	shalt  }
0x6c: {  	_ =	shalt  }
0x6d: {  	_ =	shalt  }
0x6e: {  	_ =	shalt  }
0x6f: {  	_ =	shalt  }
0x70: {  	_ =	shalt  }
0x71: {  	_ =	shalt  }
0x72: {  	_ =	shalt  }
0x73: {  	_ =	shalt  }
0x74: {  	_ =	shalt  }
0x75: {  	_ =	shalt  }
0x76: {  	_ =	shalt  }
0x77: {  	_ =	shalt  }
0x78: {  	_ =	shalt  }
0x79: {  	_ =	shalt  }
0x7a: {  	_ =	shalt  }
0x7b: {  	_ =	shalt  }
0x7c: {  	_ =	shalt  }
0x7d: {  	_ =	shalt  }
0x7e: {  	_ =	shalt  }
0x7f: {  	_ =	shalt  }
0x80: {  	_ =	shalt  }
0x81: {  	_ =	shalt  }
0x82: {  	_ =	shalt  }
0x83: {  	_ =	shalt  }
0x84: {  	_ =	shalt  }
0x85: {  	_ =	shalt  }
0x86: {  	_ =	shalt  }
0x87: {  	_ =	shalt  }
.Lfunc_end0:
.L_simem_size_0:
called_computation_lowered:
.L_overlay_start_0:
0x88: {  	s2 =	sld [smem:$0x3FD9]  }
0x89: {  	s3 =	sld [smem:$0x3FFE];
	_ =	sdelay $0x1  }
0x8a: {  	s1 =	srdreg.scid  }
0x8b: {  	s0 =	sand.u32 $0x1, s1  }
0x8c: {  	s16 =	sshll.u32 s0, $0xA;
	s2 =	sadd.s32 s3, s2  }
0x8d: {  	s2 =	sadd.s32 s2, s16  }
0x8e: {  	[smem:$0x3FC1] =	sst s2  }
0x8f: {  	_ = 	snop  }
0x90: {  	(tm) =	ssettm $0x1  }
0x91: {  	s17 =	sld [smem:$0x3FFB];
	_ =	sdelay $0x3  }
0x92: {  	_ =	strace s17  }
0x93: {  	s2 =	sld [smem:$0x3FFC];
	_ =	sdelay $0x3  }
0x94: {  	_ =	strace s2  }
0x95: {  	s2 =	sld [smem:$0x3FFD];
	_ =	sdelay $0x3  }
0x96: {  	_ =	strace s2  }
0x97: {  	_ =	strace $0x8FFFFFFF  }
0x98: {  	s18 =	sld [smem:$0x3FDB];
	_ =	sdelay $0x1  }
0x99: {  	s19 =	simm.s32 $_scs_section_size  }
0x9a: {  	s4 =	simm.s32 $_size__tile_overlayer_lowered;
	s5 =	simm.s32 $_tile_overlayer_lowered  }
0x9b: {  	s22 =	simm.s32 $0x1BFF;
	s21 =	sshll.u32 s5, $0x1;
	s2 =	sadd.s32 s19, s18  }
0x9c: {  	s6 =	simm.s32 $0x0;
	s20 =	sshll.u32 s4, $0x1;
	s4 =	sadd.s32 s21, s2  }
0x9d: {  	[timem:s6], [sflag:s22] =	dma.local [hbm:s4], s20  }
0x9e: {  	_ =	swait.ge [sflag:s22], s20  }
0x9f: {  	s3 =	ssub.s32 $0x0, s20;
	[sflag:s22] =	ssyncset.done $0x0  }
0xa0: {  	[sflag:s22] =	ssyncadd.s32 s3;
	_ =	sdelay $0x1  }
0xa1: {  	s23 =	simm.s32 $0x1B8B  }
0xa2: {  	_ =	swait.ge [sflag:s23], $0x1  }
0xa3: {  	[sflag:s23] =	ssyncset.done $0x0  }
0xa4: {  	s25 =	simm.s32 $0x1B8E;
	s24 =	sld [smem:$0x3FFE];
	[sflag:s23] =	ssyncadd.s32 $0xFFFFFFFF  }
0xa5: {  	s26 =	simm.s32 $execute0_lowered;
	[smem:$0x3FD2] =	sst s25  }
0xa6: {  	s4 =	sshll.u32 s26, $0x1;
	_ =	strace $0x80000046;
	[dreg:$0x1] =	wrdreg $0xFFFFFFFF  }
0xa7: {  	s28 =	simm.s32 $_size_execute0_lowered;
	s2 =	sadd.s32 s2, s4;
	[dreg:$0x0] =	wrdreg $0x0  }
0xa8: {  	s4 =	sshll.u32 s28, $0x1;
	[dreg:$0x2] =	wrdreg s2  }
0xa9: {  	[dreg:$0x3] =	wrdreg s4  }
0xaa: {  	[dreg:$0x4] =	wrdreg $0xC0  }
0xab: {  	_ =	task [dreg:s6], $0x5FFFF  }
0xac: {  	[dreg:$0x1] =	wrdreg $0xFFFFFFFF  }
0xad: {  	[dreg:$0x0] =	wrdreg $0x60  }
0xae: {  	[dreg:$0x2] =	wrdreg s24  }
0xaf: {  	[dreg:$0x3] =	wrdreg $0x9  }
0xb0: {  	_ =	task.clear_ibuf [dreg:s6], $0x4FFFF;
	_ =	strace $0x90000046  }
0xb1: {  	s29 =	simm.s32 $0x9;
	_ =	strace $0x80000048  }
0xb2: {  	_ =	swait.ge [sflag:s29], $0x1  }
0xb3: {  	[sflag:s29] =	ssyncadd.s32 $0xFFFFFFFF  }
0xb4: {  	_ =	strace $0x90000048  }
0xb5: {  	_ =	sfence  }
0xb6: {  	s30 =	sld [smem:$0x0];
	_ =	sdelay $0x2  }
0xb7: {  	s31 =	sshll.u32 s1, $0xD;
	s1 =	sshrl.u32 s1, $0x2  }
0xb8: {  	s3 =	sand.u32 $0x4000, s31;
	s1 =	sadd.s32 s1, s30  }
0xb9: {  	s0 =	sor.u32 s3, s0;
	s1 =	sshll.u32 s1, $0x11  }
0xba: {  	s0 =	sor.u32 s1, s0  }
0xbb: {  	s0 =	sadd.s32 $0x8F2B, s0  }
0xbc: {  	[sflag:s0] =	ssyncadd.remote.s32 $0x1  }
0xbd: {  	_ =	sfence.sel $0xFFFF  }
0xbe: {  	[dreg:$0x0] =	wrdreg $0xFFFFFFFF;
	(pc) =	sbr.abs _section_cstart, $3  }
0xbf: {  	[dreg:$0x1] =	wrdreg $0xFFFFFFFF  }
0xc0: {  	_ =	task.clear_ibuf [dreg:s6], $0x2FFFF;
	_ =	strace $0x9FFFFFFF  }
0xc1: {  	(tm) =	ssettm $0x7FFFFFFF  }
tec
execute0_lowered:
.L_overlay_start_1:
0x0: {  	(tag) =	ssettag $0x1  }
0x1: {  	s0 =	rddreg [dreg:$0x0];
	s1 =	simm.s32 $0x0;
	s25 =	srdreg.scid  }
0x2: {  	s9 =	stileid.u32;
	s10 =	simm.s32 $0x2;
	s28 =	simm.s32 $0x7900  }
0x3: {  	s29 =	simm.s32 $0x1;
	s30 =	simm.s32 $0x8100;
	s31 =	simm.s32 $0x8900  }
0x4: {  	s11 =	simm.s32 $0xB100;
	s12 =	simm.s32 $0xB900;
	s13 =	simm.s32 $0xC100  }
0x5: {  	s14 =	simm.s32 $0xC900;
	s15 =	simm.s32 $0xD100;
	s16 =	simm.s32 $0xD900  }
0x6: {  	s17 =	simm.s32 $0xE100;
	s18 =	simm.s32 $0xE900;
	s19 =	simm.s32 $0xF100  }
0x7: {  	s20 =	simm.s32 $0xF900;
	s21 =	simm.s32 $0x10100;
	s23 =	simm.s32 $0x0  }
0x8: {  	v0 =	vlaneseq.u32;
	vm0 =	vmmov $0xffff;
	vm1 =	vmmov $0x1;
	[smem:$0x7FF] =	sst s1;
	s2 =	sadd.s32 $0x2200, s0;
	s3 =	sadd.s32 $0x7200, s0  }
0x9: {  	vm2 =	vmmov $0x3;
	vm3 =	vmmov $0x7;
	vm4 =	vmmov $0xf;
	s1 =	sand.u32 $0x1, s25;
	s5 =	sadd.s32 $0x5A400, s0;
	s6 =	sadd.s32 $0xA8600, s0  }
0xa: {  	vm5 =	vmmov $0x1f;
	vm6 =	vmmov $0x3f;
	vm7 =	vmmov $0x7f;
	s7 =	sadd.s32 $0xF6800, s0;
	s4 =	ssub.s32 $0x2, s1;
	s1 =	sshll.u32 s1, $0x4  }
0xb: {  	vm8 =	vmmov $0xff;
	v1 =	vand.u32 $0x7, v0;
	v63 =	vshrl.u32 v0, $0x3;
	_ =	strace $0x80000047;
	s8 =	sshrl.u32 s4, $0x1;
	s1 =	sor.u32 s9, s1  }
0xc: {  	vm9 =	vmmov $0x1ff;
	v0 =	vor.u32 $0x8, v0;
	[tilespmem:$0x1FFD0] =	vst v1;
	v1 =	vmul.u32 $0x8, v63;
	s9 =	simm.s32 $0xA100;
	s26 =	ssub.s32 s4, s8;
	s8 =	smul.u32 $0x28, s1  }
0xd: {  	vm10 =	vmmov $0x3ff;
	vm11 =	vmmov $0x7ff;
	vm12 =	vmmov $0xfff;
	[tilespmem:$0x1FFF0] =	vst v0;
	s4 =	simm.s32 $0x9900;
	s1 =	simm.s32 $0xA900;
	s0 =	smax.u32 s26, $0x1  }
0xe: {  	vm13 =	vmmov $0x1fff;
	vm14 =	vmmov $0x3fff;
	vm15 =	vmmov $0x7fff;
	[tilespmem:$0x1FFE0] =	vst v1;
	s26 =	simm.s32 $0x80;
	[dreg:$0x2] =	wrdreg s0;
	s0 =	simm.s32 $0x9100  }
.LBB2_1:
0xf: {  	[dreg:$0x3] =	wrdreg s23;
	s22 =	simm.s32 $0x0  }
.LBB2_2:
0x10: {  	s23 =	sadd.s32 s8, s22  }
0x11: {  	s23 =	sshll.u32 s23, $0x4  }
0x12: {  	s24 =	simm.s32 $0x0;
	s25 =	sadd.s32 s2, s23  }
0x13: {  	[tilespmem:s24], [sflag:$0x2] =	stream.linear.gather [hbm4b:s25+s24], $0x80, $0x38;
	[tilespmem:$0x10180] =	vst v63  }
0x14: {  	_ =	swait.ge [sflag:s10], $0x80  }
0x15: {  	[sflag:s10] =	ssyncset.done $0x0  }
0x16: {  	s25 =	sadd.s32 s3, s23;
	[sflag:s10] =	ssyncadd.s32 $0xFFFFFF80  }
0x17: {  	[tilespmem:s26], [sflag:$0x2] =	stream.linear.gather [hbm4b:s25+s24], $0x80, $0x38;
	[tilespmem:$0x10180] =	vst v63  }
0x18: {  	_ =	swait.ge [sflag:s10], $0x80  }
0x19: {  	[sflag:s10] =	ssyncset.done $0x0  }
0x1a: {  	[sflag:s10] =	ssyncadd.s32 $0xFFFFFF80  }
0x1b: {  	v0 =	vld [tilespmem:$0x0];
	_ =	sdelay $0x2  }
0x1c: {  	v2 =	vld [tilespmem:$0x1FFD0]  }
0x1d: {  	v3 =	vld [tilespmem:$0x1FFE0]  }
0x1e: {  	v4 =	vld [tilespmem:$0x1FFF0];
	v1 =	vshll.u32 v0, $0x1  }
0x1f: {  	v0 =	vand.u32 $0x7, v0;
	v1 =	vand.u32 $0xFFFFFFF0, v1  }
0x20: {  	v0 =	vor.u32 v0, v1  }
0x21: {  	v1 =	vperm.xlane v0, v2;
	_ =	sdelay $0x1  }
0x22: {  	v0 =	vperm.xlane v0, v4;
	v1 =	vadd.s32 v3, v1;
	_ =	sdelay $0x1  }
0x23: {  	v0 =	vadd.s32 v3, v0;
	_ =	sdelay $0x1  }
0x24: {  	s25 =	simm.s32 $0x100  }
0x25: {  	[tilespmem:s25], [sflag:$0x1] =	stream.indirect_vreg.gather [hbm4b:s5+s24], $0x80, v1, vm0, $0xb8;
	[tilespmem:$0x10180] =	vst v63  }
0x26: {  	s25 =	simm.s32 $0x900  }
0x27: {  	[tilespmem:s25], [sflag:$0x1] =	stream.indirect_vreg.gather [hbm4b:s5+s24], $0x80, v0, vm0, $0xb8;
	[tilespmem:$0x10180] =	vst v63  }
0x28: {  	v0 =	vld [tilespmem:$0x10];
	_ =	sdelay $0x4  }
0x29: {  	v48 =	vshll.u32 v0, $0x1  }
0x2a: {  	v0 =	vand.u32 $0x7, v0;
	v1 =	vand.u32 $0xFFFFFFF0, v48  }
0x2b: {  	v0 =	vor.u32 v0, v1  }
0x2c: {  	v1 =	vperm.xlane v0, v2;
	_ =	sdelay $0x1  }
0x2d: {  	v0 =	vperm.xlane v0, v4;
	v1 =	vadd.s32 v3, v1;
	_ =	sdelay $0x1  }
0x2e: {  	v0 =	vadd.s32 v3, v0;
	_ =	sdelay $0x1  }
0x2f: {  	s25 =	simm.s32 $0x1100  }
0x30: {  	[tilespmem:s25], [sflag:$0x1] =	stream.indirect_vreg.gather [hbm4b:s5+s24], $0x80, v1, vm0, $0xb8;
	[tilespmem:$0x10180] =	vst v63  }
0x31: {  	s25 =	simm.s32 $0x1900  }
0x32: {  	[tilespmem:s25], [sflag:$0x1] =	stream.indirect_vreg.gather [hbm4b:s5+s24], $0x80, v0, vm0, $0xb8;
	[tilespmem:$0x10180] =	vst v63  }
0x33: {  	v0 =	vld [tilespmem:$0x20];
	_ =	sdelay $0x4  }
0x34: {  	v49 =	vshll.u32 v0, $0x1  }
0x35: {  	v0 =	vand.u32 $0x7, v0;
	v1 =	vand.u32 $0xFFFFFFF0, v49  }
0x36: {  	v0 =	vor.u32 v0, v1  }
0x37: {  	v1 =	vperm.xlane v0, v2;
	_ =	sdelay $0x1  }
0x38: {  	v0 =	vperm.xlane v0, v4;
	v1 =	vadd.s32 v3, v1;
	_ =	sdelay $0x1  }
0x39: {  	v0 =	vadd.s32 v3, v0;
	_ =	sdelay $0x1  }
0x3a: {  	s25 =	simm.s32 $0x2100  }
0x3b: {  	[tilespmem:s25], [sflag:$0x1] =	stream.indirect_vreg.gather [hbm4b:s5+s24], $0x80, v1, vm0, $0xb8;
	[tilespmem:$0x10180] =	vst v63  }
0x3c: {  	s25 =	simm.s32 $0x2900  }
0x3d: {  	[tilespmem:s25], [sflag:$0x1] =	stream.indirect_vreg.gather [hbm4b:s5+s24], $0x80, v0, vm0, $0xb8;
	[tilespmem:$0x10180] =	vst v63  }
0x3e: {  	v0 =	vld [tilespmem:$0x30];
	_ =	sdelay $0x4  }
0x3f: {  	v50 =	vshll.u32 v0, $0x1  }
0x40: {  	v0 =	vand.u32 $0x7, v0;
	v1 =	vand.u32 $0xFFFFFFF0, v50  }
0x41: {  	v0 =	vor.u32 v0, v1  }
0x42: {  	v1 =	vperm.xlane v0, v2;
	_ =	sdelay $0x1  }
0x43: {  	v0 =	vperm.xlane v0, v4;
	v1 =	vadd.s32 v3, v1;
	_ =	sdelay $0x1  }
0x44: {  	v0 =	vadd.s32 v3, v0;
	_ =	sdelay $0x1  }
0x45: {  	s25 =	simm.s32 $0x3100  }
0x46: {  	[tilespmem:s25], [sflag:$0x1] =	stream.indirect_vreg.gather [hbm4b:s5+s24], $0x80, v1, vm0, $0xb8;
	[tilespmem:$0x10180] =	vst v63  }
0x47: {  	s25 =	simm.s32 $0x3900  }
0x48: {  	[tilespmem:s25], [sflag:$0x1] =	stream.indirect_vreg.gather [hbm4b:s5+s24], $0x80, v0, vm0, $0xb8;
	[tilespmem:$0x10180] =	vst v63  }
0x49: {  	v0 =	vld [tilespmem:$0x40];
	_ =	sdelay $0x4  }
0x4a: {  	v51 =	vshll.u32 v0, $0x1  }
0x4b: {  	v0 =	vand.u32 $0x7, v0;
	v1 =	vand.u32 $0xFFFFFFF0, v51  }
0x4c: {  	v0 =	vor.u32 v0, v1  }
0x4d: {  	v1 =	vperm.xlane v0, v2;
	_ =	sdelay $0x1  }
0x4e: {  	v0 =	vperm.xlane v0, v4;
	v1 =	vadd.s32 v3, v1;
	_ =	sdelay $0x1  }
0x4f: {  	v0 =	vadd.s32 v3, v0;
	_ =	sdelay $0x1  }
0x50: {  	s25 =	simm.s32 $0x4100  }
0x51: {  	[tilespmem:s25], [sflag:$0x1] =	stream.indirect_vreg.gather [hbm4b:s5+s24], $0x80, v1, vm0, $0xb8;
	[tilespmem:$0x10180] =	vst v63  }
0x52: {  	s25 =	simm.s32 $0x4900  }
0x53: {  	[tilespmem:s25], [sflag:$0x1] =	stream.indirect_vreg.gather [hbm4b:s5+s24], $0x80, v0, vm0, $0xb8;
	[tilespmem:$0x10180] =	vst v63  }
0x54: {  	v0 =	vld [tilespmem:$0x50];
	_ =	sdelay $0x4  }
0x55: {  	v52 =	vshll.u32 v0, $0x1  }
0x56: {  	v0 =	vand.u32 $0x7, v0;
	v1 =	vand.u32 $0xFFFFFFF0, v52  }
0x57: {  	v0 =	vor.u32 v0, v1  }
0x58: {  	v1 =	vperm.xlane v0, v2;
	_ =	sdelay $0x1  }
0x59: {  	v0 =	vperm.xlane v0, v4;
	v1 =	vadd.s32 v3, v1;
	_ =	sdelay $0x1  }
0x5a: {  	v0 =	vadd.s32 v3, v0;
	_ =	sdelay $0x1  }
0x5b: {  	s25 =	simm.s32 $0x5100  }
0x5c: {  	[tilespmem:s25], [sflag:$0x1] =	stream.indirect_vreg.gather [hbm4b:s5+s24], $0x80, v1, vm0, $0xb8;
	[tilespmem:$0x10180] =	vst v63  }
0x5d: {  	s25 =	simm.s32 $0x5900  }
0x5e: {  	[tilespmem:s25], [sflag:$0x1] =	stream.indirect_vreg.gather [hbm4b:s5+s24], $0x80, v0, vm0, $0xb8;
	[tilespmem:$0x10180] =	vst v63  }
0x5f: {  	v0 =	vld [tilespmem:$0x60];
	_ =	sdelay $0x4  }
0x60: {  	v53 =	vshll.u32 v0, $0x1  }
0x61: {  	v0 =	vand.u32 $0x7, v0;
	v1 =	vand.u32 $0xFFFFFFF0, v53  }
0x62: {  	v0 =	vor.u32 v0, v1  }
0x63: {  	v1 =	vperm.xlane v0, v2;
	_ =	sdelay $0x1  }
0x64: {  	v0 =	vperm.xlane v0, v4;
	v1 =	vadd.s32 v3, v1;
	_ =	sdelay $0x1  }
0x65: {  	v0 =	vadd.s32 v3, v0;
	_ =	sdelay $0x1  }
0x66: {  	s25 =	simm.s32 $0x6100  }
0x67: {  	[tilespmem:s25], [sflag:$0x1] =	stream.indirect_vreg.gather [hbm4b:s5+s24], $0x80, v1, vm0, $0xb8;
	[tilespmem:$0x10180] =	vst v63  }
0x68: {  	s25 =	simm.s32 $0x6900  }
0x69: {  	[tilespmem:s25], [sflag:$0x1] =	stream.indirect_vreg.gather [hbm4b:s5+s24], $0x80, v0, vm0, $0xb8;
	[tilespmem:$0x10180] =	vst v63  }
0x6a: {  	v0 =	vld [tilespmem:$0x70];
	_ =	sdelay $0x4  }
0x6b: {  	v54 =	vshll.u32 v0, $0x1  }
0x6c: {  	v0 =	vand.u32 $0x7, v0;
	v1 =	vand.u32 $0xFFFFFFF0, v54  }
0x6d: {  	v0 =	vor.u32 v0, v1  }
0x6e: {  	v1 =	vperm.xlane v0, v2;
	_ =	sdelay $0x1  }
0x6f: {  	v0 =	vperm.xlane v0, v4;
	v1 =	vadd.s32 v3, v1;
	_ =	sdelay $0x1  }
0x70: {  	v0 =	vadd.s32 v3, v0;
	_ =	sdelay $0x1  }
0x71: {  	s25 =	simm.s32 $0x7100  }
0x72: {  	[tilespmem:s25], [sflag:$0x1] =	stream.indirect_vreg.gather [hbm4b:s5+s24], $0x80, v1, vm0, $0xb8;
	[tilespmem:$0x10180] =	vst v63  }
0x73: {  	_ = 	snop  }
0x74: {  	[tilespmem:s28], [sflag:$0x1] =	stream.indirect_vreg.gather [hbm4b:s5+s24], $0x80, v0, vm0, $0xb8;
	[tilespmem:$0x10180] =	vst v63  }
0x75: {  	_ =	swait.ge [sflag:s29], $0x8000  }
0x76: {  	[sflag:s29] =	ssyncset.done $0x0  }
0x77: {  	[sflag:s29] =	ssyncadd.s32 $0xFFFF8000  }
0x78: {  	v55 =	vld [tilespmem:$0x80];
	_ =	sdelay $0x4  }
0x79: {  	v56 =	vshll.u32 v55, $0x1  }
0x7a: {  	v0 =	vand.u32 $0x7, v55;
	v1 =	vand.u32 $0xFFFFFFF0, v56  }
0x7b: {  	v0 =	vor.u32 v0, v1  }
0x7c: {  	v1 =	vperm.xlane v0, v2;
	_ =	sdelay $0x1  }
0x7d: {  	v0 =	vperm.xlane v0, v4;
	v1 =	vadd.s32 v3, v1;
	_ =	sdelay $0x1  }
0x7e: {  	v0 =	vadd.s32 v3, v0;
	_ =	sdelay $0x2  }
0x7f: {  	[tilespmem:s30], [sflag:$0x1] =	stream.indirect_vreg.gather [hbm4b:s6+s24], $0x80, v1, vm0, $0xb8;
	[tilespmem:$0x10180] =	vst v63  }
0x80: {  	_ = 	snop  }
0x81: {  	[tilespmem:s31], [sflag:$0x1] =	stream.indirect_vreg.gather [hbm4b:s6+s24], $0x80, v0, vm0, $0xb8;
	[tilespmem:$0x10180] =	vst v63  }
0x82: {  	v0 =	vld [tilespmem:$0x90];
	_ =	sdelay $0x4  }
0x83: {  	v57 =	vshll.u32 v0, $0x1  }
0x84: {  	v0 =	vand.u32 $0x7, v0;
	v1 =	vand.u32 $0xFFFFFFF0, v57  }
0x85: {  	v0 =	vor.u32 v0, v1  }
0x86: {  	v1 =	vperm.xlane v0, v2;
	_ =	sdelay $0x1  }
0x87: {  	v0 =	vperm.xlane v0, v4;
	v1 =	vadd.s32 v3, v1;
	_ =	sdelay $0x1  }
0x88: {  	v0 =	vadd.s32 v3, v0;
	_ =	sdelay $0x2  }
0x89: {  	[tilespmem:s0], [sflag:$0x1] =	stream.indirect_vreg.gather [hbm4b:s6+s24], $0x80, v1, vm0, $0xb8;
	[tilespmem:$0x10180] =	vst v63  }
0x8a: {  	_ = 	snop  }
0x8b: {  	[tilespmem:s4], [sflag:$0x1] =	stream.indirect_vreg.gather [hbm4b:s6+s24], $0x80, v0, vm0, $0xb8;
	[tilespmem:$0x10180] =	vst v63  }
0x8c: {  	v0 =	vld [tilespmem:$0xA0];
	_ =	sdelay $0x4  }
0x8d: {  	v58 =	vshll.u32 v0, $0x1  }
0x8e: {  	v0 =	vand.u32 $0x7, v0;
	v1 =	vand.u32 $0xFFFFFFF0, v58  }
0x8f: {  	v0 =	vor.u32 v0, v1  }
0x90: {  	v1 =	vperm.xlane v0, v2;
	_ =	sdelay $0x1  }
0x91: {  	v0 =	vperm.xlane v0, v4;
	v1 =	vadd.s32 v3, v1;
	_ =	sdelay $0x1  }
0x92: {  	v0 =	vadd.s32 v3, v0;
	_ =	sdelay $0x2  }
0x93: {  	[tilespmem:s9], [sflag:$0x1] =	stream.indirect_vreg.gather [hbm4b:s6+s24], $0x80, v1, vm0, $0xb8;
	[tilespmem:$0x10180] =	vst v63  }
0x94: {  	_ = 	snop  }
0x95: {  	[tilespmem:s1], [sflag:$0x1] =	stream.indirect_vreg.gather [hbm4b:s6+s24], $0x80, v0, vm0, $0xb8;
	[tilespmem:$0x10180] =	vst v63  }
0x96: {  	v0 =	vld [tilespmem:$0xB0];
	_ =	sdelay $0x4  }
0x97: {  	v59 =	vshll.u32 v0, $0x1  }
0x98: {  	v0 =	vand.u32 $0x7, v0;
	v1 =	vand.u32 $0xFFFFFFF0, v59  }
0x99: {  	v0 =	vor.u32 v0, v1  }
0x9a: {  	v1 =	vperm.xlane v0, v2;
	_ =	sdelay $0x1  }
0x9b: {  	v0 =	vperm.xlane v0, v4;
	v1 =	vadd.s32 v3, v1;
	_ =	sdelay $0x1  }
0x9c: {  	v0 =	vadd.s32 v3, v0;
	_ =	sdelay $0x2  }
0x9d: {  	[tilespmem:s11], [sflag:$0x1] =	stream.indirect_vreg.gather [hbm4b:s6+s24], $0x80, v1, vm0, $0xb8;
	[tilespmem:$0x10180] =	vst v63  }
0x9e: {  	_ = 	snop  }
0x9f: {  	[tilespmem:s12], [sflag:$0x1] =	stream.indirect_vreg.gather [hbm4b:s6+s24], $0x80, v0, vm0, $0xb8;
	[tilespmem:$0x10180] =	vst v63  }
0xa0: {  	v0 =	vld [tilespmem:$0xC0];
	_ =	sdelay $0x4  }
0xa1: {  	v60 =	vshll.u32 v0, $0x1  }
0xa2: {  	v0 =	vand.u32 $0x7, v0;
	v1 =	vand.u32 $0xFFFFFFF0, v60  }
0xa3: {  	v0 =	vor.u32 v0, v1  }
0xa4: {  	v1 =	vperm.xlane v0, v2;
	_ =	sdelay $0x1  }
0xa5: {  	v0 =	vperm.xlane v0, v4;
	v1 =	vadd.s32 v3, v1;
	_ =	sdelay $0x1  }
0xa6: {  	v0 =	vadd.s32 v3, v0;
	_ =	sdelay $0x2  }
0xa7: {  	[tilespmem:s13], [sflag:$0x1] =	stream.indirect_vreg.gather [hbm4b:s6+s24], $0x80, v1, vm0, $0xb8;
	[tilespmem:$0x10180] =	vst v63  }
0xa8: {  	_ = 	snop  }
0xa9: {  	[tilespmem:s14], [sflag:$0x1] =	stream.indirect_vreg.gather [hbm4b:s6+s24], $0x80, v0, vm0, $0xb8;
	[tilespmem:$0x10180] =	vst v63  }
0xaa: {  	v0 =	vld [tilespmem:$0xD0];
	_ =	sdelay $0x4  }
0xab: {  	v61 =	vshll.u32 v0, $0x1  }
0xac: {  	v0 =	vand.u32 $0x7, v0;
	v1 =	vand.u32 $0xFFFFFFF0, v61  }
0xad: {  	v0 =	vor.u32 v0, v1  }
0xae: {  	v1 =	vperm.xlane v0, v2;
	_ =	sdelay $0x1  }
0xaf: {  	v0 =	vperm.xlane v0, v4;
	v1 =	vadd.s32 v3, v1;
	_ =	sdelay $0x1  }
0xb0: {  	v0 =	vadd.s32 v3, v0;
	_ =	sdelay $0x2  }
0xb1: {  	[tilespmem:s15], [sflag:$0x1] =	stream.indirect_vreg.gather [hbm4b:s6+s24], $0x80, v1, vm0, $0xb8;
	[tilespmem:$0x10180] =	vst v63  }
0xb2: {  	_ = 	snop  }
0xb3: {  	[tilespmem:s16], [sflag:$0x1] =	stream.indirect_vreg.gather [hbm4b:s6+s24], $0x80, v0, vm0, $0xb8;
	[tilespmem:$0x10180] =	vst v63  }
0xb4: {  	v0 =	vld [tilespmem:$0xE0];
	_ =	sdelay $0x4  }
0xb5: {  	v62 =	vshll.u32 v0, $0x1  }
0xb6: {  	v0 =	vand.u32 $0x7, v0;
	v1 =	vand.u32 $0xFFFFFFF0, v62  }
0xb7: {  	v0 =	vor.u32 v0, v1  }
0xb8: {  	v1 =	vperm.xlane v0, v2;
	_ =	sdelay $0x1  }
0xb9: {  	v0 =	vperm.xlane v0, v4;
	v1 =	vadd.s32 v3, v1;
	_ =	sdelay $0x1  }
0xba: {  	v0 =	vadd.s32 v3, v0;
	_ =	sdelay $0x2  }
0xbb: {  	[tilespmem:s17], [sflag:$0x1] =	stream.indirect_vreg.gather [hbm4b:s6+s24], $0x80, v1, vm0, $0xb8;
	[tilespmem:$0x10180] =	vst v63  }
0xbc: {  	_ = 	snop  }
0xbd: {  	[tilespmem:s18], [sflag:$0x1] =	stream.indirect_vreg.gather [hbm4b:s6+s24], $0x80, v0, vm0, $0xb8;
	[tilespmem:$0x10180] =	vst v63  }
0xbe: {  	v0 =	vld [tilespmem:$0xF0];
	_ =	sdelay $0x4  }
0xbf: {  	v63 =	vshll.u32 v0, $0x1  }
0xc0: {  	v0 =	vand.u32 $0x7, v0;
	v1 =	vand.u32 $0xFFFFFFF0, v63  }
0xc1: {  	v0 =	vor.u32 v0, v1  }
0xc2: {  	v1 =	vperm.xlane v0, v2;
	_ =	sdelay $0x1  }
0xc3: {  	v0 =	vperm.xlane v0, v4;
	v1 =	vadd.s32 v3, v1;
	_ =	sdelay $0x1  }
0xc4: {  	v0 =	vadd.s32 v3, v0;
	_ =	sdelay $0x2  }
0xc5: {  	[tilespmem:s19], [sflag:$0x1] =	stream.indirect_vreg.gather [hbm4b:s6+s24], $0x80, v1, vm0, $0xb8;
	[tilespmem:$0x10180] =	vst v63  }
0xc6: {  	_ = 	snop  }
0xc7: {  	[tilespmem:s20], [sflag:$0x1] =	stream.indirect_vreg.gather [hbm4b:s6+s24], $0x80, v0, vm0, $0xb8;
	[tilespmem:$0x10180] =	vst v63  }
0xc8: {  	_ =	swait.ge [sflag:s29], $0x8000  }
0xc9: {  	[sflag:s29] =	ssyncset.done $0x0  }
0xca: {  	[sflag:s29] =	ssyncadd.s32 $0xFFFF8000  }
.LBB2_3:
0xcb: {  	s25 =	sshll.u32 s24, $0xC  }
0xcc: {  	v0 =	vld [tilespmem:s25+$0x100]  }
0xcd: {  	v1 =	vld [tilespmem:s25+$0x8100]  }
0xce: {  	v2 =	vld [tilespmem:s25+$0x110]  }
0xcf: {  	v3 =	vld [tilespmem:s25+$0x8110]  }
0xd0: {  	v4 =	vld [tilespmem:s25+$0x120]  }
0xd1: {  	v5 =	vld [tilespmem:s25+$0x8120]  }
0xd2: {  	v6 =	vld [tilespmem:s25+$0x130]  }
0xd3: {  	v7 =	vld [tilespmem:s25+$0x8130]  }
0xd4: {  	v12 =	vld [tilespmem:s25+$0x140]  }
0xd5: {  	v13 =	vld [tilespmem:s25+$0x8140]  }
0xd6: {  	v15 =	vld [tilespmem:s25+$0x150]  }
0xd7: {  	v16 =	vld [tilespmem:s25+$0x8150]  }
0xd8: {  	v18 =	vld [tilespmem:s25+$0x160]  }
0xd9: {  	v19 =	vld [tilespmem:s25+$0x8160]  }
0xda: {  	v21 =	vld [tilespmem:s25+$0x170]  }
0xdb: {  	v22 =	vld [tilespmem:s25+$0x8170]  }
0xdc: {  	v24 =	vld [tilespmem:s25+$0x500]  }
0xdd: {  	v25 =	vld [tilespmem:s25+$0x8500]  }
0xde: {  	v27 =	vld [tilespmem:s25+$0x510]  }
0xdf: {  	v28 =	vld [tilespmem:s25+$0x8510]  }
0xe0: {  	v30 =	vld [tilespmem:s25+$0x520]  }
0xe1: {  	v31 =	vld [tilespmem:s25+$0x8520]  }
0xe2: {  	v33 =	vld [tilespmem:s25+$0x530]  }
0xe3: {  	v34 =	vld [tilespmem:s25+$0x8530]  }
0xe4: {  	v36 =	vld [tilespmem:s25+$0x540]  }
0xe5: {  	v37 =	vld [tilespmem:s25+$0x8540]  }
0xe6: {  	v39 =	vld [tilespmem:s25+$0x550]  }
0xe7: {  	v40 =	vld [tilespmem:s25+$0x8550]  }
0xe8: {  	v42 =	vld [tilespmem:s25+$0x560]  }
0xe9: {  	v43 =	vld [tilespmem:s25+$0x8560]  }
0xea: {  	v45 =	vld [tilespmem:s25+$0x570]  }
0xeb: {  	v46 =	vld [tilespmem:s25+$0x8570]  }
0xec: {  	v59 =	vld [tilespmem:s25+$0x1E0]  }
0xed: {  	v57 =	vld [tilespmem:s25+$0x1F0]  }
0xee: {  	v54 =	vld [tilespmem:s25+$0x81F0]  }
0xef: {  	v50 =	vld [tilespmem:s25+$0x580]  }
0xf0: {  	v51 =	vld [tilespmem:s25+$0x8580]  }
0xf1: {  	v52 =	vld [tilespmem:s25+$0x590]  }
0xf2: {  	v53 =	vld [tilespmem:s25+$0x8590]  }
0xf3: {  	v55 =	vld [tilespmem:s25+$0x5A0]  }
0xf4: {  	v56 =	vld [tilespmem:s25+$0x85A0]  }
0xf5: {  	v58 =	vld [tilespmem:s25+$0x5B0]  }
0xf6: {  	v60 =	vld [tilespmem:s25+$0x85B0]  }
0xf7: {  	v61 =	vld [tilespmem:s25+$0x5C0]  }
0xf8: {  	v62 =	vld [tilespmem:s25+$0x85C0]  }
0xf9: {  	v63 =	vld [tilespmem:s25+$0x5D0]  }
0xfa: {  	v8 =	vld [tilespmem:s25+$0x85F0]  }
0xfb: {  	v10 =	vld [tilespmem:s25+$0x8220]  }
0xfc: {  	v9 =	vld [tilespmem:s25+$0x270]  }
0xfd: {  	v38 =	vmul.f32 v31, v30;
	v30 =	vld [tilespmem:s25+$0x180]  }
0xfe: {  	v32 =	vmul.f32 v25, v24;
	v25 =	vld [tilespmem:s25+$0x8180]  }
0xff: {  	v29 =	vmul.f32 v22, v21;
	v21 =	vld [tilespmem:s25+$0x190]  }
0x100: {  	v26 =	vmul.f32 v19, v18;
	v19 =	vld [tilespmem:s25+$0x8190]  }
0x101: {  	v31 =	vld [tilespmem:s25+$0x1A0]  }
0x102: {  	v44 =	vmul.f32 v37, v36;
	v36 =	vld [tilespmem:s25+$0x1B0]  }
0x103: {  	v41 =	vmul.f32 v34, v33;
	v34 =	vld [tilespmem:s25+$0x81B0]  }
0x104: {  	v48 =	vmul.f32 v43, v42;
	v42 =	vld [tilespmem:s25+$0x1C0]  }
0x105: {  	v49 =	vmul.f32 v46, v45;
	v46 =	vld [tilespmem:s25+$0x81E0]  }
0x106: {  	v14 =	vmul.f32 v5, v4;
	v4 =	vld [tilespmem:s25+$0x85D0]  }
0x107: {  	v5 =	vld [tilespmem:s25+$0x5E0]  }
0x108: {  	v17 =	vmul.f32 v7, v6;
	v6 =	vld [tilespmem:s25+$0x85E0]  }
0x109: {  	v7 =	vld [tilespmem:s25+$0x5F0]  }
0x10a: {  	[tilespmem:$0x1EDA0] =	vst v8;
	v8 =	vld [tilespmem:s25+$0x200]  }
0x10b: {  	v23 =	vmul.f32 v16, v15;
	v15 =	vld [tilespmem:s25+$0x8230]  }
0x10c: {  	v22 =	vld [tilespmem:s25+$0x8240]  }
0x10d: {  	v47 =	vmul.f32 v40, v39;
	v39 =	vld [tilespmem:s25+$0x8250]  }
0x10e: {  	[tilespmem:$0x1EBE0] =	vst v52;
	v52 =	vld [tilespmem:s25+$0x260]  }
0x10f: {  	[tilespmem:$0x1EBD0] =	vst v51;
	v51 =	vld [tilespmem:s25+$0x8260]  }
0x110: {  	[tilespmem:$0x1EC60] =	vst v62;
	v62 =	vld [tilespmem:s25+$0x8270]  }
0x111: {  	v20 =	vmul.f32 v13, v12;
	v12 =	vld [tilespmem:s25+$0x600]  }
0x112: {  	v13 =	vld [tilespmem:s25+$0x8600]  }
0x113: {  	v16 =	vld [tilespmem:s25+$0x8610]  }
0x114: {  	v18 =	vld [tilespmem:s25+$0x620]  }
0x115: {  	v24 =	vld [tilespmem:s25+$0x8630]  }
0x116: {  	v35 =	vmul.f32 v28, v27;
	v27 =	vld [tilespmem:s25+$0x640]  }
0x117: {  	v28 =	vld [tilespmem:s25+$0x8640]  }
0x118: {  	v33 =	vld [tilespmem:s25+$0x8650]  }
0x119: {  	v37 =	vld [tilespmem:s25+$0x8660]  }
0x11a: {  	v40 =	vld [tilespmem:s25+$0x670]  }
0x11b: {  	v43 =	vld [tilespmem:s25+$0x8670]  }
0x11c: {  	v11 =	vmul.f32 v3, v2;
	v3 =	vld [tilespmem:s25+$0x280]  }
0x11d: {  	v2 =	vld [tilespmem:s25+$0x8280]  }
0x11e: {  	v0 =	vmul.f32 v1, v0;
	v1 =	vld [tilespmem:s25+$0x290]  }
0x11f: {  	[tilespmem:$0x1EC40] =	vst v9;
	v9 =	vld [tilespmem:s25+$0x2A0]  }
0x120: {  	[tilespmem:$0x1EC00] =	vst v55;
	v55 =	vld [tilespmem:s25+$0x2E0]  }
0x121: {  	[tilespmem:$0x1EBF0] =	vst v53;
	v53 =	vld [tilespmem:s25+$0x82E0]  }
0x122: {  	v45 =	vld [tilespmem:s25+$0x82F0]  }
0x123: {  	[tilespmem:$0x1EBC0] =	vst v50;
	v50 =	vld [tilespmem:s25+$0x690]  }
0x124: {  	[tilespmem:$0x1EC10] =	vst v56;
	v56 =	vld [tilespmem:s25+$0x8690]  }
0x125: {  	[tilespmem:$0x1EC20] =	vst v58;
	v58 =	vld [tilespmem:s25+$0x6A0]  }
0x126: {  	[tilespmem:$0x1EC30] =	vst v60;
	v60 =	vld [tilespmem:s25+$0x86A0]  }
0x127: {  	[tilespmem:$0x1EC50] =	vst v61;
	v61 =	vld [tilespmem:s25+$0x6B0]  }
0x128: {  	[tilespmem:$0x1EC90] =	vst v63;
	v63 =	vld [tilespmem:s25+$0x86B0];
	v0 =	vadd.f32 v11, v0  }
0x129: {  	v11 =	vld [tilespmem:s25+$0x220]  }
0x12a: {  	v0 =	vadd.f32 v14, v0;
	v14 =	vld [tilespmem:s25+$0x610]  }
0x12b: {  	[tilespmem:$0x1ED00] =	vst v6;
	v6 =	vld [tilespmem:s25+$0x8200]  }
0x12c: {  	[tilespmem:$0x1ED90] =	vst v7;
	v7 =	vld [tilespmem:s25+$0x210]  }
0x12d: {  	[tilespmem:$0x1ECA0] =	vst v4;
	v4 =	vld [tilespmem:s25+$0x8210];
	v0 =	vadd.f32 v17, v0  }
0x12e: {  	[tilespmem:$0x1ECF0] =	vst v5;
	v5 =	vld [tilespmem:s25+$0x82A0]  }
0x12f: {  	[tilespmem:$0x1EC80] =	vst v13;
	v13 =	vld [tilespmem:s25+$0x2B0];
	v0 =	vadd.f32 v20, v0  }
0x130: {  	[tilespmem:$0x1EC70] =	vst v12;
	v12 =	vld [tilespmem:s25+$0x82B0]  }
0x131: {  	[tilespmem:$0x1ED50] =	vst v27;
	v27 =	vld [tilespmem:s25+$0x2C0];
	v0 =	vadd.f32 v23, v0  }
0x132: {  	[tilespmem:$0x1EF40] =	vst v43;
	v43 =	vld [tilespmem:s25+$0x2D0]  }
0x133: {  	[tilespmem:$0x1EF30] =	vst v40;
	v40 =	vld [tilespmem:s25+$0x82D0];
	v0 =	vadd.f32 v26, v0  }
0x134: {  	[tilespmem:$0x1ECC0] =	vst v16;
	v16 =	vld [tilespmem:s25+$0x6C0]  }
0x135: {  	[tilespmem:$0x1ECD0] =	vst v18;
	v18 =	vld [tilespmem:s25+$0x86C0];
	v0 =	vadd.f32 v29, v0  }
0x136: {  	[tilespmem:$0x1ED20] =	vst v24;
	v24 =	vld [tilespmem:s25+$0x86D0]  }
0x137: {  	[tilespmem:$0x1ED60] =	vst v28;
	v28 =	vld [tilespmem:s25+$0x6E0];
	v0 =	vadd.f32 v32, v0  }
0x138: {  	[tilespmem:$0x1EDE0] =	vst v33;
	v33 =	vld [tilespmem:s25+$0x6F0]  }
0x139: {  	[tilespmem:$0x1ED40] =	vst v45;
	v45 =	vld [tilespmem:s25+$0x8320];
	v0 =	vadd.f32 v35, v0  }
0x13a: {  	[tilespmem:$0x1EDF0] =	vst v58;
	v58 =	vld [tilespmem:s25+$0x330]  }
0x13b: {  	v17 =	vld [tilespmem:s25+$0x230];
	v0 =	vadd.f32 v38, v0  }
0x13c: {  	[tilespmem:$0x1EE80] =	vst v37;
	v20 =	vld [tilespmem:s25+$0x8620]  }
0x13d: {  	[tilespmem:$0x1ECB0] =	vst v14;
	v14 =	vld [tilespmem:s25+$0x2F0];
	v0 =	vadd.f32 v41, v0  }
0x13e: {  	[tilespmem:$0x1EDB0] =	vst v50;
	v23 =	vld [tilespmem:s25+$0x630]  }
0x13f: {  	[tilespmem:$0x1F090] =	vst v33;
	v33 =	vld [tilespmem:s25+$0x300];
	v0 =	vadd.f32 v44, v0  }
0x140: {  	[tilespmem:$0x1EF90] =	vst v28;
	v28 =	vld [tilespmem:s25+$0x8300]  }
0x141: {  	[tilespmem:$0x1EF00] =	vst v24;
	v24 =	vld [tilespmem:s25+$0x8310];
	v0 =	vadd.f32 v47, v0  }
0x142: {  	[tilespmem:$0x1EDC0] =	vst v56;
	v26 =	vld [tilespmem:s25+$0x81A0]  }
0x143: {  	[tilespmem:$0x1EE00] =	vst v60;
	v29 =	vld [tilespmem:s25+$0x650];
	v0 =	vadd.f32 v48, v0  }
0x144: {  	[tilespmem:$0x1ECE0] =	vst v20;
	v20 =	vld [tilespmem:s25+$0x6D0]  }
0x145: {  	[tilespmem:$0x1EE30] =	vst v61;
	v35 =	vld [tilespmem:s25+$0x660];
	v0 =	vadd.f32 v49, v0  }
0x146: {  	[tilespmem:$0x1ED10] =	vst v23;
	v23 =	vld [tilespmem:s25+$0x82C0]  }
0x147: {  	[tilespmem:$0x1EE40] =	vst v63;
	v32 =	vld [tilespmem:s25+$0x240];
	(xrf2) =	vadd.scan.msk.f32 $0xffff, v0  }
0x148: {  	[tilespmem:$0x1EDD0] =	vst v29;
	v29 =	vld [tilespmem:s25+$0x86E0]  }
0x149: {  	[tilespmem:$0x1EEB0] =	vst v16;
	v38 =	vld [tilespmem:s25+$0x81C0]  }
0x14a: {  	[tilespmem:$0x1EE70] =	vst v35;
	v35 =	vld [tilespmem:s25+$0x86F0]  }
0x14b: {  	[tilespmem:$0x1EEC0] =	vst v18;
	v47 =	vld [tilespmem:s25+$0x680]  }
0x14c: {  	[tilespmem:$0x1ED30] =	vst v14;
	v49 =	vld [tilespmem:s25+$0x8680]  }
0x14d: {  	[tilespmem:$0x1EEF0] =	vst v20;
	v41 =	vld [tilespmem:s25+$0x250]  }
0x14e: {  	v44 =	vld [tilespmem:s25+$0x81D0];
	[tilespmem:$0x1EFA0] =	vst v29  }
0x14f: {  	v29 =	vld [tilespmem:s25+$0x310];
	[tilespmem:$0x1F0A0] =	vst v35  }
0x150: {  	v48 =	vld [tilespmem:s25+$0x1D0];
	[tilespmem:$0x1ED70] =	vst v47  }
0x151: {  	v47 =	vld [tilespmem:s25+$0x320];
	[tilespmem:$0x1ED80] =	vst v49;
	v0, _, _ =	vpop (xrf2)  }
0x152: {  	[tilespmem:$0x1FFC0] =	vst v0;
	v0 =	vld [tilespmem:s25+$0x8290]  }
0x153: {  	v56 =	vld [tilespmem:s25+$0x8330]  }
0x154: {  	v61 =	vld [tilespmem:s25+$0x360];
	_ =	sdelay $0x4  }
0x155: {  	[tilespmem:$0x1EE90] =	vst v61;
	v61 =	vld [tilespmem:s25+$0x730];
	_ =	sdelay $0x4  }
0x156: {  	[tilespmem:$0x1F050] =	vst v61;
	v61 =	vld [tilespmem:s25+$0x3D0];
	_ =	sdelay $0x4  }
0x157: {  	[tilespmem:$0x1EF50] =	vst v61;
	v61 =	vld [tilespmem:s25+$0x83D0];
	_ =	sdelay $0x4  }
0x158: {  	[tilespmem:$0x1EF60] =	vst v61;
	v61 =	vld [tilespmem:s25+$0x3E0];
	_ =	sdelay $0x4  }
0x159: {  	[tilespmem:$0x1EFB0] =	vst v61;
	v61 =	vld [tilespmem:s25+$0x83E0];
	_ =	sdelay $0x4  }
0x15a: {  	[tilespmem:$0x1EFC0] =	vst v61;
	v61 =	vld [tilespmem:s25+$0x3F0];
	_ =	sdelay $0x4  }
0x15b: {  	[tilespmem:$0x1EFF0] =	vst v61;
	v61 =	vld [tilespmem:s25+$0x83F0];
	_ =	sdelay $0x4  }
0x15c: {  	[tilespmem:$0x1F000] =	vst v61;
	v61 =	vld [tilespmem:s25+$0x780];
	_ =	sdelay $0x4  }
0x15d: {  	[tilespmem:$0x1F070] =	vst v61;
	v61 =	vld [tilespmem:s25+$0x8780];
	_ =	sdelay $0x4  }
0x15e: {  	[tilespmem:$0x1F080] =	vst v61;
	v61 =	vld [tilespmem:s25+$0x790];
	_ =	sdelay $0x4  }
0x15f: {  	[tilespmem:$0x1F0D0] =	vst v61;
	v61 =	vld [tilespmem:s25+$0x8790];
	_ =	sdelay $0x4  }
0x160: {  	[tilespmem:$0x1F0E0] =	vst v61;
	v61 =	vld [tilespmem:s25+$0x7A0];
	_ =	sdelay $0x4  }
0x161: {  	[tilespmem:$0x1F130] =	vst v61;
	v61 =	vld [tilespmem:s25+$0x87A0];
	_ =	sdelay $0x4  }
0x162: {  	[tilespmem:$0x1F140] =	vst v61;
	v61 =	vld [tilespmem:s25+$0x7B0];
	_ =	sdelay $0x4  }
0x163: {  	[tilespmem:$0x1F1B0] =	vst v61;
	v61 =	vld [tilespmem:s25+$0x87B0];
	_ =	sdelay $0x4  }
0x164: {  	[tilespmem:$0x1F1C0] =	vst v61;
	v61 =	vld [tilespmem:s25+$0x7C0];
	_ =	sdelay $0x4  }
0x165: {  	[tilespmem:$0x1F250] =	vst v61;
	v61 =	vld [tilespmem:s25+$0x87C0];
	_ =	sdelay $0x4  }
0x166: {  	[tilespmem:$0x1F260] =	vst v61;
	v61 =	vld [tilespmem:s25+$0x7D0];
	_ =	sdelay $0x4  }
0x167: {  	[tilespmem:$0x1F2D0] =	vst v61;
	v61 =	vld [tilespmem:s25+$0x87D0];
	_ =	sdelay $0x4  }
0x168: {  	[tilespmem:$0x1F2E0] =	vst v61;
	v61 =	vld [tilespmem:s25+$0x7E0];
	_ =	sdelay $0x4  }
0x169: {  	[tilespmem:$0x1F370] =	vst v61;
	v61 =	vld [tilespmem:s25+$0x87E0];
	_ =	sdelay $0x4  }
0x16a: {  	[tilespmem:$0x1F380] =	vst v61;
	v61 =	vld [tilespmem:s25+$0x7F0];
	_ =	sdelay $0x4  }
0x16b: {  	[tilespmem:$0x1F470] =	vst v61;
	v61 =	vld [tilespmem:s25+$0x87F0];
	_ =	sdelay $0x4  }
0x16c: {  	[tilespmem:$0x1F480] =	vst v61;
	v61 =	vld [tilespmem:s25+$0x400];
	_ =	sdelay $0x4  }
0x16d: {  	[tilespmem:$0x1F010] =	vst v61;
	v61 =	vld [tilespmem:s25+$0x8400];
	_ =	sdelay $0x4  }
0x16e: {  	[tilespmem:$0x1F020] =	vst v61;
	v61 =	vld [tilespmem:s25+$0x410];
	_ =	sdelay $0x4  }
0x16f: {  	[tilespmem:$0x1F030] =	vst v61;
	v61 =	vld [tilespmem:s25+$0x8410];
	_ =	sdelay $0x4  }
0x170: {  	[tilespmem:$0x1F040] =	vst v61;
	v61 =	vld [tilespmem:s25+$0x420];
	_ =	sdelay $0x4  }
0x171: {  	[tilespmem:$0x1F0B0] =	vst v61;
	v61 =	vld [tilespmem:s25+$0x8420];
	_ =	sdelay $0x4  }
0x172: {  	[tilespmem:$0x1F0C0] =	vst v61;
	v61 =	vld [tilespmem:s25+$0x430];
	_ =	sdelay $0x4  }
0x173: {  	[tilespmem:$0x1F110] =	vst v61;
	v61 =	vld [tilespmem:s25+$0x8430];
	_ =	sdelay $0x4  }
0x174: {  	[tilespmem:$0x1F120] =	vst v61;
	v61 =	vld [tilespmem:s25+$0x440];
	_ =	sdelay $0x4  }
0x175: {  	[tilespmem:$0x1F150] =	vst v61;
	v61 =	vld [tilespmem:s25+$0x8440];
	_ =	sdelay $0x4  }
0x176: {  	[tilespmem:$0x1F160] =	vst v61;
	v61 =	vld [tilespmem:s25+$0x450];
	_ =	sdelay $0x4  }
0x177: {  	[tilespmem:$0x1F1D0] =	vst v61;
	v61 =	vld [tilespmem:s25+$0x8450];
	_ =	sdelay $0x4  }
0x178: {  	[tilespmem:$0x1F1E0] =	vst v61;
	v61 =	vld [tilespmem:s25+$0x460];
	_ =	sdelay $0x4  }
0x179: {  	[tilespmem:$0x1F230] =	vst v61;
	v61 =	vld [tilespmem:s25+$0x8460];
	_ =	sdelay $0x4  }
0x17a: {  	[tilespmem:$0x1F240] =	vst v61;
	v61 =	vld [tilespmem:s25+$0x470];
	_ =	sdelay $0x4  }
0x17b: {  	[tilespmem:$0x1F290] =	vst v61;
	v61 =	vld [tilespmem:s25+$0x8470];
	_ =	sdelay $0x4  }
0x17c: {  	[tilespmem:$0x1F2A0] =	vst v61;
	v61 =	vld [tilespmem:s25+$0x800];
	_ =	sdelay $0x4  }
0x17d: {  	[tilespmem:$0x1F2F0] =	vst v61;
	v61 =	vld [tilespmem:s25+$0x8800];
	_ =	sdelay $0x4  }
0x17e: {  	[tilespmem:$0x1F300] =	vst v61;
	v61 =	vld [tilespmem:s25+$0x810];
	_ =	sdelay $0x4  }
0x17f: {  	[tilespmem:$0x1F350] =	vst v61;
	v61 =	vld [tilespmem:s25+$0x8810];
	_ =	sdelay $0x4  }
0x180: {  	[tilespmem:$0x1F360] =	vst v61;
	v61 =	vld [tilespmem:s25+$0x820];
	_ =	sdelay $0x4  }
0x181: {  	[tilespmem:$0x1F3B0] =	vst v61;
	v61 =	vld [tilespmem:s25+$0x8820];
	_ =	sdelay $0x4  }
0x182: {  	[tilespmem:$0x1F3C0] =	vst v61;
	v61 =	vld [tilespmem:s25+$0x830];
	_ =	sdelay $0x4  }
0x183: {  	[tilespmem:$0x1F430] =	vst v61;
	v61 =	vld [tilespmem:s25+$0x8830];
	_ =	sdelay $0x4  }
0x184: {  	[tilespmem:$0x1F440] =	vst v61;
	v61 =	vld [tilespmem:s25+$0x840];
	_ =	sdelay $0x4  }
0x185: {  	[tilespmem:$0x1F4D0] =	vst v61;
	v61 =	vld [tilespmem:s25+$0x8840];
	_ =	sdelay $0x4  }
0x186: {  	[tilespmem:$0x1F4E0] =	vst v61;
	v61 =	vld [tilespmem:s25+$0x850];
	_ =	sdelay $0x4  }
0x187: {  	[tilespmem:$0x1F550] =	vst v61;
	v61 =	vld [tilespmem:s25+$0x8850];
	_ =	sdelay $0x4  }
0x188: {  	[tilespmem:$0x1F560] =	vst v61;
	v61 =	vld [tilespmem:s25+$0x860];
	_ =	sdelay $0x4  }
0x189: {  	[tilespmem:$0x1F570] =	vst v61;
	v61 =	vld [tilespmem:s25+$0x8860];
	_ =	sdelay $0x4  }
0x18a: {  	[tilespmem:$0x1F580] =	vst v61;
	v61 =	vld [tilespmem:s25+$0x870];
	_ =	sdelay $0x4  }
0x18b: {  	[tilespmem:$0x1F6F0] =	vst v61;
	v61 =	vld [tilespmem:s25+$0x8870];
	_ =	sdelay $0x4  }
0x18c: {  	[tilespmem:$0x1F700] =	vst v61;
	v61 =	vld [tilespmem:s25+$0x480];
	_ =	sdelay $0x4  }
0x18d: {  	[tilespmem:$0x1F1F0] =	vst v61;
	v61 =	vld [tilespmem:s25+$0x8480];
	_ =	sdelay $0x4  }
0x18e: {  	[tilespmem:$0x1F200] =	vst v61;
	v61 =	vld [tilespmem:s25+$0x490];
	_ =	sdelay $0x4  }
0x18f: {  	[tilespmem:$0x1F210] =	vst v61;
	v61 =	vld [tilespmem:s25+$0x8490];
	_ =	sdelay $0x4  }
0x190: {  	[tilespmem:$0x1F220] =	vst v61;
	v61 =	vld [tilespmem:s25+$0x4A0];
	_ =	sdelay $0x4  }
0x191: {  	[tilespmem:$0x1F270] =	vst v61;
	v61 =	vld [tilespmem:s25+$0x84A0];
	_ =	sdelay $0x4  }
0x192: {  	[tilespmem:$0x1F280] =	vst v61;
	v61 =	vld [tilespmem:s25+$0x4B0];
	_ =	sdelay $0x4  }
0x193: {  	[tilespmem:$0x1F2B0] =	vst v61;
	v61 =	vld [tilespmem:s25+$0x84B0];
	_ =	sdelay $0x4  }
0x194: {  	[tilespmem:$0x1F2C0] =	vst v61;
	v61 =	vld [tilespmem:s25+$0x4C0];
	_ =	sdelay $0x4  }
0x195: {  	[tilespmem:$0x1F330] =	vst v61;
	v61 =	vld [tilespmem:s25+$0x84C0];
	_ =	sdelay $0x4  }
0x196: {  	[tilespmem:$0x1F340] =	vst v61;
	v61 =	vld [tilespmem:s25+$0x4D0];
	_ =	sdelay $0x4  }
0x197: {  	[tilespmem:$0x1F390] =	vst v61;
	v61 =	vld [tilespmem:s25+$0x84D0];
	_ =	sdelay $0x4  }
0x198: {  	[tilespmem:$0x1F3A0] =	vst v61;
	v61 =	vld [tilespmem:s25+$0x4E0];
	_ =	sdelay $0x4  }
0x199: {  	[tilespmem:$0x1F3D0] =	vst v61;
	v61 =	vld [tilespmem:s25+$0x84E0];
	_ =	sdelay $0x4  }
0x19a: {  	[tilespmem:$0x1F3E0] =	vst v61;
	v61 =	vld [tilespmem:s25+$0x4F0];
	_ =	sdelay $0x4  }
0x19b: {  	[tilespmem:$0x1F450] =	vst v61;
	v61 =	vld [tilespmem:s25+$0x84F0];
	_ =	sdelay $0x4  }
0x19c: {  	[tilespmem:$0x1F460] =	vst v61;
	v61 =	vld [tilespmem:s25+$0x880];
	_ =	sdelay $0x4  }
0x19d: {  	[tilespmem:$0x1F4B0] =	vst v61;
	v61 =	vld [tilespmem:s25+$0x8880];
	_ =	sdelay $0x4  }
0x19e: {  	[tilespmem:$0x1F4C0] =	vst v61;
	v61 =	vld [tilespmem:s25+$0x890];
	_ =	sdelay $0x4  }
0x19f: {  	[tilespmem:$0x1F510] =	vst v61;
	v61 =	vld [tilespmem:s25+$0x8890];
	_ =	sdelay $0x4  }
0x1a0: {  	[tilespmem:$0x1F520] =	vst v61;
	v61 =	vld [tilespmem:s25+$0x8A0];
	_ =	sdelay $0x4  }
0x1a1: {  	[tilespmem:$0x1F590] =	vst v61;
	v61 =	vld [tilespmem:s25+$0x88A0];
	_ =	sdelay $0x4  }
0x1a2: {  	[tilespmem:$0x1F5A0] =	vst v61;
	v61 =	vld [tilespmem:s25+$0x8B0];
	_ =	sdelay $0x4  }
0x1a3: {  	[tilespmem:$0x1F630] =	vst v61;
	v61 =	vld [tilespmem:s25+$0x88B0];
	_ =	sdelay $0x4  }
0x1a4: {  	[tilespmem:$0x1F640] =	vst v61;
	v61 =	vld [tilespmem:s25+$0x8C0];
	_ =	sdelay $0x4  }
0x1a5: {  	[tilespmem:$0x1F6B0] =	vst v61;
	v61 =	vld [tilespmem:s25+$0x88C0];
	_ =	sdelay $0x4  }
0x1a6: {  	[tilespmem:$0x1F6C0] =	vst v61;
	v61 =	vld [tilespmem:s25+$0x8D0];
	_ =	sdelay $0x4  }
0x1a7: {  	[tilespmem:$0x1F750] =	vst v61;
	v61 =	vld [tilespmem:s25+$0x88D0];
	_ =	sdelay $0x4  }
0x1a8: {  	[tilespmem:$0x1F760] =	vst v61;
	v61 =	vld [tilespmem:s25+$0x8E0];
	_ =	sdelay $0x4  }
0x1a9: {  	[tilespmem:$0x1F7D0] =	vst v61;
	v61 =	vld [tilespmem:s25+$0x88E0];
	_ =	sdelay $0x4  }
0x1aa: {  	[tilespmem:$0x1F7E0] =	vst v61;
	v61 =	vld [tilespmem:s25+$0x8F0];
	_ =	sdelay $0x4  }
0x1ab: {  	[tilespmem:$0x1F7F0] =	vst v61;
	v61 =	vld [tilespmem:s25+$0x88F0];
	_ =	sdelay $0x4  }
0x1ac: {  	[tilespmem:$0x1F800] =	vst v61;
	v61 =	vld [tilespmem:s25+$0x900];
	_ =	sdelay $0x4  }
0x1ad: {  	[tilespmem:$0x1F3F0] =	vst v61;
	v61 =	vld [tilespmem:s25+$0x8900];
	_ =	sdelay $0x4  }
0x1ae: {  	[tilespmem:$0x1F400] =	vst v61;
	v61 =	vld [tilespmem:s25+$0x910];
	_ =	sdelay $0x4  }
0x1af: {  	[tilespmem:$0x1F410] =	vst v61;
	v61 =	vld [tilespmem:s25+$0x8910];
	_ =	sdelay $0x4  }
0x1b0: {  	[tilespmem:$0x1F420] =	vst v61;
	v61 =	vld [tilespmem:s25+$0x920];
	_ =	sdelay $0x4  }
0x1b1: {  	[tilespmem:$0x1F490] =	vst v61;
	v61 =	vld [tilespmem:s25+$0x8920];
	_ =	sdelay $0x4  }
0x1b2: {  	[tilespmem:$0x1F4A0] =	vst v61;
	v61 =	vld [tilespmem:s25+$0x930];
	_ =	sdelay $0x4  }
0x1b3: {  	[tilespmem:$0x1F4F0] =	vst v61;
	v61 =	vld [tilespmem:s25+$0x8930];
	_ =	sdelay $0x4  }
0x1b4: {  	[tilespmem:$0x1F500] =	vst v61;
	v61 =	vld [tilespmem:s25+$0x940];
	_ =	sdelay $0x4  }
0x1b5: {  	[tilespmem:$0x1F530] =	vst v61;
	v61 =	vld [tilespmem:s25+$0x8940];
	_ =	sdelay $0x4  }
0x1b6: {  	[tilespmem:$0x1F540] =	vst v61;
	v61 =	vld [tilespmem:s25+$0x950];
	_ =	sdelay $0x4  }
0x1b7: {  	[tilespmem:$0x1F5B0] =	vst v61;
	v61 =	vld [tilespmem:s25+$0x8950];
	_ =	sdelay $0x4  }
0x1b8: {  	[tilespmem:$0x1F5C0] =	vst v61;
	v61 =	vld [tilespmem:s25+$0x960];
	_ =	sdelay $0x4  }
0x1b9: {  	[tilespmem:$0x1F610] =	vst v61;
	v61 =	vld [tilespmem:s25+$0x8960];
	_ =	sdelay $0x4  }
0x1ba: {  	[tilespmem:$0x1F620] =	vst v61;
	v61 =	vld [tilespmem:s25+$0x970];
	_ =	sdelay $0x4  }
0x1bb: {  	[tilespmem:$0x1F670] =	vst v61;
	v61 =	vld [tilespmem:s25+$0x8970];
	_ =	sdelay $0x4  }
0x1bc: {  	[tilespmem:$0x1F680] =	vst v61;
	v61 =	vld [tilespmem:s25+$0xD00];
	_ =	sdelay $0x4  }
0x1bd: {  	[tilespmem:$0x1F6D0] =	vst v61;
	v61 =	vld [tilespmem:s25+$0x8D00];
	_ =	sdelay $0x4  }
0x1be: {  	[tilespmem:$0x1F6E0] =	vst v61;
	v61 =	vld [tilespmem:s25+$0xD10];
	_ =	sdelay $0x4  }
0x1bf: {  	[tilespmem:$0x1F730] =	vst v61;
	v61 =	vld [tilespmem:s25+$0x8D10];
	_ =	sdelay $0x4  }
0x1c0: {  	[tilespmem:$0x1F740] =	vst v61;
	v61 =	vld [tilespmem:s25+$0xD20];
	_ =	sdelay $0x4  }
0x1c1: {  	[tilespmem:$0x1F790] =	vst v61;
	v61 =	vld [tilespmem:s25+$0x8D20];
	_ =	sdelay $0x4  }
0x1c2: {  	[tilespmem:$0x1F7A0] =	vst v61;
	v61 =	vld [tilespmem:s25+$0xD30];
	_ =	sdelay $0x4  }
0x1c3: {  	[tilespmem:$0x1F810] =	vst v61;
	v61 =	vld [tilespmem:s25+$0x8D30];
	_ =	sdelay $0x4  }
0x1c4: {  	[tilespmem:$0x1F820] =	vst v61;
	v61 =	vld [tilespmem:s25+$0xD40];
	_ =	sdelay $0x4  }
0x1c5: {  	[tilespmem:$0x1F8B0] =	vst v61;
	v61 =	vld [tilespmem:s25+$0x8D40];
	_ =	sdelay $0x4  }
0x1c6: {  	[tilespmem:$0x1F8C0] =	vst v61;
	v61 =	vld [tilespmem:s25+$0xD50];
	_ =	sdelay $0x4  }
0x1c7: {  	[tilespmem:$0x1F930] =	vst v61;
	v61 =	vld [tilespmem:s25+$0x8D50];
	_ =	sdelay $0x4  }
0x1c8: {  	[tilespmem:$0x1F940] =	vst v61;
	v61 =	vld [tilespmem:s25+$0xD60];
	_ =	sdelay $0x4  }
0x1c9: {  	[tilespmem:$0x1F950] =	vst v61;
	v61 =	vld [tilespmem:s25+$0x8D60];
	_ =	sdelay $0x4  }
0x1ca: {  	[tilespmem:$0x1F960] =	vst v61;
	v61 =	vld [tilespmem:s25+$0xD70];
	_ =	sdelay $0x4  }
0x1cb: {  	[tilespmem:$0x1FAB0] =	vst v61;
	v61 =	vld [tilespmem:s25+$0x8D70];
	_ =	sdelay $0x4  }
0x1cc: {  	[tilespmem:$0x1FAC0] =	vst v61;
	v61 =	vld [tilespmem:s25+$0x980];
	_ =	sdelay $0x4  }
0x1cd: {  	[tilespmem:$0x1F5D0] =	vst v61;
	v61 =	vld [tilespmem:s25+$0x8980];
	_ =	sdelay $0x4  }
0x1ce: {  	[tilespmem:$0x1F5E0] =	vst v61;
	v61 =	vld [tilespmem:s25+$0x990];
	_ =	sdelay $0x4  }
0x1cf: {  	[tilespmem:$0x1F5F0] =	vst v61;
	v61 =	vld [tilespmem:s25+$0x8990];
	_ =	sdelay $0x4  }
0x1d0: {  	[tilespmem:$0x1F600] =	vst v61;
	v61 =	vld [tilespmem:s25+$0x9A0];
	_ =	sdelay $0x4  }
0x1d1: {  	[tilespmem:$0x1F650] =	vst v61;
	v61 =	vld [tilespmem:s25+$0x89A0];
	_ =	sdelay $0x4  }
0x1d2: {  	[tilespmem:$0x1F660] =	vst v61;
	v61 =	vld [tilespmem:s25+$0x9B0];
	_ =	sdelay $0x4  }
0x1d3: {  	[tilespmem:$0x1F690] =	vst v61;
	v61 =	vld [tilespmem:s25+$0x89B0];
	_ =	sdelay $0x4  }
0x1d4: {  	[tilespmem:$0x1F6A0] =	vst v61;
	v61 =	vld [tilespmem:s25+$0x9C0];
	_ =	sdelay $0x4  }
0x1d5: {  	[tilespmem:$0x1F710] =	vst v61;
	v61 =	vld [tilespmem:s25+$0x89C0];
	_ =	sdelay $0x4  }
0x1d6: {  	[tilespmem:$0x1F720] =	vst v61;
	v61 =	vld [tilespmem:s25+$0x9D0];
	_ =	sdelay $0x4  }
0x1d7: {  	[tilespmem:$0x1F770] =	vst v61;
	v61 =	vld [tilespmem:s25+$0x89D0];
	_ =	sdelay $0x4  }
0x1d8: {  	[tilespmem:$0x1F780] =	vst v61;
	v61 =	vld [tilespmem:s25+$0x9E0];
	_ =	sdelay $0x4  }
0x1d9: {  	[tilespmem:$0x1F7B0] =	vst v61;
	v61 =	vld [tilespmem:s25+$0x89E0];
	_ =	sdelay $0x4  }
0x1da: {  	[tilespmem:$0x1F7C0] =	vst v61;
	v61 =	vld [tilespmem:s25+$0x9F0];
	_ =	sdelay $0x4  }
0x1db: {  	[tilespmem:$0x1F830] =	vst v61;
	v61 =	vld [tilespmem:s25+$0x89F0];
	_ =	sdelay $0x4  }
0x1dc: {  	[tilespmem:$0x1F840] =	vst v61;
	v61 =	vld [tilespmem:s25+$0xD80];
	_ =	sdelay $0x4  }
0x1dd: {  	[tilespmem:$0x1F890] =	vst v61;
	v61 =	vld [tilespmem:s25+$0x8D80];
	_ =	sdelay $0x4  }
0x1de: {  	[tilespmem:$0x1F8A0] =	vst v61;
	v61 =	vld [tilespmem:s25+$0xD90];
	_ =	sdelay $0x4  }
0x1df: {  	[tilespmem:$0x1F8F0] =	vst v61;
	v61 =	vld [tilespmem:s25+$0xDA0];
	_ =	sdelay $0x4  }
0x1e0: {  	[tilespmem:$0x1F970] =	vst v61;
	v61 =	vld [tilespmem:s25+$0x8D90];
	_ =	sdelay $0x4  }
0x1e1: {  	[tilespmem:$0x1F900] =	vst v61;
	v61 =	vld [tilespmem:s25+$0x8DA0];
	_ =	sdelay $0x4  }
0x1e2: {  	[tilespmem:$0x1F980] =	vst v61;
	v61 =	vld [tilespmem:s25+$0xDB0];
	_ =	sdelay $0x4  }
0x1e3: {  	[tilespmem:$0x1FA10] =	vst v61;
	v61 =	vld [tilespmem:s25+$0x8DB0];
	_ =	sdelay $0x4  }
0x1e4: {  	[tilespmem:$0x1FA20] =	vst v61;
	v61 =	vld [tilespmem:s25+$0xDC0];
	_ =	sdelay $0x4  }
0x1e5: {  	[tilespmem:$0x1FA70] =	vst v61;
	v61 =	vld [tilespmem:s25+$0x8DC0];
	_ =	sdelay $0x4  }
0x1e6: {  	[tilespmem:$0x1FA80] =	vst v61;
	v61 =	vld [tilespmem:s25+$0xAB0];
	_ =	sdelay $0x4  }
0x1e7: {  	[tilespmem:$0x1FA50] =	vst v61;
	v61 =	vld [tilespmem:s25+$0xDD0];
	_ =	sdelay $0x4  }
0x1e8: {  	[tilespmem:$0x1FB10] =	vst v61;
	v61 =	vld [tilespmem:s25+$0x8DD0];
	_ =	sdelay $0x4  }
0x1e9: {  	[tilespmem:$0x1FB20] =	vst v61;
	v61 =	vld [tilespmem:s25+$0xDE0];
	_ =	sdelay $0x4  }
0x1ea: {  	[tilespmem:$0x1FB80] =	vst v61;
	v61 =	vld [tilespmem:s25+$0xE40];
	_ =	sdelay $0x4  }
0x1eb: {  	[tilespmem:$0x1FC30] =	vst v61;
	v61 =	vld [tilespmem:s25+$0x8DE0];
	_ =	sdelay $0x4  }
0x1ec: {  	[tilespmem:$0x1FB90] =	vst v61;
	v61 =	vld [tilespmem:s25+$0xDF0];
	_ =	sdelay $0x4  }
0x1ed: {  	[tilespmem:$0x1FC70] =	vst v61;
	v61 =	vld [tilespmem:s25+$0x8DF0];
	_ =	sdelay $0x4  }
0x1ee: {  	[tilespmem:$0x1FC80] =	vst v61;
	v61 =	vld [tilespmem:s25+$0xA00];
	_ =	sdelay $0x4  }
0x1ef: {  	[tilespmem:$0x1F850] =	vst v61;
	v61 =	vld [tilespmem:s25+$0x8E50];
	_ =	sdelay $0x4  }
0x1f0: {  	[tilespmem:$0x1FCA0] =	vst v61;
	v61 =	vld [tilespmem:s25+$0x8A00];
	_ =	sdelay $0x4  }
0x1f1: {  	[tilespmem:$0x1F860] =	vst v61;
	v61 =	vld [tilespmem:s25+$0xE50];
	_ =	sdelay $0x4  }
0x1f2: {  	[tilespmem:$0x1FCB0] =	vst v61;
	v61 =	vld [tilespmem:s25+$0xA10];
	_ =	sdelay $0x4  }
0x1f3: {  	[tilespmem:$0x1F870] =	vst v61;
	v61 =	vld [tilespmem:s25+$0x8A10];
	_ =	sdelay $0x4  }
0x1f4: {  	[tilespmem:$0x1F880] =	vst v61;
	v61 =	vld [tilespmem:s25+$0xA20];
	_ =	sdelay $0x4  }
0x1f5: {  	[tilespmem:$0x1F8D0] =	vst v61;
	v61 =	vld [tilespmem:s25+$0x8E90];
	_ =	sdelay $0x4  }
0x1f6: {  	[tilespmem:$0x1FC50] =	vst v61;
	v61 =	vld [tilespmem:s25+$0x8A20];
	_ =	sdelay $0x4  }
0x1f7: {  	[tilespmem:$0x1F8E0] =	vst v61;
	v61 =	vld [tilespmem:s25+$0xA30];
	_ =	sdelay $0x4  }
0x1f8: {  	[tilespmem:$0x1F910] =	vst v61;
	v61 =	vld [tilespmem:s25+$0x8A30];
	_ =	sdelay $0x4  }
0x1f9: {  	[tilespmem:$0x1F920] =	vst v61;
	v61 =	vld [tilespmem:s25+$0xA40];
	_ =	sdelay $0x4  }
0x1fa: {  	[tilespmem:$0x1F990] =	vst v61;
	v61 =	vld [tilespmem:s25+$0xE60];
	_ =	sdelay $0x4  }
0x1fb: {  	[tilespmem:$0x1FD00] =	vst v61;
	v61 =	vld [tilespmem:s25+$0x8A40];
	_ =	sdelay $0x4  }
0x1fc: {  	[tilespmem:$0x1F9A0] =	vst v61;
	v61 =	vld [tilespmem:s25+$0xA50];
	_ =	sdelay $0x4  }
0x1fd: {  	[tilespmem:$0x1F9F0] =	vst v61;
	v61 =	vld [tilespmem:s25+$0x8A50];
	_ =	sdelay $0x4  }
0x1fe: {  	[tilespmem:$0x1FA00] =	vst v61;
	v61 =	vld [tilespmem:s25+$0xAF0];
	_ =	sdelay $0x4  }
0x1ff: {  	[tilespmem:$0x1FBE0] =	vst v61;
	v61 =	vld [tilespmem:s25+$0x8E20];
	_ =	sdelay $0x4  }
0x200: {  	[tilespmem:$0x1FBA0] =	vst v61;
	v61 =	vld [tilespmem:s25+$0xA60];
	_ =	sdelay $0x1  }
0x201: {  	v37 =	vld [tilespmem:s25+$0x340]  }
0x202: {  	v49 =	vld [tilespmem:s25+$0x8340]  }
0x203: {  	v50 =	vld [tilespmem:s25+$0x350]  }
0x204: {  	[tilespmem:$0x1FA30] =	vst v61;
	v61 =	vld [tilespmem:s25+$0xAE0]  }
0x205: {  	v60 =	vld [tilespmem:s25+$0x8350]  }
0x206: {  	v63 =	vld [tilespmem:s25+$0x8360]  }
0x207: {  	v16 =	vld [tilespmem:s25+$0x370]  }
0x208: {  	v18 =	vld [tilespmem:s25+$0x8370]  }
0x209: {  	[tilespmem:$0x1FB60] =	vst v61;
	v61 =	vld [tilespmem:s25+$0x8A60]  }
0x20a: {  	v20 =	vld [tilespmem:s25+$0x700]  }
0x20b: {  	v35 =	vld [tilespmem:s25+$0x8700]  }
0x20c: {  	v14 =	vld [tilespmem:s25+$0x8390]  }
0x20d: {  	v25 =	vmul.f32 v25, v30;
	v30 =	vld [tilespmem:s25+$0xE30]  }
0x20e: {  	[tilespmem:$0x1FA40] =	vst v61;
	v61 =	vld [tilespmem:s25+$0xA70]  }
0x20f: {  	v19 =	vmul.f32 v19, v21;
	v34 =	vmul.f32 v34, v36;
	v36 =	vld [tilespmem:s25+$0x8E60]  }
0x210: {  	v21 =	vld [tilespmem:s25+$0x8AA0]  }
0x211: {  	v19 =	vadd.f32 v19, v25;
	v25 =	vld [tilespmem:$0x1EBC0]  }
0x212: {  	[tilespmem:$0x1EE10] =	vst v37;
	v37 =	vld [tilespmem:s25+$0x710]  }
0x213: {  	[tilespmem:$0x1FA90] =	vst v61;
	v61 =	vld [tilespmem:s25+$0xE10]  }
0x214: {  	[tilespmem:$0x1EE20] =	vst v49;
	v49 =	vld [tilespmem:s25+$0x8710]  }
0x215: {  	[tilespmem:$0x1EE50] =	vst v50;
	v50 =	vld [tilespmem:s25+$0x720]  }
0x216: {  	[tilespmem:$0x1EE60] =	vst v60;
	v60 =	vld [tilespmem:s25+$0x8720]  }
0x217: {  	[tilespmem:$0x1EEA0] =	vst v63;
	v63 =	vld [tilespmem:s25+$0x8730]  }
0x218: {  	[tilespmem:$0x1FB40] =	vst v61;
	v61 =	vld [tilespmem:s25+$0x8A70]  }
0x219: {  	[tilespmem:$0x1EED0] =	vst v16;
	v16 =	vld [tilespmem:s25+$0x740]  }
0x21a: {  	[tilespmem:$0x1EEE0] =	vst v18;
	v18 =	vld [tilespmem:s25+$0x8740]  }
0x21b: {  	[tilespmem:$0x1EF10] =	vst v20;
	v20 =	vld [tilespmem:s25+$0x750]  }
0x21c: {  	[tilespmem:$0x1EF20] =	vst v35;
	v35 =	vld [tilespmem:s25+$0x8750]  }
0x21d: {  	[tilespmem:$0x1FAA0] =	vst v61;
	v61 =	vld [tilespmem:s25+$0x8AD0]  }
0x21e: {  	[tilespmem:$0x1FBC0] =	vst v30;
	v30 =	vld [tilespmem:s25+$0x8E30]  }
0x21f: {  	[tilespmem:$0x1FD10] =	vst v36;
	v36 =	vld [tilespmem:s25+$0xA80]  }
0x220: {  	[tilespmem:$0x1EF70] =	vst v37;
	v37 =	vld [tilespmem:s25+$0x760]  }
0x221: {  	[tilespmem:$0x1EF80] =	vst v49;
	v49 =	vld [tilespmem:s25+$0x8760]  }
0x222: {  	[tilespmem:$0x1FB30] =	vst v61;
	v61 =	vld [tilespmem:s25+$0xE00]  }
0x223: {  	[tilespmem:$0x1EFD0] =	vst v50;
	v50 =	vld [tilespmem:s25+$0x770]  }
0x224: {  	[tilespmem:$0x1EFE0] =	vst v60;
	v60 =	vld [tilespmem:s25+$0x8770]  }
0x225: {  	[tilespmem:$0x1F170] =	vst v20;
	v20 =	vld [tilespmem:s25+$0x380]  }
0x226: {  	[tilespmem:$0x1F0F0] =	vst v16;
	v16 =	vld [tilespmem:s25+$0x8380]  }
0x227: {  	[tilespmem:$0x1FAF0] =	vst v61;
	v61 =	vld [tilespmem:s25+$0x8E00]  }
0x228: {  	[tilespmem:$0x1F100] =	vst v18;
	v18 =	vld [tilespmem:s25+$0x390]  }
0x229: {  	[tilespmem:$0x1F180] =	vst v35;
	v35 =	vld [tilespmem:s25+$0x83A0]  }
0x22a: {  	[tilespmem:$0x1FBD0] =	vst v30;
	v30 =	vld [tilespmem:s25+$0xE70]  }
0x22b: {  	[tilespmem:$0x1F060] =	vst v63;
	v63 =	vld [tilespmem:s25+$0x3C0]  }
0x22c: {  	[tilespmem:$0x1FB00] =	vst v61;
	v61 =	vld [tilespmem:s25+$0x8E10]  }
0x22d: {  	[tilespmem:$0x1F9B0] =	vst v36;
	v36 =	vld [tilespmem:s25+$0x8EA0]  }
0x22e: {  	[tilespmem:$0x1F190] =	vst v37;
	v37 =	vld [tilespmem:s25+$0x3A0]  }
0x22f: {  	[tilespmem:$0x1FDE0] =	vst v30;
	v30 =	vld [tilespmem:$0x1EBD0]  }
0x230: {  	[tilespmem:$0x1F310] =	vst v50;
	v50 =	vld [tilespmem:s25+$0x3B0]  }
0x231: {  	[tilespmem:$0x1FB50] =	vst v61;
	v61 =	vld [tilespmem:s25+$0xE20]  }
0x232: {  	[tilespmem:$0x1F1A0] =	vst v49;
	v49 =	vld [tilespmem:s25+$0x83B0]  }
0x233: {  	[tilespmem:$0x1F320] =	vst v60;
	v60 =	vld [tilespmem:s25+$0x83C0]  }
0x234: {  	v6 =	vmul.f32 v6, v8;
	v8 =	vmul.f32 v30, v25;
	v25 =	vld [tilespmem:s25+$0xE80]  }
0x235: {  	v30 =	vld [tilespmem:$0x1EC40]  }
0x236: {  	[tilespmem:$0x1FBB0] =	vst v61;
	v61 =	vmul.f32 v26, v31;
	v31 =	vld [tilespmem:s25+$0x8E40]  }
0x237: {  	v26 =	vld [tilespmem:s25+$0xAA0]  }
0x238: {  	v19 =	vadd.f32 v61, v19;
	v61 =	vmul.f32 v38, v42;
	v38 =	vld [tilespmem:s25+$0x8A80]  }
0x239: {  	v42 =	vmul.f32 v46, v59;
	v46 =	vld [tilespmem:s25+$0x8A90]  }
0x23a: {  	v59 =	vmul.f32 v54, v57;
	v54 =	vld [tilespmem:$0x1EC00]  }
0x23b: {  	v57 =	vld [tilespmem:$0x1EC10]  }
0x23c: {  	v19 =	vadd.f32 v34, v19;
	v34 =	vmul.f32 v44, v48;
	v44 =	vld [tilespmem:s25+$0xA90]  }
0x23d: {  	[tilespmem:$0x1FC40] =	vst v31;
	v31 =	vld [tilespmem:s25+$0x8E70]  }
0x23e: {  	v19 =	vadd.f32 v61, v19;
	v61 =	vmul.f32 v10, v11;
	v10 =	vld [tilespmem:$0x1EC20]  }
0x23f: {  	v4 =	vmul.f32 v4, v7;
	v11 =	vld [tilespmem:$0x1EC30]  }
0x240: {  	[tilespmem:$0x1F9C0] =	vst v38;
	v38 =	vld [tilespmem:s25+$0x8AC0]  }
0x241: {  	v4 =	vadd.f32 v4, v6;
	[tilespmem:$0x1F9E0] =	vst v46;
	v46 =	vmul.f32 v22, v32;
	v32 =	vld [tilespmem:$0x1EC60]  }
0x242: {  	v22 =	vmul.f32 v5, v9;
	v9 =	vld [tilespmem:s25+$0xED0]  }
0x243: {  	v4 =	vadd.f32 v61, v4;
	v61 =	vmul.f32 v39, v41;
	v41 =	vld [tilespmem:s25+$0xEB0]  }
0x244: {  	v19 =	vadd.f32 v34, v19;
	v34 =	vmul.f32 v15, v17;
	v17 =	vmul.f32 v51, v52;
	v51 =	vld [tilespmem:s25+$0xEC0]  }
0x245: {  	v2 =	vmul.f32 v2, v3;
	v0 =	vmul.f32 v0, v1;
	v52 =	vld [tilespmem:$0x1EC90]  }
0x246: {  	v39 =	vmul.f32 v12, v13;
	v12 =	vld [tilespmem:s25+$0x8ED0]  }
0x247: {  	v0 =	vadd.f32 v0, v2;
	v13 =	vld [tilespmem:$0x1ECF0]  }
0x248: {  	[tilespmem:$0x1F9D0] =	vst v44;
	v44 =	vld [tilespmem:$0x1EBF0]  }
0x249: {  	v0 =	vadd.f32 v22, v0;
	v22 =	vld [tilespmem:$0x1ED10]  }
0x24a: {  	v48 =	vadd.f32 v42, v19;
	v19 =	vld [tilespmem:s25+$0x8AB0]  }
0x24b: {  	[tilespmem:$0x1FDF0] =	vst v31;
	v31 =	vld [tilespmem:s25+$0xAC0]  }
0x24c: {  	v42 =	vld [tilespmem:$0x1EBE0]  }
0x24d: {  	v4 =	vadd.f32 v34, v4;
	v34 =	vld [tilespmem:s25+$0xEA0]  }
0x24e: {  	v1 =	vmul.f32 v11, v10;
	v10 =	vld [tilespmem:$0x1ECD0]  }
0x24f: {  	v11 =	vld [tilespmem:$0x1ECE0]  }
0x250: {  	[tilespmem:$0x1FAE0] =	vst v38;
	v38 =	vld [tilespmem:s25+$0xAD0]  }
0x251: {  	v7 =	vadd.f32 v59, v48;
	v48 =	vld [tilespmem:s25+$0x8AE0]  }
0x252: {  	v59 =	vld [tilespmem:s25+$0x8AF0];
	v4 =	vadd.f32 v46, v4  }
0x253: {  	v46 =	vld [tilespmem:s25+$0x8EB0];
	[tilespmem:$0x1FD40] =	vst v9  }
0x254: {  	[tilespmem:$0x1FCD0] =	vst v41;
	v15 =	vadd.f32 v61, v4;
	v61 =	vld [tilespmem:s25+$0x8EC0]  }
0x255: {  	[tilespmem:$0x1FA60] =	vst v19;
	v19 =	vld [tilespmem:s25+$0xE90]  }
0x256: {  	v7 =	vadd.f32 v8, v7;
	[tilespmem:$0x1FAD0] =	vst v31;
	v8 =	vmul.f32 v44, v42;
	v31 =	vld [tilespmem:$0x1EC50]  }
0x257: {  	[tilespmem:$0x1FD20] =	vst v51;
	v42 =	vld [tilespmem:$0x1EC70]  }
0x258: {  	[tilespmem:$0x1FD50] =	vst v12;
	v44 =	vld [tilespmem:$0x1EC80];
	v7 =	vadd.f32 v8, v7;
	v8 =	vmul.f32 v57, v54  }
0x259: {  	[tilespmem:$0x1FB70] =	vst v48;
	v48 =	vmul.f32 v23, v27;
	v27 =	vld [tilespmem:s25+$0x8EE0]  }
0x25a: {  	[tilespmem:$0x1FBF0] =	vst v59;
	v7 =	vadd.f32 v8, v7;
	v8 =	vld [tilespmem:s25+$0x8E80]  }
0x25b: {  	[tilespmem:$0x1FC60] =	vst v19;
	v19 =	vld [tilespmem:s25+$0xEE0]  }
0x25c: {  	v3 =	vadd.f32 v17, v15;
	v15 =	vld [tilespmem:$0x1ED00];
	[tilespmem:$0x1FCE0] =	vst v46  }
0x25d: {  	v54 =	vld [tilespmem:$0x1ECA0];
	[tilespmem:$0x1FD30] =	vst v61  }
0x25e: {  	v57 =	vld [tilespmem:$0x1ECB0];
	[tilespmem:$0x1FDB0] =	vst v27  }
0x25f: {  	v59 =	vld [tilespmem:$0x1ECC0];
	[tilespmem:$0x1FC20] =	vst v8  }
0x260: {  	v23 =	vld [tilespmem:$0x1ED20];
	[tilespmem:$0x1FDA0] =	vst v19  }
0x261: {  	v4 =	vmul.f32 v62, v30;
	v30 =	vld [tilespmem:$0x1ED30]  }
0x262: {  	v5 =	vmul.f32 v32, v31;
	v31 =	vld [tilespmem:$0x1ED40]  }
0x263: {  	v32 =	vld [tilespmem:s25+$0xEF0]  }
0x264: {  	v41 =	vld [tilespmem:s25+$0x8EF0]  }
0x265: {  	v3 =	vadd.f32 v4, v3;
	v4 =	vmul.f32 v44, v42;
	v42 =	vld [tilespmem:$0x1ED50]  }
0x266: {  	v62 =	vmul.f32 v40, v43;
	v43 =	vld [tilespmem:$0x1ED60]  }
0x267: {  	v0 =	vadd.f32 v39, v0;
	v44 =	vld [tilespmem:$0x1ED70]  }
0x268: {  	v46 =	vld [tilespmem:$0x1ED80]  }
0x269: {  	v0 =	vadd.f32 v48, v0;
	v1 =	vadd.f32 v1, v7;
	v48 =	vld [tilespmem:s25+$0xB00]  }
0x26a: {  	v51 =	vld [tilespmem:$0x1ED90]  }
0x26b: {  	v1 =	vadd.f32 v5, v1;
	v5 =	vmul.f32 v54, v52;
	v52 =	vld [tilespmem:$0x1EDA0]  }
0x26c: {  	v54 =	vld [tilespmem:s25+$0x8B00]  }
0x26d: {  	v17 =	vmul.f32 v53, v55;
	v0 =	vadd.f32 v62, v0;
	v55 =	vld [tilespmem:$0x1EDB0]  }
0x26e: {  	v3 =	vadd.f32 v4, v3;
	v4 =	vmul.f32 v59, v57;
	v57 =	vld [tilespmem:$0x1EDC0]  }
0x26f: {  	v0 =	vadd.f32 v17, v0;
	v17 =	vld [tilespmem:s25+$0xB10]  }
0x270: {  	v59 =	vld [tilespmem:$0x1EDD0]  }
0x271: {  	v61 =	vld [tilespmem:$0x1EDE0]  }
0x272: {  	v40 =	vmul.f32 v24, v29;
	v29 =	vld [tilespmem:s25+$0x8B10]  }
0x273: {  	v3 =	vadd.f32 v4, v3;
	v12 =	vld [tilespmem:$0x1EDF0]  }
0x274: {  	v4 =	vmul.f32 v11, v10;
	v1 =	vadd.f32 v5, v1;
	v5 =	vmul.f32 v15, v13;
	v13 =	vld [tilespmem:$0x1EE00]  }
0x275: {  	v8 =	vld [tilespmem:s25+$0xB20]  }
0x276: {  	v3 =	vadd.f32 v4, v3;
	v4 =	vmul.f32 v23, v22;
	v22 =	vld [tilespmem:$0x1EE10]  }
0x277: {  	v23 =	vld [tilespmem:$0x1EE20]  }
0x278: {  	v39 =	vmul.f32 v28, v33;
	v28 =	vld [tilespmem:s25+$0xB30]  }
0x279: {  	v33 =	vld [tilespmem:$0x1EE50]  }
0x27a: {  	v53 =	vmul.f32 v45, v47;
	v45 =	vld [tilespmem:$0x1EEA0]  }
0x27b: {  	v47 =	vld [tilespmem:$0x1EEC0]  }
0x27c: {  	v62 =	vmul.f32 v56, v58;
	v56 =	vld [tilespmem:$0x1EF10]  }
0x27d: {  	v58 =	vld [tilespmem:s25+$0x8B60]  }
0x27e: {  	v9 =	vld [tilespmem:$0x1EF70]  }
0x27f: {  	v10 =	vld [tilespmem:$0x1EF80]  }
0x280: {  	v11 =	vld [tilespmem:s25+$0x8B70]  }
0x281: {  	v27 =	vmul.f32 v14, v18;
	v14 =	vld [tilespmem:$0x1EFB0]  }
0x282: {  	v24 =	vmul.f32 v16, v20;
	v16 =	vld [tilespmem:s25+$0xF00]  }
0x283: {  	v20 =	vld [tilespmem:$0x1EFE0]  }
0x284: {  	v3 =	vadd.f32 v4, v3;
	v4 =	vadd.f32 v40, v39;
	v39 =	vld [tilespmem:$0x1EE60]  }
0x285: {  	v40 =	vld [tilespmem:$0x1EE70]  }
0x286: {  	v4 =	vadd.f32 v53, v4;
	v53 =	vld [tilespmem:s25+$0xB60]  }
0x287: {  	v2 =	vmul.f32 v31, v30;
	v30 =	vld [tilespmem:s25+$0x8B20]  }
0x288: {  	v31 =	vld [tilespmem:$0x1EE30]  }
0x289: {  	[tilespmem:$0x1FE20] =	vst v32;
	v32 =	vld [tilespmem:$0x1EE40]  }
0x28a: {  	[tilespmem:$0x1FE30] =	vst v41;
	v41 =	vld [tilespmem:$0x1EE80]  }
0x28b: {  	v6 =	vmul.f32 v43, v42;
	v43 =	vld [tilespmem:s25+$0xB40]  }
0x28c: {  	[tilespmem:$0x1FC00] =	vst v48;
	v48 =	vmul.f32 v49, v50;
	v49 =	vld [tilespmem:s25+$0xB50]  }
0x28d: {  	v50 =	vld [tilespmem:$0x1EED0]  }
0x28e: {  	v7 =	vmul.f32 v52, v51;
	v51 =	vld [tilespmem:$0x1EEE0]  }
0x28f: {  	[tilespmem:$0x1FC10] =	vst v54;
	v54 =	vld [tilespmem:$0x1EEF0]  }
0x290: {  	v52 =	vmul.f32 v60, v63;
	v60 =	vld [tilespmem:$0x1EF40]  }
0x291: {  	v63 =	vld [tilespmem:s25+$0xB70]  }
0x292: {  	[tilespmem:$0x1FC90] =	vst v28;
	v28 =	vld [tilespmem:$0x1F010]  }
0x293: {  	v42 =	vmul.f32 v35, v37;
	v35 =	vld [tilespmem:$0x1F020]  }
0x294: {  	v37 =	vld [tilespmem:$0x1F030]  }
0x295: {  	[tilespmem:$0x1FD70] =	vst v58;
	v58 =	vld [tilespmem:s25+$0x8F30]  }
0x296: {  	[tilespmem:$0x1FD90] =	vst v11;
	v11 =	vld [tilespmem:$0x1F170]  }
0x297: {  	[tilespmem:$0x1FDC0] =	vst v16;
	v16 =	vld [tilespmem:$0x1F1B0]  }
0x298: {  	v17 =	vmul.f32 v29, v17;
	v29 =	vld [tilespmem:$0x1FC30]  }
0x299: {  	v19 =	vadd.f32 v62, v4;
	v62 =	vld [tilespmem:$0x1EF60]  }
0x29a: {  	v4 =	vmul.f32 v23, v22;
	v22 =	vld [tilespmem:s25+$0x8F00]  }
0x29b: {  	v23 =	vld [tilespmem:$0x1EFF0]  }
0x29c: {  	v0 =	vadd.f32 v2, v0;
	v2 =	vmul.f32 v46, v44;
	v44 =	vld [tilespmem:$0x1EE90]  }
0x29d: {  	v46 =	vld [tilespmem:$0x1EEB0]  }
0x29e: {  	v3 =	vadd.f32 v6, v3;
	v6 =	vmul.f32 v61, v59;
	v59 =	vld [tilespmem:$0x1EF30]  }
0x29f: {  	v1 =	vadd.f32 v5, v1;
	v61 =	vld [tilespmem:$0x1EF50]  }
0x2a0: {  	v15 =	vadd.f32 v6, v3;
	v3 =	vadd.f32 v4, v19;
	v4 =	vmul.f32 v39, v33;
	v33 =	vld [tilespmem:s25+$0x8B50]  }
0x2a1: {  	v1 =	vadd.f32 v7, v1;
	v0 =	vadd.f32 v2, v0;
	v2 =	vmul.f32 v57, v55;
	v55 =	vld [tilespmem:$0x1EF00]  }
0x2a2: {  	v57 =	vld [tilespmem:$0x1EF20]  }
0x2a3: {  	[tilespmem:$0x1FEC0] =	vst v1;
	v1 =	vmul.f32 v13, v12;
	v12 =	vld [tilespmem:$0x1EF90]  }
0x2a4: {  	v13 =	vld [tilespmem:$0x1EFA0]  }
0x2a5: {  	v19 =	vld [tilespmem:$0x1EFD0]  }
0x2a6: {  	v39 =	vld [tilespmem:$0x1F040]  }
0x2a7: {  	[tilespmem:$0x1FD60] =	vst v53;
	v53 =	vld [tilespmem:s25+$0xF30]  }
0x2a8: {  	v6 =	vmul.f32 v32, v31;
	v31 =	vld [tilespmem:s25+$0x8B30]  }
0x2a9: {  	v32 =	vld [tilespmem:s25+$0x8B40]  }
0x2aa: {  	v7 =	vmul.f32 v41, v40;
	v40 =	vld [tilespmem:s25+$0x8F10]  }
0x2ab: {  	v41 =	vld [tilespmem:$0x1F050]  }
0x2ac: {  	[tilespmem:$0x1FCC0] =	vst v43;
	v43 =	vld [tilespmem:$0x1F070]  }
0x2ad: {  	[tilespmem:$0x1FCF0] =	vst v49;
	v49 =	vld [tilespmem:$0x1F0C0]  }
0x2ae: {  	[tilespmem:$0x1FD80] =	vst v63;
	v63 =	vld [tilespmem:$0x1F150]  }
0x2af: {  	[tilespmem:$0x1FE70] =	vst v58;
	v58 =	vld [tilespmem:$0x1F2D0]  }
0x2b0: {  	[tilespmem:$0x1FDD0] =	vst v22;
	v22 =	vld [tilespmem:s25+$0x8F50]  }
0x2b1: {  	v0 =	vadd.f32 v2, v0;
	v2 =	vadd.f32 v7, v15;
	v15 =	vld [tilespmem:$0x1EFC0]  }
0x2b2: {  	v3 =	vadd.f32 v4, v3;
	v4 =	vmul.f32 v45, v44;
	v44 =	vld [tilespmem:$0x1F080]  }
0x2b3: {  	v45 =	vld [tilespmem:s25+$0xF20]  }
0x2b4: {  	v7 =	vmul.f32 v60, v59;
	v60 =	vld [tilespmem:$0x1F130]  }
0x2b5: {  	v5 =	vmul.f32 v62, v61;
	v61 =	vld [tilespmem:$0x1F140]  }
0x2b6: {  	v62 =	vld [tilespmem:s25+$0xF40]  }
0x2b7: {  	v0 =	vadd.f32 v1, v0;
	v1 =	vadd.f32 v27, v24;
	v24 =	vld [tilespmem:$0x1F000]  }
0x2b8: {  	v27 =	vld [tilespmem:s25+$0xF10]  }
0x2b9: {  	v3 =	vadd.f32 v4, v3;
	v4 =	vmul.f32 v51, v50;
	v50 =	vld [tilespmem:s25+$0x8F20]  }
0x2ba: {  	v51 =	vld [tilespmem:$0x1F0D0]  }
0x2bb: {  	[tilespmem:$0x1FE60] =	vst v53;
	v53 =	vld [tilespmem:$0x1F4C0]  }
0x2bc: {  	v1 =	vadd.f32 v42, v1;
	v42 =	vld [tilespmem:$0x1F060]  }
0x2bd: {  	v0 =	vadd.f32 v6, v0;
	v6 =	vmul.f32 v47, v46;
	v46 =	vld [tilespmem:$0x1F090]  }
0x2be: {  	v47 =	vld [tilespmem:$0x1F0A0]  }
0x2bf: {  	[tilespmem:$0x1FE10] =	vst v40;
	v40 =	vld [tilespmem:$0x1F240]  }
0x2c0: {  	v3 =	vadd.f32 v4, v3;
	v4 =	vmul.f32 v57, v56;
	v56 =	vld [tilespmem:$0x1F110]  }
0x2c1: {  	v57 =	vld [tilespmem:$0x1F120]  }
0x2c2: {  	[tilespmem:$0x1FEB0] =	vst v22;
	v22 =	vld [tilespmem:$0x1F3B0]  }
0x2c3: {  	v1 =	vadd.f32 v48, v1;
	v48 =	vld [tilespmem:$0x1F0B0]  }
0x2c4: {  	v0 =	vadd.f32 v6, v0;
	v6 =	vmul.f32 v55, v54;
	v54 =	vld [tilespmem:$0x1F0F0]  }
0x2c5: {  	v55 =	vld [tilespmem:$0x1F100]  }
0x2c6: {  	[tilespmem:$0x1FE40] =	vst v45;
	v45 =	vld [tilespmem:$0x1F280]  }
0x2c7: {  	[tilespmem:$0x1FE80] =	vst v62;
	v62 =	vld [tilespmem:$0x1F310]  }
0x2c8: {  	v3 =	vadd.f32 v4, v3;
	v4 =	vmul.f32 v10, v9;
	v9 =	vld [tilespmem:$0x1F160]  }
0x2c9: {  	v10 =	vld [tilespmem:s25+$0x8F40]  }
0x2ca: {  	[tilespmem:$0x1FE00] =	vst v27;
	v27 =	vld [tilespmem:$0x1F210]  }
0x2cb: {  	v1 =	vadd.f32 v52, v1;
	v52 =	vld [tilespmem:$0x1F0E0]  }
0x2cc: {  	v0 =	vadd.f32 v6, v0;
	v6 =	vmul.f32 v13, v12;
	v12 =	vld [tilespmem:$0x1F180]  }
0x2cd: {  	v13 =	vld [tilespmem:$0x1F190]  }
0x2ce: {  	v18 =	vadd.f32 v4, v3;
	v3 =	vmul.f32 v20, v19;
	v19 =	vld [tilespmem:$0x1F1D0]  }
0x2cf: {  	v20 =	vld [tilespmem:$0x1F1E0]  }
0x2d0: {  	v4 =	vmul.f32 v24, v23;
	v23 =	vld [tilespmem:$0x1F1F0]  }
0x2d1: {  	v24 =	vld [tilespmem:$0x1F200]  }
0x2d2: {  	v2 =	vadd.f32 v7, v2;
	v7 =	vmul.f32 v47, v46;
	v46 =	vld [tilespmem:s25+$0xF70]  }
0x2d3: {  	v47 =	vld [tilespmem:$0x1F290]  }
0x2d4: {  	v1 =	vadd.f32 v5, v1;
	v5 =	vmul.f32 v15, v14;
	v14 =	vld [tilespmem:$0x1F1A0]  }
0x2d5: {  	v15 =	vld [tilespmem:s25+$0xF50]  }
0x2d6: {  	v0 =	vadd.f32 v6, v0;
	v6 =	vmul.f32 v42, v41;
	v41 =	vld [tilespmem:s25+$0x8F60]  }
0x2d7: {  	v42 =	vld [tilespmem:$0x1F250]  }
0x2d8: {  	[tilespmem:$0x1FEF0] =	vst v2;
	v2 =	vadd.f32 v3, v18;
	v18 =	vld [tilespmem:$0x1F1C0]  }
0x2d9: {  	v3 =	vmul.f32 v35, v28;
	v28 =	vld [tilespmem:$0x1F220]  }
0x2da: {  	v35 =	vld [tilespmem:s25+$0xF60]  }
0x2db: {  	v1 =	vadd.f32 v5, v1;
	v5 =	vmul.f32 v39, v37;
	v39 =	vld [tilespmem:$0x1F230]  }
0x2dc: {  	[tilespmem:$0x1FE90] =	vst v10;
	v10 =	vld [tilespmem:$0x1F510]  }
0x2dd: {  	v2 =	vadd.f32 v6, v2;
	v6 =	vmul.f32 v55, v54;
	v54 =	vld [tilespmem:$0x1F4D0]  }
0x2de: {  	v1 =	vadd.f32 v4, v1;
	v4 =	vmul.f32 v44, v43;
	v43 =	vld [tilespmem:$0x1F260]  }
0x2df: {  	v44 =	vld [tilespmem:$0x1F270]  }
0x2e0: {  	v3 =	vadd.f32 v5, v3;
	v5 =	vmul.f32 v49, v48;
	v48 =	vld [tilespmem:$0x1F2A0]  }
0x2e1: {  	v49 =	vld [tilespmem:s25+$0x8F70]  }
0x2e2: {  	[tilespmem:$0x1FF80] =	vst v46;
	v46 =	vld [tilespmem:$0x1F460]  }
0x2e3: {  	v2 =	vadd.f32 v6, v2;
	v6 =	vmul.f32 v14, v13;
	v13 =	vld [tilespmem:$0x1F340]  }
0x2e4: {  	v14 =	vld [tilespmem:$0x1F350]  }
0x2e5: {  	[tilespmem:$0x1FEA0] =	vst v15;
	v15 =	vld [tilespmem:$0x1F360]  }
0x2e6: {  	[tilespmem:$0x1FEE0] =	vst v41;
	v41 =	vld [tilespmem:$0x1F410]  }
0x2e7: {  	v3 =	vadd.f32 v5, v3;
	v5 =	vmul.f32 v57, v56;
	v56 =	vld [tilespmem:$0x1F2B0]  }
0x2e8: {  	v57 =	vld [tilespmem:$0x1F2C0]  }
0x2e9: {  	v0 =	vadd.f32 v7, v0;
	v7 =	vmul.f32 v28, v27;
	v27 =	vld [tilespmem:$0x1F3D0]  }
0x2ea: {  	v28 =	vld [tilespmem:$0x1F3E0]  }
0x2eb: {  	v1 =	vadd.f32 v4, v1;
	v4 =	vmul.f32 v52, v51;
	[tilespmem:$0x1FED0] =	vst v35;
	v35 =	vld [tilespmem:$0x1F3F0]  }
0x2ec: {  	v51 =	vld [tilespmem:$0x1F4B0]  }
0x2ed: {  	v59 =	vadd.f32 v4, v1;
	v1 =	vmul.f32 v61, v60;
	v60 =	vld [tilespmem:$0x1F2F0]  }
0x2ee: {  	v61 =	vld [tilespmem:$0x1F300]  }
0x2ef: {  	v4 =	vmul.f32 v9, v63;
	v63 =	vld [tilespmem:$0x1F320]  }
0x2f0: {  	v3 =	vadd.f32 v5, v3;
	v5 =	vmul.f32 v12, v11;
	v12 =	vld [tilespmem:$0x1F330]  }
0x2f1: {  	v11 =	vld [tilespmem:$0x1F520]  }
0x2f2: {  	[tilespmem:$0x1FF90] =	vst v49;
	v49 =	vld [tilespmem:$0x1F490]  }
0x2f3: {  	[tilespmem:$0x1FF00] =	vst v0;
	v0 =	vadd.f32 v1, v59;
	v59 =	vld [tilespmem:$0x1F2E0]  }
0x2f4: {  	v1 =	vmul.f32 v18, v16;
	v16 =	vld [tilespmem:$0x1F370]  }
0x2f5: {  	v18 =	vld [tilespmem:$0x1F380]  }
0x2f6: {  	v3 =	vadd.f32 v4, v3;
	v4 =	vmul.f32 v20, v19;
	v19 =	vld [tilespmem:$0x1F390]  }
0x2f7: {  	v20 =	vld [tilespmem:$0x1F3A0]  }
0x2f8: {  	v2 =	vadd.f32 v5, v2;
	v5 =	vmul.f32 v24, v23;
	v23 =	vld [tilespmem:$0x1F3C0]  }
0x2f9: {  	v37 =	vadd.f32 v4, v3;
	v3 =	vmul.f32 v40, v39;
	v40 =	vld [tilespmem:$0x1F400]  }
0x2fa: {  	v4 =	vmul.f32 v43, v42;
	v42 =	vld [tilespmem:$0x1F420]  }
0x2fb: {  	v43 =	vld [tilespmem:$0x1F430]  }
0x2fc: {  	v5 =	vadd.f32 v7, v5;
	v7 =	vmul.f32 v45, v44;
	v44 =	vld [tilespmem:$0x1F440]  }
0x2fd: {  	v45 =	vld [tilespmem:$0x1F450]  }
0x2fe: {  	v0 =	vadd.f32 v1, v0;
	v1 =	vadd.f32 v3, v37;
	v3 =	vmul.f32 v48, v47;
	v47 =	vld [tilespmem:$0x1F470]  }
0x2ff: {  	v48 =	vld [tilespmem:$0x1F480]  }
0x300: {  	[tilespmem:$0x1FE50] =	vst v50;
	v50 =	vadd.f32 v7, v5;
	v5 =	vmul.f32 v57, v56;
	v56 =	vld [tilespmem:$0x1F4E0]  }
0x301: {  	v57 =	vld [tilespmem:$0x1F4F0]  }
0x302: {  	v2 =	vadd.f32 v6, v2;
	v6 =	vmul.f32 v59, v58;
	v59 =	vld [tilespmem:$0x1F500]  }
0x303: {  	v0 =	vadd.f32 v4, v0;
	v4 =	vadd.f32 v5, v50;
	v50 =	vld [tilespmem:$0x1F4A0]  }
0x304: {  	v5 =	vmul.f32 v13, v12;
	v12 =	vld [tilespmem:$0x1F530]  }
0x305: {  	v1 =	vadd.f32 v3, v1;
	v13 =	vld [tilespmem:$0x1F540]  }
0x306: {  	v3 =	vmul.f32 v61, v60;
	v0 =	vadd.f32 v6, v0;
	v6 =	vmul.f32 v18, v16;
	v16 =	vld [tilespmem:$0x1F570]  }
0x307: {  	v18 =	vld [tilespmem:$0x1F580]  }
0x308: {  	v7 =	vmul.f32 v63, v62;
	v1 =	vadd.f32 v3, v1;
	v3 =	vmul.f32 v15, v14;
	v14 =	vld [tilespmem:$0x1F550]  }
0x309: {  	v15 =	vld [tilespmem:$0x1F560]  }
0x30a: {  	v2 =	vadd.f32 v7, v2;
	v4 =	vadd.f32 v5, v4;
	v5 =	vmul.f32 v20, v19;
	v19 =	vld [tilespmem:$0x1F590]  }
0x30b: {  	v20 =	vld [tilespmem:$0x1F5A0]  }
0x30c: {  	[tilespmem:$0x1FF20] =	vst v2;
	v2 =	vmul.f32 v23, v22;
	v22 =	vld [tilespmem:$0x1F5B0]  }
0x30d: {  	v23 =	vld [tilespmem:$0x1F5C0]  }
0x30e: {  	v7 =	vmul.f32 v48, v47;
	v47 =	vld [tilespmem:$0x1F610]  }
0x30f: {  	v48 =	vld [tilespmem:$0x1F620];
	v24 =	vadd.f32 v5, v4;
	v4 =	vmul.f32 v28, v27  }
0x310: {  	v1 =	vadd.f32 v3, v1;
	v27 =	vld [tilespmem:$0x1F5E0]  }
0x311: {  	v3 =	vadd.f32 v4, v24;
	v24 =	vld [tilespmem:$0x1F5D0]  }
0x312: {  	v5 =	vmul.f32 v42, v41;
	v1 =	vadd.f32 v2, v1;
	v2 =	vmul.f32 v40, v35;
	v35 =	vld [tilespmem:$0x1F5F0]  }
0x313: {  	v4 =	vmul.f32 v46, v45;
	v45 =	vld [tilespmem:$0x1F600]  }
0x314: {  	v2 =	vadd.f32 v5, v2;
	v5 =	vmul.f32 v50, v49;
	v49 =	vld [tilespmem:$0x1F630]  }
0x315: {  	v0 =	vadd.f32 v6, v0;
	v50 =	vld [tilespmem:$0x1F640]  }
0x316: {  	v6 =	vmul.f32 v44, v43;
	v3 =	vadd.f32 v4, v3;
	v4 =	vmul.f32 v53, v51;
	v51 =	vld [tilespmem:$0x1F650]  }
0x317: {  	v53 =	vld [tilespmem:$0x1F660]  }
0x318: {  	v1 =	vadd.f32 v6, v1;
	v6 =	vmul.f32 v56, v54;
	v54 =	vld [tilespmem:$0x1F670]  }
0x319: {  	v2 =	vadd.f32 v5, v2;
	v5 =	vmul.f32 v59, v57;
	v57 =	vld [tilespmem:$0x1F680]  }
0x31a: {  	v9 =	vadd.f32 v4, v3;
	v4 =	vmul.f32 v13, v12;
	v12 =	vld [tilespmem:$0x1F690]  }
0x31b: {  	v13 =	vld [tilespmem:$0x1F6A0]  }
0x31c: {  	v1 =	vadd.f32 v6, v1;
	v6 =	vmul.f32 v18, v16;
	v16 =	vld [tilespmem:$0x1F6D0]  }
0x31d: {  	v18 =	vld [tilespmem:$0x1F6E0]  }
0x31e: {  	v3 =	vmul.f32 v11, v10;
	v10 =	vld [tilespmem:s25+$0xFE0]  }
0x31f: {  	v0 =	vadd.f32 v7, v0;
	v7 =	vmul.f32 v45, v35;
	v35 =	vld [tilespmem:$0x1F750]  }
0x320: {  	v2 =	vadd.f32 v5, v2;
	v5 =	vmul.f32 v15, v14;
	v14 =	vld [tilespmem:$0x1F6B0]  }
0x321: {  	v15 =	vld [tilespmem:$0x1F6C0]  }
0x322: {  	[tilespmem:$0x1FF30] =	vst v0;
	v0 =	vadd.f32 v3, v9;
	v3 =	vmul.f32 v20, v19;
	v19 =	vld [tilespmem:$0x1F6F0]  }
0x323: {  	v20 =	vld [tilespmem:$0x1F700]  }
0x324: {  	v9 =	vld [tilespmem:$0x1F840]  }
0x325: {  	v2 =	vadd.f32 v4, v2;
	v4 =	vmul.f32 v23, v22;
	v22 =	vld [tilespmem:$0x1F710]  }
0x326: {  	v23 =	vld [tilespmem:$0x1F720]  }
0x327: {  	v1 =	vadd.f32 v5, v1;
	v5 =	vmul.f32 v27, v24;
	v24 =	vld [tilespmem:$0x1F730]  }
0x328: {  	v27 =	vld [tilespmem:$0x1F740]  }
0x329: {  	v0 =	vadd.f32 v3, v0;
	v3 =	vmul.f32 v48, v47;
	v47 =	vld [tilespmem:$0x1F760]  }
0x32a: {  	[tilespmem:$0x1FF50] =	vst v10;
	v10 =	vld [tilespmem:$0x1F960];
	v2 =	vadd.f32 v4, v2  }
0x32b: {  	v4 =	vmul.f32 v50, v49;
	v5 =	vadd.f32 v7, v5;
	v7 =	vmul.f32 v53, v51;
	v49 =	vld [tilespmem:$0x1F770]  }
0x32c: {  	v1 =	vadd.f32 v6, v1;
	v6 =	vmul.f32 v15, v14;
	v15 =	vld [tilespmem:$0x1F7B0]  }
0x32d: {  	v59 =	vadd.f32 v7, v5;
	v5 =	vmul.f32 v13, v12;
	v12 =	vld [tilespmem:$0x1F790]  }
0x32e: {  	v13 =	vld [tilespmem:$0x1F7A0]  }
0x32f: {  	v7 =	vmul.f32 v20, v19;
	v19 =	vld [tilespmem:$0x1F7D0]  }
0x330: {  	v2 =	vadd.f32 v3, v2;
	v3 =	vmul.f32 v57, v54;
	v20 =	vld [tilespmem:$0x1F7E0]  }
0x331: {  	v0 =	vadd.f32 v4, v0;
	v4 =	vadd.f32 v5, v59;
	v59 =	vld [tilespmem:$0x1F780]  }
0x332: {  	v2 =	vadd.f32 v3, v2;
	v3 =	vmul.f32 v18, v16;
	v16 =	vld [tilespmem:$0x1F7C0]  }
0x333: {  	v18 =	vld [tilespmem:s25+$0xFD0]  }
0x334: {  	v5 =	vmul.f32 v23, v22;
	v22 =	vld [tilespmem:$0x1F7F0]  }
0x335: {  	v23 =	vld [tilespmem:$0x1F800]  }
0x336: {  	v0 =	vadd.f32 v6, v0;
	v6 =	vmul.f32 v47, v35;
	v35 =	vld [tilespmem:$0x1F830]  }
0x337: {  	v2 =	vadd.f32 v3, v2;
	v3 =	vmul.f32 v27, v24;
	v24 =	vld [tilespmem:$0x1F810]  }
0x338: {  	v27 =	vld [tilespmem:$0x1F820]  }
0x339: {  	v11 =	vadd.f32 v3, v2;
	v2 =	vmul.f32 v13, v12;
	v12 =	vld [tilespmem:$0x1F860]  }
0x33a: {  	v13 =	vld [tilespmem:$0x1F870]  }
0x33b: {  	[tilespmem:$0x1FF10] =	vst v18;
	v18 =	vld [tilespmem:$0x1F890]  }
0x33c: {  	v1 =	vadd.f32 v7, v1;
	v0 =	vadd.f32 v6, v0;
	v6 =	vmul.f32 v23, v22;
	v22 =	vld [tilespmem:$0x1F8B0]  }
0x33d: {  	v4 =	vadd.f32 v5, v4;
	v5 =	vmul.f32 v59, v49;
	v23 =	vld [tilespmem:$0x1F8C0]  }
0x33e: {  	[tilespmem:$0x1FF40] =	vst v1;
	v1 =	vadd.f32 v2, v11;
	v11 =	vld [tilespmem:$0x1F850]  }
0x33f: {  	v14 =	vadd.f32 v5, v4;
	v4 =	vmul.f32 v16, v15;
	v15 =	vld [tilespmem:s25+$0x8FE0]  }
0x340: {  	v5 =	vmul.f32 v20, v19;
	v19 =	vld [tilespmem:$0x1F8A0]  }
0x341: {  	v20 =	vld [tilespmem:s25+$0xFF0]  }
0x342: {  	v2 =	vmul.f32 v27, v24;
	v24 =	vld [tilespmem:$0x1F8D0]  }
0x343: {  	v27 =	vld [tilespmem:$0x1F8E0]  }
0x344: {  	v3 =	vadd.f32 v4, v14;
	v4 =	vmul.f32 v9, v35;
	v14 =	vld [tilespmem:$0x1F880]  }
0x345: {  	v9 =	vld [tilespmem:$0x1F950]  }
0x346: {  	v16 =	vadd.f32 v4, v3;
	v4 =	vmul.f32 v23, v22;
	v22 =	vld [tilespmem:$0x1F920]  }
0x347: {  	v23 =	vld [tilespmem:$0x1F930]  }
0x348: {  	v0 =	vadd.f32 v5, v0;
	v5 =	vmul.f32 v12, v11;
	v11 =	vld [tilespmem:$0x1F970]  }
0x349: {  	[tilespmem:$0x1FFA0] =	vst v20;
	v20 =	vld [tilespmem:$0x1F910]  }
0x34a: {  	v7 =	vmul.f32 v14, v13;
	v13 =	vld [tilespmem:$0x1F8F0]  }
0x34b: {  	v3 =	vmul.f32 v19, v18;
	v14 =	vld [tilespmem:$0x1F900]  }
0x34c: {  	v19 =	vld [tilespmem:$0x1F9D0]  }
0x34d: {  	v1 =	vadd.f32 v2, v1;
	v12 =	vadd.f32 v3, v16;
	v16 =	vld [tilespmem:$0x1F9C0]  }
0x34e: {  	v5 =	vadd.f32 v7, v5;
	v7 =	vmul.f32 v27, v24;
	v24 =	vld [tilespmem:$0x1F940]  }
0x34f: {  	v1 =	vadd.f32 v4, v1;
	v4 =	vmul.f32 v22, v20;
	v20 =	vld [tilespmem:$0x1F9E0]  }
0x350: {  	v2 =	vmul.f32 v14, v13;
	v13 =	vld [tilespmem:$0x1F990]  }
0x351: {  	v14 =	vld [tilespmem:$0x1F9A0]  }
0x352: {  	v2 =	vadd.f32 v2, v12;
	v12 =	vld [tilespmem:$0x1F980]  }
0x353: {  	[tilespmem:$0x1FF60] =	vst v15;
	v22 =	vld [tilespmem:$0x1F9F0];
	v15 =	vadd.f32 v7, v5  }
0x354: {  	v5 =	vmul.f32 v24, v23;
	v23 =	vld [tilespmem:$0x1FA00]  }
0x355: {  	v3 =	vadd.f32 v4, v15;
	v15 =	vld [tilespmem:$0x1F9B0]  }
0x356: {  	v4 =	vmul.f32 v14, v13;
	v14 =	vld [tilespmem:$0x1FA20]  }
0x357: {  	v7 =	vmul.f32 v12, v11;
	v11 =	vld [tilespmem:$0x1FA10]  }
0x358: {  	v55 =	vld [tilespmem:s25+$0x8B80]  }
0x359: {  	v52 =	vld [tilespmem:s25+$0xB80];
	v24 =	vmul.f32 v23, v22;
	v7 =	vadd.f32 v7, v2;
	v2 =	vadd.f32 v4, v3  }
0x35a: {  	v0 =	vadd.f32 v6, v0;
	v6 =	vmul.f32 v10, v9;
	v23 =	vld [tilespmem:$0x1FA30]  }
0x35b: {  	v10 =	vmul.f32 v20, v19;
	v9 =	vmul.f32 v16, v15;
	v3 =	vadd.f32 v24, v2;
	v24 =	vld [tilespmem:$0x1FA40]  }
0x35c: {  	v15 =	vmul.f32 v14, v11;
	v11 =	vld [tilespmem:$0x1FA50]  }
0x35d: {  	v16 =	vmul.f32 v21, v26;
	v9 =	vadd.f32 v10, v9;
	v14 =	vld [tilespmem:$0x1FA60]  }
0x35e: {  	v4 =	vadd.f32 v15, v7;
	v15 =	vld [tilespmem:$0x1FA70]  }
0x35f: {  	v7 =	vadd.f32 v16, v9;
	v16 =	vld [tilespmem:$0x1FA80]  }
0x360: {  	v20 =	vld [tilespmem:$0x1FA90]  }
0x361: {  	v5 =	vadd.f32 v5, v1;
	v26 =	vmul.f32 v24, v23;
	v23 =	vld [tilespmem:$0x1FAA0]  }
0x362: {  	v55 =	vmul.f32 v55, v52;
	v52 =	vld [tilespmem:s25+$0x1060]  }
0x363: {  	v5 =	vadd.f32 v6, v5;
	v6 =	vadd.f32 v26, v3;
	v26 =	vld [tilespmem:$0x1FAB0]  }
0x364: {  	v9 =	vmul.f32 v14, v11;
	v14 =	vmul.f32 v16, v15;
	v16 =	vld [tilespmem:$0x1FAC0]  }
0x365: {  	v39 =	vld [tilespmem:s25+$0x8B90]  }
0x366: {  	v24 =	vmul.f32 v23, v20;
	v20 =	vld [tilespmem:$0x1FAD0]  }
0x367: {  	v23 =	vld [tilespmem:$0x1FAE0]  }
0x368: {  	v6 =	vadd.f32 v24, v6;
	v24 =	vld [tilespmem:$0x1FAF0]  }
0x369: {  	v16 =	vmul.f32 v16, v26;
	v26 =	vld [tilespmem:$0x1FB00]  }
0x36a: {  	v37 =	vld [tilespmem:s25+$0x8BA0]  }
0x36b: {  	v62 =	vld [tilespmem:s25+$0xBC0]  }
0x36c: {  	v63 =	vld [tilespmem:s25+$0xBD0]  }
0x36d: {  	v7 =	vadd.f32 v9, v7;
	v9 =	vmul.f32 v23, v20;
	v23 =	vadd.f32 v14, v4;
	v4 =	vld [tilespmem:$0x1FB10]  }
0x36e: {  	v15 =	vmul.f32 v26, v24;
	v24 =	vld [tilespmem:$0x1FB20]  }
0x36f: {  	v26 =	vld [tilespmem:$0x1FB30]  }
0x370: {  	v58 =	vld [tilespmem:s25+$0xB90]  }
0x371: {  	v60 =	vld [tilespmem:s25+$0xBA0]  }
0x372: {  	v61 =	vld [tilespmem:s25+$0xBB0]  }
0x373: {  	v6 =	vadd.f32 v15, v6;
	v15 =	vld [tilespmem:$0x1FB70]  }
0x374: {  	[tilespmem:$0x1FF70] =	vst v0;
	v7 =	vadd.f32 v9, v7;
	v0 =	vmul.f32 v24, v4;
	v9 =	vmul.f32 v26, v38;
	v4 =	vld [tilespmem:$0x1FB40]  }
0x375: {  	v38 =	vadd.f32 v16, v5;
	v5 =	vld [tilespmem:$0x1FB50]  }
0x376: {  	v7 =	vadd.f32 v9, v7;
	v9 =	vld [tilespmem:$0x1FB60]  }
0x377: {  	v43 =	vld [tilespmem:s25+$0x8BC0]  }
0x378: {  	v44 =	vld [tilespmem:s25+$0x8BD0]  }
0x379: {  	v28 =	vld [tilespmem:s25+$0x8BB0]  }
0x37a: {  	v16 =	vmul.f32 v5, v4;
	v4 =	vadd.f32 v0, v23;
	v23 =	vld [tilespmem:$0x1FB80]  }
0x37b: {  	v9 =	vmul.f32 v15, v9;
	v15 =	vld [tilespmem:$0x1FB90]  }
0x37c: {  	v1 =	vadd.f32 v16, v6;
	v16 =	vld [tilespmem:$0x1FBA0]  }
0x37d: {  	v6 =	vld [tilespmem:$0x1FBB0]  }
0x37e: {  	v42 =	vld [tilespmem:s25+$0x8BE0]  }
0x37f: {  	v41 =	vld [tilespmem:s25+$0xBF0]  }
0x380: {  	v39 =	vmul.f32 v39, v58;
	v58 =	vld [tilespmem:$0x1FD90]  }
0x381: {  	v23 =	vmul.f32 v15, v23;
	v15 =	vld [tilespmem:$0x1FBC0]  }
0x382: {  	v0 =	vmul.f32 v16, v6;
	v16 =	vld [tilespmem:$0x1FBD0]  }
0x383: {  	v46 =	vld [tilespmem:s25+$0xBE0]  }
0x384: {  	v40 =	vld [tilespmem:s25+$0x8BF0]  }
0x385: {  	v56 =	vld [tilespmem:s25+$0xF80]  }
0x386: {  	v43 =	vmul.f32 v43, v62;
	v62 =	vld [tilespmem:$0x1FE50]  }
0x387: {  	v3 =	vmul.f32 v16, v15;
	v15 =	vld [tilespmem:$0x1FBE0]  }
0x388: {  	v16 =	vld [tilespmem:$0x1FBF0]  }
0x389: {  	v63 =	vmul.f32 v44, v63;
	v44 =	vld [tilespmem:s25+$0xCB0]  }
0x38a: {  	v28 =	vmul.f32 v28, v61;
	v61 =	vld [tilespmem:$0x1FE10]  }
0x38b: {  	v45 =	vld [tilespmem:s25+$0x8F80]  }
0x38c: {  	v0 =	vadd.f32 v0, v1;
	v1 =	vld [tilespmem:$0x1FC00]  }
0x38d: {  	v2 =	vmul.f32 v16, v15;
	v15 =	vld [tilespmem:$0x1FC10]  }
0x38e: {  	v40 =	vmul.f32 v40, v41;
	v41 =	vld [tilespmem:s25+$0x8CD0]  }
0x38f: {  	v48 =	vld [tilespmem:s25+$0xFB0]  }
0x390: {  	v53 =	vld [tilespmem:s25+$0xF90]  }
0x391: {  	v50 =	vld [tilespmem:s25+$0xFA0]  }
0x392: {  	v1 =	vmul.f32 v15, v1;
	v15 =	vld [tilespmem:$0x1FC20]  }
0x393: {  	v51 =	vld [tilespmem:s25+$0x8FB0]  }
0x394: {  	v57 =	vld [tilespmem:s25+$0x8F90]  }
0x395: {  	v54 =	vld [tilespmem:s25+$0x8FA0];
	v9 =	vadd.f32 v9, v7  }
0x396: {  	v23 =	vadd.f32 v23, v4;
	v4 =	vld [tilespmem:$0x1FC70]  }
0x397: {  	v2 =	vadd.f32 v2, v9;
	v9 =	vmul.f32 v15, v25;
	v15 =	vld [tilespmem:$0x1FC80]  }
0x398: {  	v47 =	vld [tilespmem:s25+$0xFC0]  }
0x399: {  	v49 =	vld [tilespmem:s25+$0x8FC0]  }
0x39a: {  	v0 =	vadd.f32 v3, v0;
	v3 =	vmul.f32 v30, v8;
	v30 =	vld [tilespmem:$0x1FC40]  }
0x39b: {  	v59 =	vld [tilespmem:s25+$0x8FD0]  }
0x39c: {  	v4 =	vmul.f32 v15, v4;
	v15 =	vld [tilespmem:$0x1FC90]  }
0x39d: {  	v35 =	vld [tilespmem:s25+$0x8FF0]  }
0x39e: {  	v18 =	vld [tilespmem:s25+$0xC10]  }
0x39f: {  	v1 =	vadd.f32 v17, v1;
	v17 =	vmul.f32 v30, v29;
	v29 =	vld [tilespmem:$0x1FC50]  }
0x3a0: {  	v30 =	vld [tilespmem:$0x1FC60]  }
0x3a1: {  	v1 =	vadd.f32 v3, v1;
	v3 =	vmul.f32 v31, v15;
	v31 =	vmul.f32 v36, v34;
	v34 =	vld [tilespmem:$0x1FCA0]  }
0x3a2: {  	v36 =	vld [tilespmem:$0x1FCB0]  }
0x3a3: {  	[tilespmem:$0x1FFB0] =	vst v35;
	v35 =	vld [tilespmem:s25+$0xC00]  }
0x3a4: {  	v27 =	vld [tilespmem:s25+$0x8C00]  }
0x3a5: {  	v19 =	vld [tilespmem:s25+$0xC20]  }
0x3a6: {  	v13 =	vld [tilespmem:s25+$0x8C20];
	v2 =	vadd.f32 v9, v2;
	v29 =	vmul.f32 v29, v30  }
0x3a7: {  	v21 =	vld [tilespmem:s25+$0xC30];
	v0 =	vadd.f32 v17, v0;
	v17 =	vmul.f32 v34, v36  }
0x3a8: {  	v12 =	vld [tilespmem:s25+$0x8C10];
	v2 =	vadd.f32 v29, v2  }
0x3a9: {  	v36 =	vadd.f32 v4, v23;
	v4 =	vadd.f32 v17, v0;
	v17 =	vld [tilespmem:$0x1FCF0]  }
0x3aa: {  	v2 =	vadd.f32 v31, v2;
	v31 =	vld [tilespmem:$0x1FCD0]  }
0x3ab: {  	v34 =	vld [tilespmem:$0x1FCE0]  }
0x3ac: {  	v22 =	vld [tilespmem:s25+$0xC40]  }
0x3ad: {  	v23 =	vld [tilespmem:$0x1FD00]  }
0x3ae: {  	v17 =	vmul.f32 v33, v17;
	v33 =	vld [tilespmem:$0x1FD10]  }
0x3af: {  	v10 =	vld [tilespmem:s25+$0x8C30]  }
0x3b0: {  	v12 =	vmul.f32 v12, v18;
	v18 =	vld [tilespmem:s25+$0x8CA0];
	v31 =	vmul.f32 v34, v31  }
0x3b1: {  	v15 =	vld [tilespmem:$0x1FCC0]  }
0x3b2: {  	v2 =	vadd.f32 v31, v2;
	v31 =	vld [tilespmem:$0x1FD30]  }
0x3b3: {  	v33 =	vmul.f32 v33, v23;
	v23 =	vld [tilespmem:$0x1FD20]  }
0x3b4: {  	v10 =	vmul.f32 v10, v21;
	v21 =	vld [tilespmem:$0x1FF50]  }
0x3b5: {  	v11 =	vld [tilespmem:s25+$0x8C40]  }
0x3b6: {  	v20 =	vld [tilespmem:s25+$0xC50]  }
0x3b7: {  	v1 =	vadd.f32 v3, v1;
	v3 =	vld [tilespmem:$0x1FD40]  }
0x3b8: {  	v32 =	vmul.f32 v32, v15;
	v0 =	vmul.f32 v31, v23;
	v23 =	vld [tilespmem:$0x1FD50]  }
0x3b9: {  	v14 =	vld [tilespmem:s25+$0x8C50]  }
0x3ba: {  	v24 =	vld [tilespmem:s25+$0xC60];
	v1 =	vadd.f32 v32, v1  }
0x3bb: {  	v5 =	vld [tilespmem:s25+$0x8C60]  }
0x3bc: {  	v17 =	vadd.f32 v17, v1;
	v1 =	vld [tilespmem:$0x1FD60]  }
0x3bd: {  	v3 =	vmul.f32 v23, v3;
	v23 =	vld [tilespmem:$0x1FD70]  }
0x3be: {  	v26 =	vld [tilespmem:s25+$0xC70]  }
0x3bf: {  	v4 =	vadd.f32 v33, v4;
	v33 =	vld [tilespmem:$0x1FD80]  }
0x3c0: {  	v7 =	vld [tilespmem:s25+$0x9000]  }
0x3c1: {  	v5 =	vmul.f32 v5, v24;
	v24 =	vld [tilespmem:s25+$0x1090]  }
0x3c2: {  	v6 =	vld [tilespmem:s25+$0x8C70];
	v1 =	vmul.f32 v23, v1  }
0x3c3: {  	v8 =	vld [tilespmem:s25+$0x9010]  }
0x3c4: {  	v1 =	vadd.f32 v1, v17;
	v17 =	vmul.f32 v58, v33;
	v33 =	vmul.f32 v37, v60;
	v60 =	vld [tilespmem:$0x1FDA0]  }
0x3c5: {  	v58 =	vld [tilespmem:$0x1FDB0]  }
0x3c6: {  	v16 =	vld [tilespmem:s25+$0x1000]  }
0x3c7: {  	v25 =	vld [tilespmem:s25+$0x1010]  }
0x3c8: {  	v30 =	vld [tilespmem:s25+$0x1020];
	v2 =	vadd.f32 v0, v2  }
0x3c9: {  	v9 =	vld [tilespmem:s25+$0x9020]  }
0x3ca: {  	v2 =	vadd.f32 v3, v2;
	v3 =	vadd.f32 v39, v55;
	v55 =	vmul.f32 v58, v60;
	v60 =	vld [tilespmem:$0x1FDC0]  }
0x3cb: {  	v58 =	vld [tilespmem:$0x1FDD0]  }
0x3cc: {  	v29 =	vld [tilespmem:s25+$0x1030]  }
0x3cd: {  	v15 =	vld [tilespmem:s25+$0x9030]  }
0x3ce: {  	v32 =	vld [tilespmem:s25+$0x9040]  }
0x3cf: {  	v34 =	vld [tilespmem:s25+$0x1040]  }
0x3d0: {  	v1 =	vadd.f32 v17, v1;
	v17 =	vmul.f32 v58, v60;
	v58 =	vld [tilespmem:$0x1FDE0]  }
0x3d1: {  	v60 =	vld [tilespmem:$0x1FDF0]  }
0x3d2: {  	v31 =	vld [tilespmem:s25+$0x1050]  }
0x3d3: {  	v0 =	vld [tilespmem:s25+$0x9060]  }
0x3d4: {  	v39 =	vld [tilespmem:s25+$0x1070]  }
0x3d5: {  	v23 =	vld [tilespmem:s25+$0x9050]  }
0x3d6: {  	v58 =	vmul.f32 v60, v58;
	v60 =	vld [tilespmem:$0x1FE00]  }
0x3d7: {  	v3 =	vadd.f32 v33, v3;
	v33 =	vld [tilespmem:s25+$0xC80]  }
0x3d8: {  	v2 =	vadd.f32 v55, v2;
	v55 =	vld [tilespmem:s25+$0x8C80]  }
0x3d9: {  	v37 =	vld [tilespmem:s25+$0x9070]  }
0x3da: {  	v4 =	vadd.f32 v58, v4;
	v58 =	vld [tilespmem:$0x1FE40]  }
0x3db: {  	v1 =	vadd.f32 v17, v1;
	v17 =	vmul.f32 v61, v60;
	v60 =	vld [tilespmem:$0x1FE20]  }
0x3dc: {  	v61 =	vld [tilespmem:$0x1FE30]  }
0x3dd: {  	v55 =	vmul.f32 v55, v33;
	v33 =	vmul.f32 v51, v48;
	v48 =	vld [tilespmem:$0x1FEE0]  }
0x3de: {  	v51 =	vmul.f32 v15, v29;
	v29 =	vld [tilespmem:$0x1FF90]  }
0x3df: {  	v1 =	vadd.f32 v17, v1;
	v17 =	vmul.f32 v62, v58;
	v58 =	vld [tilespmem:s25+$0x8C90]  }
0x3e0: {  	v3 =	vadd.f32 v28, v3;
	v62 =	vld [tilespmem:$0x1FE70]  }
0x3e1: {  	v1 =	vadd.f32 v17, v1;
	v17 =	vmul.f32 v27, v35;
	v35 =	vld [tilespmem:s25+$0x10A0];
	v60 =	vmul.f32 v61, v60  }
0x3e2: {  	v61 =	vld [tilespmem:s25+$0xC90]  }
0x3e3: {  	v28 =	vadd.f32 v60, v2;
	v2 =	vadd.f32 v43, v3;
	v60 =	vld [tilespmem:$0x1FE60]  }
0x3e4: {  	v43 =	vld [tilespmem:s25+$0xCA0]  }
0x3e5: {  	v2 =	vadd.f32 v63, v2;
	v63 =	vmul.f32 v42, v46;
	v46 =	vld [tilespmem:s25+$0x8CB0]  }
0x3e6: {  	v42 =	vld [tilespmem:$0x1FE80]  }
0x3e7: {  	v2 =	vadd.f32 v63, v2;
	v63 =	vld [tilespmem:s25+$0xCD0]  }
0x3e8: {  	v27 =	vmul.f32 v62, v60;
	v60 =	vmul.f32 v58, v61;
	v61 =	vld [tilespmem:s25+$0xCC0]  }
0x3e9: {  	v62 =	vld [tilespmem:s25+$0x8CC0]  }
0x3ea: {  	v18 =	vmul.f32 v18, v43;
	v43 =	vld [tilespmem:$0x1FE90]  }
0x3eb: {  	v13 =	vmul.f32 v13, v19;
	v58 =	vld [tilespmem:s25+$0x1080]  }
0x3ec: {  	v12 =	vadd.f32 v12, v17;
	v2 =	vadd.f32 v40, v2;
	v40 =	vmul.f32 v45, v56;
	v56 =	vld [tilespmem:s25+$0xCF0]  }
0x3ed: {  	v17 =	vmul.f32 v46, v44;
	v44 =	vld [tilespmem:s25+$0xCE0]  }
0x3ee: {  	v12 =	vadd.f32 v13, v12;
	v46 =	vld [tilespmem:s25+$0x8CE0]  }
0x3ef: {  	v3 =	vadd.f32 v60, v55;
	v55 =	vmul.f32 v57, v53;
	v57 =	vld [tilespmem:s25+$0x8CF0]  }
0x3f0: {  	v11 =	vmul.f32 v11, v22;
	v10 =	vadd.f32 v10, v12;
	v1 =	vadd.f32 v27, v1;
	v27 =	vld [tilespmem:s25+$0x9090]  }
0x3f1: {  	v60 =	vmul.f32 v54, v50;
	v50 =	vld [tilespmem:$0x1FEF0]  }
0x3f2: {  	v10 =	vadd.f32 v11, v10;
	v45 =	vmul.f32 v14, v20;
	v53 =	vld [tilespmem:s25+$0x90C0]  }
0x3f3: {  	v54 =	vld [tilespmem:$0x1FF00]  }
0x3f4: {  	v10 =	vadd.f32 v45, v10;
	v45 =	vld [tilespmem:s25+$0x90B0]  }
0x3f5: {  	v2 =	vadd.f32 v40, v2;
	v40 =	vmul.f32 v8, v25;
	v25 =	vld [tilespmem:s25+$0x90E0]  }
0x3f6: {  	v12 =	vmul.f32 v41, v63;
	v63 =	vld [tilespmem:$0x1FEB0]  }
0x3f7: {  	v41 =	vld [tilespmem:s25+$0x90A0]  }
0x3f8: {  	v13 =	vmul.f32 v62, v61;
	v61 =	vld [tilespmem:s25+$0x9080]  }
0x3f9: {  	v3 =	vadd.f32 v18, v3;
	v62 =	vld [tilespmem:$0x1FEA0]  }
0x3fa: {  	v22 =	vmul.f32 v43, v42;
	v42 =	vld [tilespmem:s25+$0x10B0]  }
0x3fb: {  	v43 =	vmul.f32 v49, v47;
	v47 =	vld [tilespmem:$0x1FED0];
	v3 =	vadd.f32 v17, v3  }
0x3fc: {  	v49 =	vld [tilespmem:s25+$0x10C0]  }
0x3fd: {  	v6 =	vmul.f32 v6, v26;
	v2 =	vadd.f32 v55, v2;
	v55 =	vld [tilespmem:$0x1FF10];
	v3 =	vadd.f32 v13, v3  }
0x3fe: {  	v5 =	vadd.f32 v5, v10;
	v1 =	vadd.f32 v22, v1;
	v22 =	vmul.f32 v46, v44;
	v46 =	vld [tilespmem:$0x1FEC0]  }
0x3ff: {  	v11 =	vmul.f32 v57, v56;
	v57 =	vld [tilespmem:s25+$0x10D0];
	v3 =	vadd.f32 v12, v3  }
0x400: {  	v26 =	vmul.f32 v7, v16;
	v2 =	vadd.f32 v60, v2;
	v5 =	vadd.f32 v6, v5;
	v60 =	vld [tilespmem:s25+$0x90D0]  }
0x401: {  	v7 =	vmul.f32 v27, v24;
	v27 =	vld [tilespmem:$0x1FF80];
	v3 =	vadd.f32 v22, v3  }
0x402: {  	v5 =	vadd.f32 v26, v5;
	v26 =	vld [tilespmem:$0x1FF70]  }
0x403: {  	v20 =	vmul.f32 v63, v62;
	v10 =	vmul.f32 v61, v58;
	v58 =	vld [tilespmem:$0x1FF20];
	v3 =	vadd.f32 v11, v3  }
0x404: {  	v44 =	vmul.f32 v9, v30;
	v61 =	vld [tilespmem:$0x1FF30];
	v5 =	vadd.f32 v40, v5  }
0x405: {  	v0 =	vmul.f32 v0, v52;
	v1 =	vadd.f32 v20, v1;
	(xrf2) =	vadd.scan.msk.f32 $0xffff, v46;
	v20 =	vld [tilespmem:$0x1FF40];
	v3 =	vadd.f32 v10, v3  }
0x406: {  	v24 =	vmul.f32 v23, v31;
	v2 =	vadd.f32 v33, v2;
	v22 =	vld [tilespmem:$0x1FF60];
	(xrf2) =	vadd.scan.msk.f32 $0xffff, v50;
	v5 =	vadd.f32 v44, v5  }
0x407: {  	v56 =	vmul.f32 v41, v35;
	v33 =	vld [tilespmem:$0x1FFA0];
	v16 =	vmul.f32 v48, v47;
	(xrf2) =	vadd.scan.msk.f32 $0xffff, v54;
	v3 =	vadd.f32 v7, v3  }
0x408: {  	v14 =	vmul.f32 v59, v55;
	v59 =	vmul.f32 v32, v34;
	v34 =	vld [tilespmem:$0x1FFB0];
	(xrf2) =	vadd.scan.msk.f32 $0xffff, v58;
	v5 =	vadd.f32 v51, v5  }
0x409: {  	v31 =	vld [tilespmem:s25+$0x10F0];
	v62 =	vmul.f32 v45, v42;
	v2 =	vadd.f32 v43, v2;
	(xrf2) =	vadd.scan.msk.f32 $0xffff, v61;
	v3 =	vadd.f32 v56, v3  }
0x40a: {  	v63 =	vld [tilespmem:s25+$0x10E0];
	v30 =	vmul.f32 v53, v49;
	v15 =	vmul.f32 v29, v27;
	(xrf2) =	vadd.scan.msk.f32 $0xffff, v20;
	v5 =	vadd.f32 v59, v5  }
0x40b: {  	v40 =	vld [tilespmem:$0x1FFC0];
	v2 =	vadd.f32 v14, v2;
	v11 =	vmul.f32 v22, v21;
	(xrf2) =	vadd.scan.msk.f32 $0xffff, v26;
	v3 =	vadd.f32 v62, v3  }
0x40c: {  	v32 =	vld [tilespmem:s25+$0x90F0];
	v35 =	vmul.f32 v60, v57;
	v1 =	vadd.f32 v16, v1;
	(xrf2) =	vadd.scan.msk.f32 $0xffff, v38;
	v5 =	vadd.f32 v24, v5  }
0x40d: {  	v2 =	vadd.f32 v11, v2;
	v11 =	vmul.f32 v34, v33;
	(xrf2) =	vadd.scan.msk.f32 $0xffff, v36;
	v3 =	vadd.f32 v30, v3  }
0x40e: {  	v1 =	vadd.f32 v15, v1;
	v36 =	vmul.f32 v37, v39;
	(xrf2) =	vadd.scan.msk.f32 $0xffff, v4;
	v0 =	vadd.f32 v0, v5  }
0x40f: {  	v38 =	vmul.f32 v25, v63;
	v2 =	vadd.f32 v11, v2;
	v37, _, _ =	vpop (xrf2);
	(xrf2) =	vadd.scan.msk.f32 $0xffff, v28;
	v3 =	vadd.f32 v35, v3  }
0x410: {  	v39, _, _ =	vpop (xrf2);
	(xrf2) =	vadd.scan.msk.f32 $0xffff, v1;
	v1 =	vbroadcast v40, $0xF;
	v5 =	vbroadcast v37, $0xF;
	v0 =	vadd.f32 v36, v0  }
0x411: {  	v43 =	vmul.f32 v32, v31;
	v41, _, _ =	vpop (xrf2);
	(xrf2) =	vadd.scan.msk.f32 $0xffff, v2;
	v44 =	vbroadcast v39, $0xF;
	v42 =	vadd.f32 v38, v3  }
0x412: {  	v1 =	vsel vm1, v1, v5;
	v4 =	vbroadcast v41, $0xF;
	v45, _, _ =	vpop (xrf2);
	(xrf2) =	vadd.scan.msk.f32 $0xffff, v0  }
0x413: {  	v46, _, _ =	vpop (xrf2);
	v1 =	vsel vm2, v1, v44;
	v5 =	vbroadcast v45, $0xF;
	v2 =	vadd.f32 v43, v42  }
0x414: {  	v47, _, _ =	vpop (xrf2);
	v1 =	vsel vm3, v1, v4;
	v0 =	vbroadcast v46, $0xF  }
0x415: {  	v1 =	vsel vm4, v1, v5;
	v3 =	vbroadcast v47, $0xF;
	v48, _, _ =	vpop (xrf2);
	(xrf2) =	vadd.scan.msk.f32 $0xffff, v2  }
0x416: {  	v49, _, _ =	vpop (xrf2);
	v0 =	vsel vm5, v1, v0;
	v50 =	vbroadcast v48, $0xF  }
0x417: {  	v51, _, _ =	vpop (xrf2);
	v0 =	vsel vm6, v0, v3;
	v2 =	vbroadcast v49, $0xF  }
0x418: {  	v52, _, _ =	vpop (xrf2);
	v0 =	vsel vm7, v0, v50;
	v53 =	vbroadcast v51, $0xF  }
0x419: {  	v54, _, _ =	vpop (xrf2);
	v55 =	vbroadcast v52, $0xF;
	v0 =	vsel vm8, v0, v2  }
0x41a: {  	v56, _, _ =	vpop (xrf2);
	v57 =	vbroadcast v54, $0xF;
	v0 =	vsel vm9, v0, v53  }
0x41b: {  	v58, _, _ =	vpop (xrf2);
	v59 =	vbroadcast v56, $0xF;
	v0 =	vsel vm10, v0, v55  }
0x41c: {  	v60, _, _ =	vpop (xrf2);
	v61 =	vbroadcast v58, $0xF;
	v0 =	vsel vm11, v0, v57  }
0x41d: {  	v62 =	vbroadcast v60, $0xF;
	v0 =	vsel vm12, v0, v59  }
0x41e: {  	v0 =	vsel vm13, v0, v61  }
0x41f: {  	v0 =	vsel vm14, v0, v62;
	v63, _, _ =	vpop (xrf2)  }
0x420: {  	v0 =	vsel vm15, v0, v63  }
0x421: {  	v0 =	vmul.f32 $1.767766920e-01, v0;
	_ =	sdelay $0x1  }
0x422: {  	v0 =	vmul.f32 $1.442695020e+00, v0;
	_ =	sdelay $0x1  }
0x423: {  	(erf) = vpow2.f32 v0;
	_ =	sdelay $0x4  }
0x424: {  	p0 =	sne.s32 s24, $0x7  }
.Ltmp0:
0x425: {  	_ = 	snop;
	(pc) =	sbr.rel @p0 .LBB2_3-.Ltmp0, $4  }
0x426: {  	_ = 	snop  }
0x427: {  	s25 =	sshll.u32 s24, $0x4  }
0x428: {  	s25 =	sand.u32 $0x3FFFFFF0, s25;
	v0 =	vpop (erf)  }
0x429: {  	s24 =	sadd.s32 $0x1, s24;
	[tilespmem:s25+$0x10100] =	vst v0  }
0x42a: {  	s22 =	sadd.s32 $0x1, s22  }
0x42b: {  	p0 =	sne.s32 s22, $0x28  }
.Ltmp1:
0x42c: {  	s23 =	sadd.s32 s7, s23;
	s24 =	simm.s32 $0x0;
	(pc) =	sbr.rel @p0 .LBB2_2-.Ltmp1, $4  }
0x42d: {  	[hbm4b:s23+s24] =	stream.linear.scatter [tilespmem:s21], [sflag:$0x2], $0x80, $0x38;
	[tilespmem:$0x10180] =	vst v63  }
0x42e: {  	_ =	swait.ge [sflag:s10], $0x80  }
0x42f: {  	[sflag:s10] =	ssyncset.done $0x0  }
0x430: {  	[sflag:s10] =	ssyncadd.s32 $0xFFFFFF80  }
0x431: {  	s23 =	rddreg [dreg:$0x3]  }
0x432: {  	s22 =	rddreg [dreg:$0x2];
	s23 =	sadd.s32 $0x1, s23  }
0x433: {  	p0 =	sne.s32 s23, s22  }
.Ltmp2:
0x434: {  	_ = 	snop;
	(pc) =	sbr.rel @p0 .LBB2_1-.Ltmp2, $1  }
0x435: {  	_ =	sdelay $0x3  }
0x436: {  	_ =	sfence.sel $0x180000  }
0x437: {  	[bflag:$0x0] =	sbarrier.arrive $0xFFFF  }
0x438: {  	_ =	strace $0x90000047  }
0x439: {  	s0 =	stileid.u32;
	[bflag:$0x2] =	sbarrier.arrive $0xFFFF  }
0x43a: {  	p0 =	sne.s32 s0, $0x0;
	s0 =	rddreg [dreg:$0x1]  }
0x43b: {  	s0 =	sadd.s32 @!p0 $0x100000, s0  }
0x43c: {  	[sflag:s0] =	ssyncadd.tile.s32 @!p0 $0x1;
	_ =	shalt  }
.Lfunc_end2:
_tile_overlayer_lowered:
.L_overlay_start_2:
0x43d: {  	(tag) =	ssettag $0x2  }
0x43e: {  	s0 =	rddreg [dreg:$0x0];
	s2 =	stileid.u32  }
0x43f: {  	s1 =	rddreg [dreg:$0x1];
	p0 =	sne.s32 s2, $0x0  }
0x440: {  	s3 =	rddreg [dreg:$0x2];
	[bflag:$0x3] =	sbarrier.arrive $0xFFFF;
	s2 =	simm.s32 @!p0 $0x1C02  }
0x441: {  	[timem:s3], [sflag:s2] =	dma.local @!p0 [hbm:s0], s1  }
0x442: {  	s0 =	simm.s32 @!p0 $0x2  }
0x443: {  	_ =	swait.ge @!p0 [sflag:s0], s1  }
0x444: {  	s1 =	ssub.s32 @!p0 $0x0, s1;
	[sflag:s0] =	ssyncset.done @!p0 $0x0  }
0x445: {  	[sflag:s0] =	ssyncadd.s32 @!p0 s1  }
0x446: {  	[bflag:$0x3] =	sbarrier.arrive $0xFFFF  }
0x447: {  	_ =	shalt  }

// kernel: kernel.9.cloned.1.call-start
scs
__scs_entry_jumppad:
0x0: {  	(pc) =	sbr.rel $0x88, $3  }
0x1: {  	(tag) =	ssettag $0x0;
	lr =	simm.s32 $0x1  }
0x2: {  	[smem:$0x3F9A] =	sst lr;
	_ =	strace $0xD0000000  }
0x3: {  	_ = 	snop  }
0x4: {  	_ = 	snop  }
0x5: {  	_ = 	snop  }
0x6: {  	_ = 	snop  }
0x7: {  	_ = 	snop  }
__scs_overlays_trampoline_lowered:
0x8: {  	[smem:$0x3FA9] =	sst s0  }
0x9: {  	[smem:$0x3FAA] =	sst s1  }
0xa: {  	[smem:$0x3FAB] =	sst s2  }
0xb: {  	[smem:$0x3FAC] =	sst s3  }
0xc: {  	[smem:$0x3FAD] =	sst s4  }
0xd: {  	[smem:$0x3FAE] =	sst s5  }
0xe: {  	[smem:$0x3FAF] =	sst s6  }
0xf: {  	[smem:$0x3FB0] =	sst s7  }
0x10: {  	[smem:$0x3FB1] =	sst s8  }
0x11: {  	[smem:$0x3FB2] =	sst s9;
	s0 =	simm.s32 @!p0 $0x0  }
0x12: {  	s1 =	sld [smem:$0x3F98];
	s0 =	simm.s32 @p0 $0x1  }
0x13: {  	[smem:$0x3FB3] =	sst s0;
	s0 =	simm.s32 @!p1 $0x0  }
0x14: {  	s2 =	sld [smem:$0x3F97];
	s0 =	simm.s32 @p1 $0x1  }
0x15: {  	[smem:$0x3FB4] =	sst s0;
	s0 =	simm.s32 @!p2 $0x0  }
0x16: {  	s3 =	sld [smem:$0x3FDB];
	s0 =	simm.s32 @p2 $0x1  }
0x17: {  	s4 =	simm.s32 $0x1BF5;
	[smem:$0x3FB6] =	sst s0  }
0x18: {  	s0 =	sld [smem:$0x3F99];
	_ =	swait.ge [sflag:s4], $0x0  }
0x19: {  	s7 =	sld [smem:$0x3F9A]  }
0x1a: {  	s8 =	sadd.s32 $0xFFFFE003, lr  }
0x1b: {  	s9 =	sadd.s32 $0xFFFFFEF7, lr;
	s5 =	simm.s32 $0xFFFFFFFF;
	p2 =	slt.u32 s8, $0xFFFFF086  }
0x1c: {  	p1 =	slt.u32 s9, $0xF7A;
	s5 =	simm.s32 @!p2 $0x0  }
0x1d: {  	s5 =	simm.s32 @p1 $0x1;
	p0 =	seq.s32 s7, s2  }
0x1e: {  	s7 =	smul.u32 @!p0 $0xF7A, s2;
	p2 =	seq.s32 @!p0 s5, $0x0  }
0x1f: {  	s9 =	smul.u32 $0xF7A, s1;
	s8 =	simm.s32 @!p0 $0x1BF5;
	p2 =	por !p2, p0  }
0x20: {  	[sflag:s8] =	ssyncset.s32 @!p0 $0xFFFFF086;
	s6 =	sadd.s32 @!p0 s3, s7;
	s7 =	simm.s32 @!p0 $0x108  }
0x21: {  	s3 =	sadd.s32 s3, s9;
	s6 =	sadd.s32 @!p0 $0x88, s6;
	s7 =	simm.s32 @p2 $0x1082  }
0x22: {  	[simem:s7], [sflag:s8] =	dma.local @!p0 [hbm:s6], $0xF7A  }
0x23: {  	s9 =	sor.u32 $0xD0000000, s2;
	s6 =	simm.s32 $0x108;
	_ =	swait.ge @!p0 [sflag:s8], $0x0  }
0x24: {  	s3 =	sadd.s32 $0x88, s3;
	s6 =	simm.s32 @!p1 $0x1082;
	[sflag:s4] =	ssyncset.s32 $0xFFFFF086  }
0x25: {  	[simem:s6], [sflag:s4] =	dma.local [hbm:s3], $0xF7A  }
0x26: {  	[smem:$0x3F9A] =	sst s1;
	(tag) =	ssettag s2;
	_ =	strace s9  }
0x27: {  	s1 =	sld [smem:$0x3FAA]  }
0x28: {  	s2 =	sld [smem:$0x3FAB]  }
0x29: {  	s4 =	sld [smem:$0x3FAD]  }
0x2a: {  	p0 =	seq.s32 s5, $0x0;
	s5 =	sld [smem:$0x3FAE]  }
0x2b: {  	s6 =	sld [smem:$0x3FAF]  }
0x2c: {  	s7 =	sld [smem:$0x3FB0]  }
0x2d: {  	s3 =	simm.s32 $0x108;
	s8 =	sld [smem:$0x3FB1]  }
0x2e: {  	s3 =	simm.s32 @!p0 $0x1082;
	s9 =	sld [smem:$0x3FB2]  }
0x2f: {  	lr =	sadd.s32 s0, s3;
	s0 =	sld [smem:$0x3FA9]  }
0x30: {  	s3 =	sld [smem:$0x3FAC]  }
0x31: {  	[smem:$0x3FB5] =	sst s10  }
0x32: {  	s10 =	sld [smem:$0x3FB3];
	_ =	sdelay $0x3  }
0x33: {  	p0 =	seq.s32 s10, $0x1;
	s10 =	sld [smem:$0x3FB5];
	_ =	sdelay $0x3  }
0x34: {  	[smem:$0x3FB5] =	sst s10  }
0x35: {  	s10 =	sld [smem:$0x3FB4];
	_ =	sdelay $0x3  }
0x36: {  	p1 =	seq.s32 s10, $0x1;
	s10 =	sld [smem:$0x3FB5];
	_ =	sdelay $0x3  }
0x37: {  	[smem:$0x3FB5] =	sst s10  }
0x38: {  	s10 =	sld [smem:$0x3FB6]  }
0x39: {  	_ = 	snop;
	(pc) =	sbr.ind lr, $3  }
0x3a: {  	_ = 	snop  }
0x3b: {  	_ = 	snop  }
0x3c: {  	p2 =	seq.s32 s10, $0x1;
	s10 =	sld [smem:$0x3FB5]  }
0x3d: {  	_ =	shalt  }
0x3e: {  	_ =	shalt  }
0x3f: {  	_ =	shalt  }
0x40: {  	_ =	shalt  }
0x41: {  	_ =	shalt  }
0x42: {  	_ =	shalt  }
0x43: {  	_ =	shalt  }
0x44: {  	_ =	shalt  }
0x45: {  	_ =	shalt  }
0x46: {  	_ =	shalt  }
0x47: {  	_ =	shalt  }
0x48: {  	_ =	shalt  }
0x49: {  	_ =	shalt  }
0x4a: {  	_ =	shalt  }
0x4b: {  	_ =	shalt  }
0x4c: {  	_ =	shalt  }
0x4d: {  	_ =	shalt  }
0x4e: {  	_ =	shalt  }
0x4f: {  	_ =	shalt  }
0x50: {  	_ =	shalt  }
0x51: {  	_ =	shalt  }
0x52: {  	_ =	shalt  }
0x53: {  	_ =	shalt  }
0x54: {  	_ =	shalt  }
0x55: {  	_ =	shalt  }
0x56: {  	_ =	shalt  }
0x57: {  	_ =	shalt  }
0x58: {  	_ =	shalt  }
0x59: {  	_ =	shalt  }
0x5a: {  	_ =	shalt  }
0x5b: {  	_ =	shalt  }
0x5c: {  	_ =	shalt  }
0x5d: {  	_ =	shalt  }
0x5e: {  	_ =	shalt  }
0x5f: {  	_ =	shalt  }
0x60: {  	_ =	shalt  }
0x61: {  	_ =	shalt  }
0x62: {  	_ =	shalt  }
0x63: {  	_ =	shalt  }
0x64: {  	_ =	shalt  }
0x65: {  	_ =	shalt  }
0x66: {  	_ =	shalt  }
0x67: {  	_ =	shalt  }
0x68: {  	_ =	shalt  }
0x69: {  	_ =	shalt  }
0x6a: {  	_ =	shalt  }
0x6b: {  	_ =	shalt  }
0x6c: {  	_ =	shalt  }
0x6d: {  	_ =	shalt  }
0x6e: {  	_ =	shalt  }
0x6f: {  	_ =	shalt  }
0x70: {  	_ =	shalt  }
0x71: {  	_ =	shalt  }
0x72: {  	_ =	shalt  }
0x73: {  	_ =	shalt  }
0x74: {  	_ =	shalt  }
0x75: {  	_ =	shalt  }
0x76: {  	_ =	shalt  }
0x77: {  	_ =	shalt  }
0x78: {  	_ =	shalt  }
0x79: {  	_ =	shalt  }
0x7a: {  	_ =	shalt  }
0x7b: {  	_ =	shalt  }
0x7c: {  	_ =	shalt  }
0x7d: {  	_ =	shalt  }
0x7e: {  	_ =	shalt  }
0x7f: {  	_ =	shalt  }
0x80: {  	_ =	shalt  }
0x81: {  	_ =	shalt  }
0x82: {  	_ =	shalt  }
0x83: {  	_ =	shalt  }
0x84: {  	_ =	shalt  }
0x85: {  	_ =	shalt  }
0x86: {  	_ =	shalt  }
0x87: {  	_ =	shalt  }
.Lfunc_end0:
.L_simem_size_0:
called_computation.1_lowered:
.L_overlay_start_0:
0x88: {  	s2 =	sld [smem:$0x3FD9]  }
0x89: {  	s3 =	sld [smem:$0x3FFE];
	_ =	sdelay $0x1  }
0x8a: {  	s1 =	srdreg.scid  }
0x8b: {  	s0 =	sand.u32 $0x1, s1  }
0x8c: {  	s17 =	sshll.u32 s0, $0xA;
	s2 =	sadd.s32 s3, s2  }
0x8d: {  	s2 =	sadd.s32 s2, s17  }
0x8e: {  	[smem:$0x3FC1] =	sst s2  }
0x8f: {  	_ = 	snop  }
0x90: {  	s2 =	sld [smem:$0x3FD0];
	(tm) =	ssettm $0x1  }
0x91: {  	s18 =	sld [smem:$0x3FFB];
	_ =	sdelay $0x3  }
0x92: {  	_ =	strace s18  }
0x93: {  	s3 =	sld [smem:$0x3FFC];
	_ =	sdelay $0x3  }
0x94: {  	_ =	strace s3  }
0x95: {  	s3 =	sld [smem:$0x3FFD];
	_ =	sdelay $0x3  }
0x96: {  	_ =	strace s3  }
0x97: {  	_ =	strace $0x8FFFFFFF  }
0x98: {  	s19 =	sld [smem:$0x3FDB];
	_ =	sdelay $0x1  }
0x99: {  	s4 =	simm.s32 $_scs_section_size  }
0x9a: {  	s5 =	simm.s32 $_size__tile_overlayer_lowered;
	s6 =	simm.s32 $_tile_overlayer_lowered  }
0x9b: {  	s22 =	simm.s32 $0x1BFF;
	s21 =	sshll.u32 s6, $0x1;
	s3 =	sadd.s32 s4, s19  }
0x9c: {  	s7 =	simm.s32 $0x0;
	s20 =	sshll.u32 s5, $0x1;
	s5 =	sadd.s32 s21, s3  }
0x9d: {  	[timem:s7], [sflag:s22] =	dma.local [hbm:s5], s20  }
0x9e: {  	_ =	swait.ge [sflag:s22], s20  }
0x9f: {  	s4 =	ssub.s32 $0x0, s20;
	[sflag:s22] =	ssyncset.done $0x0  }
0xa0: {  	[sflag:s22] =	ssyncadd.s32 s4;
	_ =	sdelay $0x1  }
0xa1: {  	s23 =	simm.s32 $0x1B8B  }
0xa2: {  	_ =	swait.ge [sflag:s23], $0x1  }
0xa3: {  	[sflag:s23] =	ssyncset.done $0x0  }
0xa4: {  	s25 =	simm.s32 $0x1B8E;
	s24 =	sld [smem:$0x3FFE];
	[sflag:s23] =	ssyncadd.s32 $0xFFFFFFFF  }
0xa5: {  	s26 =	simm.s32 $execute0_lowered;
	[smem:$0x3FD2] =	sst s25  }
0xa6: {  	s5 =	sshll.u32 s26, $0x1;
	_ =	strace $0x80000049;
	[dreg:$0x1] =	wrdreg $0xFFFFFFFF  }
0xa7: {  	s28 =	simm.s32 $_size_execute0_lowered;
	s3 =	sadd.s32 s3, s5;
	[dreg:$0x0] =	wrdreg $0x0  }
0xa8: {  	s5 =	sshll.u32 s28, $0x1;
	[dreg:$0x2] =	wrdreg s3  }
0xa9: {  	[dreg:$0x3] =	wrdreg s5  }
0xaa: {  	[dreg:$0x4] =	wrdreg $0xC0  }
0xab: {  	_ =	task [dreg:s7], $0x5FFFF  }
0xac: {  	[dreg:$0x1] =	wrdreg $0xFFFFFFFF  }
0xad: {  	[dreg:$0x0] =	wrdreg $0x60  }
0xae: {  	[dreg:$0x2] =	wrdreg s24  }
0xaf: {  	[dreg:$0x3] =	wrdreg s2  }
0xb0: {  	[dreg:$0x4] =	wrdreg $0x9  }
0xb1: {  	_ =	task.clear_ibuf [dreg:s7], $0x5FFFF;
	_ =	strace $0x90000049  }
0xb2: {  	s29 =	simm.s32 $0x9;
	_ =	strace $0x8000004B  }
0xb3: {  	_ =	swait.ge [sflag:s29], $0x1  }
0xb4: {  	[sflag:s29] =	ssyncadd.s32 $0xFFFFFFFF  }
0xb5: {  	_ =	strace $0x9000004B  }
0xb6: {  	_ =	sfence  }
0xb7: {  	s30 =	sld [smem:$0x0];
	_ =	sdelay $0x2  }
0xb8: {  	s31 =	sshll.u32 s1, $0xD;
	s1 =	sshrl.u32 s1, $0x2  }
0xb9: {  	s3 =	sand.u32 $0x4000, s31;
	s1 =	sadd.s32 s1, s30  }
0xba: {  	s0 =	sor.u32 s3, s0;
	s1 =	sshll.u32 s1, $0x11  }
0xbb: {  	s0 =	sor.u32 s1, s0  }
0xbc: {  	s0 =	sadd.s32 $0x8F2B, s0  }
0xbd: {  	[sflag:s0] =	ssyncadd.remote.s32 $0x1  }
0xbe: {  	_ =	sfence.sel $0xFFFF  }
0xbf: {  	[dreg:$0x0] =	wrdreg $0xFFFFFFFF;
	(pc) =	sbr.abs _section_cstart, $3  }
0xc0: {  	[dreg:$0x1] =	wrdreg $0xFFFFFFFF  }
0xc1: {  	_ =	task.clear_ibuf [dreg:s7], $0x2FFFF;
	_ =	strace $0x9FFFFFFF  }
0xc2: {  	(tm) =	ssettm $0x7FFFFFFF  }
0xc3: {  	_ =	shalt  }
tec
execute0_lowered:
.L_overlay_start_1:
0x0: {  	(tag) =	ssettag $0x1  }
0x1: {  	s0 =	rddreg [dreg:$0x0]  }
0x2: {  	s1 =	rddreg [dreg:$0x1];
	s2 =	srdreg.scid  }
0x3: {  	s19 =	simm.s32 $0x0;
	s3 =	stileid.u32;
	s9 =	simm.s32 $0x1  }
0x4: {  	s10 =	simm.s32 $0x3180;
	s11 =	simm.s32 $0x3980;
	s12 =	simm.s32 $0x4180  }
0x5: {  	s13 =	simm.s32 $0x4980;
	s14 =	simm.s32 $0x5180;
	s15 =	simm.s32 $0x5980  }
0x6: {  	s16 =	simm.s32 $0x1800;
	s17 =	simm.s32 $0x2900;
	s2 =	sand.u32 $0x1, s2  }
0x7: {  	s18 =	simm.s32 $0x1A980;
	[smem:$0x7FF] =	sst s19;
	s4 =	sshll.u32 s2, $0x4  }
0x8: {  	s30 =	sadd.s32 $0xFB800, s0;
	s2 =	ssub.s32 $0x2, s2;
	s6 =	sor.u32 s3, s4  }
0x9: {  	s5 =	sadd.s32 $0xF6800, s0;
	s8 =	sshrl.u32 s2, $0x1;
	s7 =	smul.u32 $0x2800, s6  }
0xa: {  	_ =	strace $0x8000004A;
	[dreg:$0x3] =	wrdreg s30;
	s2 =	ssub.s32 s2, s8  }
0xb: {  	v1 =	vimm.f32 $0.0e+00;
	v2 =	vlaneseq.u32;
	v3 =	vimm.s32 $0x0;
	s6 =	smul.u32 $0xFFFFFEC0, s6;
	s31 =	smax.u32 s2, $0x1;
	s0 =	sadd.s32 s7, s0  }
0xc: {  	vm0 =	vmmov $0xffff;
	s26 =	simm.s32 $0x0;
	v4 =	vand.u32 $0x7, v2;
	v5 =	vshrl.u32 v2, $0x3;
	[dreg:$0x5] =	wrdreg s31;
	s0 =	sadd.s32 $0x5A400, s0  }
0xd: {  	v6 =	vor.u32 $0x8, v2;
	v5 =	vmul.u32 $0x8, v5;
	s8 =	simm.s32 $0x2;
	s2 =	simm.s32 $0x0;
	v0 =	vmov s6;
	[dreg:$0x4] =	wrdreg s0  }
.LBB2_1:
0xe: {  	s0 =	sand.u32 $0x1F800, s19;
	s31 =	sand.u32 $0x380, s19  }
0xf: {  	s0 =	sor.u32 s31, s0  }
0x10: {  	[tilespmem:s0+$0x6190] =	vst v1  }
0x11: {  	[tilespmem:s0+$0x61A0] =	vst v1  }
0x12: {  	[tilespmem:s0+$0x61B0] =	vst v1  }
0x13: {  	[tilespmem:s0+$0x61C0] =	vst v1  }
0x14: {  	[tilespmem:s0+$0x61D0] =	vst v1  }
0x15: {  	[tilespmem:s0+$0x61E0] =	vst v1  }
0x16: {  	[tilespmem:s0+$0x61F0] =	vst v1  }
0x17: {  	[dreg:$0x6] =	wrdreg s2;
	s21 =	smul.u32 $0xAAAB, s19;
	s6 =	simm.s32 $0x1;
	[tilespmem:s0+$0x6580] =	vst v1  }
0x18: {  	s2 =	simm.s32 $0x0;
	s7 =	simm.s32 $0x0;
	s19 =	simm.s32 $0x0;
	[tilespmem:s0+$0x6590] =	vst v1  }
.LBB2_2:
0x19: {  	p0 =	sne.s32 s6, $0x147;
	[tilespmem:s0+$0x65A0] =	vst v1  }
0x1a: {  	[tilespmem:s0+$0x65B0] =	vst v1;
	s21 =	sshrl.u32 s21, $0x14  }
0x1b: {  	[tilespmem:s0+$0x65C0] =	vst v1;
	s21 =	smul.u32 $0x18, s21  }
0x1c: {  	[tilespmem:s0+$0x65D0] =	vst v1  }
0x1d: {  	[tilespmem:s0+$0x65E0] =	vst v1;
	s21 =	ssub.s32 s2, s21;
	s2 =	smov.u32 s6  }
0x1e: {  	s7 =	sadd.s32 $0x80, s7;
	s19 =	sadd.s32 $0x100, s19;
	[tilespmem:s0+$0x65F0] =	vst v1;
	s21 =	sand.u32 $0xFFFF, s21  }
0x1f: {  	s22 =	sand.u32 $0x1F800, s19;
	s23 =	sand.u32 $0x380, s7;
	[tilespmem:s0+$0x6180] =	vst v1;
	s21 =	sshll.u32 s21, $0x7  }
0x20: {  	s0 =	sor.u32 s23, s22;
	[tilespmem:s21+$0x1A980] =	vst v1  }
0x21: {  	[tilespmem:s0+$0x6190] =	vst v1  }
0x22: {  	[tilespmem:s0+$0x61A0] =	vst v1  }
0x23: {  	[tilespmem:s0+$0x61B0] =	vst v1  }
0x24: {  	[tilespmem:s0+$0x61C0] =	vst v1  }
.Ltmp0:
0x25: {  	[tilespmem:s0+$0x61D0] =	vst v1;
	(pc) =	sbr.rel @p0 .LBB2_2-.Ltmp0, $4  }
0x26: {  	[tilespmem:s0+$0x61E0] =	vst v1  }
0x27: {  	[tilespmem:s0+$0x61F0] =	vst v1  }
0x28: {  	[tilespmem:s0+$0x6580] =	vst v1  }
0x29: {  	s6 =	sadd.s32 $0x1, s6;
	s21 =	smul.u32 $0xAAAB, s2;
	[tilespmem:s0+$0x6590] =	vst v1  }
0x2a: {  	[tilespmem:s0+$0x65A0] =	vst v1  }
0x2b: {  	[tilespmem:s0+$0x65B0] =	vst v1;
	s6 =	sshrl.u32 s21, $0x14  }
0x2c: {  	[tilespmem:s0+$0x65C0] =	vst v1;
	s6 =	smul.u32 $0x18, s6  }
0x2d: {  	[tilespmem:s0+$0x65D0] =	vst v1  }
0x2e: {  	[tilespmem:s0+$0x65E0] =	vst v1;
	s2 =	ssub.s32 s2, s6  }
0x2f: {  	[tilespmem:s0+$0x65F0] =	vst v1;
	s2 =	sand.u32 $0xFFFF, s2  }
0x30: {  	[tilespmem:s0+$0x6180] =	vst v1;
	s31 =	sshll.u32 s2, $0x7  }
0x31: {  	s0 =	simm.s32 $0x40;
	s21 =	simm.s32 $0x0;
	s2 =	simm.s32 $0x0;
	[tilespmem:s31+$0x1A980] =	vst v1  }
.LBB2_4:
0x32: {  	p0 =	sne.s32 s0, $0x2080;
	[tilespmem:s2+$0x2080] =	vst v3;
	s2 =	smov.u32 s0;
	s0 =	sadd.s32 $0x40, s0  }
.Ltmp1:
0x33: {  	(pc) =	sbr.rel @p0 .LBB2_4-.Ltmp1, $2  }
0x34: {  	_ =	sdelay $0x2  }
0x35: {  	s2 =	sshra.s32 s2, $0x2  }
.Ltmp2:
0x36: {  	(pc) =	sbr.rel .LBB2_6-.Ltmp2, $2  }
0x37: {  	_ =	sdelay $0x2  }
0x38: {  	[tilespmem:s2+$0x2080] =	vst v3  }
.LBB2_18:
0x39: {  	s21 =	sadd.s32 $0x1, s21  }
0x3a: {  	p0 =	sne.s32 s21, $0x50  }
.Ltmp3:
0x3b: {  	_ = 	snop;
	(pc) =	sbr.rel @!p0 .LBB2_19-.Ltmp3, $1  }
0x3c: {  	_ =	sdelay $0x3  }
.LBB2_6:
0x3d: {  	s0 =	sshll.u32 s21, $0x9;
	s2 =	rddreg [dreg:$0x3]  }
0x3e: {  	s0 =	sadd.s32 s2, s0;
	s2 =	simm.s32 $0x0  }
0x3f: {  	[tilespmem:s2], [sflag:$0x2] =	stream.linear.gather [hbm4b:s0+s2], $0x1000, $0x38;
	[tilespmem:$0x1B580] =	vst v63  }
0x40: {  	_ =	swait.ge [sflag:s8], $0x1000  }
0x41: {  	s29 =	sshll.u32 s21, $0x8;
	[sflag:s8] =	ssyncset.done $0x0  }
0x42: {  	s6 =	sadd.s32 s5, s29;
	s0 =	simm.s32 $0x1000;
	[sflag:s8] =	ssyncadd.s32 $0xFFFFF000  }
0x43: {  	[tilespmem:s0], [sflag:$0x2] =	stream.linear.gather [hbm4b:s6+s2], $0x800, $0x38;
	[tilespmem:$0x1B580] =	vst v63  }
0x44: {  	_ =	swait.ge [sflag:s8], $0x800  }
0x45: {  	s30 =	sand.u32 $0x70, s2;
	s7 =	sand.u32 $0xF00, s2;
	[sflag:s8] =	ssyncset.done $0x0  }
0x46: {  	s6 =	sor.u32 s30, s7;
	[sflag:s8] =	ssyncadd.s32 $0xFFFFF800  }
0x47: {  	v7 =	vld [tilespmem:s6+$0x0];
	_ =	sdelay $0x4  }
0x48: {  	v7 =	vadd.s32 v0, v7  }
0x49: {  	vm1 =	vlt.u32 v7, $0x140  }
0x4a: {  	[tilespmem:s2+$0x1800] =	vst.msk vm1, v7;
	v8 =	vmpcnt.ones.xlane vm1  }
0x4b: {  	v7 =	vld [tilespmem:s6+$0x80]  }
0x4c: {  	(v2sf) =	vpush v8, $0x0;
	_ =	sdelay $0x3  }
0x4d: {  	[tilespmem:s2+$0x2080] =	vst.msk vm1, v7  }
0x4e: {  	v7 =	vld [tilespmem:s0+$0x0];
	_ =	sdelay $0x2  }
0x4f: {  	s31 =	simm.s32 $0x10;
	s6 =	simm.s32 $0x20  }
0x50: {  	s19 =	sand.u32 $0x70, s31;
	s7 =	simm.s32 $0x20;
	s22 =	sand.u32 $0xF00, s6  }
.LBB2_7:
0x51: {  	p0 =	sne.s32 s7, $0x7F0;
	s19 =	sor.u32 s19, s22;
	[tilespmem:s2+$0x2900] =	vst.msk vm1, v7  }
0x52: {  	v7 =	vld [tilespmem:s19+$0x0];
	_ =	sdelay $0x3  }
0x53: {  	s22 =	spop (v2sf)  }
0x54: {  	v7 =	vadd.s32 v0, v7;
	s2 =	sadd.s32 s2, s22  }
0x55: {  	vm1 =	vlt.u32 v7, $0x140  }
0x56: {  	[tilespmem:s2+$0x1800] =	vst.msk vm1, v7;
	v7 =	vmpcnt.ones.xlane vm1  }
0x57: {  	v8 =	vld [tilespmem:s19+$0x80]  }
0x58: {  	(v2sf) =	vpush v7, $0x0;
	_ =	sdelay $0x3  }
0x59: {  	s0 =	sadd.s32 $0x10, s0;
	[tilespmem:s2+$0x2080] =	vst.msk vm1, v8  }
.Ltmp4:
0x5a: {  	v7 =	vld [tilespmem:s0+$0x0];
	(pc) =	sbr.rel @p0 .LBB2_7-.Ltmp4, $3  }
0x5b: {  	_ =	sdelay $0x1  }
0x5c: {  	s6 =	sadd.s32 $0x20, s6  }
0x5d: {  	s22 =	sand.u32 $0xF00, s6;
	s19 =	sand.u32 $0x70, s7;
	s7 =	sadd.s32 $0x10, s7  }
0x5e: {  	s7 =	sor.u32 s19, s22;
	[tilespmem:s2+$0x2900] =	vst.msk vm1, v7  }
0x5f: {  	v7 =	vld [tilespmem:s7+$0x0];
	_ =	sdelay $0x4  }
0x60: {  	v7 =	vadd.s32 v0, v7  }
0x61: {  	vm1 =	vlt.u32 v7, $0x140  }
0x62: {  	v8 =	vmpcnt.ones.xlane vm1;
	_ =	sdelay $0x1  }
0x63: {  	(v2sf) =	vpush v8, $0x0;
	_ =	sdelay $0xd  }
0x64: {  	s6 =	spop (v2sf)  }
0x65: {  	s2 =	sadd.s32 s2, s6;
	s6 =	spop (v2sf)  }
0x66: {  	s22 =	sadd.s32 s2, s6  }
0x67: {  	s29 =	sadd.s32 $0x2F, s22  }
0x68: {  	s23 =	smulhi.u32 $0x2AAAAAAB, s29;
	s24 =	sshra.s32 s29, $0x1F  }
0x69: {  	s24 =	smul.u32 $0x2AAAAAAB, s24;
	_ =	sdelay $0x1  }
0x6a: {  	[tilespmem:s2+$0x1800] =	vst.msk vm1, v7;
	s30 =	sadd.s32 s24, s23  }
0x6b: {  	v7 =	vld [tilespmem:s7+$0x80];
	s23 =	sshrl.u32 s30, $0x1F;
	s7 =	sshra.s32 s30, $0x3  }
0x6c: {  	s7 =	sadd.s32 s23, s7  }
0x6d: {  	s23 =	smul.u32 $0xFFFFFFD0, s7  }
0x6e: {  	s31 =	ssub.s32 $0xFFFFFFD1, s22  }
0x6f: {  	p1 =	slt.s32 s29, $0x1;
	p0 =	sne.s32 s23, s31  }
0x70: {  	s0 =	sadd.s32 $0x10, s0;
	[tilespmem:s2+$0x2080] =	vst.msk vm1, v7;
	p0 =	por !p1, !p0  }
0x71: {  	v7 =	vld [tilespmem:s0+$0x0];
	s0 =	simm.s32 $0x1;
	p0 =	por !p0, !p0  }
0x72: {  	s0 =	simm.s32 @!p0 $0x0  }
0x73: {  	s23 =	ssub.s32 s7, s0  }
0x74: {  	p0 =	slt.s32 s23, $0x1  }
.Ltmp5:
0x75: {  	_ = 	snop;
	(pc) =	sbr.rel @p0 .LBB2_18-.Ltmp5, $2  }
0x76: {  	_ =	sdelay $0x2  }
0x77: {  	[tilespmem:s2+$0x2900] =	vst.msk vm1, v7  }
.Ltmp6:
0x78: {  	(pc) =	sbr.rel .LBB2_11-.Ltmp6, $3  }
0x79: {  	_ =	sdelay $0x1  }
0x7a: {  	s24 =	sadd.s32 s2, s6  }
0x7b: {  	s25 =	simm.s32 $0x30;
	s28 =	simm.s32 $0x0;
	s29 =	simm.s32 $0x0  }
.LBB2_13:
0x7c: {  	s31 =	smov.u32 s28;
	s0 =	simm.s32 $0x0  }
.LBB2_17:
0x7d: {  	_ =	sdelay $0x2  }
0x7e: {  	[tilespmem:s2+$0x65F0] =	vst @p0 v7  }
0x7f: {  	v7 =	vld.idx.msk [tilespmem:v8+s16+$0x0], $0xffff;
	_ =	sdelay $0x4  }
0x80: {  	(v2sf) =	vpush v7, $0x0;
	_ =	sdelay $0xe  }
0x81: {  	s19 =	spop (v2sf)  }
0x82: {  	s3 =	sshra.s32 s19, $0x1F  }
0x83: {  	s3 =	sshrl.u32 s3, $0x1C  }
0x84: {  	s3 =	sadd.s32 s3, s19  }
0x85: {  	s4 =	sand.u32 $0xFFFFFFF0, s3  }
0x86: {  	p1 =	slt.s32 s19, $0x1;
	p2 =	sne.s32 s19, s4  }
0x87: {  	p1 =	por !p1, !p2  }
0x88: {  	s4 =	simm.s32 $0x1;
	p1 =	por !p1, !p1  }
0x89: {  	s3 =	sshrl.u32 s3, $0x4;
	s4 =	simm.s32 @!p1 $0x0  }
0x8a: {  	s3 =	ssub.s32 s3, s4  }
0x8b: {  	s3 =	sshll.u32 s3, $0x9  }
0x8c: {  	v7 =	vld.idx.msk [tilespmem:v8+s17+$0x0], $0xffff;
	s3 =	sshra.s32 s3, $0x2  }
0x8d: {  	v8 =	vld [tilespmem:s3+$0x1A980]  }
0x8e: {  	s20 =	sand.u32 $0xF, s19  }
0x8f: {  	v9 =	vmov s20  }
0x90: {  	s0 =	sadd.s32 @p0 $0x100, s0;
	vm1 =	veq.s32 v9, v2  }
0x91: {  	s6 =	simm.s32 $0x0;
	s7 =	smov.u32 s28;
	v9 =	vnsel vm1, $0x0, v7;
	s4 =	sadd.s32 @p0 $0x80, s31  }
0x92: {  	s6 =	smov.u32 @p0 s0;
	s7 =	smov.u32 @p0 s4;
	v8 =	vadd.f32 v9, v8  }
0x93: {  	s0 =	sand.u32 $0xFFFFF800, s6;
	s4 =	sand.u32 $0x380, s7  }
0x94: {  	s30 =	sshll.u32 s19, $0x8;
	s2 =	sshll.u32 s19, $0x7;
	s0 =	sor.u32 s4, s0;
	[tilespmem:s3+$0x1A980] =	vst v8  }
0x95: {  	s2 =	sand.u32 $0x380, s2;
	s31 =	sand.u32 $0xFFFFF800, s30;
	v8 =	vld [tilespmem:s0+$0x3180]  }
0x96: {  	s2 =	sor.u32 s2, s31  }
0x97: {  	v48 =	vld [tilespmem:s2+$0x6180];
	_ =	sdelay $0x2  }
0x98: {  	v8 =	vmul.f32 v8, v7;
	_ =	sdelay $0x1  }
0x99: {  	v8 =	vadd.f32 v8, v48;
	_ =	sdelay $0x1  }
0x9a: {  	[tilespmem:s2+$0x6180] =	vst v8  }
0x9b: {  	v8 =	vld [tilespmem:s0+$0x3190];
	_ =	sdelay $0x1  }
0x9c: {  	v49 =	vld [tilespmem:s2+$0x6190];
	_ =	sdelay $0x2  }
0x9d: {  	v8 =	vmul.f32 v8, v7;
	_ =	sdelay $0x1  }
0x9e: {  	v8 =	vadd.f32 v8, v49;
	_ =	sdelay $0x1  }
0x9f: {  	[tilespmem:s2+$0x6190] =	vst v8  }
0xa0: {  	v8 =	vld [tilespmem:s0+$0x31A0];
	_ =	sdelay $0x1  }
0xa1: {  	v50 =	vld [tilespmem:s2+$0x61A0];
	_ =	sdelay $0x2  }
0xa2: {  	v8 =	vmul.f32 v8, v7;
	_ =	sdelay $0x1  }
0xa3: {  	v8 =	vadd.f32 v8, v50;
	_ =	sdelay $0x1  }
0xa4: {  	[tilespmem:s2+$0x61A0] =	vst v8  }
0xa5: {  	v8 =	vld [tilespmem:s0+$0x31B0];
	_ =	sdelay $0x1  }
0xa6: {  	v51 =	vld [tilespmem:s2+$0x61B0];
	_ =	sdelay $0x2  }
0xa7: {  	v8 =	vmul.f32 v8, v7;
	_ =	sdelay $0x1  }
0xa8: {  	v8 =	vadd.f32 v8, v51;
	_ =	sdelay $0x1  }
0xa9: {  	[tilespmem:s2+$0x61B0] =	vst v8  }
0xaa: {  	v8 =	vld [tilespmem:s0+$0x31C0];
	_ =	sdelay $0x1  }
0xab: {  	v52 =	vld [tilespmem:s2+$0x61C0];
	_ =	sdelay $0x2  }
0xac: {  	v8 =	vmul.f32 v8, v7;
	_ =	sdelay $0x1  }
0xad: {  	v8 =	vadd.f32 v8, v52;
	_ =	sdelay $0x1  }
0xae: {  	[tilespmem:s2+$0x61C0] =	vst v8  }
0xaf: {  	v8 =	vld [tilespmem:s0+$0x31D0];
	_ =	sdelay $0x1  }
0xb0: {  	v53 =	vld [tilespmem:s2+$0x61D0];
	_ =	sdelay $0x2  }
0xb1: {  	v8 =	vmul.f32 v8, v7;
	_ =	sdelay $0x1  }
0xb2: {  	v8 =	vadd.f32 v8, v53;
	_ =	sdelay $0x1  }
0xb3: {  	[tilespmem:s2+$0x61D0] =	vst v8  }
0xb4: {  	v8 =	vld [tilespmem:s0+$0x31E0];
	_ =	sdelay $0x1  }
0xb5: {  	v54 =	vld [tilespmem:s2+$0x61E0];
	_ =	sdelay $0x2  }
0xb6: {  	v8 =	vmul.f32 v8, v7;
	_ =	sdelay $0x1  }
0xb7: {  	v8 =	vadd.f32 v8, v54;
	_ =	sdelay $0x1  }
0xb8: {  	[tilespmem:s2+$0x61E0] =	vst v8  }
0xb9: {  	v8 =	vld [tilespmem:s0+$0x31F0];
	_ =	sdelay $0x1  }
0xba: {  	v55 =	vld [tilespmem:s2+$0x61F0];
	_ =	sdelay $0x2  }
0xbb: {  	v8 =	vmul.f32 v8, v7;
	_ =	sdelay $0x1  }
0xbc: {  	v8 =	vadd.f32 v8, v55;
	_ =	sdelay $0x1  }
0xbd: {  	[tilespmem:s2+$0x61F0] =	vst v8  }
0xbe: {  	v8 =	vld [tilespmem:s0+$0x3580];
	_ =	sdelay $0x1  }
0xbf: {  	v56 =	vld [tilespmem:s2+$0x6580];
	_ =	sdelay $0x2  }
0xc0: {  	v8 =	vmul.f32 v8, v7;
	_ =	sdelay $0x1  }
0xc1: {  	v8 =	vadd.f32 v8, v56;
	_ =	sdelay $0x1  }
0xc2: {  	[tilespmem:s2+$0x6580] =	vst v8  }
0xc3: {  	v8 =	vld [tilespmem:s0+$0x3590];
	_ =	sdelay $0x1  }
0xc4: {  	v57 =	vld [tilespmem:s2+$0x6590];
	_ =	sdelay $0x2  }
0xc5: {  	v8 =	vmul.f32 v8, v7;
	_ =	sdelay $0x1  }
0xc6: {  	v8 =	vadd.f32 v8, v57;
	_ =	sdelay $0x1  }
0xc7: {  	[tilespmem:s2+$0x6590] =	vst v8  }
0xc8: {  	v8 =	vld [tilespmem:s0+$0x35A0];
	_ =	sdelay $0x1  }
0xc9: {  	v58 =	vld [tilespmem:s2+$0x65A0];
	_ =	sdelay $0x2  }
0xca: {  	v8 =	vmul.f32 v8, v7;
	_ =	sdelay $0x1  }
0xcb: {  	v8 =	vadd.f32 v8, v58;
	_ =	sdelay $0x1  }
0xcc: {  	[tilespmem:s2+$0x65A0] =	vst v8  }
0xcd: {  	v8 =	vld [tilespmem:s0+$0x35B0];
	_ =	sdelay $0x1  }
0xce: {  	v59 =	vld [tilespmem:s2+$0x65B0];
	_ =	sdelay $0x2  }
0xcf: {  	v8 =	vmul.f32 v8, v7;
	_ =	sdelay $0x1  }
0xd0: {  	v8 =	vadd.f32 v8, v59;
	_ =	sdelay $0x1  }
0xd1: {  	[tilespmem:s2+$0x65B0] =	vst v8  }
0xd2: {  	v8 =	vld [tilespmem:s0+$0x35C0];
	_ =	sdelay $0x1  }
0xd3: {  	v60 =	vld [tilespmem:s2+$0x65C0];
	_ =	sdelay $0x2  }
0xd4: {  	v8 =	vmul.f32 v8, v7;
	_ =	sdelay $0x1  }
0xd5: {  	v8 =	vadd.f32 v8, v60;
	_ =	sdelay $0x1  }
0xd6: {  	[tilespmem:s2+$0x65C0] =	vst v8  }
0xd7: {  	v8 =	vld [tilespmem:s0+$0x35D0];
	_ =	sdelay $0x1  }
0xd8: {  	v61 =	vld [tilespmem:s2+$0x65D0];
	_ =	sdelay $0x2  }
0xd9: {  	v8 =	vmul.f32 v8, v7;
	_ =	sdelay $0x1  }
0xda: {  	v8 =	vadd.f32 v8, v61;
	_ =	sdelay $0x1  }
0xdb: {  	[tilespmem:s2+$0x65D0] =	vst v8  }
0xdc: {  	v8 =	vld [tilespmem:s0+$0x35E0];
	_ =	sdelay $0x1  }
0xdd: {  	v62 =	vld [tilespmem:s2+$0x65E0];
	_ =	sdelay $0x2  }
0xde: {  	v8 =	vmul.f32 v8, v7;
	_ =	sdelay $0x1  }
0xdf: {  	v8 =	vadd.f32 v8, v62;
	_ =	sdelay $0x1  }
0xe0: {  	[tilespmem:s2+$0x65E0] =	vst v8  }
0xe1: {  	v8 =	vld [tilespmem:s0+$0x35F0];
	_ =	sdelay $0x1  }
0xe2: {  	v63 =	vld [tilespmem:s2+$0x65F0];
	_ =	sdelay $0x2  }
0xe3: {  	v7 =	vmul.f32 v8, v7;
	_ =	sdelay $0x1  }
0xe4: {  	v7 =	vadd.f32 v7, v63;
	_ =	sdelay $0x1  }
0xe5: {  	[tilespmem:s2+$0x65F0] =	vst v7  }
.LBB2_10:
0xe6: {  	s29 =	sadd.s32 $0x1, s29  }
0xe7: {  	p0 =	seq.s32 s29, s23  }
.Ltmp7:
0xe8: {  	_ = 	snop;
	(pc) =	sbr.rel @p0 .LBB2_18-.Ltmp7, $2  }
0xe9: {  	_ =	sdelay $0x2  }
0xea: {  	s25 =	sadd.s32 $0x30, s25;
	s28 =	sadd.s32 $0x1800, s28  }
.LBB2_11:
0xeb: {  	s2 =	smul.u32 $0x30, s29;
	_ =	sdelay $0x1  }
0xec: {  	v7 =	vld [tilespmem:s2+$0x2080];
	_ =	sdelay $0x4  }
0xed: {  	v8 =	vshll.u32 v7, $0x1  }
0xee: {  	v7 =	vand.u32 $0x7, v7;
	v8 =	vand.u32 $0xFFFFFFF0, v8  }
0xef: {  	v7 =	vor.u32 v7, v8  }
0xf0: {  	v8 =	vperm.xlane v7, v4;
	_ =	sdelay $0x1  }
0xf1: {  	v7 =	vperm.xlane v7, v6;
	v8 =	vadd.s32 v5, v8;
	_ =	sdelay $0x1  }
0xf2: {  	v7 =	vadd.s32 v5, v7;
	_ =	sdelay $0x2  }
0xf3: {  	[tilespmem:s10], [sflag:$0x1] =	stream.indirect_vreg.gather [hbm4b:s1+s26], $0x80, v8, vm0, $0xb8;
	[tilespmem:$0x1B580] =	vst v63  }
0xf4: {  	_ = 	snop  }
0xf5: {  	[tilespmem:s11], [sflag:$0x1] =	stream.indirect_vreg.gather [hbm4b:s1+s26], $0x80, v7, vm0, $0xb8;
	[tilespmem:$0x1B580] =	vst v63  }
0xf6: {  	v7 =	vld [tilespmem:s2+$0x2090];
	_ =	sdelay $0x4  }
0xf7: {  	v8 =	vshll.u32 v7, $0x1  }
0xf8: {  	v7 =	vand.u32 $0x7, v7;
	v8 =	vand.u32 $0xFFFFFFF0, v8  }
0xf9: {  	v7 =	vor.u32 v7, v8  }
0xfa: {  	v8 =	vperm.xlane v7, v4;
	_ =	sdelay $0x1  }
0xfb: {  	v7 =	vperm.xlane v7, v6;
	v8 =	vadd.s32 v5, v8;
	_ =	sdelay $0x1  }
0xfc: {  	v7 =	vadd.s32 v5, v7;
	_ =	sdelay $0x2  }
0xfd: {  	[tilespmem:s12], [sflag:$0x1] =	stream.indirect_vreg.gather [hbm4b:s1+s26], $0x80, v8, vm0, $0xb8;
	[tilespmem:$0x1B580] =	vst v63  }
0xfe: {  	_ = 	snop  }
0xff: {  	[tilespmem:s13], [sflag:$0x1] =	stream.indirect_vreg.gather [hbm4b:s1+s26], $0x80, v7, vm0, $0xb8;
	[tilespmem:$0x1B580] =	vst v63  }
0x100: {  	v7 =	vld [tilespmem:s2+$0x20A0];
	_ =	sdelay $0x4  }
0x101: {  	v8 =	vshll.u32 v7, $0x1  }
0x102: {  	v7 =	vand.u32 $0x7, v7;
	v8 =	vand.u32 $0xFFFFFFF0, v8  }
0x103: {  	v7 =	vor.u32 v7, v8  }
0x104: {  	v8 =	vperm.xlane v7, v4;
	_ =	sdelay $0x1  }
0x105: {  	v7 =	vperm.xlane v7, v6;
	v8 =	vadd.s32 v5, v8  }
0x106: {  	s0 =	sadd.s32 $0x30, s2  }
0x107: {  	p0 =	slt.s32 s22, s0;
	v7 =	vadd.s32 v5, v7  }
0x108: {  	s0 =	smov.u32 @p0 s22  }
0x109: {  	p0 =	sge.s32 s2, s0  }
0x10a: {  	[tilespmem:s14], [sflag:$0x1] =	stream.indirect_vreg.gather [hbm4b:s1+s26], $0x80, v8, vm0, $0xb8;
	[tilespmem:$0x1B580] =	vst v63  }
.Ltmp8:
0x10b: {  	_ = 	snop;
	(pc) =	sbr.rel @p0 .LBB2_10-.Ltmp8, $4  }
0x10c: {  	[tilespmem:s15], [sflag:$0x1] =	stream.indirect_vreg.gather [hbm4b:s1+s26], $0x80, v7, vm0, $0xb8;
	[tilespmem:$0x1B580] =	vst v63  }
0x10d: {  	_ =	swait.ge [sflag:s9], $0x3000  }
0x10e: {  	[sflag:s9] =	ssyncset.done $0x0  }
0x10f: {  	[sflag:s9] =	ssyncadd.s32 $0xFFFFD000  }
0x110: {  	p0 =	slt.s32 s25, s24;
	s30 =	smov.u32 s24  }
0x111: {  	s0 =	sadd.s32 $0x1, s2;
	s30 =	smov.u32 @p0 s25  }
0x112: {  	p1 =	seq.s32 s30, s0  }
.Ltmp9:
0x113: {  	_ = 	snop;
	(pc) =	sbr.rel @p1 .LBB2_13-.Ltmp9, $2  }
0x114: {  	_ =	sdelay $0x2  }
0x115: {  	v8 =	vmov s2;
	p0 =	por $0x0, $0x0  }
0x116: {  	_ =	sdelay $0x3  }
0x117: {  	v7 =	vld.idx.msk [tilespmem:v8+s16+$0x0], $0xffff;
	_ =	sdelay $0x4  }
0x118: {  	(v2sf) =	vpush v7, $0x0;
	_ =	sdelay $0xe  }
0x119: {  	s2 =	spop (v2sf)  }
0x11a: {  	s6 =	sshra.s32 s2, $0x1F  }
0x11b: {  	s6 =	sshrl.u32 s6, $0x1C  }
0x11c: {  	s6 =	sadd.s32 s6, s2  }
0x11d: {  	s7 =	sand.u32 $0xFFFFFFF0, s6  }
0x11e: {  	p0 =	slt.s32 s2, $0x1;
	p1 =	sne.s32 s2, s7  }
0x11f: {  	p0 =	por !p0, !p1  }
0x120: {  	s7 =	simm.s32 $0x1;
	p0 =	por !p0, !p0  }
0x121: {  	s6 =	sshrl.u32 s6, $0x4;
	s7 =	simm.s32 @!p0 $0x0  }
0x122: {  	s6 =	ssub.s32 s6, s7  }
0x123: {  	s6 =	sshll.u32 s6, $0x9  }
0x124: {  	v7 =	vld.idx.msk [tilespmem:v8+s17+$0x0], $0xffff;
	s6 =	sshra.s32 s6, $0x2  }
0x125: {  	v8 =	vld [tilespmem:s6+$0x1A980]  }
0x126: {  	s3 =	sand.u32 $0xF, s2  }
0x127: {  	v9 =	vmov s3  }
0x128: {  	vm1 =	veq.s32 v9, v2  }
0x129: {  	v9 =	vnsel vm1, $0x0, v7  }
0x12a: {  	v8 =	vadd.f32 v9, v8  }
0x12b: {  	s4 =	sand.u32 $0xFFFFF800, s26;
	s19 =	sand.u32 $0x380, s28  }
0x12c: {  	s19 =	sor.u32 s19, s4;
	s31 =	sshll.u32 s2, $0x8;
	s2 =	sshll.u32 s2, $0x7;
	[tilespmem:s6+$0x1A980] =	vst v8  }
0x12d: {  	s20 =	sand.u32 $0xFFFFF800, s31;
	s2 =	sand.u32 $0x380, s2;
	v8 =	vld [tilespmem:s19+$0x3180]  }
0x12e: {  	s2 =	sor.u32 s2, s20  }
0x12f: {  	v9 =	vld [tilespmem:s2+$0x6180];
	_ =	sdelay $0x2  }
0x130: {  	v8 =	vmul.f32 v8, v7;
	_ =	sdelay $0x1  }
0x131: {  	v8 =	vadd.f32 v8, v9;
	_ =	sdelay $0x1  }
0x132: {  	[tilespmem:s2+$0x6180] =	vst v8  }
0x133: {  	v8 =	vld [tilespmem:s19+$0x3190];
	_ =	sdelay $0x1  }
0x134: {  	v9 =	vld [tilespmem:s2+$0x6190];
	_ =	sdelay $0x2  }
0x135: {  	v8 =	vmul.f32 v8, v7;
	_ =	sdelay $0x1  }
0x136: {  	v8 =	vadd.f32 v8, v9;
	_ =	sdelay $0x1  }
0x137: {  	[tilespmem:s2+$0x6190] =	vst v8  }
0x138: {  	v8 =	vld [tilespmem:s19+$0x31A0];
	_ =	sdelay $0x1  }
0x139: {  	v9 =	vld [tilespmem:s2+$0x61A0];
	_ =	sdelay $0x2  }
0x13a: {  	v8 =	vmul.f32 v8, v7;
	_ =	sdelay $0x1  }
0x13b: {  	v8 =	vadd.f32 v8, v9;
	_ =	sdelay $0x1  }
0x13c: {  	[tilespmem:s2+$0x61A0] =	vst v8  }
0x13d: {  	v8 =	vld [tilespmem:s19+$0x31B0];
	_ =	sdelay $0x1  }
0x13e: {  	v9 =	vld [tilespmem:s2+$0x61B0];
	_ =	sdelay $0x2  }
0x13f: {  	v8 =	vmul.f32 v8, v7;
	_ =	sdelay $0x1  }
0x140: {  	v8 =	vadd.f32 v8, v9;
	_ =	sdelay $0x1  }
0x141: {  	[tilespmem:s2+$0x61B0] =	vst v8  }
0x142: {  	v8 =	vld [tilespmem:s19+$0x31C0];
	_ =	sdelay $0x1  }
0x143: {  	v9 =	vld [tilespmem:s2+$0x61C0];
	_ =	sdelay $0x2  }
0x144: {  	v8 =	vmul.f32 v8, v7;
	_ =	sdelay $0x1  }
0x145: {  	v8 =	vadd.f32 v8, v9;
	_ =	sdelay $0x1  }
0x146: {  	[tilespmem:s2+$0x61C0] =	vst v8  }
0x147: {  	v8 =	vld [tilespmem:s19+$0x31D0];
	_ =	sdelay $0x1  }
0x148: {  	v9 =	vld [tilespmem:s2+$0x61D0];
	_ =	sdelay $0x2  }
0x149: {  	v8 =	vmul.f32 v8, v7;
	_ =	sdelay $0x1  }
0x14a: {  	v8 =	vadd.f32 v8, v9;
	_ =	sdelay $0x1  }
0x14b: {  	[tilespmem:s2+$0x61D0] =	vst v8  }
0x14c: {  	v8 =	vld [tilespmem:s19+$0x31E0];
	_ =	sdelay $0x1  }
0x14d: {  	v9 =	vld [tilespmem:s2+$0x61E0];
	_ =	sdelay $0x2  }
0x14e: {  	v8 =	vmul.f32 v8, v7;
	_ =	sdelay $0x1  }
0x14f: {  	v8 =	vadd.f32 v8, v9;
	_ =	sdelay $0x1  }
0x150: {  	[tilespmem:s2+$0x61E0] =	vst v8  }
0x151: {  	v8 =	vld [tilespmem:s19+$0x31F0];
	_ =	sdelay $0x1  }
0x152: {  	v9 =	vld [tilespmem:s2+$0x61F0];
	_ =	sdelay $0x2  }
0x153: {  	v8 =	vmul.f32 v8, v7;
	_ =	sdelay $0x1  }
0x154: {  	v8 =	vadd.f32 v8, v9;
	_ =	sdelay $0x1  }
0x155: {  	[tilespmem:s2+$0x61F0] =	vst v8  }
0x156: {  	v8 =	vld [tilespmem:s19+$0x3580];
	_ =	sdelay $0x1  }
0x157: {  	v9 =	vld [tilespmem:s2+$0x6580];
	_ =	sdelay $0x2  }
0x158: {  	v8 =	vmul.f32 v8, v7;
	_ =	sdelay $0x1  }
0x159: {  	v8 =	vadd.f32 v8, v9;
	_ =	sdelay $0x1  }
0x15a: {  	[tilespmem:s2+$0x6580] =	vst v8  }
0x15b: {  	v8 =	vld [tilespmem:s19+$0x3590];
	_ =	sdelay $0x1  }
0x15c: {  	v9 =	vld [tilespmem:s2+$0x6590];
	_ =	sdelay $0x2  }
0x15d: {  	v8 =	vmul.f32 v8, v7;
	_ =	sdelay $0x1  }
0x15e: {  	v8 =	vadd.f32 v8, v9;
	_ =	sdelay $0x1  }
0x15f: {  	[tilespmem:s2+$0x6590] =	vst v8  }
0x160: {  	v8 =	vld [tilespmem:s19+$0x35A0];
	_ =	sdelay $0x1  }
0x161: {  	v9 =	vld [tilespmem:s2+$0x65A0];
	_ =	sdelay $0x2  }
0x162: {  	v8 =	vmul.f32 v8, v7;
	_ =	sdelay $0x1  }
0x163: {  	v8 =	vadd.f32 v8, v9;
	_ =	sdelay $0x1  }
0x164: {  	[tilespmem:s2+$0x65A0] =	vst v8  }
0x165: {  	v8 =	vld [tilespmem:s19+$0x35B0];
	_ =	sdelay $0x1  }
0x166: {  	v9 =	vld [tilespmem:s2+$0x65B0];
	_ =	sdelay $0x2  }
0x167: {  	v8 =	vmul.f32 v8, v7;
	_ =	sdelay $0x1  }
0x168: {  	v8 =	vadd.f32 v8, v9;
	_ =	sdelay $0x1  }
0x169: {  	[tilespmem:s2+$0x65B0] =	vst v8  }
0x16a: {  	v8 =	vld [tilespmem:s19+$0x35C0];
	_ =	sdelay $0x1  }
0x16b: {  	v9 =	vld [tilespmem:s2+$0x65C0];
	_ =	sdelay $0x2  }
0x16c: {  	v8 =	vmul.f32 v8, v7;
	_ =	sdelay $0x1  }
0x16d: {  	v8 =	vadd.f32 v8, v9;
	_ =	sdelay $0x1  }
0x16e: {  	[tilespmem:s2+$0x65C0] =	vst v8  }
0x16f: {  	v8 =	vld [tilespmem:s19+$0x35D0];
	_ =	sdelay $0x1  }
0x170: {  	v9 =	vld [tilespmem:s2+$0x65D0];
	_ =	sdelay $0x2  }
0x171: {  	v8 =	vmul.f32 v8, v7;
	_ =	sdelay $0x1  }
0x172: {  	v8 =	vadd.f32 v8, v9;
	_ =	sdelay $0x1  }
0x173: {  	[tilespmem:s2+$0x65D0] =	vst v8  }
0x174: {  	v8 =	vld [tilespmem:s19+$0x35E0];
	_ =	sdelay $0x1  }
0x175: {  	v9 =	vld [tilespmem:s2+$0x65E0];
	_ =	sdelay $0x2  }
0x176: {  	v8 =	vmul.f32 v8, v7;
	_ =	sdelay $0x1  }
0x177: {  	v8 =	vadd.f32 v8, v9;
	_ =	sdelay $0x1  }
0x178: {  	[tilespmem:s2+$0x65E0] =	vst v8  }
0x179: {  	v8 =	vld [tilespmem:s19+$0x35F0]  }
0x17a: {  	s19 =	sadd.s32 $0x1, s0  }
0x17b: {  	v9 =	vld [tilespmem:s2+$0x65F0];
	p1 =	seq.s32 s30, s19  }
.Ltmp10:
0x17c: {  	_ = 	snop;
	(pc) =	sbr.rel @p1 .LBB2_15-.Ltmp10, $3  }
0x17d: {  	_ = 	snop  }
0x17e: {  	v7 =	vmul.f32 v8, v7;
	v8 =	vmov s0;
	_ =	sdelay $0x1  }
0x17f: {  	s31 =	smov.u32 s28;
	p0 =	por $0x1, $0x1;
	s0 =	simm.s32 $0x0;
	v7 =	vadd.f32 v7, v9  }
.LBB2_16:
0x180: {  	s31 =	sadd.s32 $0x80, s31  }
0x181: {  	[tilespmem:s2+$0x65F0] =	vst v7;
	s0 =	sadd.s32 $0x100, s0;
	s6 =	smov.u32 s19;
	s19 =	sadd.s32 $0x1, s19  }
0x182: {  	p1 =	seq.s32 s30, s19;
	v7 =	vld.idx.msk [tilespmem:v8+s16+$0x0], $0xffff;
	_ =	sdelay $0x5  }
0x183: {  	(v2sf) =	vpush v7, $0x0;
	_ =	sdelay $0xe  }
0x184: {  	s2 =	spop (v2sf)  }
0x185: {  	s7 =	sshra.s32 s2, $0x1F;
	s3 =	sand.u32 $0xF, s2;
	s20 =	sshll.u32 s2, $0x8  }
0x186: {  	s7 =	sshrl.u32 s7, $0x1C;
	v7 =	vmov s3;
	s3 =	sshll.u32 s2, $0x7  }
0x187: {  	s7 =	sadd.s32 s7, s2;
	vm1 =	veq.s32 v7, v2  }
0x188: {  	s4 =	sand.u32 $0xFFFFFFF0, s7  }
0x189: {  	p2 =	slt.s32 s2, $0x1;
	p3 =	sne.s32 s2, s4  }
0x18a: {  	p2 =	por !p2, !p3  }
0x18b: {  	s4 =	simm.s32 $0x1;
	p2 =	por !p2, !p2  }
0x18c: {  	s2 =	sshrl.u32 s7, $0x4;
	s4 =	simm.s32 @!p2 $0x0  }
0x18d: {  	s2 =	ssub.s32 s2, s4  }
0x18e: {  	v7 =	vld.idx.msk [tilespmem:v8+s17+$0x0], $0xffff;
	s2 =	sshll.u32 s2, $0x9  }
0x18f: {  	s2 =	sshra.s32 s2, $0x2  }
0x190: {  	v8 =	vld [tilespmem:s2+$0x1A980];
	_ =	sdelay $0x3  }
0x191: {  	v9 =	vnsel vm1, $0x0, v7  }
0x192: {  	v8 =	vadd.f32 v9, v8  }
0x193: {  	s7 =	sand.u32 $0x380, s31;
	s4 =	sand.u32 $0xFFFFF800, s0  }
0x194: {  	s7 =	sor.u32 s7, s4;
	[tilespmem:s2+$0x1A980] =	vst v8  }
0x195: {  	s3 =	sand.u32 $0x380, s3;
	s2 =	sand.u32 $0xFFFFF800, s20;
	v8 =	vld [tilespmem:s7+$0x3180]  }
0x196: {  	s2 =	sor.u32 s3, s2  }
0x197: {  	v9 =	vld [tilespmem:s2+$0x6180];
	_ =	sdelay $0x2  }
0x198: {  	v8 =	vmul.f32 v8, v7;
	_ =	sdelay $0x1  }
0x199: {  	v8 =	vadd.f32 v8, v9;
	_ =	sdelay $0x1  }
0x19a: {  	[tilespmem:s2+$0x6180] =	vst v8  }
0x19b: {  	v8 =	vld [tilespmem:s7+$0x3190];
	_ =	sdelay $0x1  }
0x19c: {  	v9 =	vld [tilespmem:s2+$0x6190];
	_ =	sdelay $0x2  }
0x19d: {  	v8 =	vmul.f32 v8, v7;
	_ =	sdelay $0x1  }
0x19e: {  	v8 =	vadd.f32 v8, v9;
	_ =	sdelay $0x1  }
0x19f: {  	[tilespmem:s2+$0x6190] =	vst v8  }
0x1a0: {  	v8 =	vld [tilespmem:s7+$0x31A0];
	_ =	sdelay $0x1  }
0x1a1: {  	v9 =	vld [tilespmem:s2+$0x61A0];
	_ =	sdelay $0x2  }
0x1a2: {  	v8 =	vmul.f32 v8, v7;
	_ =	sdelay $0x1  }
0x1a3: {  	v8 =	vadd.f32 v8, v9;
	_ =	sdelay $0x1  }
0x1a4: {  	[tilespmem:s2+$0x61A0] =	vst v8  }
0x1a5: {  	v8 =	vld [tilespmem:s7+$0x31B0];
	_ =	sdelay $0x1  }
0x1a6: {  	v9 =	vld [tilespmem:s2+$0x61B0];
	_ =	sdelay $0x2  }
0x1a7: {  	v8 =	vmul.f32 v8, v7;
	_ =	sdelay $0x1  }
0x1a8: {  	v8 =	vadd.f32 v8, v9;
	_ =	sdelay $0x1  }
0x1a9: {  	[tilespmem:s2+$0x61B0] =	vst v8  }
0x1aa: {  	v8 =	vld [tilespmem:s7+$0x31C0];
	_ =	sdelay $0x1  }
0x1ab: {  	v9 =	vld [tilespmem:s2+$0x61C0];
	_ =	sdelay $0x2  }
0x1ac: {  	v8 =	vmul.f32 v8, v7;
	_ =	sdelay $0x1  }
0x1ad: {  	v8 =	vadd.f32 v8, v9;
	_ =	sdelay $0x1  }
0x1ae: {  	[tilespmem:s2+$0x61C0] =	vst v8  }
0x1af: {  	v8 =	vld [tilespmem:s7+$0x31D0];
	_ =	sdelay $0x1  }
0x1b0: {  	v9 =	vld [tilespmem:s2+$0x61D0];
	_ =	sdelay $0x2  }
0x1b1: {  	v8 =	vmul.f32 v8, v7;
	_ =	sdelay $0x1  }
0x1b2: {  	v8 =	vadd.f32 v8, v9;
	_ =	sdelay $0x1  }
0x1b3: {  	[tilespmem:s2+$0x61D0] =	vst v8  }
0x1b4: {  	v8 =	vld [tilespmem:s7+$0x31E0];
	_ =	sdelay $0x1  }
0x1b5: {  	v9 =	vld [tilespmem:s2+$0x61E0];
	_ =	sdelay $0x2  }
0x1b6: {  	v8 =	vmul.f32 v8, v7;
	_ =	sdelay $0x1  }
0x1b7: {  	v8 =	vadd.f32 v8, v9;
	_ =	sdelay $0x1  }
0x1b8: {  	[tilespmem:s2+$0x61E0] =	vst v8  }
0x1b9: {  	v8 =	vld [tilespmem:s7+$0x31F0];
	_ =	sdelay $0x1  }
0x1ba: {  	v9 =	vld [tilespmem:s2+$0x61F0];
	_ =	sdelay $0x2  }
0x1bb: {  	v8 =	vmul.f32 v8, v7;
	_ =	sdelay $0x1  }
0x1bc: {  	v8 =	vadd.f32 v8, v9;
	_ =	sdelay $0x1  }
0x1bd: {  	[tilespmem:s2+$0x61F0] =	vst v8  }
0x1be: {  	v8 =	vld [tilespmem:s7+$0x3580];
	_ =	sdelay $0x1  }
0x1bf: {  	v9 =	vld [tilespmem:s2+$0x6580];
	_ =	sdelay $0x2  }
0x1c0: {  	v8 =	vmul.f32 v8, v7;
	_ =	sdelay $0x1  }
0x1c1: {  	v8 =	vadd.f32 v8, v9;
	_ =	sdelay $0x1  }
0x1c2: {  	[tilespmem:s2+$0x6580] =	vst v8  }
0x1c3: {  	v8 =	vld [tilespmem:s7+$0x3590];
	_ =	sdelay $0x1  }
0x1c4: {  	v9 =	vld [tilespmem:s2+$0x6590];
	_ =	sdelay $0x2  }
0x1c5: {  	v8 =	vmul.f32 v8, v7;
	_ =	sdelay $0x1  }
0x1c6: {  	v8 =	vadd.f32 v8, v9;
	_ =	sdelay $0x1  }
0x1c7: {  	[tilespmem:s2+$0x6590] =	vst v8  }
0x1c8: {  	v8 =	vld [tilespmem:s7+$0x35A0];
	_ =	sdelay $0x1  }
0x1c9: {  	v9 =	vld [tilespmem:s2+$0x65A0];
	_ =	sdelay $0x2  }
0x1ca: {  	v8 =	vmul.f32 v8, v7;
	_ =	sdelay $0x1  }
0x1cb: {  	v8 =	vadd.f32 v8, v9;
	_ =	sdelay $0x1  }
0x1cc: {  	[tilespmem:s2+$0x65A0] =	vst v8  }
0x1cd: {  	v8 =	vld [tilespmem:s7+$0x35B0];
	_ =	sdelay $0x1  }
0x1ce: {  	v9 =	vld [tilespmem:s2+$0x65B0];
	_ =	sdelay $0x2  }
0x1cf: {  	v8 =	vmul.f32 v8, v7;
	_ =	sdelay $0x1  }
0x1d0: {  	v8 =	vadd.f32 v8, v9;
	_ =	sdelay $0x1  }
0x1d1: {  	[tilespmem:s2+$0x65B0] =	vst v8  }
0x1d2: {  	v8 =	vld [tilespmem:s7+$0x35C0];
	_ =	sdelay $0x1  }
0x1d3: {  	v9 =	vld [tilespmem:s2+$0x65C0];
	_ =	sdelay $0x2  }
0x1d4: {  	v8 =	vmul.f32 v8, v7;
	_ =	sdelay $0x1  }
0x1d5: {  	v8 =	vadd.f32 v8, v9;
	_ =	sdelay $0x1  }
0x1d6: {  	[tilespmem:s2+$0x65C0] =	vst v8  }
0x1d7: {  	v8 =	vld [tilespmem:s7+$0x35D0];
	_ =	sdelay $0x1  }
0x1d8: {  	v9 =	vld [tilespmem:s2+$0x65D0];
	_ =	sdelay $0x2  }
0x1d9: {  	v8 =	vmul.f32 v8, v7;
	_ =	sdelay $0x1  }
0x1da: {  	v8 =	vadd.f32 v8, v9;
	_ =	sdelay $0x1  }
0x1db: {  	[tilespmem:s2+$0x65D0] =	vst v8  }
0x1dc: {  	v8 =	vld [tilespmem:s7+$0x35E0];
	_ =	sdelay $0x1  }
0x1dd: {  	v9 =	vld [tilespmem:s2+$0x65E0];
	_ =	sdelay $0x2  }
0x1de: {  	v8 =	vmul.f32 v8, v7;
	_ =	sdelay $0x1  }
0x1df: {  	v8 =	vadd.f32 v8, v9;
	_ =	sdelay $0x1  }
0x1e0: {  	[tilespmem:s2+$0x65E0] =	vst v8  }
0x1e1: {  	v9 =	vld [tilespmem:s7+$0x35F0];
	_ =	sdelay $0x1  }
0x1e2: {  	v10 =	vld [tilespmem:s2+$0x65F0]  }
.Ltmp11:
0x1e3: {  	(pc) =	sbr.rel @!p1 .LBB2_16-.Ltmp11, $3  }
0x1e4: {  	_ = 	snop  }
0x1e5: {  	v8 =	vmov s6;
	v7 =	vmul.f32 v9, v7;
	_ =	sdelay $0x1  }
0x1e6: {  	v7 =	vadd.f32 v7, v10  }
.Ltmp12:
0x1e7: {  	_ = 	snop;
	(pc) =	sbr.rel .LBB2_17-.Ltmp12, $1  }
0x1e8: {  	_ =	sdelay $0x3  }
.LBB2_15:
.Ltmp13:
0x1e9: {  	(pc) =	sbr.rel .LBB2_17-.Ltmp13, $2  }
0x1ea: {  	_ =	sdelay $0x2  }
0x1eb: {  	s31 =	smov.u32 s28;
	s0 =	simm.s32 $0x0  }
.LBB2_19:
0x1ec: {  	s0 =	simm.s32 $0x0;
	s2 =	simm.s32 $0x0  }
0x1ed: {  	s3 =	sand.u32 $0xF, s0;
	s2 =	sand.u32 $0xFFFFFF80, s2  }
0x1ee: {  	s2 =	sor.u32 s3, s2  }
0x1ef: {  	v7 =	vmov s2;
	_ =	sdelay $0x4  }
0x1f0: {  	v7 =	vld.idx.msk [tilespmem:v7+s18+$0x0], $0xffff;
	_ =	sdelay $0x4  }
0x1f1: {  	s30 =	sand.u32 $0x1F800, s0;
	s31 =	sand.u32 $0x380, s0;
	v7 =	vadd.f32 $1.000000020e-16, v7  }
0x1f2: {  	s2 =	sor.u32 s31, s30  }
0x1f3: {  	v10 =	vld [tilespmem:s2+$0x65F0];
	(erf) = vrcp.f32 v7  }
0x1f4: {  	v8 =	vld [tilespmem:s2+$0x65D0]  }
0x1f5: {  	v9 =	vld [tilespmem:s2+$0x6590]  }
0x1f6: {  	v11 =	vld [tilespmem:s2+$0x61F0]  }
0x1f7: {  	v12 =	vld [tilespmem:s2+$0x6180]  }
0x1f8: {  	v13 =	vld [tilespmem:s2+$0x6190]  }
0x1f9: {  	v14 =	vld [tilespmem:s2+$0x61A0]  }
0x1fa: {  	v15 =	vld [tilespmem:s2+$0x61B0]  }
0x1fb: {  	v16 =	vld [tilespmem:s2+$0x61C0]  }
0x1fc: {  	v18 =	vld [tilespmem:s2+$0x61D0];
	v17 =	vpop (erf)  }
0x1fd: {  	v19 =	vld [tilespmem:s2+$0x61E0];
	v12 =	vmul.f32 v17, v12  }
0x1fe: {  	v20 =	vld [tilespmem:s2+$0x6580];
	v13 =	vmul.f32 v13, v17  }
0x1ff: {  	v7 =	vld [tilespmem:s2+$0x65B0];
	v14 =	vmul.f32 v14, v17;
	[tilespmem:s2+$0x6180] =	vst v12  }
0x200: {  	v61 =	vld [tilespmem:s2+$0x65E0];
	v15 =	vmul.f32 v15, v17;
	[tilespmem:s2+$0x6190] =	vst v13  }
0x201: {  	v16 =	vmul.f32 v16, v17;
	v12 =	vld [tilespmem:s2+$0x65A0];
	[tilespmem:s2+$0x61A0] =	vst v14  }
0x202: {  	v62 =	vmul.f32 v11, v17;
	v13 =	vld [tilespmem:s2+$0x65C0];
	[tilespmem:s2+$0x61B0] =	vst v15  }
0x203: {  	v63 =	vmul.f32 v20, v17;
	v11 =	vmul.f32 v9, v17;
	[tilespmem:s2+$0x61C0] =	vst v16  }
0x204: {  	v7 =	vmul.f32 v7, v17;
	v14 =	vmul.f32 v18, v17;
	[tilespmem:s2+$0x61F0] =	vst v62  }
0x205: {  	v8 =	vmul.f32 v8, v17;
	v15 =	vmul.f32 v19, v17;
	[tilespmem:s2+$0x6580] =	vst v63  }
0x206: {  	s7 =	simm.s32 $0x1;
	v10 =	vmul.f32 v10, v17;
	[tilespmem:s2+$0x61D0] =	vst v14;
	v12 =	vmul.f32 v12, v17  }
0x207: {  	s21 =	simm.s32 $0x8;
	s19 =	simm.s32 $0x2;
	s6 =	simm.s32 $0x0;
	[tilespmem:s2+$0x61E0] =	vst v15;
	v9 =	vmul.f32 v13, v17;
	v13 =	vmul.f32 v61, v17  }
.LBB2_20:
0x208: {  	p0 =	sne.s32 s19, $0x13F;
	s3 =	sand.u32 $0xF, s7;
	s4 =	sand.u32 $0xFFFFFF80, s21;
	[tilespmem:s2+$0x6590] =	vst v11  }
0x209: {  	s7 =	smov.u32 s19;
	s3 =	sor.u32 s3, s4;
	[tilespmem:s2+$0x65A0] =	vst v12  }
0x20a: {  	v11 =	vmov s3;
	[tilespmem:s2+$0x65B0] =	vst v7  }
0x20b: {  	[tilespmem:s2+$0x65C0] =	vst v9  }
0x20c: {  	[tilespmem:s2+$0x65D0] =	vst v8  }
0x20d: {  	[tilespmem:s2+$0x65E0] =	vst v13  }
0x20e: {  	[tilespmem:s2+$0x65F0] =	vst v10  }
0x20f: {  	v7 =	vld.idx.msk [tilespmem:v11+s18+$0x0], $0xffff;
	_ =	sdelay $0x1  }
0x210: {  	s0 =	sadd.s32 $0x80, s0;
	s6 =	sadd.s32 $0x100, s6  }
0x211: {  	s3 =	sand.u32 $0x380, s0;
	s2 =	sand.u32 $0x1F800, s6  }
0x212: {  	s2 =	sor.u32 s3, s2  }
0x213: {  	v10 =	vld [tilespmem:s2+$0x65F0]  }
0x214: {  	v7 =	vadd.f32 $1.000000020e-16, v7;
	v8 =	vld [tilespmem:s2+$0x65D0]  }
0x215: {  	v9 =	vld [tilespmem:s2+$0x65B0]  }
0x216: {  	v11 =	vld [tilespmem:s2+$0x6590];
	(erf) = vrcp.f32 v7  }
0x217: {  	v7 =	vld [tilespmem:s2+$0x61F0]  }
0x218: {  	v12 =	vld [tilespmem:s2+$0x61D0]  }
0x219: {  	v13 =	vld [tilespmem:s2+$0x61B0]  }
0x21a: {  	v14 =	vld [tilespmem:s2+$0x6190]  }
0x21b: {  	v15 =	vld [tilespmem:s2+$0x6180]  }
0x21c: {  	v16 =	vld [tilespmem:s2+$0x61A0]  }
0x21d: {  	v17 =	vld [tilespmem:s2+$0x61C0]  }
0x21e: {  	v18 =	vld [tilespmem:s2+$0x61E0]  }
0x21f: {  	v19 =	vld [tilespmem:s2+$0x6580];
	v20 =	vpop (erf)  }
0x220: {  	v15 =	vmul.f32 v20, v15;
	v14 =	vmul.f32 v14, v20;
	v21 =	vld [tilespmem:s2+$0x65A0]  }
0x221: {  	v13 =	vmul.f32 v13, v20;
	v16 =	vmul.f32 v16, v20;
	v22 =	vld [tilespmem:s2+$0x65C0]  }
0x222: {  	[tilespmem:s2+$0x6180] =	vst v15;
	v15 =	vmul.f32 v17, v20;
	v17 =	vmul.f32 v12, v20;
	v23 =	vld [tilespmem:s2+$0x65E0]  }
0x223: {  	[tilespmem:s2+$0x6190] =	vst v14;
	v14 =	vmul.f32 v18, v20;
	v18 =	vmul.f32 v7, v20  }
0x224: {  	v11 =	vmul.f32 v11, v20;
	[tilespmem:s2+$0x61A0] =	vst v16;
	v16 =	vmul.f32 v19, v20  }
0x225: {  	v7 =	vmul.f32 v9, v20;
	[tilespmem:s2+$0x61B0] =	vst v13;
	v12 =	vmul.f32 v21, v20  }
.Ltmp14:
0x226: {  	v8 =	vmul.f32 v8, v20;
	[tilespmem:s2+$0x61C0] =	vst v15;
	v9 =	vmul.f32 v22, v20;
	(pc) =	sbr.rel @p0 .LBB2_20-.Ltmp14, $4  }
0x227: {  	v10 =	vmul.f32 v10, v20;
	[tilespmem:s2+$0x61D0] =	vst v17;
	v13 =	vmul.f32 v23, v20  }
0x228: {  	[tilespmem:s2+$0x61E0] =	vst v14  }
0x229: {  	[tilespmem:s2+$0x61F0] =	vst v18  }
0x22a: {  	s19 =	sadd.s32 $0x1, s19;
	s21 =	sshll.u32 s7, $0x3;
	[tilespmem:s2+$0x6580] =	vst v16  }
0x22b: {  	s3 =	sand.u32 $0xF, s7;
	s4 =	sand.u32 $0xFFFFFF80, s21;
	[tilespmem:s2+$0x6590] =	vst v11  }
0x22c: {  	[tilespmem:s2+$0x65A0] =	vst v12;
	s3 =	sor.u32 s3, s4  }
0x22d: {  	[tilespmem:s2+$0x65B0] =	vst v7;
	v51 =	vmov s3  }
0x22e: {  	[tilespmem:s2+$0x65C0] =	vst v9  }
0x22f: {  	[tilespmem:s2+$0x65D0] =	vst v8  }
0x230: {  	[tilespmem:s2+$0x65E0] =	vst v13  }
0x231: {  	[tilespmem:s2+$0x65F0] =	vst v10  }
0x232: {  	v7 =	vld.idx.msk [tilespmem:v51+s18+$0x0], $0xffff;
	_ =	sdelay $0x4  }
0x233: {  	v7 =	vadd.f32 $1.000000020e-16, v7;
	_ =	sdelay $0x1  }
0x234: {  	(erf) = vrcp.f32 v7;
	_ =	sdelay $0x1  }
0x235: {  	s0 =	sadd.s32 $0x80, s0;
	s25 =	sadd.s32 $0x100, s6  }
0x236: {  	s2 =	sand.u32 $0x1F800, s25;
	s0 =	sand.u32 $0x380, s0  }
0x237: {  	s0 =	sor.u32 s0, s2  }
0x238: {  	v7 =	vld [tilespmem:s0+$0x6180]  }
0x239: {  	v8 =	vld [tilespmem:s0+$0x6190]  }
0x23a: {  	v52 =	vld [tilespmem:s0+$0x61A0]  }
0x23b: {  	v53 =	vld [tilespmem:s0+$0x61B0]  }
0x23c: {  	v54 =	vld [tilespmem:s0+$0x61C0];
	v55 =	vpop (erf)  }
0x23d: {  	v56 =	vld [tilespmem:s0+$0x61D0];
	v7 =	vmul.f32 v55, v7  }
0x23e: {  	v14 =	vld [tilespmem:s0+$0x61E0];
	v8 =	vmul.f32 v8, v55  }
0x23f: {  	v15 =	vld [tilespmem:s0+$0x61F0];
	v9 =	vmul.f32 v52, v55;
	[tilespmem:s0+$0x6180] =	vst v7  }
0x240: {  	v60 =	vld [tilespmem:s0+$0x65D0];
	v10 =	vmul.f32 v53, v55;
	[tilespmem:s0+$0x6190] =	vst v8  }
0x241: {  	v57 =	vld [tilespmem:s0+$0x65A0];
	v11 =	vmul.f32 v54, v55;
	[tilespmem:s0+$0x61A0] =	vst v9  }
0x242: {  	v13 =	vmul.f32 v56, v55;
	v7 =	vld [tilespmem:s0+$0x6580];
	[tilespmem:s0+$0x61B0] =	vst v10  }
0x243: {  	v14 =	vmul.f32 v14, v55;
	v8 =	vld [tilespmem:s0+$0x6590];
	[tilespmem:s0+$0x61C0] =	vst v11  }
0x244: {  	v58 =	vld [tilespmem:s0+$0x65B0];
	v15 =	vmul.f32 v15, v55;
	[tilespmem:s0+$0x61D0] =	vst v13  }
0x245: {  	v59 =	vld [tilespmem:s0+$0x65C0];
	v63 =	vmul.f32 v60, v55;
	[tilespmem:s0+$0x61E0] =	vst v14  }
0x246: {  	v61 =	vld [tilespmem:s0+$0x65E0];
	[tilespmem:s0+$0x61F0] =	vst v15;
	v9 =	vmul.f32 v57, v55  }
0x247: {  	v62 =	vld [tilespmem:s0+$0x65F0];
	[tilespmem:s0+$0x65D0] =	vst v63;
	v7 =	vmul.f32 v7, v55  }
0x248: {  	[tilespmem:s0+$0x65A0] =	vst v9;
	v8 =	vmul.f32 v8, v55  }
0x249: {  	[tilespmem:s0+$0x6580] =	vst v7;
	v7 =	vmul.f32 v58, v55  }
0x24a: {  	[tilespmem:s0+$0x6590] =	vst v8;
	v8 =	vmul.f32 v59, v55  }
0x24b: {  	[tilespmem:s0+$0x65B0] =	vst v7;
	v7 =	vmul.f32 v61, v55  }
0x24c: {  	[tilespmem:s0+$0x65C0] =	vst v8;
	v8 =	vmul.f32 v62, v55  }
0x24d: {  	[tilespmem:s0+$0x65E0] =	vst v7  }
0x24e: {  	s19 =	simm.s32 $0x0;
	s28 =	rddreg [dreg:$0x4];
	s29 =	simm.s32 $0x6180;
	[tilespmem:s0+$0x65F0] =	vst v8  }
0x24f: {  	[hbm4b:s28+s19] =	stream.linear.scatter [tilespmem:s29], [sflag:$0x2], $0x14000, $0x38;
	[tilespmem:$0x1B580] =	vst v63  }
0x250: {  	_ =	swait.ge [sflag:s8], $0x14000  }
0x251: {  	s30 =	rddreg [dreg:$0x6]  }
0x252: {  	s31 =	rddreg [dreg:$0x5];
	s2 =	sadd.s32 $0x1, s30  }
0x253: {  	p0 =	sne.s32 s2, s31  }
.Ltmp15:
0x254: {  	_ = 	snop;
	(pc) =	sbr.rel @p0 .LBB2_1-.Ltmp15, $3  }
0x255: {  	_ =	sdelay $0x1  }
0x256: {  	[sflag:s8] =	ssyncset.done $0x0  }
0x257: {  	[sflag:s8] =	ssyncadd.s32 $0xFFFEC000  }
0x258: {  	_ =	sfence.sel $0x180000  }
0x259: {  	[bflag:$0x0] =	sbarrier.arrive $0xFFFF  }
0x25a: {  	_ =	strace $0x9000004A  }
0x25b: {  	s0 =	stileid.u32;
	[bflag:$0x2] =	sbarrier.arrive $0xFFFF  }
0x25c: {  	p0 =	sne.s32 s0, $0x0;
	s0 =	rddreg [dreg:$0x2]  }
0x25d: {  	s0 =	sadd.s32 @!p0 $0x100000, s0  }
0x25e: {  	[sflag:s0] =	ssyncadd.tile.s32 @!p0 $0x1;
	_ =	shalt  }
.Lfunc_end2:
_tile_overlayer_lowered:
.L_overlay_start_2:
0x25f: {  	(tag) =	ssettag $0x2  }
0x260: {  	s0 =	rddreg [dreg:$0x0];
	s2 =	stileid.u32  }
0x261: {  	s1 =	rddreg [dreg:$0x1];
	p0 =	sne.s32 s2, $0x0  }
0x262: {  	s3 =	rddreg [dreg:$0x2];
	[bflag:$0x3] =	sbarrier.arrive $0xFFFF;
	s2 =	simm.s32 @!p0 $0x1C02  }
0x263: {  	[timem:s3], [sflag:s2] =	dma.local @!p0 [hbm:s0], s1  }
0x264: {  	s0 =	simm.s32 @!p0 $0x2  }
0x265: {  	_ =	swait.ge @!p0 [sflag:s0], s1  }
0x266: {  	s1 =	ssub.s32 @!p0 $0x0, s1;
	[sflag:s0] =	ssyncset.done @!p0 $0x0  }
0x267: {  	[sflag:s0] =	ssyncadd.s32 @!p0 s1  }
0x268: {  	[bflag:$0x3] =	sbarrier.arrive $0xFFFF  }
0x269: {  	_ =	shalt  }

</sc_bundles>
